<compile_context>
chip_gen: v7x
topology: tpu7x:2x2x1
jax: 0.10.2.dev20260603
libtpu: 0.0.44.dev20260713+nightly
codegen_flags: <defaults>
</compile_context>

<pallas_src>
import functools
import math

import jax
import jax.numpy as jnp
from jax import lax
from jax.experimental import pallas as pl
from jax.experimental.pallas import tpu as pltpu
from jax.experimental.pallas import tpu_sc as plsc

N_NODES = 10000
N_EDGES = 320000
D = 128
D_EDGE = 16

NC = 2
NS = 16
NW = NC * NS

E_PER_TILE = N_EDGES // NW
CHUNK = 40
N_CHUNKS = E_PER_TILE // CHUNK
N_PAD = 10240
ROWS_PER_TILE = N_PAD // NS

NSRC = 4
NDST = 8



def _emb_body(a_ref, w_ref, b_ref, o_ref):
    o_ref[...] = (
        jnp.dot(a_ref[...], w_ref[...], preferred_element_type=jnp.float32)
        + b_ref[...]
    )


def _edge_embed(edge_attr, W_edge, b_edge):
    BE = 16000
    return pl.pallas_call(
        _emb_body,
        grid=(N_EDGES // BE,),
        in_specs=[
            pl.BlockSpec((BE, D_EDGE), lambda i: (i, 0)),
            pl.BlockSpec((D_EDGE, D), lambda i: (0, 0)),
            pl.BlockSpec((1, D), lambda i: (0, 0)),
        ],
        out_specs=pl.BlockSpec((BE, D), lambda i: (i, 0)),
        out_shape=jax.ShapeDtypeStruct((N_EDGES, D), jnp.float32),
    )(edge_attr, W_edge, b_edge.reshape(1, D))



_MESH = plsc.VectorSubcoreMesh(core_axis_name="c", subcore_axis_name="s")

_SCRATCH = (
    [pltpu.VMEM((CHUNK, D), jnp.float32) for _ in range(6)]
    + [pltpu.VMEM((CHUNK,), jnp.int32) for _ in range(NSRC)]
    + [pltpu.VMEM((CHUNK,), jnp.int32) for _ in range(NDST)]
    + [pltpu.VMEM_SHARED((N_PAD, D), jnp.float32)]
    + [pltpu.SemaphoreType.DMA for _ in range(6 + NSRC + NDST)]
)


@functools.partial(
    pl.kernel,
    mesh=_MESH,
    out_type=jax.ShapeDtypeStruct((NC, N_PAD, D), jnp.float32),
    scratch_types=_SCRATCH,
)
def _sc_aggregate(node_hbm, emb_hbm, src_hbm, dst_hbm, out_hbm, *refs):
    rows = refs[0:2]
    embv = refs[2:4]
    msgv = refs[4:6]
    srcb = refs[6:6 + NSRC]
    dstb = refs[6 + NSRC:6 + NSRC + NDST]
    agg_sh = refs[6 + NSRC + NDST]
    sems = refs[7 + NSRC + NDST:]
    gsem = sems[0:2]
    esem = sems[2:4]
    ssem = sems[4:6]
    sis = sems[6:6 + NSRC]
    dis = sems[6 + NSRC:6 + NSRC + NDST]

    c = lax.axis_index("c")
    s = lax.axis_index("s")
    w = c * NS + s
    base = w * E_PER_TILE

    def issue_idx(i, stat):
        pltpu.async_copy(
            src_hbm.at[pl.ds(base + i * CHUNK, CHUNK)], srcb[stat % NSRC],
            sis[stat % NSRC],
        )
        pltpu.async_copy(
            dst_hbm.at[pl.ds(base + i * CHUNK, CHUNK)], dstb[stat % NDST],
            dis[stat % NDST],
        )

    def wait_src(stat):
        pltpu.make_async_copy(
            src_hbm.at[pl.ds(0, CHUNK)], srcb[stat % NSRC], sis[stat % NSRC]
        ).wait()

    def wait_dst(stat):
        pltpu.make_async_copy(
            dst_hbm.at[pl.ds(0, CHUNK)], dstb[stat % NDST], dis[stat % NDST]
        ).wait()

    def issue_data(i, stat):
        b = stat % 2
        pltpu.async_copy(node_hbm.at[srcb[stat % NSRC]], rows[b], gsem[b])
        pltpu.async_copy(
            emb_hbm.at[pl.ds(base + i * CHUNK, CHUNK)], embv[b], esem[b]
        )

    def wait_data(i, stat):
        b = stat % 2
        pltpu.make_async_copy(
            node_hbm.at[srcb[stat % NSRC]], rows[b], gsem[b]
        ).wait()
        pltpu.make_async_copy(
            emb_hbm.at[pl.ds(base + i * CHUNK, CHUNK)], embv[b], esem[b]
        ).wait()

    def issue_scatter(stat):
        b = stat % 2
        pltpu.async_copy(
            msgv[b], agg_sh.at[dstb[stat % NDST]], ssem[b], add=True
        )

    def wait_scatter(stat):
        b = stat % 2
        pltpu.make_async_copy(
            msgv[b], agg_sh.at[dstb[stat % NDST]], ssem[b]
        ).wait()

    def compute(stat):
        b = stat % 2
        r_buf, e_buf, m_buf = rows[b], embv[b], msgv[b]

        def _row(r, rc):
            for rr in range(2):
                row = r * 2 + rr
                for j in range(D // 16):
                    sl = pl.ds(j * 16, 16)
                    m_buf[row, sl] = jnp.maximum(
                        r_buf[row, sl] + e_buf[row, sl], 0.0
                    )
            return rc

        lax.fori_loop(0, CHUNK // 2, _row, 0)

    issue_idx(0, 0)
    issue_idx(1, 1)
    issue_idx(2, 2)

    def _zrow(i, carry):
        for j in range(D // 16):
            msgv[0][i, pl.ds(j * 16, 16)] = jnp.zeros((16,), jnp.float32)
        return carry

    lax.fori_loop(0, CHUNK, _zrow, 0)

    def _zcopy(k, carry):
        pltpu.sync_copy(
            msgv[0], agg_sh.at[pl.ds(s * ROWS_PER_TILE + k * CHUNK, CHUNK)]
        )
        return carry

    lax.fori_loop(0, ROWS_PER_TILE // CHUNK, _zcopy, 0)

    wait_src(0)
    issue_data(0, 0)
    wait_src(1)
    issue_data(1, 1)
    plsc.subcore_barrier()

    wait_data(0, 0)
    compute(0)
    wait_dst(0)
    issue_scatter(0)
    wait_src(2)
    issue_data(2, 2)
    issue_idx(3, 3)

    wait_data(1, 1)
    compute(1)
    wait_dst(1)
    issue_scatter(1)
    wait_src(3)
    issue_data(3, 3)
    issue_idx(4, 4)

    def _block(i, stat):
        wait_data(i, stat)
        wait_scatter(stat)
        compute(stat)
        wait_dst(stat)
        issue_scatter(stat)

        @pl.when(i + 2 < N_CHUNKS)
        def _():
            wait_src(stat + 2)
            issue_data(i + 2, stat + 2)

        @pl.when(i + 3 < N_CHUNKS)
        def _():
            issue_idx(i + 3, stat + 3)

    def _oct(g, carry):
        i0 = 2 + 8 * g
        for k in range(8):
            _block(i0 + k, 2 + k)
        return carry

    lax.fori_loop(0, (N_CHUNKS - 2) // 8, _oct, 0)

    wait_scatter(0)
    wait_scatter(1)
    plsc.subcore_barrier()

    pltpu.sync_copy(
        agg_sh.at[pl.ds(s * ROWS_PER_TILE, ROWS_PER_TILE)],
        out_hbm.at[c, pl.ds(s * ROWS_PER_TILE, ROWS_PER_TILE)],
    )



_INV_SQRT_N = 1.0 / math.sqrt(float(N_NODES))


def _out_body(agg_ref, x_ref, w_ref, b_ref, g_ref, bt_ref, o_ref):
    agg = agg_ref[0] + agg_ref[1]
    out = jnp.dot(agg, w_ref[...], preferred_element_type=jnp.float32) + b_ref[...]
    mean = jnp.mean(out, axis=-1, keepdims=True)
    var = jnp.mean((out - mean) ** 2, axis=-1, keepdims=True)
    out = (out - mean) * lax.rsqrt(var + 1e-5) * g_ref[...] + bt_ref[...]
    o_ref[...] = out * _INV_SQRT_N + x_ref[...]


def _finish(agg_parts, node_feat, W_lin, b_lin, gamma, beta):
    BN = 1000
    return pl.pallas_call(
        _out_body,
        grid=(N_NODES // BN,),
        in_specs=[
            pl.BlockSpec((NC, BN, D), lambda i: (0, i, 0)),
            pl.BlockSpec((BN, D), lambda i: (i, 0)),
            pl.BlockSpec((D, D), lambda i: (0, 0)),
            pl.BlockSpec((1, D), lambda i: (0, 0)),
            pl.BlockSpec((1, D), lambda i: (0, 0)),
            pl.BlockSpec((1, D), lambda i: (0, 0)),
        ],
        out_specs=pl.BlockSpec((BN, D), lambda i: (i, 0)),
        out_shape=jax.ShapeDtypeStruct((N_NODES, D), jnp.float32),
    )(agg_parts, node_feat, W_lin, b_lin.reshape(1, D),
      gamma.reshape(1, D), beta.reshape(1, D))


def kernel(node_feat, edge_attr, W_edge, b_edge, W_lin, b_lin, gamma, beta,
           edge_index):
    src = edge_index[0].astype(jnp.int32)
    dst = edge_index[1].astype(jnp.int32)
    emb = _edge_embed(edge_attr, W_edge, b_edge)
    agg_parts = _sc_aggregate(node_feat, emb, src, dst)
    return _finish(agg_parts, node_feat, W_lin, b_lin, gamma, beta)

# --- scband reference (transcript-rebuilt; emitter-appended) ---
"""Pipeline reference for scband-gnnmodel-block-14731737825294 (READ-ONLY COPY).

The authoritative reference and input builder live on the scoring server;
editing this copy changes nothing except your own understanding.
"""

import jax, jax.numpy as jnp
import numpy as np

N_NODES = 10000
N_EDGES = 320000
D = 128
D_EDGE = 16


def setup_inputs(seed: int = 0) -> dict:
    key = jax.random.key(seed)
    ks = jax.random.split(key, 8)
    node_feat = jax.random.normal(ks[0], (N_NODES, D), dtype=jnp.float32)
    edge_index = jax.random.randint(ks[1], (2, N_EDGES), 0, N_NODES, dtype=jnp.int64)
    edge_attr = jax.random.normal(ks[2], (N_EDGES, D_EDGE), dtype=jnp.float32)
    # GNNBlock params: edge encoder Linear(d_edge -> D) and output Linear(D -> D)
    W_edge = jax.random.normal(ks[3], (D_EDGE, D), dtype=jnp.float32) * (1.0 / np.sqrt(D_EDGE))
    b_edge = jnp.zeros((D,), dtype=jnp.float32)
    W_lin = jax.random.normal(ks[4], (D, D), dtype=jnp.float32) * (1.0 / np.sqrt(D))
    b_lin = jnp.zeros((D,), dtype=jnp.float32)
    # LayerNorm params
    gamma = jnp.ones((D,), dtype=jnp.float32)
    beta = jnp.zeros((D,), dtype=jnp.float32)
    return {
        "node_feat": node_feat,
        "edge_attr": edge_attr,
        "W_edge": W_edge,
        "b_edge": b_edge,
        "W_lin": W_lin,
        "b_lin": b_lin,
        "gamma": gamma,
        "beta": beta,
        "edge_index": edge_index,
    }


def reference(node_feat, edge_attr, W_edge, b_edge, W_lin, b_lin, gamma, beta, edge_index):
    n = node_feat.shape[0]
    src = edge_index[0]
    dst = edge_index[1]
    # GNNBlock: GINE-style message passing with edge features
    msg = node_feat[src] + (edge_attr @ W_edge + b_edge)
    msg = jax.nn.relu(msg)
    agg = jax.ops.segment_sum(msg, dst, num_segments=n)
    out = agg @ W_lin + b_lin
    # LayerNorm over feature dim
    mean = jnp.mean(out, axis=-1, keepdims=True)
    var = jnp.mean((out - mean) ** 2, axis=-1, keepdims=True)
    out = (out - mean) / jnp.sqrt(var + 1e-5) * gamma + beta
    # GraphSizeNorm: divide by sqrt(num_nodes) (single graph)
    out = out / jnp.sqrt(jnp.asarray(n, dtype=out.dtype))
    # Dropout: identity in eval mode
    # last_act: original code computes self.act(out) but discards the result -> no-op
    out = out + node_feat
    return out

if __name__ == "__main__":
    import jax
    _d = setup_inputs()
    print(jax.jit(kernel)(*tuple(_d.values())))

</pallas_src>

<mosaic_0001>
#map = affine_map<(d0, d1) -> (0, 0)>
#map1 = affine_map<(d0, d1) -> (0)>
#map2 = affine_map<(d0, d1) -> (0, 0, 0)>
module attributes {stable_mosaic.version = 14 : i64} {
  func.func @_sc_aggregate(%arg0: i32, %arg1: i32, %arg2: memref<10000x128xf32, #tpu.memory_space<hbm>>, %arg3: memref<320000x128xf32, #tpu.memory_space<hbm>>, %arg4: memref<320000xi32, #tpu.memory_space<hbm>>, %arg5: memref<320000xi32, #tpu.memory_space<hbm>>, %arg6: memref<2x10240x128xf32, #tpu.memory_space<hbm>>, %arg7: memref<40x128xf32, #tpu.memory_space<vmem>>, %arg8: memref<40x128xf32, #tpu.memory_space<vmem>>, %arg9: memref<40x128xf32, #tpu.memory_space<vmem>>, %arg10: memref<40x128xf32, #tpu.memory_space<vmem>>, %arg11: memref<40x128xf32, #tpu.memory_space<vmem>>, %arg12: memref<40x128xf32, #tpu.memory_space<vmem>>, %arg13: memref<40xi32, #tpu.memory_space<vmem>>, %arg14: memref<40xi32, #tpu.memory_space<vmem>>, %arg15: memref<40xi32, #tpu.memory_space<vmem>>, %arg16: memref<40xi32, #tpu.memory_space<vmem>>, %arg17: memref<40xi32, #tpu.memory_space<vmem>>, %arg18: memref<40xi32, #tpu.memory_space<vmem>>, %arg19: memref<40xi32, #tpu.memory_space<vmem>>, %arg20: memref<40xi32, #tpu.memory_space<vmem>>, %arg21: memref<40xi32, #tpu.memory_space<vmem>>, %arg22: memref<40xi32, #tpu.memory_space<vmem>>, %arg23: memref<40xi32, #tpu.memory_space<vmem>>, %arg24: memref<40xi32, #tpu.memory_space<vmem>>, %arg25: memref<10240x128xf32, #tpu.memory_space<vmem_shared>>, %arg26: memref<!tpu.dma_semaphore, #tpu.memory_space<semaphore_mem>>, %arg27: memref<!tpu.dma_semaphore, #tpu.memory_space<semaphore_mem>>, %arg28: memref<!tpu.dma_semaphore, #tpu.memory_space<semaphore_mem>>, %arg29: memref<!tpu.dma_semaphore, #tpu.memory_space<semaphore_mem>>, %arg30: memref<!tpu.dma_semaphore, #tpu.memory_space<semaphore_mem>>, %arg31: memref<!tpu.dma_semaphore, #tpu.memory_space<semaphore_mem>>, %arg32: memref<!tpu.dma_semaphore, #tpu.memory_space<semaphore_mem>>, %arg33: memref<!tpu.dma_semaphore, #tpu.memory_space<semaphore_mem>>, %arg34: memref<!tpu.dma_semaphore, #tpu.memory_space<semaphore_mem>>, %arg35: memref<!tpu.dma_semaphore, #tpu.memory_space<semaphore_mem>>, %arg36: memref<!tpu.dma_semaphore, #tpu.memory_space<semaphore_mem>>, %arg37: memref<!tpu.dma_semaphore, #tpu.memory_space<semaphore_mem>>, %arg38: memref<!tpu.dma_semaphore, #tpu.memory_space<semaphore_mem>>, %arg39: memref<!tpu.dma_semaphore, #tpu.memory_space<semaphore_mem>>, %arg40: memref<!tpu.dma_semaphore, #tpu.memory_space<semaphore_mem>>, %arg41: memref<!tpu.dma_semaphore, #tpu.memory_space<semaphore_mem>>, %arg42: memref<!tpu.dma_semaphore, #tpu.memory_space<semaphore_mem>>, %arg43: memref<!tpu.dma_semaphore, #tpu.memory_space<semaphore_mem>>) attributes {dimension_semantics = [#tpu.dimension_semantics<core_parallel>, #tpu.dimension_semantics<subcore_parallel>], iteration_bounds = array<i64: 2, 16>, scalar_prefetch = 0 : i64, scratch_operands = 37 : i64, tpu.core_type = #tpu.core_type<sc_vector_subcore>, window_params = [{transform_indices = #map}, {transform_indices = #map}, {transform_indices = #map1}, {transform_indices = #map1}, {transform_indices = #map2}]} {
    %mul3A = arith.constant 16 : i32
    %mul3A_0 = arith.muli %arg0, %mul3A : i32
    %add3A = arith.addi %mul3A_0, %arg1 : i32
    %mul3A_1 = arith.constant 10000 : i32
    %mul3A_2 = arith.muli %add3A, %mul3A_1 : i32
    %add3A_3 = arith.constant 0 : i32
    %add3A_4 = arith.addi %mul3A_2, %add3A_3 : i32
    %dma_start3A = tpu.memref_slice %arg4[%add3A_4] : memref<320000xi32, #tpu.memory_space<hbm>> -> memref<40xi32, #tpu.memory_space<hbm>>
    %dma_start3A_5 = tpu.memref_slice %arg4[%add3A_4] : memref<320000xi32, #tpu.memory_space<hbm>> -> memref<40xi32, #tpu.memory_space<hbm>>
    tpu.enqueue_dma source(%dma_start3A_5 : memref<40xi32, #tpu.memory_space<hbm>>) target(%arg13 : memref<40xi32, #tpu.memory_space<vmem>>) target_semaphore(%arg32 : memref<!tpu.dma_semaphore, #tpu.memory_space<semaphore_mem>>)
    %add3A_6 = arith.constant 0 : i32
    %add3A_7 = arith.addi %mul3A_2, %add3A_6 : i32
    %dma_start3A_8 = tpu.memref_slice %arg5[%add3A_7] : memref<320000xi32, #tpu.memory_space<hbm>> -> memref<40xi32, #tpu.memory_space<hbm>>
    %dma_start3A_9 = tpu.memref_slice %arg5[%add3A_7] : memref<320000xi32, #tpu.memory_space<hbm>> -> memref<40xi32, #tpu.memory_space<hbm>>
    tpu.enqueue_dma source(%dma_start3A_9 : memref<40xi32, #tpu.memory_space<hbm>>) target(%arg17 : memref<40xi32, #tpu.memory_space<vmem>>) target_semaphore(%arg36 : memref<!tpu.dma_semaphore, #tpu.memory_space<semaphore_mem>>)
    %add3A_10 = arith.constant 40 : i32
    %add3A_11 = arith.addi %mul3A_2, %add3A_10 : i32
    %dma_start3A_12 = tpu.memref_slice %arg4[%add3A_11] : memref<320000xi32, #tpu.memory_space<hbm>> -> memref<40xi32, #tpu.memory_space<hbm>>
    %dma_start3A_13 = tpu.memref_slice %arg4[%add3A_11] : memref<320000xi32, #tpu.memory_space<hbm>> -> memref<40xi32, #tpu.memory_space<hbm>>
    tpu.enqueue_dma source(%dma_start3A_13 : memref<40xi32, #tpu.memory_space<hbm>>) target(%arg14 : memref<40xi32, #tpu.memory_space<vmem>>) target_semaphore(%arg33 : memref<!tpu.dma_semaphore, #tpu.memory_space<semaphore_mem>>)
    %add3A_14 = arith.constant 40 : i32
    %add3A_15 = arith.addi %mul3A_2, %add3A_14 : i32
    %dma_start3A_16 = tpu.memref_slice %arg5[%add3A_15] : memref<320000xi32, #tpu.memory_space<hbm>> -> memref<40xi32, #tpu.memory_space<hbm>>
    %dma_start3A_17 = tpu.memref_slice %arg5[%add3A_15] : memref<320000xi32, #tpu.memory_space<hbm>> -> memref<40xi32, #tpu.memory_space<hbm>>
    tpu.enqueue_dma source(%dma_start3A_17 : memref<40xi32, #tpu.memory_space<hbm>>) target(%arg18 : memref<40xi32, #tpu.memory_space<vmem>>) target_semaphore(%arg37 : memref<!tpu.dma_semaphore, #tpu.memory_space<semaphore_mem>>)
    %add3A_18 = arith.constant 80 : i32
    %add3A_19 = arith.addi %mul3A_2, %add3A_18 : i32
    %dma_start3A_20 = tpu.memref_slice %arg4[%add3A_19] : memref<320000xi32, #tpu.memory_space<hbm>> -> memref<40xi32, #tpu.memory_space<hbm>>
    %dma_start3A_21 = tpu.memref_slice %arg4[%add3A_19] : memref<320000xi32, #tpu.memory_space<hbm>> -> memref<40xi32, #tpu.memory_space<hbm>>
    tpu.enqueue_dma source(%dma_start3A_21 : memref<40xi32, #tpu.memory_space<hbm>>) target(%arg15 : memref<40xi32, #tpu.memory_space<vmem>>) target_semaphore(%arg34 : memref<!tpu.dma_semaphore, #tpu.memory_space<semaphore_mem>>)
    %add3A_22 = arith.constant 80 : i32
    %add3A_23 = arith.addi %mul3A_2, %add3A_22 : i32
    %dma_start3A_24 = tpu.memref_slice %arg5[%add3A_23] : memref<320000xi32, #tpu.memory_space<hbm>> -> memref<40xi32, #tpu.memory_space<hbm>>
    %dma_start3A_25 = tpu.memref_slice %arg5[%add3A_23] : memref<320000xi32, #tpu.memory_space<hbm>> -> memref<40xi32, #tpu.memory_space<hbm>>
    tpu.enqueue_dma source(%dma_start3A_25 : memref<40xi32, #tpu.memory_space<hbm>>) target(%arg19 : memref<40xi32, #tpu.memory_space<vmem>>) target_semaphore(%arg38 : memref<!tpu.dma_semaphore, #tpu.memory_space<semaphore_mem>>)
    %scan3A = arith.constant 0 : i32
    %scan3A_26 = arith.constant 0 : i32
    %scan3A_27 = arith.constant 40 : i32
    %scan3A_28 = arith.addi %scan3A_26, %scan3A_27 : i32
    %scan3A_29 = arith.constant 1 : i32
    scf.for %scan3A_165 = %scan3A_26 to %scan3A_28 step %scan3A_29  : i32 {
      %broadcast_in_dim3A = arith.constant 0.000000e+00 : f32
      %broadcast_in_dim3A_166 = vector.broadcast %broadcast_in_dim3A : f32 to vector<16xf32>
      %swap3A = arith.index_cast %scan3A_165 : i32 to index
      %swap3A_167 = arith.constant 0 : index
      %swap3A_168 = tpu.vector_load %arg11[%swap3A, %swap3A_167] {strides = array<i32>} : memref<40x128xf32, #tpu.memory_space<vmem>>, vector<1x16xf32>,
      %swap3A_169 = vector.shape_cast %swap3A_168 : vector<1x16xf32> to vector<16xf32>
      %swap3A_170 = vector.shape_cast %broadcast_in_dim3A_166 : vector<16xf32> to vector<1x16xf32>
      tpu.vector_store %arg11[%swap3A, %swap3A_167], %swap3A_170 {strides = array<i32>} : memref<40x128xf32, #tpu.memory_space<vmem>>, vector<1x16xf32>,
      %broadcast_in_dim3A_171 = arith.constant 0.000000e+00 : f32
      %broadcast_in_dim3A_172 = vector.broadcast %broadcast_in_dim3A_171 : f32 to vector<16xf32>
      %swap3A_173 = arith.index_cast %scan3A_165 : i32 to index
      %swap3A_174 = arith.constant 16 : index
      %swap3A_175 = tpu.vector_load %arg11[%swap3A_173, %swap3A_174] {strides = array<i32>} : memref<40x128xf32, #tpu.memory_space<vmem>>, vector<1x16xf32>,
      %swap3A_176 = vector.shape_cast %swap3A_175 : vector<1x16xf32> to vector<16xf32>
      %swap3A_177 = vector.shape_cast %broadcast_in_dim3A_172 : vector<16xf32> to vector<1x16xf32>
      tpu.vector_store %arg11[%swap3A_173, %swap3A_174], %swap3A_177 {strides = array<i32>} : memref<40x128xf32, #tpu.memory_space<vmem>>, vector<1x16xf32>,
      %broadcast_in_dim3A_178 = arith.constant 0.000000e+00 : f32
      %broadcast_in_dim3A_179 = vector.broadcast %broadcast_in_dim3A_178 : f32 to vector<16xf32>
      %swap3A_180 = arith.index_cast %scan3A_165 : i32 to index
      %swap3A_181 = arith.constant 32 : index
      %swap3A_182 = tpu.vector_load %arg11[%swap3A_180, %swap3A_181] {strides = array<i32>} : memref<40x128xf32, #tpu.memory_space<vmem>>, vector<1x16xf32>,
      %swap3A_183 = vector.shape_cast %swap3A_182 : vector<1x16xf32> to vector<16xf32>
      %swap3A_184 = vector.shape_cast %broadcast_in_dim3A_179 : vector<16xf32> to vector<1x16xf32>
      tpu.vector_store %arg11[%swap3A_180, %swap3A_181], %swap3A_184 {strides = array<i32>} : memref<40x128xf32, #tpu.memory_space<vmem>>, vector<1x16xf32>,
      %broadcast_in_dim3A_185 = arith.constant 0.000000e+00 : f32
      %broadcast_in_dim3A_186 = vector.broadcast %broadcast_in_dim3A_185 : f32 to vector<16xf32>
      %swap3A_187 = arith.index_cast %scan3A_165 : i32 to index
      %swap3A_188 = arith.constant 48 : index
      %swap3A_189 = tpu.vector_load %arg11[%swap3A_187, %swap3A_188] {strides = array<i32>} : memref<40x128xf32, #tpu.memory_space<vmem>>, vector<1x16xf32>,
      %swap3A_190 = vector.shape_cast %swap3A_189 : vector<1x16xf32> to vector<16xf32>
      %swap3A_191 = vector.shape_cast %broadcast_in_dim3A_186 : vector<16xf32> to vector<1x16xf32>
      tpu.vector_store %arg11[%swap3A_187, %swap3A_188], %swap3A_191 {strides = array<i32>} : memref<40x128xf32, #tpu.memory_space<vmem>>, vector<1x16xf32>,
      %broadcast_in_dim3A_192 = arith.constant 0.000000e+00 : f32
      %broadcast_in_dim3A_193 = vector.broadcast %broadcast_in_dim3A_192 : f32 to vector<16xf32>
      %swap3A_194 = arith.index_cast %scan3A_165 : i32 to index
      %swap3A_195 = arith.constant 64 : index
      %swap3A_196 = tpu.vector_load %arg11[%swap3A_194, %swap3A_195] {strides = array<i32>} : memref<40x128xf32, #tpu.memory_space<vmem>>, vector<1x16xf32>,
      %swap3A_197 = vector.shape_cast %swap3A_196 : vector<1x16xf32> to vector<16xf32>
      %swap3A_198 = vector.shape_cast %broadcast_in_dim3A_193 : vector<16xf32> to vector<1x16xf32>
      tpu.vector_store %arg11[%swap3A_194, %swap3A_195], %swap3A_198 {strides = array<i32>} : memref<40x128xf32, #tpu.memory_space<vmem>>, vector<1x16xf32>,
      %broadcast_in_dim3A_199 = arith.constant 0.000000e+00 : f32
      %broadcast_in_dim3A_200 = vector.broadcast %broadcast_in_dim3A_199 : f32 to vector<16xf32>
      %swap3A_201 = arith.index_cast %scan3A_165 : i32 to index
      %swap3A_202 = arith.constant 80 : index
      %swap3A_203 = tpu.vector_load %arg11[%swap3A_201, %swap3A_202] {strides = array<i32>} : memref<40x128xf32, #tpu.memory_space<vmem>>, vector<1x16xf32>,
      %swap3A_204 = vector.shape_cast %swap3A_203 : vector<1x16xf32> to vector<16xf32>
      %swap3A_205 = vector.shape_cast %broadcast_in_dim3A_200 : vector<16xf32> to vector<1x16xf32>
      tpu.vector_store %arg11[%swap3A_201, %swap3A_202], %swap3A_205 {strides = array<i32>} : memref<40x128xf32, #tpu.memory_space<vmem>>, vector<1x16xf32>,
      %broadcast_in_dim3A_206 = arith.constant 0.000000e+00 : f32
      %broadcast_in_dim3A_207 = vector.broadcast %broadcast_in_dim3A_206 : f32 to vector<16xf32>
      %swap3A_208 = arith.index_cast %scan3A_165 : i32 to index
      %swap3A_209 = arith.constant 96 : index
      %swap3A_210 = tpu.vector_load %arg11[%swap3A_208, %swap3A_209] {strides = array<i32>} : memref<40x128xf32, #tpu.memory_space<vmem>>, vector<1x16xf32>,
      %swap3A_211 = vector.shape_cast %swap3A_210 : vector<1x16xf32> to vector<16xf32>
      %swap3A_212 = vector.shape_cast %broadcast_in_dim3A_207 : vector<16xf32> to vector<1x16xf32>
      tpu.vector_store %arg11[%swap3A_208, %swap3A_209], %swap3A_212 {strides = array<i32>} : memref<40x128xf32, #tpu.memory_space<vmem>>, vector<1x16xf32>,
      %broadcast_in_dim3A_213 = arith.constant 0.000000e+00 : f32
      %broadcast_in_dim3A_214 = vector.broadcast %broadcast_in_dim3A_213 : f32 to vector<16xf32>
      %swap3A_215 = arith.index_cast %scan3A_165 : i32 to index
      %swap3A_216 = arith.constant 112 : index
      %swap3A_217 = tpu.vector_load %arg11[%swap3A_215, %swap3A_216] {strides = array<i32>} : memref<40x128xf32, #tpu.memory_space<vmem>>, vector<1x16xf32>,
      %swap3A_218 = vector.shape_cast %swap3A_217 : vector<1x16xf32> to vector<16xf32>
      %swap3A_219 = vector.shape_cast %broadcast_in_dim3A_214 : vector<16xf32> to vector<1x16xf32>
      tpu.vector_store %arg11[%swap3A_215, %swap3A_216], %swap3A_219 {strides = array<i32>} : memref<40x128xf32, #tpu.memory_space<vmem>>, vector<1x16xf32>,
    }
    %scan3A_30 = arith.constant 40 : i32
    %scan3A_31 = arith.constant 0 : i32
    %scan3A_32 = arith.constant 0 : i32
    %scan3A_33 = arith.constant 16 : i32
    %scan3A_34 = arith.addi %scan3A_32, %scan3A_33 : i32
    %scan3A_35 = arith.constant 1 : i32
    scf.for %scan3A_165 = %scan3A_32 to %scan3A_34 step %scan3A_35  : i32 {
      %mul3A_166 = arith.constant 640 : i32
      %mul3A_167 = arith.muli %arg1, %mul3A_166 : i32
      %mul3A_168 = arith.constant 40 : i32
      %mul3A_169 = arith.muli %scan3A_165, %mul3A_168 : i32
      %add3A_170 = arith.addi %mul3A_167, %mul3A_169 : i32
      "tpu.region"() ({
        %run_scoped3A = tpu.sem_alloc : memref<!tpu.dma_semaphore, #tpu.memory_space<semaphore_mem>>
        %dma_start3A_171 = arith.constant 0 : i32
        %dma_start3A_172 = tpu.memref_slice %arg25[%add3A_170, %dma_start3A_171] : memref<10240x128xf32, #tpu.memory_space<vmem_shared>> -> memref<40x128xf32, #tpu.memory_space<vmem_shared>>
        %dma_start3A_173 = arith.constant 0 : i32
        %dma_start3A_174 = tpu.memref_slice %arg25[%add3A_170, %dma_start3A_173] : memref<10240x128xf32, #tpu.memory_space<vmem_shared>> -> memref<40x128xf32, #tpu.memory_space<vmem_shared>>
        tpu.enqueue_dma source(%arg11 : memref<40x128xf32, #tpu.memory_space<vmem>>) target(%dma_start3A_174 : memref<40x128xf32, #tpu.memory_space<vmem_shared>>) target_semaphore(%run_scoped3A : memref<!tpu.dma_semaphore, #tpu.memory_space<semaphore_mem>>)
        %dma_wait3A_175 = arith.constant 0 : i32
        %dma_wait3A_176 = tpu.memref_slice %arg25[%add3A_170, %dma_wait3A_175] : memref<10240x128xf32, #tpu.memory_space<vmem_shared>> -> memref<40x128xf32, #tpu.memory_space<vmem_shared>>
        %dma_wait3A_177 = arith.constant 0 : i32
        %dma_wait3A_178 = tpu.memref_slice %arg25[%add3A_170, %dma_wait3A_177] : memref<10240x128xf32, #tpu.memory_space<vmem_shared>> -> memref<40x128xf32, #tpu.memory_space<vmem_shared>>
        tpu.wait_dma2 semaphore(%run_scoped3A : memref<!tpu.dma_semaphore, #tpu.memory_space<semaphore_mem>>) src(%arg11 : memref<40x128xf32, #tpu.memory_space<vmem>>) dst(%dma_wait3A_178 : memref<40x128xf32, #tpu.memory_space<vmem_shared>>)
        tpu.yield
      }) : () -> ()
    }
    %scan3A_36 = arith.constant 16 : i32
    %dma_wait3A = arith.constant 0 : i32
    %dma_wait3A_37 = tpu.memref_slice %arg4[%dma_wait3A] : memref<320000xi32, #tpu.memory_space<hbm>> -> memref<40xi32, #tpu.memory_space<hbm>>
    %dma_wait3A_38 = arith.constant 0 : i32
    %dma_wait3A_39 = tpu.memref_slice %arg4[%dma_wait3A_38] : memref<320000xi32, #tpu.memory_space<hbm>> -> memref<40xi32, #tpu.memory_space<hbm>>
    tpu.wait_dma2 semaphore(%arg32 : memref<!tpu.dma_semaphore, #tpu.memory_space<semaphore_mem>>) src(%dma_wait3A_39 : memref<40xi32, #tpu.memory_space<hbm>>) dst(%arg13 : memref<40xi32, #tpu.memory_space<vmem>>)
    %dma_start3A_40 = arith.constant 0 : i32
    %dma_start3A_41 = arith.constant 0 : i32
    %dma_start3A_42 = tpu.memref_slice %arg2[%dma_start3A_40, %dma_start3A_41] : memref<10000x128xf32, #tpu.memory_space<hbm>> -> memref<10000x128xf32, #tpu.memory_space<hbm>>
    tpu.enqueue_indirect_dma source(%dma_start3A_42 : memref<10000x128xf32, #tpu.memory_space<hbm>>) target(%arg7 : memref<40x128xf32, #tpu.memory_space<vmem>>) offsets(%arg13 : memref<40xi32, #tpu.memory_space<vmem>>) semaphore(%arg26 : memref<!tpu.dma_semaphore, #tpu.memory_space<semaphore_mem>>)
    %add3A_43 = arith.constant 0 : i32
    %add3A_44 = arith.addi %mul3A_2, %add3A_43 : i32
    %dma_start3A_45 = arith.constant 0 : i32
    %dma_start3A_46 = tpu.memref_slice %arg3[%add3A_44, %dma_start3A_45] : memref<320000x128xf32, #tpu.memory_space<hbm>> -> memref<40x128xf32, #tpu.memory_space<hbm>>
    %dma_start3A_47 = arith.constant 0 : i32
    %dma_start3A_48 = tpu.memref_slice %arg3[%add3A_44, %dma_start3A_47] : memref<320000x128xf32, #tpu.memory_space<hbm>> -> memref<40x128xf32, #tpu.memory_space<hbm>>
    tpu.enqueue_dma source(%dma_start3A_48 : memref<40x128xf32, #tpu.memory_space<hbm>>) target(%arg9 : memref<40x128xf32, #tpu.memory_space<vmem>>) target_semaphore(%arg28 : memref<!tpu.dma_semaphore, #tpu.memory_space<semaphore_mem>>)
    %dma_wait3A_49 = arith.constant 0 : i32
    %dma_wait3A_50 = tpu.memref_slice %arg4[%dma_wait3A_49] : memref<320000xi32, #tpu.memory_space<hbm>> -> memref<40xi32, #tpu.memory_space<hbm>>
    %dma_wait3A_51 = arith.constant 0 : i32
    %dma_wait3A_52 = tpu.memref_slice %arg4[%dma_wait3A_51] : memref<320000xi32, #tpu.memory_space<hbm>> -> memref<40xi32, #tpu.memory_space<hbm>>
    tpu.wait_dma2 semaphore(%arg33 : memref<!tpu.dma_semaphore, #tpu.memory_space<semaphore_mem>>) src(%dma_wait3A_52 : memref<40xi32, #tpu.memory_space<hbm>>) dst(%arg14 : memref<40xi32, #tpu.memory_space<vmem>>)
    %dma_start3A_53 = arith.constant 0 : i32
    %dma_start3A_54 = arith.constant 0 : i32
    %dma_start3A_55 = tpu.memref_slice %arg2[%dma_start3A_53, %dma_start3A_54] : memref<10000x128xf32, #tpu.memory_space<hbm>> -> memref<10000x128xf32, #tpu.memory_space<hbm>>
    tpu.enqueue_indirect_dma source(%dma_start3A_55 : memref<10000x128xf32, #tpu.memory_space<hbm>>) target(%arg8 : memref<40x128xf32, #tpu.memory_space<vmem>>) offsets(%arg14 : memref<40xi32, #tpu.memory_space<vmem>>) semaphore(%arg27 : memref<!tpu.dma_semaphore, #tpu.memory_space<semaphore_mem>>)
    %add3A_56 = arith.constant 40 : i32
    %add3A_57 = arith.addi %mul3A_2, %add3A_56 : i32
    %dma_start3A_58 = arith.constant 0 : i32
    %dma_start3A_59 = tpu.memref_slice %arg3[%add3A_57, %dma_start3A_58] : memref<320000x128xf32, #tpu.memory_space<hbm>> -> memref<40x128xf32, #tpu.memory_space<hbm>>
    %dma_start3A_60 = arith.constant 0 : i32
    %dma_start3A_61 = tpu.memref_slice %arg3[%add3A_57, %dma_start3A_60] : memref<320000x128xf32, #tpu.memory_space<hbm>> -> memref<40x128xf32, #tpu.memory_space<hbm>>
    tpu.enqueue_dma source(%dma_start3A_61 : memref<40x128xf32, #tpu.memory_space<hbm>>) target(%arg10 : memref<40x128xf32, #tpu.memory_space<vmem>>) target_semaphore(%arg29 : memref<!tpu.dma_semaphore, #tpu.memory_space<semaphore_mem>>)
    %barrier3A = arith.constant 0 : index
    tpu.barrier barrier_id(%barrier3A)
    %dma_wait3A_62 = arith.constant 0 : i32
    %dma_wait3A_63 = arith.constant 0 : i32
    %dma_wait3A_64 = tpu.memref_slice %arg2[%dma_wait3A_62, %dma_wait3A_63] : memref<10000x128xf32, #tpu.memory_space<hbm>> -> memref<10000x128xf32, #tpu.memory_space<hbm>>
    tpu.wait_indirect_dma semaphore(%arg26 : memref<!tpu.dma_semaphore, #tpu.memory_space<semaphore_mem>>) src(%dma_wait3A_64 : memref<10000x128xf32, #tpu.memory_space<hbm>>) dst(%arg7 : memref<40x128xf32, #tpu.memory_space<vmem>>)
    %add3A_65 = arith.constant 0 : i32
    %add3A_66 = arith.addi %mul3A_2, %add3A_65 : i32
    %dma_wait3A_67 = arith.constant 0 : i32
    %dma_wait3A_68 = tpu.memref_slice %arg3[%add3A_66, %dma_wait3A_67] : memref<320000x128xf32, #tpu.memory_space<hbm>> -> memref<40x128xf32, #tpu.memory_space<hbm>>
    %dma_wait3A_69 = arith.constant 0 : i32
    %dma_wait3A_70 = tpu.memref_slice %arg3[%add3A_66, %dma_wait3A_69] : memref<320000x128xf32, #tpu.memory_space<hbm>> -> memref<40x128xf32, #tpu.memory_space<hbm>>
    tpu.wait_dma2 semaphore(%arg28 : memref<!tpu.dma_semaphore, #tpu.memory_space<semaphore_mem>>) src(%dma_wait3A_70 : memref<40x128xf32, #tpu.memory_space<hbm>>) dst(%arg9 : memref<40x128xf32, #tpu.memory_space<vmem>>)
    %scan3A_71 = arith.constant 0 : i32
    %scan3A_72 = arith.constant 0 : i32
    %scan3A_73 = arith.constant 20 : i32
    %scan3A_74 = arith.addi %scan3A_72, %scan3A_73 : i32
    %scan3A_75 = arith.constant 1 : i32
    scf.for %scan3A_165 = %scan3A_72 to %scan3A_74 step %scan3A_75  : i32 {
      %mul3A_166 = arith.constant 2 : i32
      %mul3A_167 = arith.muli %scan3A_165, %mul3A_166 : i32
      %add3A_168 = arith.constant 0 : i32
      %add3A_169 = arith.addi %mul3A_167, %add3A_168 : i32
      %get3A = arith.index_cast %add3A_169 : i32 to index
      %get3A_170 = arith.constant 0 : index
      %get3A_171 = tpu.vector_load %arg7[%get3A, %get3A_170] {strides = array<i32>} : memref<40x128xf32, #tpu.memory_space<vmem>>, vector<1x16xf32>,
      %get3A_172 = vector.shape_cast %get3A_171 : vector<1x16xf32> to vector<16xf32>
      %get3A_173 = arith.index_cast %add3A_169 : i32 to index
      %get3A_174 = arith.constant 0 : index
      %get3A_175 = tpu.vector_load %arg9[%get3A_173, %get3A_174] {strides = array<i32>} : memref<40x128xf32, #tpu.memory_space<vmem>>, vector<1x16xf32>,
      %get3A_176 = vector.shape_cast %get3A_175 : vector<1x16xf32> to vector<16xf32>
      %add3A_177 = arith.addf %get3A_172, %get3A_176 : vector<16xf32>
      %max3A = arith.constant 0.000000e+00 : f32
      %max3A_178 = vector.broadcast %max3A : f32 to vector<16xf32>
      %max3A_179 = arith.maximumf %add3A_177, %max3A_178 : vector<16xf32>
      %swap3A = arith.index_cast %add3A_169 : i32 to index
      %swap3A_180 = arith.constant 0 : index
      %swap3A_181 = tpu.vector_load %arg11[%swap3A, %swap3A_180] {strides = array<i32>} : memref<40x128xf32, #tpu.memory_space<vmem>>, vector<1x16xf32>,
      %swap3A_182 = vector.shape_cast %swap3A_181 : vector<1x16xf32> to vector<16xf32>
      %swap3A_183 = vector.shape_cast %max3A_179 : vector<16xf32> to vector<1x16xf32>
      tpu.vector_store %arg11[%swap3A, %swap3A_180], %swap3A_183 {strides = array<i32>} : memref<40x128xf32, #tpu.memory_space<vmem>>, vector<1x16xf32>,
      %get3A_184 = arith.index_cast %add3A_169 : i32 to index
      %get3A_185 = arith.constant 16 : index
      %get3A_186 = tpu.vector_load %arg7[%get3A_184, %get3A_185] {strides = array<i32>} : memref<40x128xf32, #tpu.memory_space<vmem>>, vector<1x16xf32>,
      %get3A_187 = vector.shape_cast %get3A_186 : vector<1x16xf32> to vector<16xf32>
      %get3A_188 = arith.index_cast %add3A_169 : i32 to index
      %get3A_189 = arith.constant 16 : index
      %get3A_190 = tpu.vector_load %arg9[%get3A_188, %get3A_189] {strides = array<i32>} : memref<40x128xf32, #tpu.memory_space<vmem>>, vector<1x16xf32>,
      %get3A_191 = vector.shape_cast %get3A_190 : vector<1x16xf32> to vector<16xf32>
      %add3A_192 = arith.addf %get3A_187, %get3A_191 : vector<16xf32>
      %max3A_193 = arith.constant 0.000000e+00 : f32
      %max3A_194 = vector.broadcast %max3A_193 : f32 to vector<16xf32>
      %max3A_195 = arith.maximumf %add3A_192, %max3A_194 : vector<16xf32>
      %swap3A_196 = arith.index_cast %add3A_169 : i32 to index
      %swap3A_197 = arith.constant 16 : index
      %swap3A_198 = tpu.vector_load %arg11[%swap3A_196, %swap3A_197] {strides = array<i32>} : memref<40x128xf32, #tpu.memory_space<vmem>>, vector<1x16xf32>,
      %swap3A_199 = vector.shape_cast %swap3A_198 : vector<1x16xf32> to vector<16xf32>
      %swap3A_200 = vector.shape_cast %max3A_195 : vector<16xf32> to vector<1x16xf32>
      tpu.vector_store %arg11[%swap3A_196, %swap3A_197], %swap3A_200 {strides = array<i32>} : memref<40x128xf32, #tpu.memory_space<vmem>>, vector<1x16xf32>,
      %get3A_201 = arith.index_cast %add3A_169 : i32 to index
      %get3A_202 = arith.constant 32 : index
      %get3A_203 = tpu.vector_load %arg7[%get3A_201, %get3A_202] {strides = array<i32>} : memref<40x128xf32, #tpu.memory_space<vmem>>, vector<1x16xf32>,
      %get3A_204 = vector.shape_cast %get3A_203 : vector<1x16xf32> to vector<16xf32>
      %get3A_205 = arith.index_cast %add3A_169 : i32 to index
      %get3A_206 = arith.constant 32 : index
      %get3A_207 = tpu.vector_load %arg9[%get3A_205, %get3A_206] {strides = array<i32>} : memref<40x128xf32, #tpu.memory_space<vmem>>, vector<1x16xf32>,
      %get3A_208 = vector.shape_cast %get3A_207 : vector<1x16xf32> to vector<16xf32>
      %add3A_209 = arith.addf %get3A_204, %get3A_208 : vector<16xf32>
      %max3A_210 = arith.constant 0.000000e+00 : f32
      %max3A_211 = vector.broadcast %max3A_210 : f32 to vector<16xf32>
      %max3A_212 = arith.maximumf %add3A_209, %max3A_211 : vector<16xf32>
      %swap3A_213 = arith.index_cast %add3A_169 : i32 to index
      %swap3A_214 = arith.constant 32 : index
      %swap3A_215 = tpu.vector_load %arg11[%swap3A_213, %swap3A_214] {strides = array<i32>} : memref<40x128xf32, #tpu.memory_space<vmem>>, vector<1x16xf32>,
      %swap3A_216 = vector.shape_cast %swap3A_215 : vector<1x16xf32> to vector<16xf32>
      %swap3A_217 = vector.shape_cast %max3A_212 : vector<16xf32> to vector<1x16xf32>
      tpu.vector_store %arg11[%swap3A_213, %swap3A_214], %swap3A_217 {strides = array<i32>} : memref<40x128xf32, #tpu.memory_space<vmem>>, vector<1x16xf32>,
      %get3A_218 = arith.index_cast %add3A_169 : i32 to index
      %get3A_219 = arith.constant 48 : index
      %get3A_220 = tpu.vector_load %arg7[%get3A_218, %get3A_219] {strides = array<i32>} : memref<40x128xf32, #tpu.memory_space<vmem>>, vector<1x16xf32>,
      %get3A_221 = vector.shape_cast %get3A_220 : vector<1x16xf32> to vector<16xf32>
      %get3A_222 = arith.index_cast %add3A_169 : i32 to index
      %get3A_223 = arith.constant 48 : index
      %get3A_224 = tpu.vector_load %arg9[%get3A_222, %get3A_223] {strides = array<i32>} : memref<40x128xf32, #tpu.memory_space<vmem>>, vector<1x16xf32>,
      %get3A_225 = vector.shape_cast %get3A_224 : vector<1x16xf32> to vector<16xf32>
      %add3A_226 = arith.addf %get3A_221, %get3A_225 : vector<16xf32>
      %max3A_227 = arith.constant 0.000000e+00 : f32
      %max3A_228 = vector.broadcast %max3A_227 : f32 to vector<16xf32>
      %max3A_229 = arith.maximumf %add3A_226, %max3A_228 : vector<16xf32>
      %swap3A_230 = arith.index_cast %add3A_169 : i32 to index
      %swap3A_231 = arith.constant 48 : index
      %swap3A_232 = tpu.vector_load %arg11[%swap3A_230, %swap3A_231] {strides = array<i32>} : memref<40x128xf32, #tpu.memory_space<vmem>>, vector<1x16xf32>,
      %swap3A_233 = vector.shape_cast %swap3A_232 : vector<1x16xf32> to vector<16xf32>
      %swap3A_234 = vector.shape_cast %max3A_229 : vector<16xf32> to vector<1x16xf32>
      tpu.vector_store %arg11[%swap3A_230, %swap3A_231], %swap3A_234 {strides = array<i32>} : memref<40x128xf32, #tpu.memory_space<vmem>>, vector<1x16xf32>,
      %get3A_235 = arith.index_cast %add3A_169 : i32 to index
      %get3A_236 = arith.constant 64 : index
      %get3A_237 = tpu.vector_load %arg7[%get3A_235, %get3A_236] {strides = array<i32>} : memref<40x128xf32, #tpu.memory_space<vmem>>, vector<1x16xf32>,
      %get3A_238 = vector.shape_cast %get3A_237 : vector<1x16xf32> to vector<16xf32>
      %get3A_239 = arith.index_cast %add3A_169 : i32 to index
      %get3A_240 = arith.constant 64 : index
      %get3A_241 = tpu.vector_load %arg9[%get3A_239, %get3A_240] {strides = array<i32>} : memref<40x128xf32, #tpu.memory_space<vmem>>, vector<1x16xf32>,
      %get3A_242 = vector.shape_cast %get3A_241 : vector<1x16xf32> to vector<16xf32>
      %add3A_243 = arith.addf %get3A_238, %get3A_242 : vector<16xf32>
      %max3A_244 = arith.constant 0.000000e+00 : f32
      %max3A_245 = vector.broadcast %max3A_244 : f32 to vector<16xf32>
      %max3A_246 = arith.maximumf %add3A_243, %max3A_245 : vector<16xf32>
      %swap3A_247 = arith.index_cast %add3A_169 : i32 to index
      %swap3A_248 = arith.constant 64 : index
      %swap3A_249 = tpu.vector_load %arg11[%swap3A_247, %swap3A_248] {strides = array<i32>} : memref<40x128xf32, #tpu.memory_space<vmem>>, vector<1x16xf32>,
      %swap3A_250 = vector.shape_cast %swap3A_249 : vector<1x16xf32> to vector<16xf32>
      %swap3A_251 = vector.shape_cast %max3A_246 : vector<16xf32> to vector<1x16xf32>
      tpu.vector_store %arg11[%swap3A_247, %swap3A_248], %swap3A_251 {strides = array<i32>} : memref<40x128xf32, #tpu.memory_space<vmem>>, vector<1x16xf32>,
      %get3A_252 = arith.index_cast %add3A_169 : i32 to index
      %get3A_253 = arith.constant 80 : index
      %get3A_254 = tpu.vector_load %arg7[%get3A_252, %get3A_253] {strides = array<i32>} : memref<40x128xf32, #tpu.memory_space<vmem>>, vector<1x16xf32>,
      %get3A_255 = vector.shape_cast %get3A_254 : vector<1x16xf32> to vector<16xf32>
      %get3A_256 = arith.index_cast %add3A_169 : i32 to index
      %get3A_257 = arith.constant 80 : index
      %get3A_258 = tpu.vector_load %arg9[%get3A_256, %get3A_257] {strides = array<i32>} : memref<40x128xf32, #tpu.memory_space<vmem>>, vector<1x16xf32>,
      %get3A_259 = vector.shape_cast %get3A_258 : vector<1x16xf32> to vector<16xf32>
      %add3A_260 = arith.addf %get3A_255, %get3A_259 : vector<16xf32>
      %max3A_261 = arith.constant 0.000000e+00 : f32
      %max3A_262 = vector.broadcast %max3A_261 : f32 to vector<16xf32>
      %max3A_263 = arith.maximumf %add3A_260, %max3A_262 : vector<16xf32>
      %swap3A_264 = arith.index_cast %add3A_169 : i32 to index
      %swap3A_265 = arith.constant 80 : index
      %swap3A_266 = tpu.vector_load %arg11[%swap3A_264, %swap3A_265] {strides = array<i32>} : memref<40x128xf32, #tpu.memory_space<vmem>>, vector<1x16xf32>,
      %swap3A_267 = vector.shape_cast %swap3A_266 : vector<1x16xf32> to vector<16xf32>
      %swap3A_268 = vector.shape_cast %max3A_263 : vector<16xf32> to vector<1x16xf32>
      tpu.vector_store %arg11[%swap3A_264, %swap3A_265], %swap3A_268 {strides = array<i32>} : memref<40x128xf32, #tpu.memory_space<vmem>>, vector<1x16xf32>,
      %get3A_269 = arith.index_cast %add3A_169 : i32 to index
      %get3A_270 = arith.constant 96 : index
      %get3A_271 = tpu.vector_load %arg7[%get3A_269, %get3A_270] {strides = array<i32>} : memref<40x128xf32, #tpu.memory_space<vmem>>, vector<1x16xf32>,
      %get3A_272 = vector.shape_cast %get3A_271 : vector<1x16xf32> to vector<16xf32>
      %get3A_273 = arith.index_cast %add3A_169 : i32 to index
      %get3A_274 = arith.constant 96 : index
      %get3A_275 = tpu.vector_load %arg9[%get3A_273, %get3A_274] {strides = array<i32>} : memref<40x128xf32, #tpu.memory_space<vmem>>, vector<1x16xf32>,
      %get3A_276 = vector.shape_cast %get3A_275 : vector<1x16xf32> to vector<16xf32>
      %add3A_277 = arith.addf %get3A_272, %get3A_276 : vector<16xf32>
      %max3A_278 = arith.constant 0.000000e+00 : f32
      %max3A_279 = vector.broadcast %max3A_278 : f32 to vector<16xf32>
      %max3A_280 = arith.maximumf %add3A_277, %max3A_279 : vector<16xf32>
      %swap3A_281 = arith.index_cast %add3A_169 : i32 to index
      %swap3A_282 = arith.constant 96 : index
      %swap3A_283 = tpu.vector_load %arg11[%swap3A_281, %swap3A_282] {strides = array<i32>} : memref<40x128xf32, #tpu.memory_space<vmem>>, vector<1x16xf32>,
      %swap3A_284 = vector.shape_cast %swap3A_283 : vector<1x16xf32> to vector<16xf32>
      %swap3A_285 = vector.shape_cast %max3A_280 : vector<16xf32> to vector<1x16xf32>
      tpu.vector_store %arg11[%swap3A_281, %swap3A_282], %swap3A_285 {strides = array<i32>} : memref<40x128xf32, #tpu.memory_space<vmem>>, vector<1x16xf32>,
      %get3A_286 = arith.index_cast %add3A_169 : i32 to index
      %get3A_287 = arith.constant 112 : index
      %get3A_288 = tpu.vector_load %arg7[%get3A_286, %get3A_287] {strides = array<i32>} : memref<40x128xf32, #tpu.memory_space<vmem>>, vector<1x16xf32>,
      %get3A_289 = vector.shape_cast %get3A_288 : vector<1x16xf32> to vector<16xf32>
      %get3A_290 = arith.index_cast %add3A_169 : i32 to index
      %get3A_291 = arith.constant 112 : index
      %get3A_292 = tpu.vector_load %arg9[%get3A_290, %get3A_291] {strides = array<i32>} : memref<40x128xf32, #tpu.memory_space<vmem>>, vector<1x16xf32>,
      %get3A_293 = vector.shape_cast %get3A_292 : vector<1x16xf32> to vector<16xf32>
      %add3A_294 = arith.addf %get3A_289, %get3A_293 : vector<16xf32>
      %max3A_295 = arith.constant 0.000000e+00 : f32
      %max3A_296 = vector.broadcast %max3A_295 : f32 to vector<16xf32>
      %max3A_297 = arith.maximumf %add3A_294, %max3A_296 : vector<16xf32>
      %swap3A_298 = arith.index_cast %add3A_169 : i32 to index
      %swap3A_299 = arith.constant 112 : index
      %swap3A_300 = tpu.vector_load %arg11[%swap3A_298, %swap3A_299] {strides = array<i32>} : memref<40x128xf32, #tpu.memory_space<vmem>>, vector<1x16xf32>,
      %swap3A_301 = vector.shape_cast %swap3A_300 : vector<1x16xf32> to vector<16xf32>
      %swap3A_302 = vector.shape_cast %max3A_297 : vector<16xf32> to vector<1x16xf32>
      tpu.vector_store %arg11[%swap3A_298, %swap3A_299], %swap3A_302 {strides = array<i32>} : memref<40x128xf32, #tpu.memory_space<vmem>>, vector<1x16xf32>,
      %mul3A_303 = arith.constant 2 : i32
      %mul3A_304 = arith.muli %scan3A_165, %mul3A_303 : i32
      %add3A_305 = arith.constant 1 : i32
      %add3A_306 = arith.addi %mul3A_304, %add3A_305 : i32
      %get3A_307 = arith.index_cast %add3A_306 : i32 to index
      %get3A_308 = arith.constant 0 : index
      %get3A_309 = tpu.vector_load %arg7[%get3A_307, %get3A_308] {strides = array<i32>} : memref<40x128xf32, #tpu.memory_space<vmem>>, vector<1x16xf32>,
      %get3A_310 = vector.shape_cast %get3A_309 : vector<1x16xf32> to vector<16xf32>
      %get3A_311 = arith.index_cast %add3A_306 : i32 to index
      %get3A_312 = arith.constant 0 : index
      %get3A_313 = tpu.vector_load %arg9[%get3A_311, %get3A_312] {strides = array<i32>} : memref<40x128xf32, #tpu.memory_space<vmem>>, vector<1x16xf32>,
      %get3A_314 = vector.shape_cast %get3A_313 : vector<1x16xf32> to vector<16xf32>
      %add3A_315 = arith.addf %get3A_310, %get3A_314 : vector<16xf32>
      %max3A_316 = arith.constant 0.000000e+00 : f32
      %max3A_317 = vector.broadcast %max3A_316 : f32 to vector<16xf32>
      %max3A_318 = arith.maximumf %add3A_315, %max3A_317 : vector<16xf32>
      %swap3A_319 = arith.index_cast %add3A_306 : i32 to index
      %swap3A_320 = arith.constant 0 : index
      %swap3A_321 = tpu.vector_load %arg11[%swap3A_319, %swap3A_320] {strides = array<i32>} : memref<40x128xf32, #tpu.memory_space<vmem>>, vector<1x16xf32>,
      %swap3A_322 = vector.shape_cast %swap3A_321 : vector<1x16xf32> to vector<16xf32>
      %swap3A_323 = vector.shape_cast %max3A_318 : vector<16xf32> to vector<1x16xf32>
      tpu.vector_store %arg11[%swap3A_319, %swap3A_320], %swap3A_323 {strides = array<i32>} : memref<40x128xf32, #tpu.memory_space<vmem>>, vector<1x16xf32>,
      %get3A_324 = arith.index_cast %add3A_306 : i32 to index
      %get3A_325 = arith.constant 16 : index
      %get3A_326 = tpu.vector_load %arg7[%get3A_324, %get3A_325] {strides = array<i32>} : memref<40x128xf32, #tpu.memory_space<vmem>>, vector<1x16xf32>,
      %get3A_327 = vector.shape_cast %get3A_326 : vector<1x16xf32> to vector<16xf32>
      %get3A_328 = arith.index_cast %add3A_306 : i32 to index
      %get3A_329 = arith.constant 16 : index
      %get3A_330 = tpu.vector_load %arg9[%get3A_328, %get3A_329] {strides = array<i32>} : memref<40x128xf32, #tpu.memory_space<vmem>>, vector<1x16xf32>,
      %get3A_331 = vector.shape_cast %get3A_330 : vector<1x16xf32> to vector<16xf32>
      %add3A_332 = arith.addf %get3A_327, %get3A_331 : vector<16xf32>
      %max3A_333 = arith.constant 0.000000e+00 : f32
      %max3A_334 = vector.broadcast %max3A_333 : f32 to vector<16xf32>
      %max3A_335 = arith.maximumf %add3A_332, %max3A_334 : vector<16xf32>
      %swap3A_336 = arith.index_cast %add3A_306 : i32 to index
      %swap3A_337 = arith.constant 16 : index
      %swap3A_338 = tpu.vector_load %arg11[%swap3A_336, %swap3A_337] {strides = array<i32>} : memref<40x128xf32, #tpu.memory_space<vmem>>, vector<1x16xf32>,
      %swap3A_339 = vector.shape_cast %swap3A_338 : vector<1x16xf32> to vector<16xf32>
      %swap3A_340 = vector.shape_cast %max3A_335 : vector<16xf32> to vector<1x16xf32>
      tpu.vector_store %arg11[%swap3A_336, %swap3A_337], %swap3A_340 {strides = array<i32>} : memref<40x128xf32, #tpu.memory_space<vmem>>, vector<1x16xf32>,
      %get3A_341 = arith.index_cast %add3A_306 : i32 to index
      %get3A_342 = arith.constant 32 : index
      %get3A_343 = tpu.vector_load %arg7[%get3A_341, %get3A_342] {strides = array<i32>} : memref<40x128xf32, #tpu.memory_space<vmem>>, vector<1x16xf32>,
      %get3A_344 = vector.shape_cast %get3A_343 : vector<1x16xf32> to vector<16xf32>
      %get3A_345 = arith.index_cast %add3A_306 : i32 to index
      %get3A_346 = arith.constant 32 : index
      %get3A_347 = tpu.vector_load %arg9[%get3A_345, %get3A_346] {strides = array<i32>} : memref<40x128xf32, #tpu.memory_space<vmem>>, vector<1x16xf32>,
      %get3A_348 = vector.shape_cast %get3A_347 : vector<1x16xf32> to vector<16xf32>
      %add3A_349 = arith.addf %get3A_344, %get3A_348 : vector<16xf32>
      %max3A_350 = arith.constant 0.000000e+00 : f32
      %max3A_351 = vector.broadcast %max3A_350 : f32 to vector<16xf32>
      %max3A_352 = arith.maximumf %add3A_349, %max3A_351 : vector<16xf32>
      %swap3A_353 = arith.index_cast %add3A_306 : i32 to index
      %swap3A_354 = arith.constant 32 : index
      %swap3A_355 = tpu.vector_load %arg11[%swap3A_353, %swap3A_354] {strides = array<i32>} : memref<40x128xf32, #tpu.memory_space<vmem>>, vector<1x16xf32>,
      %swap3A_356 = vector.shape_cast %swap3A_355 : vector<1x16xf32> to vector<16xf32>
      %swap3A_357 = vector.shape_cast %max3A_352 : vector<16xf32> to vector<1x16xf32>
      tpu.vector_store %arg11[%swap3A_353, %swap3A_354], %swap3A_357 {strides = array<i32>} : memref<40x128xf32, #tpu.memory_space<vmem>>, vector<1x16xf32>,
      %get3A_358 = arith.index_cast %add3A_306 : i32 to index
      %get3A_359 = arith.constant 48 : index
      %get3A_360 = tpu.vector_load %arg7[%get3A_358, %get3A_359] {strides = array<i32>} : memref<40x128xf32, #tpu.memory_space<vmem>>, vector<1x16xf32>,
      %get3A_361 = vector.shape_cast %get3A_360 : vector<1x16xf32> to vector<16xf32>
      %get3A_362 = arith.index_cast %add3A_306 : i32 to index
      %get3A_363 = arith.constant 48 : index
      %get3A_364 = tpu.vector_load %arg9[%get3A_362, %get3A_363] {strides = array<i32>} : memref<40x128xf32, #tpu.memory_space<vmem>>, vector<1x16xf32>,
      %get3A_365 = vector.shape_cast %get3A_364 : vector<1x16xf32> to vector<16xf32>
      %add3A_366 = arith.addf %get3A_361, %get3A_365 : vector<16xf32>
      %max3A_367 = arith.constant 0.000000e+00 : f32
      %max3A_368 = vector.broadcast %max3A_367 : f32 to vector<16xf32>
      %max3A_369 = arith.maximumf %add3A_366, %max3A_368 : vector<16xf32>
      %swap3A_370 = arith.index_cast %add3A_306 : i32 to index
      %swap3A_371 = arith.constant 48 : index
      %swap3A_372 = tpu.vector_load %arg11[%swap3A_370, %swap3A_371] {strides = array<i32>} : memref<40x128xf32, #tpu.memory_space<vmem>>, vector<1x16xf32>,
      %swap3A_373 = vector.shape_cast %swap3A_372 : vector<1x16xf32> to vector<16xf32>
      %swap3A_374 = vector.shape_cast %max3A_369 : vector<16xf32> to vector<1x16xf32>
      tpu.vector_store %arg11[%swap3A_370, %swap3A_371], %swap3A_374 {strides = array<i32>} : memref<40x128xf32, #tpu.memory_space<vmem>>, vector<1x16xf32>,
      %get3A_375 = arith.index_cast %add3A_306 : i32 to index
      %get3A_376 = arith.constant 64 : index
      %get3A_377 = tpu.vector_load %arg7[%get3A_375, %get3A_376] {strides = array<i32>} : memref<40x128xf32, #tpu.memory_space<vmem>>, vector<1x16xf32>,
      %get3A_378 = vector.shape_cast %get3A_377 : vector<1x16xf32> to vector<16xf32>
      %get3A_379 = arith.index_cast %add3A_306 : i32 to index
      %get3A_380 = arith.constant 64 : index
      %get3A_381 = tpu.vector_load %arg9[%get3A_379, %get3A_380] {strides = array<i32>} : memref<40x128xf32, #tpu.memory_space<vmem>>, vector<1x16xf32>,
      %get3A_382 = vector.shape_cast %get3A_381 : vector<1x16xf32> to vector<16xf32>
      %add3A_383 = arith.addf %get3A_378, %get3A_382 : vector<16xf32>
      %max3A_384 = arith.constant 0.000000e+00 : f32
      %max3A_385 = vector.broadcast %max3A_384 : f32 to vector<16xf32>
      %max3A_386 = arith.maximumf %add3A_383, %max3A_385 : vector<16xf32>
      %swap3A_387 = arith.index_cast %add3A_306 : i32 to index
      %swap3A_388 = arith.constant 64 : index
      %swap3A_389 = tpu.vector_load %arg11[%swap3A_387, %swap3A_388] {strides = array<i32>} : memref<40x128xf32, #tpu.memory_space<vmem>>, vector<1x16xf32>,
      %swap3A_390 = vector.shape_cast %swap3A_389 : vector<1x16xf32> to vector<16xf32>
      %swap3A_391 = vector.shape_cast %max3A_386 : vector<16xf32> to vector<1x16xf32>
      tpu.vector_store %arg11[%swap3A_387, %swap3A_388], %swap3A_391 {strides = array<i32>} : memref<40x128xf32, #tpu.memory_space<vmem>>, vector<1x16xf32>,
      %get3A_392 = arith.index_cast %add3A_306 : i32 to index
      %get3A_393 = arith.constant 80 : index
      %get3A_394 = tpu.vector_load %arg7[%get3A_392, %get3A_393] {strides = array<i32>} : memref<40x128xf32, #tpu.memory_space<vmem>>, vector<1x16xf32>,
      %get3A_395 = vector.shape_cast %get3A_394 : vector<1x16xf32> to vector<16xf32>
      %get3A_396 = arith.index_cast %add3A_306 : i32 to index
      %get3A_397 = arith.constant 80 : index
      %get3A_398 = tpu.vector_load %arg9[%get3A_396, %get3A_397] {strides = array<i32>} : memref<40x128xf32, #tpu.memory_space<vmem>>, vector<1x16xf32>,
      %get3A_399 = vector.shape_cast %get3A_398 : vector<1x16xf32> to vector<16xf32>
      %add3A_400 = arith.addf %get3A_395, %get3A_399 : vector<16xf32>
      %max3A_401 = arith.constant 0.000000e+00 : f32
      %max3A_402 = vector.broadcast %max3A_401 : f32 to vector<16xf32>
      %max3A_403 = arith.maximumf %add3A_400, %max3A_402 : vector<16xf32>
      %swap3A_404 = arith.index_cast %add3A_306 : i32 to index
      %swap3A_405 = arith.constant 80 : index
      %swap3A_406 = tpu.vector_load %arg11[%swap3A_404, %swap3A_405] {strides = array<i32>} : memref<40x128xf32, #tpu.memory_space<vmem>>, vector<1x16xf32>,
      %swap3A_407 = vector.shape_cast %swap3A_406 : vector<1x16xf32> to vector<16xf32>
      %swap3A_408 = vector.shape_cast %max3A_403 : vector<16xf32> to vector<1x16xf32>
      tpu.vector_store %arg11[%swap3A_404, %swap3A_405], %swap3A_408 {strides = array<i32>} : memref<40x128xf32, #tpu.memory_space<vmem>>, vector<1x16xf32>,
      %get3A_409 = arith.index_cast %add3A_306 : i32 to index
      %get3A_410 = arith.constant 96 : index
      %get3A_411 = tpu.vector_load %arg7[%get3A_409, %get3A_410] {strides = array<i32>} : memref<40x128xf32, #tpu.memory_space<vmem>>, vector<1x16xf32>,
      %get3A_412 = vector.shape_cast %get3A_411 : vector<1x16xf32> to vector<16xf32>
      %get3A_413 = arith.index_cast %add3A_306 : i32 to index
      %get3A_414 = arith.constant 96 : index
      %get3A_415 = tpu.vector_load %arg9[%get3A_413, %get3A_414] {strides = array<i32>} : memref<40x128xf32, #tpu.memory_space<vmem>>, vector<1x16xf32>,
      %get3A_416 = vector.shape_cast %get3A_415 : vector<1x16xf32> to vector<16xf32>
      %add3A_417 = arith.addf %get3A_412, %get3A_416 : vector<16xf32>
      %max3A_418 = arith.constant 0.000000e+00 : f32
      %max3A_419 = vector.broadcast %max3A_418 : f32 to vector<16xf32>
      %max3A_420 = arith.maximumf %add3A_417, %max3A_419 : vector<16xf32>
      %swap3A_421 = arith.index_cast %add3A_306 : i32 to index
      %swap3A_422 = arith.constant 96 : index
      %swap3A_423 = tpu.vector_load %arg11[%swap3A_421, %swap3A_422] {strides = array<i32>} : memref<40x128xf32, #tpu.memory_space<vmem>>, vector<1x16xf32>,
      %swap3A_424 = vector.shape_cast %swap3A_423 : vector<1x16xf32> to vector<16xf32>
      %swap3A_425 = vector.shape_cast %max3A_420 : vector<16xf32> to vector<1x16xf32>
      tpu.vector_store %arg11[%swap3A_421, %swap3A_422], %swap3A_425 {strides = array<i32>} : memref<40x128xf32, #tpu.memory_space<vmem>>, vector<1x16xf32>,
      %get3A_426 = arith.index_cast %add3A_306 : i32 to index
      %get3A_427 = arith.constant 112 : index
      %get3A_428 = tpu.vector_load %arg7[%get3A_426, %get3A_427] {strides = array<i32>} : memref<40x128xf32, #tpu.memory_space<vmem>>, vector<1x16xf32>,
      %get3A_429 = vector.shape_cast %get3A_428 : vector<1x16xf32> to vector<16xf32>
      %get3A_430 = arith.index_cast %add3A_306 : i32 to index
      %get3A_431 = arith.constant 112 : index
      %get3A_432 = tpu.vector_load %arg9[%get3A_430, %get3A_431] {strides = array<i32>} : memref<40x128xf32, #tpu.memory_space<vmem>>, vector<1x16xf32>,
      %get3A_433 = vector.shape_cast %get3A_432 : vector<1x16xf32> to vector<16xf32>
      %add3A_434 = arith.addf %get3A_429, %get3A_433 : vector<16xf32>
      %max3A_435 = arith.constant 0.000000e+00 : f32
      %max3A_436 = vector.broadcast %max3A_435 : f32 to vector<16xf32>
      %max3A_437 = arith.maximumf %add3A_434, %max3A_436 : vector<16xf32>
      %swap3A_438 = arith.index_cast %add3A_306 : i32 to index
      %swap3A_439 = arith.constant 112 : index
      %swap3A_440 = tpu.vector_load %arg11[%swap3A_438, %swap3A_439] {strides = array<i32>} : memref<40x128xf32, #tpu.memory_space<vmem>>, vector<1x16xf32>,
      %swap3A_441 = vector.shape_cast %swap3A_440 : vector<1x16xf32> to vector<16xf32>
      %swap3A_442 = vector.shape_cast %max3A_437 : vector<16xf32> to vector<1x16xf32>
      tpu.vector_store %arg11[%swap3A_438, %swap3A_439], %swap3A_442 {strides = array<i32>} : memref<40x128xf32, #tpu.memory_space<vmem>>, vector<1x16xf32>,
    }
    %scan3A_76 = arith.constant 20 : i32
    %dma_wait3A_77 = arith.constant 0 : i32
    %dma_wait3A_78 = tpu.memref_slice %arg5[%dma_wait3A_77] : memref<320000xi32, #tpu.memory_space<hbm>> -> memref<40xi32, #tpu.memory_space<hbm>>
    %dma_wait3A_79 = arith.constant 0 : i32
    %dma_wait3A_80 = tpu.memref_slice %arg5[%dma_wait3A_79] : memref<320000xi32, #tpu.memory_space<hbm>> -> memref<40xi32, #tpu.memory_space<hbm>>
    tpu.wait_dma2 semaphore(%arg36 : memref<!tpu.dma_semaphore, #tpu.memory_space<semaphore_mem>>) src(%dma_wait3A_80 : memref<40xi32, #tpu.memory_space<hbm>>) dst(%arg17 : memref<40xi32, #tpu.memory_space<vmem>>)
    %dma_start3A_81 = arith.constant 0 : i32
    %dma_start3A_82 = arith.constant 0 : i32
    %dma_start3A_83 = tpu.memref_slice %arg25[%dma_start3A_81, %dma_start3A_82] : memref<10240x128xf32, #tpu.memory_space<vmem_shared>> -> memref<10240x128xf32, #tpu.memory_space<vmem_shared>>
    tpu.enqueue_indirect_dma source(%arg11 : memref<40x128xf32, #tpu.memory_space<vmem>>) target(%dma_start3A_83 : memref<10240x128xf32, #tpu.memory_space<vmem_shared>>) offsets(%arg17 : memref<40xi32, #tpu.memory_space<vmem>>) semaphore(%arg30 : memref<!tpu.dma_semaphore, #tpu.memory_space<semaphore_mem>>) {add = true}
    %dma_wait3A_84 = arith.constant 0 : i32
    %dma_wait3A_85 = tpu.memref_slice %arg4[%dma_wait3A_84] : memref<320000xi32, #tpu.memory_space<hbm>> -> memref<40xi32, #tpu.memory_space<hbm>>
    %dma_wait3A_86 = arith.constant 0 : i32
    %dma_wait3A_87 = tpu.memref_slice %arg4[%dma_wait3A_86] : memref<320000xi32, #tpu.memory_space<hbm>> -> memref<40xi32, #tpu.memory_space<hbm>>
    tpu.wait_dma2 semaphore(%arg34 : memref<!tpu.dma_semaphore, #tpu.memory_space<semaphore_mem>>) src(%dma_wait3A_87 : memref<40xi32, #tpu.memory_space<hbm>>) dst(%arg15 : memref<40xi32, #tpu.memory_space<vmem>>)
    %dma_start3A_88 = arith.constant 0 : i32
    %dma_start3A_89 = arith.constant 0 : i32
    %dma_start3A_90 = tpu.memref_slice %arg2[%dma_start3A_88, %dma_start3A_89] : memref<10000x128xf32, #tpu.memory_space<hbm>> -> memref<10000x128xf32, #tpu.memory_space<hbm>>
    tpu.enqueue_indirect_dma source(%dma_start3A_90 : memref<10000x128xf32, #tpu.memory_space<hbm>>) target(%arg7 : memref<40x128xf32, #tpu.memory_space<vmem>>) offsets(%arg15 : memref<40xi32, #tpu.memory_space<vmem>>) semaphore(%arg26 : memref<!tpu.dma_semaphore, #tpu.memory_space<semaphore_mem>>)
    %add3A_91 = arith.constant 80 : i32
    %add3A_92 = arith.addi %mul3A_2, %add3A_91 : i32
    %dma_start3A_93 = arith.constant 0 : i32
    %dma_start3A_94 = tpu.memref_slice %arg3[%add3A_92, %dma_start3A_93] : memref<320000x128xf32, #tpu.memory_space<hbm>> -> memref<40x128xf32, #tpu.memory_space<hbm>>
    %dma_start3A_95 = arith.constant 0 : i32
    %dma_start3A_96 = tpu.memref_slice %arg3[%add3A_92, %dma_start3A_95] : memref<320000x128xf32, #tpu.memory_space<hbm>> -> memref<40x128xf32, #tpu.memory_space<hbm>>
    tpu.enqueue_dma source(%dma_start3A_96 : memref<40x128xf32, #tpu.memory_space<hbm>>) target(%arg9 : memref<40x128xf32, #tpu.memory_space<vmem>>) target_semaphore(%arg28 : memref<!tpu.dma_semaphore, #tpu.memory_space<semaphore_mem>>)
    %add3A_97 = arith.constant 120 : i32
    %add3A_98 = arith.addi %mul3A_2, %add3A_97 : i32
    %dma_start3A_99 = tpu.memref_slice %arg4[%add3A_98] : memref<320000xi32, #tpu.memory_space<hbm>> -> memref<40xi32, #tpu.memory_space<hbm>>
    %dma_start3A_100 = tpu.memref_slice %arg4[%add3A_98] : memref<320000xi32, #tpu.memory_space<hbm>> -> memref<40xi32, #tpu.memory_space<hbm>>
    tpu.enqueue_dma source(%dma_start3A_100 : memref<40xi32, #tpu.memory_space<hbm>>) target(%arg16 : memref<40xi32, #tpu.memory_space<vmem>>) target_semaphore(%arg35 : memref<!tpu.dma_semaphore, #tpu.memory_space<semaphore_mem>>)
    %add3A_101 = arith.constant 120 : i32
    %add3A_102 = arith.addi %mul3A_2, %add3A_101 : i32
    %dma_start3A_103 = tpu.memref_slice %arg5[%add3A_102] : memref<320000xi32, #tpu.memory_space<hbm>> -> memref<40xi32, #tpu.memory_space<hbm>>
    %dma_start3A_104 = tpu.memref_slice %arg5[%add3A_102] : memref<320000xi32, #tpu.memory_space<hbm>> -> memref<40xi32, #tpu.memory_space<hbm>>
    tpu.enqueue_dma source(%dma_start3A_104 : memref<40xi32, #tpu.memory_space<hbm>>) target(%arg20 : memref<40xi32, #tpu.memory_space<vmem>>) target_semaphore(%arg39 : memref<!tpu.dma_semaphore, #tpu.memory_space<semaphore_mem>>)
    %dma_wait3A_105 = arith.constant 0 : i32
    %dma_wait3A_106 = arith.constant 0 : i32
    %dma_wait3A_107 = tpu.memref_slice %arg2[%dma_wait3A_105, %dma_wait3A_106] : memref<10000x128xf32, #tpu.memory_space<hbm>> -> memref<10000x128xf32, #tpu.memory_space<hbm>>
    tpu.wait_indirect_dma semaphore(%arg27 : memref<!tpu.dma_semaphore, #tpu.memory_space<semaphore_mem>>) src(%dma_wait3A_107 : memref<10000x128xf32, #tpu.memory_space<hbm>>) dst(%arg8 : memref<40x128xf32, #tpu.memory_space<vmem>>)
    %add3A_108 = arith.constant 40 : i32
    %add3A_109 = arith.addi %mul3A_2, %add3A_108 : i32
    %dma_wait3A_110 = arith.constant 0 : i32
    %dma_wait3A_111 = tpu.memref_slice %arg3[%add3A_109, %dma_wait3A_110] : memref<320000x128xf32, #tpu.memory_space<hbm>> -> memref<40x128xf32, #tpu.memory_space<hbm>>
    %dma_wait3A_112 = arith.constant 0 : i32
    %dma_wait3A_113 = tpu.memref_slice %arg3[%add3A_109, %dma_wait3A_112] : memref<320000x128xf32, #tpu.memory_space<hbm>> -> memref<40x128xf32, #tpu.memory_space<hbm>>
    tpu.wait_dma2 semaphore(%arg29 : memref<!tpu.dma_semaphore, #tpu.memory_space<semaphore_mem>>) src(%dma_wait3A_113 : memref<40x128xf32, #tpu.memory_space<hbm>>) dst(%arg10 : memref<40x128xf32, #tpu.memory_space<vmem>>)
    %scan3A_114 = arith.constant 0 : i32
    %scan3A_115 = arith.constant 0 : i32
    %scan3A_116 = arith.constant 20 : i32
    %scan3A_117 = arith.addi %scan3A_115, %scan3A_116 : i32
    %scan3A_118 = arith.constant 1 : i32
    scf.for %scan3A_165 = %scan3A_115 to %scan3A_117 step %scan3A_118  : i32 {
      %mul3A_166 = arith.constant 2 : i32
      %mul3A_167 = arith.muli %scan3A_165, %mul3A_166 : i32
      %add3A_168 = arith.constant 0 : i32
      %add3A_169 = arith.addi %mul3A_167, %add3A_168 : i32
      %get3A = arith.index_cast %add3A_169 : i32 to index
      %get3A_170 = arith.constant 0 : index
      %get3A_171 = tpu.vector_load %arg8[%get3A, %get3A_170] {strides = array<i32>} : memref<40x128xf32, #tpu.memory_space<vmem>>, vector<1x16xf32>,
      %get3A_172 = vector.shape_cast %get3A_171 : vector<1x16xf32> to vector<16xf32>
      %get3A_173 = arith.index_cast %add3A_169 : i32 to index
      %get3A_174 = arith.constant 0 : index
      %get3A_175 = tpu.vector_load %arg10[%get3A_173, %get3A_174] {strides = array<i32>} : memref<40x128xf32, #tpu.memory_space<vmem>>, vector<1x16xf32>,
      %get3A_176 = vector.shape_cast %get3A_175 : vector<1x16xf32> to vector<16xf32>
      %add3A_177 = arith.addf %get3A_172, %get3A_176 : vector<16xf32>
      %max3A = arith.constant 0.000000e+00 : f32
      %max3A_178 = vector.broadcast %max3A : f32 to vector<16xf32>
      %max3A_179 = arith.maximumf %add3A_177, %max3A_178 : vector<16xf32>
      %swap3A = arith.index_cast %add3A_169 : i32 to index
      %swap3A_180 = arith.constant 0 : index
      %swap3A_181 = tpu.vector_load %arg12[%swap3A, %swap3A_180] {strides = array<i32>} : memref<40x128xf32, #tpu.memory_space<vmem>>, vector<1x16xf32>,
      %swap3A_182 = vector.shape_cast %swap3A_181 : vector<1x16xf32> to vector<16xf32>
      %swap3A_183 = vector.shape_cast %max3A_179 : vector<16xf32> to vector<1x16xf32>
      tpu.vector_store %arg12[%swap3A, %swap3A_180], %swap3A_183 {strides = array<i32>} : memref<40x128xf32, #tpu.memory_space<vmem>>, vector<1x16xf32>,
      %get3A_184 = arith.index_cast %add3A_169 : i32 to index
      %get3A_185 = arith.constant 16 : index
      %get3A_186 = tpu.vector_load %arg8[%get3A_184, %get3A_185] {strides = array<i32>} : memref<40x128xf32, #tpu.memory_space<vmem>>, vector<1x16xf32>,
      %get3A_187 = vector.shape_cast %get3A_186 : vector<1x16xf32> to vector<16xf32>
      %get3A_188 = arith.index_cast %add3A_169 : i32 to index
      %get3A_189 = arith.constant 16 : index
      %get3A_190 = tpu.vector_load %arg10[%get3A_188, %get3A_189] {strides = array<i32>} : memref<40x128xf32, #tpu.memory_space<vmem>>, vector<1x16xf32>,
      %get3A_191 = vector.shape_cast %get3A_190 : vector<1x16xf32> to vector<16xf32>
      %add3A_192 = arith.addf %get3A_187, %get3A_191 : vector<16xf32>
      %max3A_193 = arith.constant 0.000000e+00 : f32
      %max3A_194 = vector.broadcast %max3A_193 : f32 to vector<16xf32>
      %max3A_195 = arith.maximumf %add3A_192, %max3A_194 : vector<16xf32>
      %swap3A_196 = arith.index_cast %add3A_169 : i32 to index
      %swap3A_197 = arith.constant 16 : index
      %swap3A_198 = tpu.vector_load %arg12[%swap3A_196, %swap3A_197] {strides = array<i32>} : memref<40x128xf32, #tpu.memory_space<vmem>>, vector<1x16xf32>,
      %swap3A_199 = vector.shape_cast %swap3A_198 : vector<1x16xf32> to vector<16xf32>
      %swap3A_200 = vector.shape_cast %max3A_195 : vector<16xf32> to vector<1x16xf32>
      tpu.vector_store %arg12[%swap3A_196, %swap3A_197], %swap3A_200 {strides = array<i32>} : memref<40x128xf32, #tpu.memory_space<vmem>>, vector<1x16xf32>,
      %get3A_201 = arith.index_cast %add3A_169 : i32 to index
      %get3A_202 = arith.constant 32 : index
      %get3A_203 = tpu.vector_load %arg8[%get3A_201, %get3A_202] {strides = array<i32>} : memref<40x128xf32, #tpu.memory_space<vmem>>, vector<1x16xf32>,
      %get3A_204 = vector.shape_cast %get3A_203 : vector<1x16xf32> to vector<16xf32>
      %get3A_205 = arith.index_cast %add3A_169 : i32 to index
      %get3A_206 = arith.constant 32 : index
      %get3A_207 = tpu.vector_load %arg10[%get3A_205, %get3A_206] {strides = array<i32>} : memref<40x128xf32, #tpu.memory_space<vmem>>, vector<1x16xf32>,
      %get3A_208 = vector.shape_cast %get3A_207 : vector<1x16xf32> to vector<16xf32>
      %add3A_209 = arith.addf %get3A_204, %get3A_208 : vector<16xf32>
      %max3A_210 = arith.constant 0.000000e+00 : f32
      %max3A_211 = vector.broadcast %max3A_210 : f32 to vector<16xf32>
      %max3A_212 = arith.maximumf %add3A_209, %max3A_211 : vector<16xf32>
      %swap3A_213 = arith.index_cast %add3A_169 : i32 to index
      %swap3A_214 = arith.constant 32 : index
      %swap3A_215 = tpu.vector_load %arg12[%swap3A_213, %swap3A_214] {strides = array<i32>} : memref<40x128xf32, #tpu.memory_space<vmem>>, vector<1x16xf32>,
      %swap3A_216 = vector.shape_cast %swap3A_215 : vector<1x16xf32> to vector<16xf32>
      %swap3A_217 = vector.shape_cast %max3A_212 : vector<16xf32> to vector<1x16xf32>
      tpu.vector_store %arg12[%swap3A_213, %swap3A_214], %swap3A_217 {strides = array<i32>} : memref<40x128xf32, #tpu.memory_space<vmem>>, vector<1x16xf32>,
      %get3A_218 = arith.index_cast %add3A_169 : i32 to index
      %get3A_219 = arith.constant 48 : index
      %get3A_220 = tpu.vector_load %arg8[%get3A_218, %get3A_219] {strides = array<i32>} : memref<40x128xf32, #tpu.memory_space<vmem>>, vector<1x16xf32>,
      %get3A_221 = vector.shape_cast %get3A_220 : vector<1x16xf32> to vector<16xf32>
      %get3A_222 = arith.index_cast %add3A_169 : i32 to index
      %get3A_223 = arith.constant 48 : index
      %get3A_224 = tpu.vector_load %arg10[%get3A_222, %get3A_223] {strides = array<i32>} : memref<40x128xf32, #tpu.memory_space<vmem>>, vector<1x16xf32>,
      %get3A_225 = vector.shape_cast %get3A_224 : vector<1x16xf32> to vector<16xf32>
      %add3A_226 = arith.addf %get3A_221, %get3A_225 : vector<16xf32>
      %max3A_227 = arith.constant 0.000000e+00 : f32
      %max3A_228 = vector.broadcast %max3A_227 : f32 to vector<16xf32>
      %max3A_229 = arith.maximumf %add3A_226, %max3A_228 : vector<16xf32>
      %swap3A_230 = arith.index_cast %add3A_169 : i32 to index
      %swap3A_231 = arith.constant 48 : index
      %swap3A_232 = tpu.vector_load %arg12[%swap3A_230, %swap3A_231] {strides = array<i32>} : memref<40x128xf32, #tpu.memory_space<vmem>>, vector<1x16xf32>,
      %swap3A_233 = vector.shape_cast %swap3A_232 : vector<1x16xf32> to vector<16xf32>
      %swap3A_234 = vector.shape_cast %max3A_229 : vector<16xf32> to vector<1x16xf32>
      tpu.vector_store %arg12[%swap3A_230, %swap3A_231], %swap3A_234 {strides = array<i32>} : memref<40x128xf32, #tpu.memory_space<vmem>>, vector<1x16xf32>,
      %get3A_235 = arith.index_cast %add3A_169 : i32 to index
      %get3A_236 = arith.constant 64 : index
      %get3A_237 = tpu.vector_load %arg8[%get3A_235, %get3A_236] {strides = array<i32>} : memref<40x128xf32, #tpu.memory_space<vmem>>, vector<1x16xf32>,
      %get3A_238 = vector.shape_cast %get3A_237 : vector<1x16xf32> to vector<16xf32>
      %get3A_239 = arith.index_cast %add3A_169 : i32 to index
      %get3A_240 = arith.constant 64 : index
      %get3A_241 = tpu.vector_load %arg10[%get3A_239, %get3A_240] {strides = array<i32>} : memref<40x128xf32, #tpu.memory_space<vmem>>, vector<1x16xf32>,
      %get3A_242 = vector.shape_cast %get3A_241 : vector<1x16xf32> to vector<16xf32>
      %add3A_243 = arith.addf %get3A_238, %get3A_242 : vector<16xf32>
      %max3A_244 = arith.constant 0.000000e+00 : f32
      %max3A_245 = vector.broadcast %max3A_244 : f32 to vector<16xf32>
      %max3A_246 = arith.maximumf %add3A_243, %max3A_245 : vector<16xf32>
      %swap3A_247 = arith.index_cast %add3A_169 : i32 to index
      %swap3A_248 = arith.constant 64 : index
      %swap3A_249 = tpu.vector_load %arg12[%swap3A_247, %swap3A_248] {strides = array<i32>} : memref<40x128xf32, #tpu.memory_space<vmem>>, vector<1x16xf32>,
      %swap3A_250 = vector.shape_cast %swap3A_249 : vector<1x16xf32> to vector<16xf32>
      %swap3A_251 = vector.shape_cast %max3A_246 : vector<16xf32> to vector<1x16xf32>
      tpu.vector_store %arg12[%swap3A_247, %swap3A_248], %swap3A_251 {strides = array<i32>} : memref<40x128xf32, #tpu.memory_space<vmem>>, vector<1x16xf32>,
      %get3A_252 = arith.index_cast %add3A_169 : i32 to index
      %get3A_253 = arith.constant 80 : index
      %get3A_254 = tpu.vector_load %arg8[%get3A_252, %get3A_253] {strides = array<i32>} : memref<40x128xf32, #tpu.memory_space<vmem>>, vector<1x16xf32>,
      %get3A_255 = vector.shape_cast %get3A_254 : vector<1x16xf32> to vector<16xf32>
      %get3A_256 = arith.index_cast %add3A_169 : i32 to index
      %get3A_257 = arith.constant 80 : index
      %get3A_258 = tpu.vector_load %arg10[%get3A_256, %get3A_257] {strides = array<i32>} : memref<40x128xf32, #tpu.memory_space<vmem>>, vector<1x16xf32>,
      %get3A_259 = vector.shape_cast %get3A_258 : vector<1x16xf32> to vector<16xf32>
      %add3A_260 = arith.addf %get3A_255, %get3A_259 : vector<16xf32>
      %max3A_261 = arith.constant 0.000000e+00 : f32
      %max3A_262 = vector.broadcast %max3A_261 : f32 to vector<16xf32>
      %max3A_263 = arith.maximumf %add3A_260, %max3A_262 : vector<16xf32>
      %swap3A_264 = arith.index_cast %add3A_169 : i32 to index
      %swap3A_265 = arith.constant 80 : index
      %swap3A_266 = tpu.vector_load %arg12[%swap3A_264, %swap3A_265] {strides = array<i32>} : memref<40x128xf32, #tpu.memory_space<vmem>>, vector<1x16xf32>,
      %swap3A_267 = vector.shape_cast %swap3A_266 : vector<1x16xf32> to vector<16xf32>
      %swap3A_268 = vector.shape_cast %max3A_263 : vector<16xf32> to vector<1x16xf32>
      tpu.vector_store %arg12[%swap3A_264, %swap3A_265], %swap3A_268 {strides = array<i32>} : memref<40x128xf32, #tpu.memory_space<vmem>>, vector<1x16xf32>,
      %get3A_269 = arith.index_cast %add3A_169 : i32 to index
      %get3A_270 = arith.constant 96 : index
      %get3A_271 = tpu.vector_load %arg8[%get3A_269, %get3A_270] {strides = array<i32>} : memref<40x128xf32, #tpu.memory_space<vmem>>, vector<1x16xf32>,
      %get3A_272 = vector.shape_cast %get3A_271 : vector<1x16xf32> to vector<16xf32>
      %get3A_273 = arith.index_cast %add3A_169 : i32 to index
      %get3A_274 = arith.constant 96 : index
      %get3A_275 = tpu.vector_load %arg10[%get3A_273, %get3A_274] {strides = array<i32>} : memref<40x128xf32, #tpu.memory_space<vmem>>, vector<1x16xf32>,
      %get3A_276 = vector.shape_cast %get3A_275 : vector<1x16xf32> to vector<16xf32>
      %add3A_277 = arith.addf %get3A_272, %get3A_276 : vector<16xf32>
      %max3A_278 = arith.constant 0.000000e+00 : f32
      %max3A_279 = vector.broadcast %max3A_278 : f32 to vector<16xf32>
      %max3A_280 = arith.maximumf %add3A_277, %max3A_279 : vector<16xf32>
      %swap3A_281 = arith.index_cast %add3A_169 : i32 to index
      %swap3A_282 = arith.constant 96 : index
      %swap3A_283 = tpu.vector_load %arg12[%swap3A_281, %swap3A_282] {strides = array<i32>} : memref<40x128xf32, #tpu.memory_space<vmem>>, vector<1x16xf32>,
      %swap3A_284 = vector.shape_cast %swap3A_283 : vector<1x16xf32> to vector<16xf32>
      %swap3A_285 = vector.shape_cast %max3A_280 : vector<16xf32> to vector<1x16xf32>
      tpu.vector_store %arg12[%swap3A_281, %swap3A_282], %swap3A_285 {strides = array<i32>} : memref<40x128xf32, #tpu.memory_space<vmem>>, vector<1x16xf32>,
      %get3A_286 = arith.index_cast %add3A_169 : i32 to index
      %get3A_287 = arith.constant 112 : index
      %get3A_288 = tpu.vector_load %arg8[%get3A_286, %get3A_287] {strides = array<i32>} : memref<40x128xf32, #tpu.memory_space<vmem>>, vector<1x16xf32>,
      %get3A_289 = vector.shape_cast %get3A_288 : vector<1x16xf32> to vector<16xf32>
      %get3A_290 = arith.index_cast %add3A_169 : i32 to index
      %get3A_291 = arith.constant 112 : index
      %get3A_292 = tpu.vector_load %arg10[%get3A_290, %get3A_291] {strides = array<i32>} : memref<40x128xf32, #tpu.memory_space<vmem>>, vector<1x16xf32>,
      %get3A_293 = vector.shape_cast %get3A_292 : vector<1x16xf32> to vector<16xf32>
      %add3A_294 = arith.addf %get3A_289, %get3A_293 : vector<16xf32>
      %max3A_295 = arith.constant 0.000000e+00 : f32
      %max3A_296 = vector.broadcast %max3A_295 : f32 to vector<16xf32>
      %max3A_297 = arith.maximumf %add3A_294, %max3A_296 : vector<16xf32>
      %swap3A_298 = arith.index_cast %add3A_169 : i32 to index
      %swap3A_299 = arith.constant 112 : index
      %swap3A_300 = tpu.vector_load %arg12[%swap3A_298, %swap3A_299] {strides = array<i32>} : memref<40x128xf32, #tpu.memory_space<vmem>>, vector<1x16xf32>,
      %swap3A_301 = vector.shape_cast %swap3A_300 : vector<1x16xf32> to vector<16xf32>
      %swap3A_302 = vector.shape_cast %max3A_297 : vector<16xf32> to vector<1x16xf32>
      tpu.vector_store %arg12[%swap3A_298, %swap3A_299], %swap3A_302 {strides = array<i32>} : memref<40x128xf32, #tpu.memory_space<vmem>>, vector<1x16xf32>,
      %mul3A_303 = arith.constant 2 : i32
      %mul3A_304 = arith.muli %scan3A_165, %mul3A_303 : i32
      %add3A_305 = arith.constant 1 : i32
      %add3A_306 = arith.addi %mul3A_304, %add3A_305 : i32
      %get3A_307 = arith.index_cast %add3A_306 : i32 to index
      %get3A_308 = arith.constant 0 : index
      %get3A_309 = tpu.vector_load %arg8[%get3A_307, %get3A_308] {strides = array<i32>} : memref<40x128xf32, #tpu.memory_space<vmem>>, vector<1x16xf32>,
      %get3A_310 = vector.shape_cast %get3A_309 : vector<1x16xf32> to vector<16xf32>
      %get3A_311 = arith.index_cast %add3A_306 : i32 to index
      %get3A_312 = arith.constant 0 : index
      %get3A_313 = tpu.vector_load %arg10[%get3A_311, %get3A_312] {strides = array<i32>} : memref<40x128xf32, #tpu.memory_space<vmem>>, vector<1x16xf32>,
      %get3A_314 = vector.shape_cast %get3A_313 : vector<1x16xf32> to vector<16xf32>
      %add3A_315 = arith.addf %get3A_310, %get3A_314 : vector<16xf32>
      %max3A_316 = arith.constant 0.000000e+00 : f32
      %max3A_317 = vector.broadcast %max3A_316 : f32 to vector<16xf32>
      %max3A_318 = arith.maximumf %add3A_315, %max3A_317 : vector<16xf32>
      %swap3A_319 = arith.index_cast %add3A_306 : i32 to index
      %swap3A_320 = arith.constant 0 : index
      %swap3A_321 = tpu.vector_load %arg12[%swap3A_319, %swap3A_320] {strides = array<i32>} : memref<40x128xf32, #tpu.memory_space<vmem>>, vector<1x16xf32>,
      %swap3A_322 = vector.shape_cast %swap3A_321 : vector<1x16xf32> to vector<16xf32>
      %swap3A_323 = vector.shape_cast %max3A_318 : vector<16xf32> to vector<1x16xf32>
      tpu.vector_store %arg12[%swap3A_319, %swap3A_320], %swap3A_323 {strides = array<i32>} : memref<40x128xf32, #tpu.memory_space<vmem>>, vector<1x16xf32>,
      %get3A_324 = arith.index_cast %add3A_306 : i32 to index
      %get3A_325 = arith.constant 16 : index
      %get3A_326 = tpu.vector_load %arg8[%get3A_324, %get3A_325] {strides = array<i32>} : memref<40x128xf32, #tpu.memory_space<vmem>>, vector<1x16xf32>,
      %get3A_327 = vector.shape_cast %get3A_326 : vector<1x16xf32> to vector<16xf32>
      %get3A_328 = arith.index_cast %add3A_306 : i32 to index
      %get3A_329 = arith.constant 16 : index
      %get3A_330 = tpu.vector_load %arg10[%get3A_328, %get3A_329] {strides = array<i32>} : memref<40x128xf32, #tpu.memory_space<vmem>>, vector<1x16xf32>,
      %get3A_331 = vector.shape_cast %get3A_330 : vector<1x16xf32> to vector<16xf32>
      %add3A_332 = arith.addf %get3A_327, %get3A_331 : vector<16xf32>
      %max3A_333 = arith.constant 0.000000e+00 : f32
      %max3A_334 = vector.broadcast %max3A_333 : f32 to vector<16xf32>
      %max3A_335 = arith.maximumf %add3A_332, %max3A_334 : vector<16xf32>
      %swap3A_336 = arith.index_cast %add3A_306 : i32 to index
      %swap3A_337 = arith.constant 16 : index
      %swap3A_338 = tpu.vector_load %arg12[%swap3A_336, %swap3A_337] {strides = array<i32>} : memref<40x128xf32, #tpu.memory_space<vmem>>, vector<1x16xf32>,
      %swap3A_339 = vector.shape_cast %swap3A_338 : vector<1x16xf32> to vector<16xf32>
      %swap3A_340 = vector.shape_cast %max3A_335 : vector<16xf32> to vector<1x16xf32>
      tpu.vector_store %arg12[%swap3A_336, %swap3A_337], %swap3A_340 {strides = array<i32>} : memref<40x128xf32, #tpu.memory_space<vmem>>, vector<1x16xf32>,
      %get3A_341 = arith.index_cast %add3A_306 : i32 to index
      %get3A_342 = arith.constant 32 : index
      %get3A_343 = tpu.vector_load %arg8[%get3A_341, %get3A_342] {strides = array<i32>} : memref<40x128xf32, #tpu.memory_space<vmem>>, vector<1x16xf32>,
      %get3A_344 = vector.shape_cast %get3A_343 : vector<1x16xf32> to vector<16xf32>
      %get3A_345 = arith.index_cast %add3A_306 : i32 to index
      %get3A_346 = arith.constant 32 : index
      %get3A_347 = tpu.vector_load %arg10[%get3A_345, %get3A_346] {strides = array<i32>} : memref<40x128xf32, #tpu.memory_space<vmem>>, vector<1x16xf32>,
      %get3A_348 = vector.shape_cast %get3A_347 : vector<1x16xf32> to vector<16xf32>
      %add3A_349 = arith.addf %get3A_344, %get3A_348 : vector<16xf32>
      %max3A_350 = arith.constant 0.000000e+00 : f32
      %max3A_351 = vector.broadcast %max3A_350 : f32 to vector<16xf32>
      %max3A_352 = arith.maximumf %add3A_349, %max3A_351 : vector<16xf32>
      %swap3A_353 = arith.index_cast %add3A_306 : i32 to index
      %swap3A_354 = arith.constant 32 : index
      %swap3A_355 = tpu.vector_load %arg12[%swap3A_353, %swap3A_354] {strides = array<i32>} : memref<40x128xf32, #tpu.memory_space<vmem>>, vector<1x16xf32>,
      %swap3A_356 = vector.shape_cast %swap3A_355 : vector<1x16xf32> to vector<16xf32>
      %swap3A_357 = vector.shape_cast %max3A_352 : vector<16xf32> to vector<1x16xf32>
      tpu.vector_store %arg12[%swap3A_353, %swap3A_354], %swap3A_357 {strides = array<i32>} : memref<40x128xf32, #tpu.memory_space<vmem>>, vector<1x16xf32>,
      %get3A_358 = arith.index_cast %add3A_306 : i32 to index
      %get3A_359 = arith.constant 48 : index
      %get3A_360 = tpu.vector_load %arg8[%get3A_358, %get3A_359] {strides = array<i32>} : memref<40x128xf32, #tpu.memory_space<vmem>>, vector<1x16xf32>,
      %get3A_361 = vector.shape_cast %get3A_360 : vector<1x16xf32> to vector<16xf32>
      %get3A_362 = arith.index_cast %add3A_306 : i32 to index
      %get3A_363 = arith.constant 48 : index
      %get3A_364 = tpu.vector_load %arg10[%get3A_362, %get3A_363] {strides = array<i32>} : memref<40x128xf32, #tpu.memory_space<vmem>>, vector<1x16xf32>,
      %get3A_365 = vector.shape_cast %get3A_364 : vector<1x16xf32> to vector<16xf32>
      %add3A_366 = arith.addf %get3A_361, %get3A_365 : vector<16xf32>
      %max3A_367 = arith.constant 0.000000e+00 : f32
      %max3A_368 = vector.broadcast %max3A_367 : f32 to vector<16xf32>
      %max3A_369 = arith.maximumf %add3A_366, %max3A_368 : vector<16xf32>
      %swap3A_370 = arith.index_cast %add3A_306 : i32 to index
      %swap3A_371 = arith.constant 48 : index
      %swap3A_372 = tpu.vector_load %arg12[%swap3A_370, %swap3A_371] {strides = array<i32>} : memref<40x128xf32, #tpu.memory_space<vmem>>, vector<1x16xf32>,
      %swap3A_373 = vector.shape_cast %swap3A_372 : vector<1x16xf32> to vector<16xf32>
      %swap3A_374 = vector.shape_cast %max3A_369 : vector<16xf32> to vector<1x16xf32>
      tpu.vector_store %arg12[%swap3A_370, %swap3A_371], %swap3A_374 {strides = array<i32>} : memref<40x128xf32, #tpu.memory_space<vmem>>, vector<1x16xf32>,
      %get3A_375 = arith.index_cast %add3A_306 : i32 to index
      %get3A_376 = arith.constant 64 : index
      %get3A_377 = tpu.vector_load %arg8[%get3A_375, %get3A_376] {strides = array<i32>} : memref<40x128xf32, #tpu.memory_space<vmem>>, vector<1x16xf32>,
      %get3A_378 = vector.shape_cast %get3A_377 : vector<1x16xf32> to vector<16xf32>
      %get3A_379 = arith.index_cast %add3A_306 : i32 to index
      %get3A_380 = arith.constant 64 : index
      %get3A_381 = tpu.vector_load %arg10[%get3A_379, %get3A_380] {strides = array<i32>} : memref<40x128xf32, #tpu.memory_space<vmem>>, vector<1x16xf32>,
      %get3A_382 = vector.shape_cast %get3A_381 : vector<1x16xf32> to vector<16xf32>
      %add3A_383 = arith.addf %get3A_378, %get3A_382 : vector<16xf32>
      %max3A_384 = arith.constant 0.000000e+00 : f32
      %max3A_385 = vector.broadcast %max3A_384 : f32 to vector<16xf32>
      %max3A_386 = arith.maximumf %add3A_383, %max3A_385 : vector<16xf32>
      %swap3A_387 = arith.index_cast %add3A_306 : i32 to index
      %swap3A_388 = arith.constant 64 : index
      %swap3A_389 = tpu.vector_load %arg12[%swap3A_387, %swap3A_388] {strides = array<i32>} : memref<40x128xf32, #tpu.memory_space<vmem>>, vector<1x16xf32>,
      %swap3A_390 = vector.shape_cast %swap3A_389 : vector<1x16xf32> to vector<16xf32>
      %swap3A_391 = vector.shape_cast %max3A_386 : vector<16xf32> to vector<1x16xf32>
      tpu.vector_store %arg12[%swap3A_387, %swap3A_388], %swap3A_391 {strides = array<i32>} : memref<40x128xf32, #tpu.memory_space<vmem>>, vector<1x16xf32>,
      %get3A_392 = arith.index_cast %add3A_306 : i32 to index
      %get3A_393 = arith.constant 80 : index
      %get3A_394 = tpu.vector_load %arg8[%get3A_392, %get3A_393] {strides = array<i32>} : memref<40x128xf32, #tpu.memory_space<vmem>>, vector<1x16xf32>,
      %get3A_395 = vector.shape_cast %get3A_394 : vector<1x16xf32> to vector<16xf32>
      %get3A_396 = arith.index_cast %add3A_306 : i32 to index
      %get3A_397 = arith.constant 80 : index
      %get3A_398 = tpu.vector_load %arg10[%get3A_396, %get3A_397] {strides = array<i32>} : memref<40x128xf32, #tpu.memory_space<vmem>>, vector<1x16xf32>,
      %get3A_399 = vector.shape_cast %get3A_398 : vector<1x16xf32> to vector<16xf32>
      %add3A_400 = arith.addf %get3A_395, %get3A_399 : vector<16xf32>
      %max3A_401 = arith.constant 0.000000e+00 : f32
      %max3A_402 = vector.broadcast %max3A_401 : f32 to vector<16xf32>
      %max3A_403 = arith.maximumf %add3A_400, %max3A_402 : vector<16xf32>
      %swap3A_404 = arith.index_cast %add3A_306 : i32 to index
      %swap3A_405 = arith.constant 80 : index
      %swap3A_406 = tpu.vector_load %arg12[%swap3A_404, %swap3A_405] {strides = array<i32>} : memref<40x128xf32, #tpu.memory_space<vmem>>, vector<1x16xf32>,
      %swap3A_407 = vector.shape_cast %swap3A_406 : vector<1x16xf32> to vector<16xf32>
      %swap3A_408 = vector.shape_cast %max3A_403 : vector<16xf32> to vector<1x16xf32>
      tpu.vector_store %arg12[%swap3A_404, %swap3A_405], %swap3A_408 {strides = array<i32>} : memref<40x128xf32, #tpu.memory_space<vmem>>, vector<1x16xf32>,
      %get3A_409 = arith.index_cast %add3A_306 : i32 to index
      %get3A_410 = arith.constant 96 : index
      %get3A_411 = tpu.vector_load %arg8[%get3A_409, %get3A_410] {strides = array<i32>} : memref<40x128xf32, #tpu.memory_space<vmem>>, vector<1x16xf32>,
      %get3A_412 = vector.shape_cast %get3A_411 : vector<1x16xf32> to vector<16xf32>
      %get3A_413 = arith.index_cast %add3A_306 : i32 to index
      %get3A_414 = arith.constant 96 : index
      %get3A_415 = tpu.vector_load %arg10[%get3A_413, %get3A_414] {strides = array<i32>} : memref<40x128xf32, #tpu.memory_space<vmem>>, vector<1x16xf32>,
      %get3A_416 = vector.shape_cast %get3A_415 : vector<1x16xf32> to vector<16xf32>
      %add3A_417 = arith.addf %get3A_412, %get3A_416 : vector<16xf32>
      %max3A_418 = arith.constant 0.000000e+00 : f32
      %max3A_419 = vector.broadcast %max3A_418 : f32 to vector<16xf32>
      %max3A_420 = arith.maximumf %add3A_417, %max3A_419 : vector<16xf32>
      %swap3A_421 = arith.index_cast %add3A_306 : i32 to index
      %swap3A_422 = arith.constant 96 : index
      %swap3A_423 = tpu.vector_load %arg12[%swap3A_421, %swap3A_422] {strides = array<i32>} : memref<40x128xf32, #tpu.memory_space<vmem>>, vector<1x16xf32>,
      %swap3A_424 = vector.shape_cast %swap3A_423 : vector<1x16xf32> to vector<16xf32>
      %swap3A_425 = vector.shape_cast %max3A_420 : vector<16xf32> to vector<1x16xf32>
      tpu.vector_store %arg12[%swap3A_421, %swap3A_422], %swap3A_425 {strides = array<i32>} : memref<40x128xf32, #tpu.memory_space<vmem>>, vector<1x16xf32>,
      %get3A_426 = arith.index_cast %add3A_306 : i32 to index
      %get3A_427 = arith.constant 112 : index
      %get3A_428 = tpu.vector_load %arg8[%get3A_426, %get3A_427] {strides = array<i32>} : memref<40x128xf32, #tpu.memory_space<vmem>>, vector<1x16xf32>,
      %get3A_429 = vector.shape_cast %get3A_428 : vector<1x16xf32> to vector<16xf32>
      %get3A_430 = arith.index_cast %add3A_306 : i32 to index
      %get3A_431 = arith.constant 112 : index
      %get3A_432 = tpu.vector_load %arg10[%get3A_430, %get3A_431] {strides = array<i32>} : memref<40x128xf32, #tpu.memory_space<vmem>>, vector<1x16xf32>,
      %get3A_433 = vector.shape_cast %get3A_432 : vector<1x16xf32> to vector<16xf32>
      %add3A_434 = arith.addf %get3A_429, %get3A_433 : vector<16xf32>
      %max3A_435 = arith.constant 0.000000e+00 : f32
      %max3A_436 = vector.broadcast %max3A_435 : f32 to vector<16xf32>
      %max3A_437 = arith.maximumf %add3A_434, %max3A_436 : vector<16xf32>
      %swap3A_438 = arith.index_cast %add3A_306 : i32 to index
      %swap3A_439 = arith.constant 112 : index
      %swap3A_440 = tpu.vector_load %arg12[%swap3A_438, %swap3A_439] {strides = array<i32>} : memref<40x128xf32, #tpu.memory_space<vmem>>, vector<1x16xf32>,
      %swap3A_441 = vector.shape_cast %swap3A_440 : vector<1x16xf32> to vector<16xf32>
      %swap3A_442 = vector.shape_cast %max3A_437 : vector<16xf32> to vector<1x16xf32>
      tpu.vector_store %arg12[%swap3A_438, %swap3A_439], %swap3A_442 {strides = array<i32>} : memref<40x128xf32, #tpu.memory_space<vmem>>, vector<1x16xf32>,
    }
    %scan3A_119 = arith.constant 20 : i32
    %dma_wait3A_120 = arith.constant 0 : i32
    %dma_wait3A_121 = tpu.memref_slice %arg5[%dma_wait3A_120] : memref<320000xi32, #tpu.memory_space<hbm>> -> memref<40xi32, #tpu.memory_space<hbm>>
    %dma_wait3A_122 = arith.constant 0 : i32
    %dma_wait3A_123 = tpu.memref_slice %arg5[%dma_wait3A_122] : memref<320000xi32, #tpu.memory_space<hbm>> -> memref<40xi32, #tpu.memory_space<hbm>>
    tpu.wait_dma2 semaphore(%arg37 : memref<!tpu.dma_semaphore, #tpu.memory_space<semaphore_mem>>) src(%dma_wait3A_123 : memref<40xi32, #tpu.memory_space<hbm>>) dst(%arg18 : memref<40xi32, #tpu.memory_space<vmem>>)
    %dma_start3A_124 = arith.constant 0 : i32
    %dma_start3A_125 = arith.constant 0 : i32
    %dma_start3A_126 = tpu.memref_slice %arg25[%dma_start3A_124, %dma_start3A_125] : memref<10240x128xf32, #tpu.memory_space<vmem_shared>> -> memref<10240x128xf32, #tpu.memory_space<vmem_shared>>
    tpu.enqueue_indirect_dma source(%arg12 : memref<40x128xf32, #tpu.memory_space<vmem>>) target(%dma_start3A_126 : memref<10240x128xf32, #tpu.memory_space<vmem_shared>>) offsets(%arg18 : memref<40xi32, #tpu.memory_space<vmem>>) semaphore(%arg31 : memref<!tpu.dma_semaphore, #tpu.memory_space<semaphore_mem>>) {add = true}
    %dma_wait3A_127 = arith.constant 0 : i32
    %dma_wait3A_128 = tpu.memref_slice %arg4[%dma_wait3A_127] : memref<320000xi32, #tpu.memory_space<hbm>> -> memref<40xi32, #tpu.memory_space<hbm>>
    %dma_wait3A_129 = arith.constant 0 : i32
    %dma_wait3A_130 = tpu.memref_slice %arg4[%dma_wait3A_129] : memref<320000xi32, #tpu.memory_space<hbm>> -> memref<40xi32, #tpu.memory_space<hbm>>
    tpu.wait_dma2 semaphore(%arg35 : memref<!tpu.dma_semaphore, #tpu.memory_space<semaphore_mem>>) src(%dma_wait3A_130 : memref<40xi32, #tpu.memory_space<hbm>>) dst(%arg16 : memref<40xi32, #tpu.memory_space<vmem>>)
    %dma_start3A_131 = arith.constant 0 : i32
    %dma_start3A_132 = arith.constant 0 : i32
    %dma_start3A_133 = tpu.memref_slice %arg2[%dma_start3A_131, %dma_start3A_132] : memref<10000x128xf32, #tpu.memory_space<hbm>> -> memref<10000x128xf32, #tpu.memory_space<hbm>>
    tpu.enqueue_indirect_dma source(%dma_start3A_133 : memref<10000x128xf32, #tpu.memory_space<hbm>>) target(%arg8 : memref<40x128xf32, #tpu.memory_space<vmem>>) offsets(%arg16 : memref<40xi32, #tpu.memory_space<vmem>>) semaphore(%arg27 : memref<!tpu.dma_semaphore, #tpu.memory_space<semaphore_mem>>)
    %add3A_134 = arith.constant 120 : i32
    %add3A_135 = arith.addi %mul3A_2, %add3A_134 : i32
    %dma_start3A_136 = arith.constant 0 : i32
    %dma_start3A_137 = tpu.memref_slice %arg3[%add3A_135, %dma_start3A_136] : memref<320000x128xf32, #tpu.memory_space<hbm>> -> memref<40x128xf32, #tpu.memory_space<hbm>>
    %dma_start3A_138 = arith.constant 0 : i32
    %dma_start3A_139 = tpu.memref_slice %arg3[%add3A_135, %dma_start3A_138] : memref<320000x128xf32, #tpu.memory_space<hbm>> -> memref<40x128xf32, #tpu.memory_space<hbm>>
    tpu.enqueue_dma source(%dma_start3A_139 : memref<40x128xf32, #tpu.memory_space<hbm>>) target(%arg10 : memref<40x128xf32, #tpu.memory_space<vmem>>) target_semaphore(%arg29 : memref<!tpu.dma_semaphore, #tpu.memory_space<semaphore_mem>>)
    %add3A_140 = arith.constant 160 : i32
    %add3A_141 = arith.addi %mul3A_2, %add3A_140 : i32
    %dma_start3A_142 = tpu.memref_slice %arg4[%add3A_141] : memref<320000xi32, #tpu.memory_space<hbm>> -> memref<40xi32, #tpu.memory_space<hbm>>
    %dma_start3A_143 = tpu.memref_slice %arg4[%add3A_141] : memref<320000xi32, #tpu.memory_space<hbm>> -> memref<40xi32, #tpu.memory_space<hbm>>
    tpu.enqueue_dma source(%dma_start3A_143 : memref<40xi32, #tpu.memory_space<hbm>>) target(%arg13 : memref<40xi32, #tpu.memory_space<vmem>>) target_semaphore(%arg32 : memref<!tpu.dma_semaphore, #tpu.memory_space<semaphore_mem>>)
    %add3A_144 = arith.constant 160 : i32
    %add3A_145 = arith.addi %mul3A_2, %add3A_144 : i32
    %dma_start3A_146 = tpu.memref_slice %arg5[%add3A_145] : memref<320000xi32, #tpu.memory_space<hbm>> -> memref<40xi32, #tpu.memory_space<hbm>>
    %dma_start3A_147 = tpu.memref_slice %arg5[%add3A_145] : memref<320000xi32, #tpu.memory_space<hbm>> -> memref<40xi32, #tpu.memory_space<hbm>>
    tpu.enqueue_dma source(%dma_start3A_147 : memref<40xi32, #tpu.memory_space<hbm>>) target(%arg21 : memref<40xi32, #tpu.memory_space<vmem>>) target_semaphore(%arg40 : memref<!tpu.dma_semaphore, #tpu.memory_space<semaphore_mem>>)
    %scan3A_148 = arith.constant 0 : i32
    %scan3A_149 = arith.constant 0 : i32
    %scan3A_150 = arith.constant 31 : i32
    %scan3A_151 = arith.addi %scan3A_149, %scan3A_150 : i32
    %scan3A_152 = arith.constant 1 : i32
    scf.for %scan3A_165 = %scan3A_149 to %scan3A_151 step %scan3A_152  : i32 {
      %mul3A_166 = arith.constant 8 : i32
      %mul3A_167 = arith.muli %mul3A_166, %scan3A_165 : i32
      %add3A_168 = arith.constant 2 : i32
      %add3A_169 = arith.addi %add3A_168, %mul3A_167 : i32
      %add3A_170 = arith.constant 0 : i32
      %add3A_171 = arith.addi %add3A_169, %add3A_170 : i32
      %dma_wait3A_172 = arith.constant 0 : i32
      %dma_wait3A_173 = arith.constant 0 : i32
      %dma_wait3A_174 = tpu.memref_slice %arg2[%dma_wait3A_172, %dma_wait3A_173] : memref<10000x128xf32, #tpu.memory_space<hbm>> -> memref<10000x128xf32, #tpu.memory_space<hbm>>
      tpu.wait_indirect_dma semaphore(%arg26 : memref<!tpu.dma_semaphore, #tpu.memory_space<semaphore_mem>>) src(%dma_wait3A_174 : memref<10000x128xf32, #tpu.memory_space<hbm>>) dst(%arg7 : memref<40x128xf32, #tpu.memory_space<vmem>>)
      %mul3A_175 = arith.constant 40 : i32
      %mul3A_176 = arith.muli %add3A_171, %mul3A_175 : i32
      %add3A_177 = arith.addi %mul3A_2, %mul3A_176 : i32
      %dma_wait3A_178 = arith.constant 0 : i32
      %dma_wait3A_179 = tpu.memref_slice %arg3[%add3A_177, %dma_wait3A_178] : memref<320000x128xf32, #tpu.memory_space<hbm>> -> memref<40x128xf32, #tpu.memory_space<hbm>>
      %dma_wait3A_180 = arith.constant 0 : i32
      %dma_wait3A_181 = tpu.memref_slice %arg3[%add3A_177, %dma_wait3A_180] : memref<320000x128xf32, #tpu.memory_space<hbm>> -> memref<40x128xf32, #tpu.memory_space<hbm>>
      tpu.wait_dma2 semaphore(%arg28 : memref<!tpu.dma_semaphore, #tpu.memory_space<semaphore_mem>>) src(%dma_wait3A_181 : memref<40x128xf32, #tpu.memory_space<hbm>>) dst(%arg9 : memref<40x128xf32, #tpu.memory_space<vmem>>)
      %dma_wait3A_182 = arith.constant 0 : i32
      %dma_wait3A_183 = arith.constant 0 : i32
      %dma_wait3A_184 = tpu.memref_slice %arg25[%dma_wait3A_182, %dma_wait3A_183] : memref<10240x128xf32, #tpu.memory_space<vmem_shared>> -> memref<10240x128xf32, #tpu.memory_space<vmem_shared>>
      tpu.wait_indirect_dma semaphore(%arg30 : memref<!tpu.dma_semaphore, #tpu.memory_space<semaphore_mem>>) src(%arg11 : memref<40x128xf32, #tpu.memory_space<vmem>>) dst(%dma_wait3A_184 : memref<10240x128xf32, #tpu.memory_space<vmem_shared>>)
      %scan3A_185 = arith.constant 0 : i32
      %scan3A_186 = arith.constant 0 : i32
      %scan3A_187 = arith.constant 20 : i32
      %scan3A_188 = arith.addi %scan3A_186, %scan3A_187 : i32
      %scan3A_189 = arith.constant 1 : i32
      scf.for %scan3A_503 = %scan3A_186 to %scan3A_188 step %scan3A_189  : i32 {
        %mul3A_504 = arith.constant 2 : i32
        %mul3A_505 = arith.muli %scan3A_503, %mul3A_504 : i32
        %add3A_506 = arith.constant 0 : i32
        %add3A_507 = arith.addi %mul3A_505, %add3A_506 : i32
        %get3A = arith.index_cast %add3A_507 : i32 to index
        %get3A_508 = arith.constant 0 : index
        %get3A_509 = tpu.vector_load %arg7[%get3A, %get3A_508] {strides = array<i32>} : memref<40x128xf32, #tpu.memory_space<vmem>>, vector<1x16xf32>,
        %get3A_510 = vector.shape_cast %get3A_509 : vector<1x16xf32> to vector<16xf32>
        %get3A_511 = arith.index_cast %add3A_507 : i32 to index
        %get3A_512 = arith.constant 0 : index
        %get3A_513 = tpu.vector_load %arg9[%get3A_511, %get3A_512] {strides = array<i32>} : memref<40x128xf32, #tpu.memory_space<vmem>>, vector<1x16xf32>,
        %get3A_514 = vector.shape_cast %get3A_513 : vector<1x16xf32> to vector<16xf32>
        %add3A_515 = arith.addf %get3A_510, %get3A_514 : vector<16xf32>
        %max3A = arith.constant 0.000000e+00 : f32
        %max3A_516 = vector.broadcast %max3A : f32 to vector<16xf32>
        %max3A_517 = arith.maximumf %add3A_515, %max3A_516 : vector<16xf32>
        %swap3A = arith.index_cast %add3A_507 : i32 to index
        %swap3A_518 = arith.constant 0 : index
        %swap3A_519 = tpu.vector_load %arg11[%swap3A, %swap3A_518] {strides = array<i32>} : memref<40x128xf32, #tpu.memory_space<vmem>>, vector<1x16xf32>,
        %swap3A_520 = vector.shape_cast %swap3A_519 : vector<1x16xf32> to vector<16xf32>
        %swap3A_521 = vector.shape_cast %max3A_517 : vector<16xf32> to vector<1x16xf32>
        tpu.vector_store %arg11[%swap3A, %swap3A_518], %swap3A_521 {strides = array<i32>} : memref<40x128xf32, #tpu.memory_space<vmem>>, vector<1x16xf32>,
        %get3A_522 = arith.index_cast %add3A_507 : i32 to index
        %get3A_523 = arith.constant 16 : index
        %get3A_524 = tpu.vector_load %arg7[%get3A_522, %get3A_523] {strides = array<i32>} : memref<40x128xf32, #tpu.memory_space<vmem>>, vector<1x16xf32>,
        %get3A_525 = vector.shape_cast %get3A_524 : vector<1x16xf32> to vector<16xf32>
        %get3A_526 = arith.index_cast %add3A_507 : i32 to index
        %get3A_527 = arith.constant 16 : index
        %get3A_528 = tpu.vector_load %arg9[%get3A_526, %get3A_527] {strides = array<i32>} : memref<40x128xf32, #tpu.memory_space<vmem>>, vector<1x16xf32>,
        %get3A_529 = vector.shape_cast %get3A_528 : vector<1x16xf32> to vector<16xf32>
        %add3A_530 = arith.addf %get3A_525, %get3A_529 : vector<16xf32>
        %max3A_531 = arith.constant 0.000000e+00 : f32
        %max3A_532 = vector.broadcast %max3A_531 : f32 to vector<16xf32>
        %max3A_533 = arith.maximumf %add3A_530, %max3A_532 : vector<16xf32>
        %swap3A_534 = arith.index_cast %add3A_507 : i32 to index
        %swap3A_535 = arith.constant 16 : index
        %swap3A_536 = tpu.vector_load %arg11[%swap3A_534, %swap3A_535] {strides = array<i32>} : memref<40x128xf32, #tpu.memory_space<vmem>>, vector<1x16xf32>,
        %swap3A_537 = vector.shape_cast %swap3A_536 : vector<1x16xf32> to vector<16xf32>
        %swap3A_538 = vector.shape_cast %max3A_533 : vector<16xf32> to vector<1x16xf32>
        tpu.vector_store %arg11[%swap3A_534, %swap3A_535], %swap3A_538 {strides = array<i32>} : memref<40x128xf32, #tpu.memory_space<vmem>>, vector<1x16xf32>,
        %get3A_539 = arith.index_cast %add3A_507 : i32 to index
        %get3A_540 = arith.constant 32 : index
        %get3A_541 = tpu.vector_load %arg7[%get3A_539, %get3A_540] {strides = array<i32>} : memref<40x128xf32, #tpu.memory_space<vmem>>, vector<1x16xf32>,
        %get3A_542 = vector.shape_cast %get3A_541 : vector<1x16xf32> to vector<16xf32>
        %get3A_543 = arith.index_cast %add3A_507 : i32 to index
        %get3A_544 = arith.constant 32 : index
        %get3A_545 = tpu.vector_load %arg9[%get3A_543, %get3A_544] {strides = array<i32>} : memref<40x128xf32, #tpu.memory_space<vmem>>, vector<1x16xf32>,
        %get3A_546 = vector.shape_cast %get3A_545 : vector<1x16xf32> to vector<16xf32>
        %add3A_547 = arith.addf %get3A_542, %get3A_546 : vector<16xf32>
        %max3A_548 = arith.constant 0.000000e+00 : f32
        %max3A_549 = vector.broadcast %max3A_548 : f32 to vector<16xf32>
        %max3A_550 = arith.maximumf %add3A_547, %max3A_549 : vector<16xf32>
        %swap3A_551 = arith.index_cast %add3A_507 : i32 to index
        %swap3A_552 = arith.constant 32 : index
        %swap3A_553 = tpu.vector_load %arg11[%swap3A_551, %swap3A_552] {strides = array<i32>} : memref<40x128xf32, #tpu.memory_space<vmem>>, vector<1x16xf32>,
        %swap3A_554 = vector.shape_cast %swap3A_553 : vector<1x16xf32> to vector<16xf32>
        %swap3A_555 = vector.shape_cast %max3A_550 : vector<16xf32> to vector<1x16xf32>
        tpu.vector_store %arg11[%swap3A_551, %swap3A_552], %swap3A_555 {strides = array<i32>} : memref<40x128xf32, #tpu.memory_space<vmem>>, vector<1x16xf32>,
        %get3A_556 = arith.index_cast %add3A_507 : i32 to index
        %get3A_557 = arith.constant 48 : index
        %get3A_558 = tpu.vector_load %arg7[%get3A_556, %get3A_557] {strides = array<i32>} : memref<40x128xf32, #tpu.memory_space<vmem>>, vector<1x16xf32>,
        %get3A_559 = vector.shape_cast %get3A_558 : vector<1x16xf32> to vector<16xf32>
        %get3A_560 = arith.index_cast %add3A_507 : i32 to index
        %get3A_561 = arith.constant 48 : index
        %get3A_562 = tpu.vector_load %arg9[%get3A_560, %get3A_561] {strides = array<i32>} : memref<40x128xf32, #tpu.memory_space<vmem>>, vector<1x16xf32>,
        %get3A_563 = vector.shape_cast %get3A_562 : vector<1x16xf32> to vector<16xf32>
        %add3A_564 = arith.addf %get3A_559, %get3A_563 : vector<16xf32>
        %max3A_565 = arith.constant 0.000000e+00 : f32
        %max3A_566 = vector.broadcast %max3A_565 : f32 to vector<16xf32>
        %max3A_567 = arith.maximumf %add3A_564, %max3A_566 : vector<16xf32>
        %swap3A_568 = arith.index_cast %add3A_507 : i32 to index
        %swap3A_569 = arith.constant 48 : index
        %swap3A_570 = tpu.vector_load %arg11[%swap3A_568, %swap3A_569] {strides = array<i32>} : memref<40x128xf32, #tpu.memory_space<vmem>>, vector<1x16xf32>,
        %swap3A_571 = vector.shape_cast %swap3A_570 : vector<1x16xf32> to vector<16xf32>
        %swap3A_572 = vector.shape_cast %max3A_567 : vector<16xf32> to vector<1x16xf32>
        tpu.vector_store %arg11[%swap3A_568, %swap3A_569], %swap3A_572 {strides = array<i32>} : memref<40x128xf32, #tpu.memory_space<vmem>>, vector<1x16xf32>,
        %get3A_573 = arith.index_cast %add3A_507 : i32 to index
        %get3A_574 = arith.constant 64 : index
        %get3A_575 = tpu.vector_load %arg7[%get3A_573, %get3A_574] {strides = array<i32>} : memref<40x128xf32, #tpu.memory_space<vmem>>, vector<1x16xf32>,
        %get3A_576 = vector.shape_cast %get3A_575 : vector<1x16xf32> to vector<16xf32>
        %get3A_577 = arith.index_cast %add3A_507 : i32 to index
        %get3A_578 = arith.constant 64 : index
        %get3A_579 = tpu.vector_load %arg9[%get3A_577, %get3A_578] {strides = array<i32>} : memref<40x128xf32, #tpu.memory_space<vmem>>, vector<1x16xf32>,
        %get3A_580 = vector.shape_cast %get3A_579 : vector<1x16xf32> to vector<16xf32>
        %add3A_581 = arith.addf %get3A_576, %get3A_580 : vector<16xf32>
        %max3A_582 = arith.constant 0.000000e+00 : f32
        %max3A_583 = vector.broadcast %max3A_582 : f32 to vector<16xf32>
        %max3A_584 = arith.maximumf %add3A_581, %max3A_583 : vector<16xf32>
        %swap3A_585 = arith.index_cast %add3A_507 : i32 to index
        %swap3A_586 = arith.constant 64 : index
        %swap3A_587 = tpu.vector_load %arg11[%swap3A_585, %swap3A_586] {strides = array<i32>} : memref<40x128xf32, #tpu.memory_space<vmem>>, vector<1x16xf32>,
        %swap3A_588 = vector.shape_cast %swap3A_587 : vector<1x16xf32> to vector<16xf32>
        %swap3A_589 = vector.shape_cast %max3A_584 : vector<16xf32> to vector<1x16xf32>
        tpu.vector_store %arg11[%swap3A_585, %swap3A_586], %swap3A_589 {strides = array<i32>} : memref<40x128xf32, #tpu.memory_space<vmem>>, vector<1x16xf32>,
        %get3A_590 = arith.index_cast %add3A_507 : i32 to index
        %get3A_591 = arith.constant 80 : index
        %get3A_592 = tpu.vector_load %arg7[%get3A_590, %get3A_591] {strides = array<i32>} : memref<40x128xf32, #tpu.memory_space<vmem>>, vector<1x16xf32>,
        %get3A_593 = vector.shape_cast %get3A_592 : vector<1x16xf32> to vector<16xf32>
        %get3A_594 = arith.index_cast %add3A_507 : i32 to index
        %get3A_595 = arith.constant 80 : index
        %get3A_596 = tpu.vector_load %arg9[%get3A_594, %get3A_595] {strides = array<i32>} : memref<40x128xf32, #tpu.memory_space<vmem>>, vector<1x16xf32>,
        %get3A_597 = vector.shape_cast %get3A_596 : vector<1x16xf32> to vector<16xf32>
        %add3A_598 = arith.addf %get3A_593, %get3A_597 : vector<16xf32>
        %max3A_599 = arith.constant 0.000000e+00 : f32
        %max3A_600 = vector.broadcast %max3A_599 : f32 to vector<16xf32>
        %max3A_601 = arith.maximumf %add3A_598, %max3A_600 : vector<16xf32>
        %swap3A_602 = arith.index_cast %add3A_507 : i32 to index
        %swap3A_603 = arith.constant 80 : index
        %swap3A_604 = tpu.vector_load %arg11[%swap3A_602, %swap3A_603] {strides = array<i32>} : memref<40x128xf32, #tpu.memory_space<vmem>>, vector<1x16xf32>,
        %swap3A_605 = vector.shape_cast %swap3A_604 : vector<1x16xf32> to vector<16xf32>
        %swap3A_606 = vector.shape_cast %max3A_601 : vector<16xf32> to vector<1x16xf32>
        tpu.vector_store %arg11[%swap3A_602, %swap3A_603], %swap3A_606 {strides = array<i32>} : memref<40x128xf32, #tpu.memory_space<vmem>>, vector<1x16xf32>,
        %get3A_607 = arith.index_cast %add3A_507 : i32 to index
        %get3A_608 = arith.constant 96 : index
        %get3A_609 = tpu.vector_load %arg7[%get3A_607, %get3A_608] {strides = array<i32>} : memref<40x128xf32, #tpu.memory_space<vmem>>, vector<1x16xf32>,
        %get3A_610 = vector.shape_cast %get3A_609 : vector<1x16xf32> to vector<16xf32>
        %get3A_611 = arith.index_cast %add3A_507 : i32 to index
        %get3A_612 = arith.constant 96 : index
        %get3A_613 = tpu.vector_load %arg9[%get3A_611, %get3A_612] {strides = array<i32>} : memref<40x128xf32, #tpu.memory_space<vmem>>, vector<1x16xf32>,
        %get3A_614 = vector.shape_cast %get3A_613 : vector<1x16xf32> to vector<16xf32>
        %add3A_615 = arith.addf %get3A_610, %get3A_614 : vector<16xf32>
        %max3A_616 = arith.constant 0.000000e+00 : f32
        %max3A_617 = vector.broadcast %max3A_616 : f32 to vector<16xf32>
        %max3A_618 = arith.maximumf %add3A_615, %max3A_617 : vector<16xf32>
        %swap3A_619 = arith.index_cast %add3A_507 : i32 to index
        %swap3A_620 = arith.constant 96 : index
        %swap3A_621 = tpu.vector_load %arg11[%swap3A_619, %swap3A_620] {strides = array<i32>} : memref<40x128xf32, #tpu.memory_space<vmem>>, vector<1x16xf32>,
        %swap3A_622 = vector.shape_cast %swap3A_621 : vector<1x16xf32> to vector<16xf32>
        %swap3A_623 = vector.shape_cast %max3A_618 : vector<16xf32> to vector<1x16xf32>
        tpu.vector_store %arg11[%swap3A_619, %swap3A_620], %swap3A_623 {strides = array<i32>} : memref<40x128xf32, #tpu.memory_space<vmem>>, vector<1x16xf32>,
        %get3A_624 = arith.index_cast %add3A_507 : i32 to index
        %get3A_625 = arith.constant 112 : index
        %get3A_626 = tpu.vector_load %arg7[%get3A_624, %get3A_625] {strides = array<i32>} : memref<40x128xf32, #tpu.memory_space<vmem>>, vector<1x16xf32>,
        %get3A_627 = vector.shape_cast %get3A_626 : vector<1x16xf32> to vector<16xf32>
        %get3A_628 = arith.index_cast %add3A_507 : i32 to index
        %get3A_629 = arith.constant 112 : index
        %get3A_630 = tpu.vector_load %arg9[%get3A_628, %get3A_629] {strides = array<i32>} : memref<40x128xf32, #tpu.memory_space<vmem>>, vector<1x16xf32>,
        %get3A_631 = vector.shape_cast %get3A_630 : vector<1x16xf32> to vector<16xf32>
        %add3A_632 = arith.addf %get3A_627, %get3A_631 : vector<16xf32>
        %max3A_633 = arith.constant 0.000000e+00 : f32
        %max3A_634 = vector.broadcast %max3A_633 : f32 to vector<16xf32>
        %max3A_635 = arith.maximumf %add3A_632, %max3A_634 : vector<16xf32>
        %swap3A_636 = arith.index_cast %add3A_507 : i32 to index
        %swap3A_637 = arith.constant 112 : index
        %swap3A_638 = tpu.vector_load %arg11[%swap3A_636, %swap3A_637] {strides = array<i32>} : memref<40x128xf32, #tpu.memory_space<vmem>>, vector<1x16xf32>,
        %swap3A_639 = vector.shape_cast %swap3A_638 : vector<1x16xf32> to vector<16xf32>
        %swap3A_640 = vector.shape_cast %max3A_635 : vector<16xf32> to vector<1x16xf32>
        tpu.vector_store %arg11[%swap3A_636, %swap3A_637], %swap3A_640 {strides = array<i32>} : memref<40x128xf32, #tpu.memory_space<vmem>>, vector<1x16xf32>,
        %mul3A_641 = arith.constant 2 : i32
        %mul3A_642 = arith.muli %scan3A_503, %mul3A_641 : i32
        %add3A_643 = arith.constant 1 : i32
        %add3A_644 = arith.addi %mul3A_642, %add3A_643 : i32
        %get3A_645 = arith.index_cast %add3A_644 : i32 to index
        %get3A_646 = arith.constant 0 : index
        %get3A_647 = tpu.vector_load %arg7[%get3A_645, %get3A_646] {strides = array<i32>} : memref<40x128xf32, #tpu.memory_space<vmem>>, vector<1x16xf32>,
        %get3A_648 = vector.shape_cast %get3A_647 : vector<1x16xf32> to vector<16xf32>
        %get3A_649 = arith.index_cast %add3A_644 : i32 to index
        %get3A_650 = arith.constant 0 : index
        %get3A_651 = tpu.vector_load %arg9[%get3A_649, %get3A_650] {strides = array<i32>} : memref<40x128xf32, #tpu.memory_space<vmem>>, vector<1x16xf32>,
        %get3A_652 = vector.shape_cast %get3A_651 : vector<1x16xf32> to vector<16xf32>
        %add3A_653 = arith.addf %get3A_648, %get3A_652 : vector<16xf32>
        %max3A_654 = arith.constant 0.000000e+00 : f32
        %max3A_655 = vector.broadcast %max3A_654 : f32 to vector<16xf32>
        %max3A_656 = arith.maximumf %add3A_653, %max3A_655 : vector<16xf32>
        %swap3A_657 = arith.index_cast %add3A_644 : i32 to index
        %swap3A_658 = arith.constant 0 : index
        %swap3A_659 = tpu.vector_load %arg11[%swap3A_657, %swap3A_658] {strides = array<i32>} : memref<40x128xf32, #tpu.memory_space<vmem>>, vector<1x16xf32>,
        %swap3A_660 = vector.shape_cast %swap3A_659 : vector<1x16xf32> to vector<16xf32>
        %swap3A_661 = vector.shape_cast %max3A_656 : vector<16xf32> to vector<1x16xf32>
        tpu.vector_store %arg11[%swap3A_657, %swap3A_658], %swap3A_661 {strides = array<i32>} : memref<40x128xf32, #tpu.memory_space<vmem>>, vector<1x16xf32>,
        %get3A_662 = arith.index_cast %add3A_644 : i32 to index
        %get3A_663 = arith.constant 16 : index
        %get3A_664 = tpu.vector_load %arg7[%get3A_662, %get3A_663] {strides = array<i32>} : memref<40x128xf32, #tpu.memory_space<vmem>>, vector<1x16xf32>,
        %get3A_665 = vector.shape_cast %get3A_664 : vector<1x16xf32> to vector<16xf32>
        %get3A_666 = arith.index_cast %add3A_644 : i32 to index
        %get3A_667 = arith.constant 16 : index
        %get3A_668 = tpu.vector_load %arg9[%get3A_666, %get3A_667] {strides = array<i32>} : memref<40x128xf32, #tpu.memory_space<vmem>>, vector<1x16xf32>,
        %get3A_669 = vector.shape_cast %get3A_668 : vector<1x16xf32> to vector<16xf32>
        %add3A_670 = arith.addf %get3A_665, %get3A_669 : vector<16xf32>
        %max3A_671 = arith.constant 0.000000e+00 : f32
        %max3A_672 = vector.broadcast %max3A_671 : f32 to vector<16xf32>
        %max3A_673 = arith.maximumf %add3A_670, %max3A_672 : vector<16xf32>
        %swap3A_674 = arith.index_cast %add3A_644 : i32 to index
        %swap3A_675 = arith.constant 16 : index
        %swap3A_676 = tpu.vector_load %arg11[%swap3A_674, %swap3A_675] {strides = array<i32>} : memref<40x128xf32, #tpu.memory_space<vmem>>, vector<1x16xf32>,
        %swap3A_677 = vector.shape_cast %swap3A_676 : vector<1x16xf32> to vector<16xf32>
        %swap3A_678 = vector.shape_cast %max3A_673 : vector<16xf32> to vector<1x16xf32>
        tpu.vector_store %arg11[%swap3A_674, %swap3A_675], %swap3A_678 {strides = array<i32>} : memref<40x128xf32, #tpu.memory_space<vmem>>, vector<1x16xf32>,
        %get3A_679 = arith.index_cast %add3A_644 : i32 to index
        %get3A_680 = arith.constant 32 : index
        %get3A_681 = tpu.vector_load %arg7[%get3A_679, %get3A_680] {strides = array<i32>} : memref<40x128xf32, #tpu.memory_space<vmem>>, vector<1x16xf32>,
        %get3A_682 = vector.shape_cast %get3A_681 : vector<1x16xf32> to vector<16xf32>
        %get3A_683 = arith.index_cast %add3A_644 : i32 to index
        %get3A_684 = arith.constant 32 : index
        %get3A_685 = tpu.vector_load %arg9[%get3A_683, %get3A_684] {strides = array<i32>} : memref<40x128xf32, #tpu.memory_space<vmem>>, vector<1x16xf32>,
        %get3A_686 = vector.shape_cast %get3A_685 : vector<1x16xf32> to vector<16xf32>
        %add3A_687 = arith.addf %get3A_682, %get3A_686 : vector<16xf32>
        %max3A_688 = arith.constant 0.000000e+00 : f32
        %max3A_689 = vector.broadcast %max3A_688 : f32 to vector<16xf32>
        %max3A_690 = arith.maximumf %add3A_687, %max3A_689 : vector<16xf32>
        %swap3A_691 = arith.index_cast %add3A_644 : i32 to index
        %swap3A_692 = arith.constant 32 : index
        %swap3A_693 = tpu.vector_load %arg11[%swap3A_691, %swap3A_692] {strides = array<i32>} : memref<40x128xf32, #tpu.memory_space<vmem>>, vector<1x16xf32>,
        %swap3A_694 = vector.shape_cast %swap3A_693 : vector<1x16xf32> to vector<16xf32>
        %swap3A_695 = vector.shape_cast %max3A_690 : vector<16xf32> to vector<1x16xf32>
        tpu.vector_store %arg11[%swap3A_691, %swap3A_692], %swap3A_695 {strides = array<i32>} : memref<40x128xf32, #tpu.memory_space<vmem>>, vector<1x16xf32>,
        %get3A_696 = arith.index_cast %add3A_644 : i32 to index
        %get3A_697 = arith.constant 48 : index
        %get3A_698 = tpu.vector_load %arg7[%get3A_696, %get3A_697] {strides = array<i32>} : memref<40x128xf32, #tpu.memory_space<vmem>>, vector<1x16xf32>,
        %get3A_699 = vector.shape_cast %get3A_698 : vector<1x16xf32> to vector<16xf32>
        %get3A_700 = arith.index_cast %add3A_644 : i32 to index
        %get3A_701 = arith.constant 48 : index
        %get3A_702 = tpu.vector_load %arg9[%get3A_700, %get3A_701] {strides = array<i32>} : memref<40x128xf32, #tpu.memory_space<vmem>>, vector<1x16xf32>,
        %get3A_703 = vector.shape_cast %get3A_702 : vector<1x16xf32> to vector<16xf32>
        %add3A_704 = arith.addf %get3A_699, %get3A_703 : vector<16xf32>
        %max3A_705 = arith.constant 0.000000e+00 : f32
        %max3A_706 = vector.broadcast %max3A_705 : f32 to vector<16xf32>
        %max3A_707 = arith.maximumf %add3A_704, %max3A_706 : vector<16xf32>
        %swap3A_708 = arith.index_cast %add3A_644 : i32 to index
        %swap3A_709 = arith.constant 48 : index
        %swap3A_710 = tpu.vector_load %arg11[%swap3A_708, %swap3A_709] {strides = array<i32>} : memref<40x128xf32, #tpu.memory_space<vmem>>, vector<1x16xf32>,
        %swap3A_711 = vector.shape_cast %swap3A_710 : vector<1x16xf32> to vector<16xf32>
        %swap3A_712 = vector.shape_cast %max3A_707 : vector<16xf32> to vector<1x16xf32>
        tpu.vector_store %arg11[%swap3A_708, %swap3A_709], %swap3A_712 {strides = array<i32>} : memref<40x128xf32, #tpu.memory_space<vmem>>, vector<1x16xf32>,
        %get3A_713 = arith.index_cast %add3A_644 : i32 to index
        %get3A_714 = arith.constant 64 : index
        %get3A_715 = tpu.vector_load %arg7[%get3A_713, %get3A_714] {strides = array<i32>} : memref<40x128xf32, #tpu.memory_space<vmem>>, vector<1x16xf32>,
        %get3A_716 = vector.shape_cast %get3A_715 : vector<1x16xf32> to vector<16xf32>
        %get3A_717 = arith.index_cast %add3A_644 : i32 to index
        %get3A_718 = arith.constant 64 : index
        %get3A_719 = tpu.vector_load %arg9[%get3A_717, %get3A_718] {strides = array<i32>} : memref<40x128xf32, #tpu.memory_space<vmem>>, vector<1x16xf32>,
        %get3A_720 = vector.shape_cast %get3A_719 : vector<1x16xf32> to vector<16xf32>
        %add3A_721 = arith.addf %get3A_716, %get3A_720 : vector<16xf32>
        %max3A_722 = arith.constant 0.000000e+00 : f32
        %max3A_723 = vector.broadcast %max3A_722 : f32 to vector<16xf32>
        %max3A_724 = arith.maximumf %add3A_721, %max3A_723 : vector<16xf32>
        %swap3A_725 = arith.index_cast %add3A_644 : i32 to index
        %swap3A_726 = arith.constant 64 : index
        %swap3A_727 = tpu.vector_load %arg11[%swap3A_725, %swap3A_726] {strides = array<i32>} : memref<40x128xf32, #tpu.memory_space<vmem>>, vector<1x16xf32>,
        %swap3A_728 = vector.shape_cast %swap3A_727 : vector<1x16xf32> to vector<16xf32>
        %swap3A_729 = vector.shape_cast %max3A_724 : vector<16xf32> to vector<1x16xf32>
        tpu.vector_store %arg11[%swap3A_725, %swap3A_726], %swap3A_729 {strides = array<i32>} : memref<40x128xf32, #tpu.memory_space<vmem>>, vector<1x16xf32>,
        %get3A_730 = arith.index_cast %add3A_644 : i32 to index
        %get3A_731 = arith.constant 80 : index
        %get3A_732 = tpu.vector_load %arg7[%get3A_730, %get3A_731] {strides = array<i32>} : memref<40x128xf32, #tpu.memory_space<vmem>>, vector<1x16xf32>,
        %get3A_733 = vector.shape_cast %get3A_732 : vector<1x16xf32> to vector<16xf32>
        %get3A_734 = arith.index_cast %add3A_644 : i32 to index
        %get3A_735 = arith.constant 80 : index
        %get3A_736 = tpu.vector_load %arg9[%get3A_734, %get3A_735] {strides = array<i32>} : memref<40x128xf32, #tpu.memory_space<vmem>>, vector<1x16xf32>,
        %get3A_737 = vector.shape_cast %get3A_736 : vector<1x16xf32> to vector<16xf32>
        %add3A_738 = arith.addf %get3A_733, %get3A_737 : vector<16xf32>
        %max3A_739 = arith.constant 0.000000e+00 : f32
        %max3A_740 = vector.broadcast %max3A_739 : f32 to vector<16xf32>
        %max3A_741 = arith.maximumf %add3A_738, %max3A_740 : vector<16xf32>
        %swap3A_742 = arith.index_cast %add3A_644 : i32 to index
        %swap3A_743 = arith.constant 80 : index
        %swap3A_744 = tpu.vector_load %arg11[%swap3A_742, %swap3A_743] {strides = array<i32>} : memref<40x128xf32, #tpu.memory_space<vmem>>, vector<1x16xf32>,
        %swap3A_745 = vector.shape_cast %swap3A_744 : vector<1x16xf32> to vector<16xf32>
        %swap3A_746 = vector.shape_cast %max3A_741 : vector<16xf32> to vector<1x16xf32>
        tpu.vector_store %arg11[%swap3A_742, %swap3A_743], %swap3A_746 {strides = array<i32>} : memref<40x128xf32, #tpu.memory_space<vmem>>, vector<1x16xf32>,
        %get3A_747 = arith.index_cast %add3A_644 : i32 to index
        %get3A_748 = arith.constant 96 : index
        %get3A_749 = tpu.vector_load %arg7[%get3A_747, %get3A_748] {strides = array<i32>} : memref<40x128xf32, #tpu.memory_space<vmem>>, vector<1x16xf32>,
        %get3A_750 = vector.shape_cast %get3A_749 : vector<1x16xf32> to vector<16xf32>
        %get3A_751 = arith.index_cast %add3A_644 : i32 to index
        %get3A_752 = arith.constant 96 : index
        %get3A_753 = tpu.vector_load %arg9[%get3A_751, %get3A_752] {strides = array<i32>} : memref<40x128xf32, #tpu.memory_space<vmem>>, vector<1x16xf32>,
        %get3A_754 = vector.shape_cast %get3A_753 : vector<1x16xf32> to vector<16xf32>
        %add3A_755 = arith.addf %get3A_750, %get3A_754 : vector<16xf32>
        %max3A_756 = arith.constant 0.000000e+00 : f32
        %max3A_757 = vector.broadcast %max3A_756 : f32 to vector<16xf32>
        %max3A_758 = arith.maximumf %add3A_755, %max3A_757 : vector<16xf32>
        %swap3A_759 = arith.index_cast %add3A_644 : i32 to index
        %swap3A_760 = arith.constant 96 : index
        %swap3A_761 = tpu.vector_load %arg11[%swap3A_759, %swap3A_760] {strides = array<i32>} : memref<40x128xf32, #tpu.memory_space<vmem>>, vector<1x16xf32>,
        %swap3A_762 = vector.shape_cast %swap3A_761 : vector<1x16xf32> to vector<16xf32>
        %swap3A_763 = vector.shape_cast %max3A_758 : vector<16xf32> to vector<1x16xf32>
        tpu.vector_store %arg11[%swap3A_759, %swap3A_760], %swap3A_763 {strides = array<i32>} : memref<40x128xf32, #tpu.memory_space<vmem>>, vector<1x16xf32>,
        %get3A_764 = arith.index_cast %add3A_644 : i32 to index
        %get3A_765 = arith.constant 112 : index
        %get3A_766 = tpu.vector_load %arg7[%get3A_764, %get3A_765] {strides = array<i32>} : memref<40x128xf32, #tpu.memory_space<vmem>>, vector<1x16xf32>,
        %get3A_767 = vector.shape_cast %get3A_766 : vector<1x16xf32> to vector<16xf32>
        %get3A_768 = arith.index_cast %add3A_644 : i32 to index
        %get3A_769 = arith.constant 112 : index
        %get3A_770 = tpu.vector_load %arg9[%get3A_768, %get3A_769] {strides = array<i32>} : memref<40x128xf32, #tpu.memory_space<vmem>>, vector<1x16xf32>,
        %get3A_771 = vector.shape_cast %get3A_770 : vector<1x16xf32> to vector<16xf32>
        %add3A_772 = arith.addf %get3A_767, %get3A_771 : vector<16xf32>
        %max3A_773 = arith.constant 0.000000e+00 : f32
        %max3A_774 = vector.broadcast %max3A_773 : f32 to vector<16xf32>
        %max3A_775 = arith.maximumf %add3A_772, %max3A_774 : vector<16xf32>
        %swap3A_776 = arith.index_cast %add3A_644 : i32 to index
        %swap3A_777 = arith.constant 112 : index
        %swap3A_778 = tpu.vector_load %arg11[%swap3A_776, %swap3A_777] {strides = array<i32>} : memref<40x128xf32, #tpu.memory_space<vmem>>, vector<1x16xf32>,
        %swap3A_779 = vector.shape_cast %swap3A_778 : vector<1x16xf32> to vector<16xf32>
        %swap3A_780 = vector.shape_cast %max3A_775 : vector<16xf32> to vector<1x16xf32>
        tpu.vector_store %arg11[%swap3A_776, %swap3A_777], %swap3A_780 {strides = array<i32>} : memref<40x128xf32, #tpu.memory_space<vmem>>, vector<1x16xf32>,
      }
      %scan3A_190 = arith.constant 20 : i32
      %dma_wait3A_191 = arith.constant 0 : i32
      %dma_wait3A_192 = tpu.memref_slice %arg5[%dma_wait3A_191] : memref<320000xi32, #tpu.memory_space<hbm>> -> memref<40xi32, #tpu.memory_space<hbm>>
      %dma_wait3A_193 = arith.constant 0 : i32
      %dma_wait3A_194 = tpu.memref_slice %arg5[%dma_wait3A_193] : memref<320000xi32, #tpu.memory_space<hbm>> -> memref<40xi32, #tpu.memory_space<hbm>>
      tpu.wait_dma2 semaphore(%arg38 : memref<!tpu.dma_semaphore, #tpu.memory_space<semaphore_mem>>) src(%dma_wait3A_194 : memref<40xi32, #tpu.memory_space<hbm>>) dst(%arg19 : memref<40xi32, #tpu.memory_space<vmem>>)
      %dma_start3A_195 = arith.constant 0 : i32
      %dma_start3A_196 = arith.constant 0 : i32
      %dma_start3A_197 = tpu.memref_slice %arg25[%dma_start3A_195, %dma_start3A_196] : memref<10240x128xf32, #tpu.memory_space<vmem_shared>> -> memref<10240x128xf32, #tpu.memory_space<vmem_shared>>
      tpu.enqueue_indirect_dma source(%arg11 : memref<40x128xf32, #tpu.memory_space<vmem>>) target(%dma_start3A_197 : memref<10240x128xf32, #tpu.memory_space<vmem_shared>>) offsets(%arg19 : memref<40xi32, #tpu.memory_space<vmem>>) semaphore(%arg30 : memref<!tpu.dma_semaphore, #tpu.memory_space<semaphore_mem>>) {add = true}
      %add3A_198 = arith.constant 2 : i32
      %add3A_199 = arith.addi %add3A_171, %add3A_198 : i32
      %lt3A = arith.constant 250 : i32
      %lt3A_200 = arith.cmpi slt, %add3A_199, %lt3A : i32
      %convert_element_type3A = arith.extui %lt3A_200 : i1 to i32
      %cond3A = arith.constant 0 : i32
      %cond3A_201 = arith.cmpi ne, %convert_element_type3A, %cond3A : i32
      scf.if %cond3A_201 {
        %dma_wait3A_503 = arith.constant 0 : i32
        %dma_wait3A_504 = tpu.memref_slice %arg4[%dma_wait3A_503] : memref<320000xi32, #tpu.memory_space<hbm>> -> memref<40xi32, #tpu.memory_space<hbm>>
        %dma_wait3A_505 = arith.constant 0 : i32
        %dma_wait3A_506 = tpu.memref_slice %arg4[%dma_wait3A_505] : memref<320000xi32, #tpu.memory_space<hbm>> -> memref<40xi32, #tpu.memory_space<hbm>>
        tpu.wait_dma2 semaphore(%arg32 : memref<!tpu.dma_semaphore, #tpu.memory_space<semaphore_mem>>) src(%dma_wait3A_506 : memref<40xi32, #tpu.memory_space<hbm>>) dst(%arg13 : memref<40xi32, #tpu.memory_space<vmem>>)
        %add3A_507 = arith.constant 2 : i32
        %add3A_508 = arith.addi %add3A_171, %add3A_507 : i32
        %dma_start3A_509 = arith.constant 0 : i32
        %dma_start3A_510 = arith.constant 0 : i32
        %dma_start3A_511 = tpu.memref_slice %arg2[%dma_start3A_509, %dma_start3A_510] : memref<10000x128xf32, #tpu.memory_space<hbm>> -> memref<10000x128xf32, #tpu.memory_space<hbm>>
        tpu.enqueue_indirect_dma source(%dma_start3A_511 : memref<10000x128xf32, #tpu.memory_space<hbm>>) target(%arg7 : memref<40x128xf32, #tpu.memory_space<vmem>>) offsets(%arg13 : memref<40xi32, #tpu.memory_space<vmem>>) semaphore(%arg26 : memref<!tpu.dma_semaphore, #tpu.memory_space<semaphore_mem>>)
        %mul3A_512 = arith.constant 40 : i32
        %mul3A_513 = arith.muli %add3A_508, %mul3A_512 : i32
        %add3A_514 = arith.addi %mul3A_2, %mul3A_513 : i32
        %dma_start3A_515 = arith.constant 0 : i32
        %dma_start3A_516 = tpu.memref_slice %arg3[%add3A_514, %dma_start3A_515] : memref<320000x128xf32, #tpu.memory_space<hbm>> -> memref<40x128xf32, #tpu.memory_space<hbm>>
        %dma_start3A_517 = arith.constant 0 : i32
        %dma_start3A_518 = tpu.memref_slice %arg3[%add3A_514, %dma_start3A_517] : memref<320000x128xf32, #tpu.memory_space<hbm>> -> memref<40x128xf32, #tpu.memory_space<hbm>>
        tpu.enqueue_dma source(%dma_start3A_518 : memref<40x128xf32, #tpu.memory_space<hbm>>) target(%arg9 : memref<40x128xf32, #tpu.memory_space<vmem>>) target_semaphore(%arg28 : memref<!tpu.dma_semaphore, #tpu.memory_space<semaphore_mem>>)
      } else {
      }
      %add3A_202 = arith.constant 3 : i32
      %add3A_203 = arith.addi %add3A_171, %add3A_202 : i32
      %lt3A_204 = arith.constant 250 : i32
      %lt3A_205 = arith.cmpi slt, %add3A_203, %lt3A_204 : i32
      %convert_element_type3A_206 = arith.extui %lt3A_205 : i1 to i32
      %cond3A_207 = arith.constant 0 : i32
      %cond3A_208 = arith.cmpi ne, %convert_element_type3A_206, %cond3A_207 : i32
      scf.if %cond3A_208 {
        %add3A_503 = arith.constant 3 : i32
        %add3A_504 = arith.addi %add3A_171, %add3A_503 : i32
        %mul3A_505 = arith.constant 40 : i32
        %mul3A_506 = arith.muli %add3A_504, %mul3A_505 : i32
        %add3A_507 = arith.addi %mul3A_2, %mul3A_506 : i32
        %dma_start3A_508 = tpu.memref_slice %arg4[%add3A_507] : memref<320000xi32, #tpu.memory_space<hbm>> -> memref<40xi32, #tpu.memory_space<hbm>>
        %dma_start3A_509 = tpu.memref_slice %arg4[%add3A_507] : memref<320000xi32, #tpu.memory_space<hbm>> -> memref<40xi32, #tpu.memory_space<hbm>>
        tpu.enqueue_dma source(%dma_start3A_509 : memref<40xi32, #tpu.memory_space<hbm>>) target(%arg14 : memref<40xi32, #tpu.memory_space<vmem>>) target_semaphore(%arg33 : memref<!tpu.dma_semaphore, #tpu.memory_space<semaphore_mem>>)
        %mul3A_510 = arith.constant 40 : i32
        %mul3A_511 = arith.muli %add3A_504, %mul3A_510 : i32
        %add3A_512 = arith.addi %mul3A_2, %mul3A_511 : i32
        %dma_start3A_513 = tpu.memref_slice %arg5[%add3A_512] : memref<320000xi32, #tpu.memory_space<hbm>> -> memref<40xi32, #tpu.memory_space<hbm>>
        %dma_start3A_514 = tpu.memref_slice %arg5[%add3A_512] : memref<320000xi32, #tpu.memory_space<hbm>> -> memref<40xi32, #tpu.memory_space<hbm>>
        tpu.enqueue_dma source(%dma_start3A_514 : memref<40xi32, #tpu.memory_space<hbm>>) target(%arg22 : memref<40xi32, #tpu.memory_space<vmem>>) target_semaphore(%arg41 : memref<!tpu.dma_semaphore, #tpu.memory_space<semaphore_mem>>)
      } else {
      }
      %add3A_209 = arith.constant 1 : i32
      %add3A_210 = arith.addi %add3A_169, %add3A_209 : i32
      %dma_wait3A_211 = arith.constant 0 : i32
      %dma_wait3A_212 = arith.constant 0 : i32
      %dma_wait3A_213 = tpu.memref_slice %arg2[%dma_wait3A_211, %dma_wait3A_212] : memref<10000x128xf32, #tpu.memory_space<hbm>> -> memref<10000x128xf32, #tpu.memory_space<hbm>>
      tpu.wait_indirect_dma semaphore(%arg27 : memref<!tpu.dma_semaphore, #tpu.memory_space<semaphore_mem>>) src(%dma_wait3A_213 : memref<10000x128xf32, #tpu.memory_space<hbm>>) dst(%arg8 : memref<40x128xf32, #tpu.memory_space<vmem>>)
      %mul3A_214 = arith.constant 40 : i32
      %mul3A_215 = arith.muli %add3A_210, %mul3A_214 : i32
      %add3A_216 = arith.addi %mul3A_2, %mul3A_215 : i32
      %dma_wait3A_217 = arith.constant 0 : i32
      %dma_wait3A_218 = tpu.memref_slice %arg3[%add3A_216, %dma_wait3A_217] : memref<320000x128xf32, #tpu.memory_space<hbm>> -> memref<40x128xf32, #tpu.memory_space<hbm>>
      %dma_wait3A_219 = arith.constant 0 : i32
      %dma_wait3A_220 = tpu.memref_slice %arg3[%add3A_216, %dma_wait3A_219] : memref<320000x128xf32, #tpu.memory_space<hbm>> -> memref<40x128xf32, #tpu.memory_space<hbm>>
      tpu.wait_dma2 semaphore(%arg29 : memref<!tpu.dma_semaphore, #tpu.memory_space<semaphore_mem>>) src(%dma_wait3A_220 : memref<40x128xf32, #tpu.memory_space<hbm>>) dst(%arg10 : memref<40x128xf32, #tpu.memory_space<vmem>>)
      %dma_wait3A_221 = arith.constant 0 : i32
      %dma_wait3A_222 = arith.constant 0 : i32
      %dma_wait3A_223 = tpu.memref_slice %arg25[%dma_wait3A_221, %dma_wait3A_222] : memref<10240x128xf32, #tpu.memory_space<vmem_shared>> -> memref<10240x128xf32, #tpu.memory_space<vmem_shared>>
      tpu.wait_indirect_dma semaphore(%arg31 : memref<!tpu.dma_semaphore, #tpu.memory_space<semaphore_mem>>) src(%arg12 : memref<40x128xf32, #tpu.memory_space<vmem>>) dst(%dma_wait3A_223 : memref<10240x128xf32, #tpu.memory_space<vmem_shared>>)
      %scan3A_224 = arith.constant 0 : i32
      %scan3A_225 = arith.constant 0 : i32
      %scan3A_226 = arith.constant 20 : i32
      %scan3A_227 = arith.addi %scan3A_225, %scan3A_226 : i32
      %scan3A_228 = arith.constant 1 : i32
      scf.for %scan3A_503 = %scan3A_225 to %scan3A_227 step %scan3A_228  : i32 {
        %mul3A_504 = arith.constant 2 : i32
        %mul3A_505 = arith.muli %scan3A_503, %mul3A_504 : i32
        %add3A_506 = arith.constant 0 : i32
        %add3A_507 = arith.addi %mul3A_505, %add3A_506 : i32
        %get3A = arith.index_cast %add3A_507 : i32 to index
        %get3A_508 = arith.constant 0 : index
        %get3A_509 = tpu.vector_load %arg8[%get3A, %get3A_508] {strides = array<i32>} : memref<40x128xf32, #tpu.memory_space<vmem>>, vector<1x16xf32>,
        %get3A_510 = vector.shape_cast %get3A_509 : vector<1x16xf32> to vector<16xf32>
        %get3A_511 = arith.index_cast %add3A_507 : i32 to index
        %get3A_512 = arith.constant 0 : index
        %get3A_513 = tpu.vector_load %arg10[%get3A_511, %get3A_512] {strides = array<i32>} : memref<40x128xf32, #tpu.memory_space<vmem>>, vector<1x16xf32>,
        %get3A_514 = vector.shape_cast %get3A_513 : vector<1x16xf32> to vector<16xf32>
        %add3A_515 = arith.addf %get3A_510, %get3A_514 : vector<16xf32>
        %max3A = arith.constant 0.000000e+00 : f32
        %max3A_516 = vector.broadcast %max3A : f32 to vector<16xf32>
        %max3A_517 = arith.maximumf %add3A_515, %max3A_516 : vector<16xf32>
        %swap3A = arith.index_cast %add3A_507 : i32 to index
        %swap3A_518 = arith.constant 0 : index
        %swap3A_519 = tpu.vector_load %arg12[%swap3A, %swap3A_518] {strides = array<i32>} : memref<40x128xf32, #tpu.memory_space<vmem>>, vector<1x16xf32>,
        %swap3A_520 = vector.shape_cast %swap3A_519 : vector<1x16xf32> to vector<16xf32>
        %swap3A_521 = vector.shape_cast %max3A_517 : vector<16xf32> to vector<1x16xf32>
        tpu.vector_store %arg12[%swap3A, %swap3A_518], %swap3A_521 {strides = array<i32>} : memref<40x128xf32, #tpu.memory_space<vmem>>, vector<1x16xf32>,
        %get3A_522 = arith.index_cast %add3A_507 : i32 to index
        %get3A_523 = arith.constant 16 : index
        %get3A_524 = tpu.vector_load %arg8[%get3A_522, %get3A_523] {strides = array<i32>} : memref<40x128xf32, #tpu.memory_space<vmem>>, vector<1x16xf32>,
        %get3A_525 = vector.shape_cast %get3A_524 : vector<1x16xf32> to vector<16xf32>
        %get3A_526 = arith.index_cast %add3A_507 : i32 to index
        %get3A_527 = arith.constant 16 : index
        %get3A_528 = tpu.vector_load %arg10[%get3A_526, %get3A_527] {strides = array<i32>} : memref<40x128xf32, #tpu.memory_space<vmem>>, vector<1x16xf32>,
        %get3A_529 = vector.shape_cast %get3A_528 : vector<1x16xf32> to vector<16xf32>
        %add3A_530 = arith.addf %get3A_525, %get3A_529 : vector<16xf32>
        %max3A_531 = arith.constant 0.000000e+00 : f32
        %max3A_532 = vector.broadcast %max3A_531 : f32 to vector<16xf32>
        %max3A_533 = arith.maximumf %add3A_530, %max3A_532 : vector<16xf32>
        %swap3A_534 = arith.index_cast %add3A_507 : i32 to index
        %swap3A_535 = arith.constant 16 : index
        %swap3A_536 = tpu.vector_load %arg12[%swap3A_534, %swap3A_535] {strides = array<i32>} : memref<40x128xf32, #tpu.memory_space<vmem>>, vector<1x16xf32>,
        %swap3A_537 = vector.shape_cast %swap3A_536 : vector<1x16xf32> to vector<16xf32>
        %swap3A_538 = vector.shape_cast %max3A_533 : vector<16xf32> to vector<1x16xf32>
        tpu.vector_store %arg12[%swap3A_534, %swap3A_535], %swap3A_538 {strides = array<i32>} : memref<40x128xf32, #tpu.memory_space<vmem>>, vector<1x16xf32>,
        %get3A_539 = arith.index_cast %add3A_507 : i32 to index
        %get3A_540 = arith.constant 32 : index
        %get3A_541 = tpu.vector_load %arg8[%get3A_539, %get3A_540] {strides = array<i32>} : memref<40x128xf32, #tpu.memory_space<vmem>>, vector<1x16xf32>,
        %get3A_542 = vector.shape_cast %get3A_541 : vector<1x16xf32> to vector<16xf32>
        %get3A_543 = arith.index_cast %add3A_507 : i32 to index
        %get3A_544 = arith.constant 32 : index
        %get3A_545 = tpu.vector_load %arg10[%get3A_543, %get3A_544] {strides = array<i32>} : memref<40x128xf32, #tpu.memory_space<vmem>>, vector<1x16xf32>,
        %get3A_546 = vector.shape_cast %get3A_545 : vector<1x16xf32> to vector<16xf32>
        %add3A_547 = arith.addf %get3A_542, %get3A_546 : vector<16xf32>
        %max3A_548 = arith.constant 0.000000e+00 : f32
        %max3A_549 = vector.broadcast %max3A_548 : f32 to vector<16xf32>
        %max3A_550 = arith.maximumf %add3A_547, %max3A_549 : vector<16xf32>
        %swap3A_551 = arith.index_cast %add3A_507 : i32 to index
        %swap3A_552 = arith.constant 32 : index
        %swap3A_553 = tpu.vector_load %arg12[%swap3A_551, %swap3A_552] {strides = array<i32>} : memref<40x128xf32, #tpu.memory_space<vmem>>, vector<1x16xf32>,
        %swap3A_554 = vector.shape_cast %swap3A_553 : vector<1x16xf32> to vector<16xf32>
        %swap3A_555 = vector.shape_cast %max3A_550 : vector<16xf32> to vector<1x16xf32>
        tpu.vector_store %arg12[%swap3A_551, %swap3A_552], %swap3A_555 {strides = array<i32>} : memref<40x128xf32, #tpu.memory_space<vmem>>, vector<1x16xf32>,
        %get3A_556 = arith.index_cast %add3A_507 : i32 to index
        %get3A_557 = arith.constant 48 : index
        %get3A_558 = tpu.vector_load %arg8[%get3A_556, %get3A_557] {strides = array<i32>} : memref<40x128xf32, #tpu.memory_space<vmem>>, vector<1x16xf32>,
        %get3A_559 = vector.shape_cast %get3A_558 : vector<1x16xf32> to vector<16xf32>
        %get3A_560 = arith.index_cast %add3A_507 : i32 to index
        %get3A_561 = arith.constant 48 : index
        %get3A_562 = tpu.vector_load %arg10[%get3A_560, %get3A_561] {strides = array<i32>} : memref<40x128xf32, #tpu.memory_space<vmem>>, vector<1x16xf32>,
        %get3A_563 = vector.shape_cast %get3A_562 : vector<1x16xf32> to vector<16xf32>
        %add3A_564 = arith.addf %get3A_559, %get3A_563 : vector<16xf32>
        %max3A_565 = arith.constant 0.000000e+00 : f32
        %max3A_566 = vector.broadcast %max3A_565 : f32 to vector<16xf32>
        %max3A_567 = arith.maximumf %add3A_564, %max3A_566 : vector<16xf32>
        %swap3A_568 = arith.index_cast %add3A_507 : i32 to index
        %swap3A_569 = arith.constant 48 : index
        %swap3A_570 = tpu.vector_load %arg12[%swap3A_568, %swap3A_569] {strides = array<i32>} : memref<40x128xf32, #tpu.memory_space<vmem>>, vector<1x16xf32>,
        %swap3A_571 = vector.shape_cast %swap3A_570 : vector<1x16xf32> to vector<16xf32>
        %swap3A_572 = vector.shape_cast %max3A_567 : vector<16xf32> to vector<1x16xf32>
        tpu.vector_store %arg12[%swap3A_568, %swap3A_569], %swap3A_572 {strides = array<i32>} : memref<40x128xf32, #tpu.memory_space<vmem>>, vector<1x16xf32>,
        %get3A_573 = arith.index_cast %add3A_507 : i32 to index
        %get3A_574 = arith.constant 64 : index
        %get3A_575 = tpu.vector_load %arg8[%get3A_573, %get3A_574] {strides = array<i32>} : memref<40x128xf32, #tpu.memory_space<vmem>>, vector<1x16xf32>,
        %get3A_576 = vector.shape_cast %get3A_575 : vector<1x16xf32> to vector<16xf32>
        %get3A_577 = arith.index_cast %add3A_507 : i32 to index
        %get3A_578 = arith.constant 64 : index
        %get3A_579 = tpu.vector_load %arg10[%get3A_577, %get3A_578] {strides = array<i32>} : memref<40x128xf32, #tpu.memory_space<vmem>>, vector<1x16xf32>,
        %get3A_580 = vector.shape_cast %get3A_579 : vector<1x16xf32> to vector<16xf32>
        %add3A_581 = arith.addf %get3A_576, %get3A_580 : vector<16xf32>
        %max3A_582 = arith.constant 0.000000e+00 : f32
        %max3A_583 = vector.broadcast %max3A_582 : f32 to vector<16xf32>
        %max3A_584 = arith.maximumf %add3A_581, %max3A_583 : vector<16xf32>
        %swap3A_585 = arith.index_cast %add3A_507 : i32 to index
        %swap3A_586 = arith.constant 64 : index
        %swap3A_587 = tpu.vector_load %arg12[%swap3A_585, %swap3A_586] {strides = array<i32>} : memref<40x128xf32, #tpu.memory_space<vmem>>, vector<1x16xf32>,
        %swap3A_588 = vector.shape_cast %swap3A_587 : vector<1x16xf32> to vector<16xf32>
        %swap3A_589 = vector.shape_cast %max3A_584 : vector<16xf32> to vector<1x16xf32>
        tpu.vector_store %arg12[%swap3A_585, %swap3A_586], %swap3A_589 {strides = array<i32>} : memref<40x128xf32, #tpu.memory_space<vmem>>, vector<1x16xf32>,
        %get3A_590 = arith.index_cast %add3A_507 : i32 to index
        %get3A_591 = arith.constant 80 : index
        %get3A_592 = tpu.vector_load %arg8[%get3A_590, %get3A_591] {strides = array<i32>} : memref<40x128xf32, #tpu.memory_space<vmem>>, vector<1x16xf32>,
        %get3A_593 = vector.shape_cast %get3A_592 : vector<1x16xf32> to vector<16xf32>
        %get3A_594 = arith.index_cast %add3A_507 : i32 to index
        %get3A_595 = arith.constant 80 : index
        %get3A_596 = tpu.vector_load %arg10[%get3A_594, %get3A_595] {strides = array<i32>} : memref<40x128xf32, #tpu.memory_space<vmem>>, vector<1x16xf32>,
        %get3A_597 = vector.shape_cast %get3A_596 : vector<1x16xf32> to vector<16xf32>
        %add3A_598 = arith.addf %get3A_593, %get3A_597 : vector<16xf32>
        %max3A_599 = arith.constant 0.000000e+00 : f32
        %max3A_600 = vector.broadcast %max3A_599 : f32 to vector<16xf32>
        %max3A_601 = arith.maximumf %add3A_598, %max3A_600 : vector<16xf32>
        %swap3A_602 = arith.index_cast %add3A_507 : i32 to index
        %swap3A_603 = arith.constant 80 : index
        %swap3A_604 = tpu.vector_load %arg12[%swap3A_602, %swap3A_603] {strides = array<i32>} : memref<40x128xf32, #tpu.memory_space<vmem>>, vector<1x16xf32>,
        %swap3A_605 = vector.shape_cast %swap3A_604 : vector<1x16xf32> to vector<16xf32>
        %swap3A_606 = vector.shape_cast %max3A_601 : vector<16xf32> to vector<1x16xf32>
        tpu.vector_store %arg12[%swap3A_602, %swap3A_603], %swap3A_606 {strides = array<i32>} : memref<40x128xf32, #tpu.memory_space<vmem>>, vector<1x16xf32>,
        %get3A_607 = arith.index_cast %add3A_507 : i32 to index
        %get3A_608 = arith.constant 96 : index
        %get3A_609 = tpu.vector_load %arg8[%get3A_607, %get3A_608] {strides = array<i32>} : memref<40x128xf32, #tpu.memory_space<vmem>>, vector<1x16xf32>,
        %get3A_610 = vector.shape_cast %get3A_609 : vector<1x16xf32> to vector<16xf32>
        %get3A_611 = arith.index_cast %add3A_507 : i32 to index
        %get3A_612 = arith.constant 96 : index
        %get3A_613 = tpu.vector_load %arg10[%get3A_611, %get3A_612] {strides = array<i32>} : memref<40x128xf32, #tpu.memory_space<vmem>>, vector<1x16xf32>,
        %get3A_614 = vector.shape_cast %get3A_613 : vector<1x16xf32> to vector<16xf32>
        %add3A_615 = arith.addf %get3A_610, %get3A_614 : vector<16xf32>
        %max3A_616 = arith.constant 0.000000e+00 : f32
        %max3A_617 = vector.broadcast %max3A_616 : f32 to vector<16xf32>
        %max3A_618 = arith.maximumf %add3A_615, %max3A_617 : vector<16xf32>
        %swap3A_619 = arith.index_cast %add3A_507 : i32 to index
        %swap3A_620 = arith.constant 96 : index
        %swap3A_621 = tpu.vector_load %arg12[%swap3A_619, %swap3A_620] {strides = array<i32>} : memref<40x128xf32, #tpu.memory_space<vmem>>, vector<1x16xf32>,
        %swap3A_622 = vector.shape_cast %swap3A_621 : vector<1x16xf32> to vector<16xf32>
        %swap3A_623 = vector.shape_cast %max3A_618 : vector<16xf32> to vector<1x16xf32>
        tpu.vector_store %arg12[%swap3A_619, %swap3A_620], %swap3A_623 {strides = array<i32>} : memref<40x128xf32, #tpu.memory_space<vmem>>, vector<1x16xf32>,
        %get3A_624 = arith.index_cast %add3A_507 : i32 to index
        %get3A_625 = arith.constant 112 : index
        %get3A_626 = tpu.vector_load %arg8[%get3A_624, %get3A_625] {strides = array<i32>} : memref<40x128xf32, #tpu.memory_space<vmem>>, vector<1x16xf32>,
        %get3A_627 = vector.shape_cast %get3A_626 : vector<1x16xf32> to vector<16xf32>
        %get3A_628 = arith.index_cast %add3A_507 : i32 to index
        %get3A_629 = arith.constant 112 : index
        %get3A_630 = tpu.vector_load %arg10[%get3A_628, %get3A_629] {strides = array<i32>} : memref<40x128xf32, #tpu.memory_space<vmem>>, vector<1x16xf32>,
        %get3A_631 = vector.shape_cast %get3A_630 : vector<1x16xf32> to vector<16xf32>
        %add3A_632 = arith.addf %get3A_627, %get3A_631 : vector<16xf32>
        %max3A_633 = arith.constant 0.000000e+00 : f32
        %max3A_634 = vector.broadcast %max3A_633 : f32 to vector<16xf32>
        %max3A_635 = arith.maximumf %add3A_632, %max3A_634 : vector<16xf32>
        %swap3A_636 = arith.index_cast %add3A_507 : i32 to index
        %swap3A_637 = arith.constant 112 : index
        %swap3A_638 = tpu.vector_load %arg12[%swap3A_636, %swap3A_637] {strides = array<i32>} : memref<40x128xf32, #tpu.memory_space<vmem>>, vector<1x16xf32>,
        %swap3A_639 = vector.shape_cast %swap3A_638 : vector<1x16xf32> to vector<16xf32>
        %swap3A_640 = vector.shape_cast %max3A_635 : vector<16xf32> to vector<1x16xf32>
        tpu.vector_store %arg12[%swap3A_636, %swap3A_637], %swap3A_640 {strides = array<i32>} : memref<40x128xf32, #tpu.memory_space<vmem>>, vector<1x16xf32>,
        %mul3A_641 = arith.constant 2 : i32
        %mul3A_642 = arith.muli %scan3A_503, %mul3A_641 : i32
        %add3A_643 = arith.constant 1 : i32
        %add3A_644 = arith.addi %mul3A_642, %add3A_643 : i32
        %get3A_645 = arith.index_cast %add3A_644 : i32 to index
        %get3A_646 = arith.constant 0 : index
        %get3A_647 = tpu.vector_load %arg8[%get3A_645, %get3A_646] {strides = array<i32>} : memref<40x128xf32, #tpu.memory_space<vmem>>, vector<1x16xf32>,
        %get3A_648 = vector.shape_cast %get3A_647 : vector<1x16xf32> to vector<16xf32>
        %get3A_649 = arith.index_cast %add3A_644 : i32 to index
        %get3A_650 = arith.constant 0 : index
        %get3A_651 = tpu.vector_load %arg10[%get3A_649, %get3A_650] {strides = array<i32>} : memref<40x128xf32, #tpu.memory_space<vmem>>, vector<1x16xf32>,
        %get3A_652 = vector.shape_cast %get3A_651 : vector<1x16xf32> to vector<16xf32>
        %add3A_653 = arith.addf %get3A_648, %get3A_652 : vector<16xf32>
        %max3A_654 = arith.constant 0.000000e+00 : f32
        %max3A_655 = vector.broadcast %max3A_654 : f32 to vector<16xf32>
        %max3A_656 = arith.maximumf %add3A_653, %max3A_655 : vector<16xf32>
        %swap3A_657 = arith.index_cast %add3A_644 : i32 to index
        %swap3A_658 = arith.constant 0 : index
        %swap3A_659 = tpu.vector_load %arg12[%swap3A_657, %swap3A_658] {strides = array<i32>} : memref<40x128xf32, #tpu.memory_space<vmem>>, vector<1x16xf32>,
        %swap3A_660 = vector.shape_cast %swap3A_659 : vector<1x16xf32> to vector<16xf32>
        %swap3A_661 = vector.shape_cast %max3A_656 : vector<16xf32> to vector<1x16xf32>
        tpu.vector_store %arg12[%swap3A_657, %swap3A_658], %swap3A_661 {strides = array<i32>} : memref<40x128xf32, #tpu.memory_space<vmem>>, vector<1x16xf32>,
        %get3A_662 = arith.index_cast %add3A_644 : i32 to index
        %get3A_663 = arith.constant 16 : index
        %get3A_664 = tpu.vector_load %arg8[%get3A_662, %get3A_663] {strides = array<i32>} : memref<40x128xf32, #tpu.memory_space<vmem>>, vector<1x16xf32>,
        %get3A_665 = vector.shape_cast %get3A_664 : vector<1x16xf32> to vector<16xf32>
        %get3A_666 = arith.index_cast %add3A_644 : i32 to index
        %get3A_667 = arith.constant 16 : index
        %get3A_668 = tpu.vector_load %arg10[%get3A_666, %get3A_667] {strides = array<i32>} : memref<40x128xf32, #tpu.memory_space<vmem>>, vector<1x16xf32>,
        %get3A_669 = vector.shape_cast %get3A_668 : vector<1x16xf32> to vector<16xf32>
        %add3A_670 = arith.addf %get3A_665, %get3A_669 : vector<16xf32>
        %max3A_671 = arith.constant 0.000000e+00 : f32
        %max3A_672 = vector.broadcast %max3A_671 : f32 to vector<16xf32>
        %max3A_673 = arith.maximumf %add3A_670, %max3A_672 : vector<16xf32>
        %swap3A_674 = arith.index_cast %add3A_644 : i32 to index
        %swap3A_675 = arith.constant 16 : index
        %swap3A_676 = tpu.vector_load %arg12[%swap3A_674, %swap3A_675] {strides = array<i32>} : memref<40x128xf32, #tpu.memory_space<vmem>>, vector<1x16xf32>,
        %swap3A_677 = vector.shape_cast %swap3A_676 : vector<1x16xf32> to vector<16xf32>
        %swap3A_678 = vector.shape_cast %max3A_673 : vector<16xf32> to vector<1x16xf32>
        tpu.vector_store %arg12[%swap3A_674, %swap3A_675], %swap3A_678 {strides = array<i32>} : memref<40x128xf32, #tpu.memory_space<vmem>>, vector<1x16xf32>,
        %get3A_679 = arith.index_cast %add3A_644 : i32 to index
        %get3A_680 = arith.constant 32 : index
        %get3A_681 = tpu.vector_load %arg8[%get3A_679, %get3A_680] {strides = array<i32>} : memref<40x128xf32, #tpu.memory_space<vmem>>, vector<1x16xf32>,
        %get3A_682 = vector.shape_cast %get3A_681 : vector<1x16xf32> to vector<16xf32>
        %get3A_683 = arith.index_cast %add3A_644 : i32 to index
        %get3A_684 = arith.constant 32 : index
        %get3A_685 = tpu.vector_load %arg10[%get3A_683, %get3A_684] {strides = array<i32>} : memref<40x128xf32, #tpu.memory_space<vmem>>, vector<1x16xf32>,
        %get3A_686 = vector.shape_cast %get3A_685 : vector<1x16xf32> to vector<16xf32>
        %add3A_687 = arith.addf %get3A_682, %get3A_686 : vector<16xf32>
        %max3A_688 = arith.constant 0.000000e+00 : f32
        %max3A_689 = vector.broadcast %max3A_688 : f32 to vector<16xf32>
        %max3A_690 = arith.maximumf %add3A_687, %max3A_689 : vector<16xf32>
        %swap3A_691 = arith.index_cast %add3A_644 : i32 to index
        %swap3A_692 = arith.constant 32 : index
        %swap3A_693 = tpu.vector_load %arg12[%swap3A_691, %swap3A_692] {strides = array<i32>} : memref<40x128xf32, #tpu.memory_space<vmem>>, vector<1x16xf32>,
        %swap3A_694 = vector.shape_cast %swap3A_693 : vector<1x16xf32> to vector<16xf32>
        %swap3A_695 = vector.shape_cast %max3A_690 : vector<16xf32> to vector<1x16xf32>
        tpu.vector_store %arg12[%swap3A_691, %swap3A_692], %swap3A_695 {strides = array<i32>} : memref<40x128xf32, #tpu.memory_space<vmem>>, vector<1x16xf32>,
        %get3A_696 = arith.index_cast %add3A_644 : i32 to index
        %get3A_697 = arith.constant 48 : index
        %get3A_698 = tpu.vector_load %arg8[%get3A_696, %get3A_697] {strides = array<i32>} : memref<40x128xf32, #tpu.memory_space<vmem>>, vector<1x16xf32>,
        %get3A_699 = vector.shape_cast %get3A_698 : vector<1x16xf32> to vector<16xf32>
        %get3A_700 = arith.index_cast %add3A_644 : i32 to index
        %get3A_701 = arith.constant 48 : index
        %get3A_702 = tpu.vector_load %arg10[%get3A_700, %get3A_701] {strides = array<i32>} : memref<40x128xf32, #tpu.memory_space<vmem>>, vector<1x16xf32>,
        %get3A_703 = vector.shape_cast %get3A_702 : vector<1x16xf32> to vector<16xf32>
        %add3A_704 = arith.addf %get3A_699, %get3A_703 : vector<16xf32>
        %max3A_705 = arith.constant 0.000000e+00 : f32
        %max3A_706 = vector.broadcast %max3A_705 : f32 to vector<16xf32>
        %max3A_707 = arith.maximumf %add3A_704, %max3A_706 : vector<16xf32>
        %swap3A_708 = arith.index_cast %add3A_644 : i32 to index
        %swap3A_709 = arith.constant 48 : index
        %swap3A_710 = tpu.vector_load %arg12[%swap3A_708, %swap3A_709] {strides = array<i32>} : memref<40x128xf32, #tpu.memory_space<vmem>>, vector<1x16xf32>,
        %swap3A_711 = vector.shape_cast %swap3A_710 : vector<1x16xf32> to vector<16xf32>
        %swap3A_712 = vector.shape_cast %max3A_707 : vector<16xf32> to vector<1x16xf32>
        tpu.vector_store %arg12[%swap3A_708, %swap3A_709], %swap3A_712 {strides = array<i32>} : memref<40x128xf32, #tpu.memory_space<vmem>>, vector<1x16xf32>,
        %get3A_713 = arith.index_cast %add3A_644 : i32 to index
        %get3A_714 = arith.constant 64 : index
        %get3A_715 = tpu.vector_load %arg8[%get3A_713, %get3A_714] {strides = array<i32>} : memref<40x128xf32, #tpu.memory_space<vmem>>, vector<1x16xf32>,
        %get3A_716 = vector.shape_cast %get3A_715 : vector<1x16xf32> to vector<16xf32>
        %get3A_717 = arith.index_cast %add3A_644 : i32 to index
        %get3A_718 = arith.constant 64 : index
        %get3A_719 = tpu.vector_load %arg10[%get3A_717, %get3A_718] {strides = array<i32>} : memref<40x128xf32, #tpu.memory_space<vmem>>, vector<1x16xf32>,
        %get3A_720 = vector.shape_cast %get3A_719 : vector<1x16xf32> to vector<16xf32>
        %add3A_721 = arith.addf %get3A_716, %get3A_720 : vector<16xf32>
        %max3A_722 = arith.constant 0.000000e+00 : f32
        %max3A_723 = vector.broadcast %max3A_722 : f32 to vector<16xf32>
        %max3A_724 = arith.maximumf %add3A_721, %max3A_723 : vector<16xf32>
        %swap3A_725 = arith.index_cast %add3A_644 : i32 to index
        %swap3A_726 = arith.constant 64 : index
        %swap3A_727 = tpu.vector_load %arg12[%swap3A_725, %swap3A_726] {strides = array<i32>} : memref<40x128xf32, #tpu.memory_space<vmem>>, vector<1x16xf32>,
        %swap3A_728 = vector.shape_cast %swap3A_727 : vector<1x16xf32> to vector<16xf32>
        %swap3A_729 = vector.shape_cast %max3A_724 : vector<16xf32> to vector<1x16xf32>
        tpu.vector_store %arg12[%swap3A_725, %swap3A_726], %swap3A_729 {strides = array<i32>} : memref<40x128xf32, #tpu.memory_space<vmem>>, vector<1x16xf32>,
        %get3A_730 = arith.index_cast %add3A_644 : i32 to index
        %get3A_731 = arith.constant 80 : index
        %get3A_732 = tpu.vector_load %arg8[%get3A_730, %get3A_731] {strides = array<i32>} : memref<40x128xf32, #tpu.memory_space<vmem>>, vector<1x16xf32>,
        %get3A_733 = vector.shape_cast %get3A_732 : vector<1x16xf32> to vector<16xf32>
        %get3A_734 = arith.index_cast %add3A_644 : i32 to index
        %get3A_735 = arith.constant 80 : index
        %get3A_736 = tpu.vector_load %arg10[%get3A_734, %get3A_735] {strides = array<i32>} : memref<40x128xf32, #tpu.memory_space<vmem>>, vector<1x16xf32>,
        %get3A_737 = vector.shape_cast %get3A_736 : vector<1x16xf32> to vector<16xf32>
        %add3A_738 = arith.addf %get3A_733, %get3A_737 : vector<16xf32>
        %max3A_739 = arith.constant 0.000000e+00 : f32
        %max3A_740 = vector.broadcast %max3A_739 : f32 to vector<16xf32>
        %max3A_741 = arith.maximumf %add3A_738, %max3A_740 : vector<16xf32>
        %swap3A_742 = arith.index_cast %add3A_644 : i32 to index
        %swap3A_743 = arith.constant 80 : index
        %swap3A_744 = tpu.vector_load %arg12[%swap3A_742, %swap3A_743] {strides = array<i32>} : memref<40x128xf32, #tpu.memory_space<vmem>>, vector<1x16xf32>,
        %swap3A_745 = vector.shape_cast %swap3A_744 : vector<1x16xf32> to vector<16xf32>
        %swap3A_746 = vector.shape_cast %max3A_741 : vector<16xf32> to vector<1x16xf32>
        tpu.vector_store %arg12[%swap3A_742, %swap3A_743], %swap3A_746 {strides = array<i32>} : memref<40x128xf32, #tpu.memory_space<vmem>>, vector<1x16xf32>,
        %get3A_747 = arith.index_cast %add3A_644 : i32 to index
        %get3A_748 = arith.constant 96 : index
        %get3A_749 = tpu.vector_load %arg8[%get3A_747, %get3A_748] {strides = array<i32>} : memref<40x128xf32, #tpu.memory_space<vmem>>, vector<1x16xf32>,
        %get3A_750 = vector.shape_cast %get3A_749 : vector<1x16xf32> to vector<16xf32>
        %get3A_751 = arith.index_cast %add3A_644 : i32 to index
        %get3A_752 = arith.constant 96 : index
        %get3A_753 = tpu.vector_load %arg10[%get3A_751, %get3A_752] {strides = array<i32>} : memref<40x128xf32, #tpu.memory_space<vmem>>, vector<1x16xf32>,
        %get3A_754 = vector.shape_cast %get3A_753 : vector<1x16xf32> to vector<16xf32>
        %add3A_755 = arith.addf %get3A_750, %get3A_754 : vector<16xf32>
        %max3A_756 = arith.constant 0.000000e+00 : f32
        %max3A_757 = vector.broadcast %max3A_756 : f32 to vector<16xf32>
        %max3A_758 = arith.maximumf %add3A_755, %max3A_757 : vector<16xf32>
        %swap3A_759 = arith.index_cast %add3A_644 : i32 to index
        %swap3A_760 = arith.constant 96 : index
        %swap3A_761 = tpu.vector_load %arg12[%swap3A_759, %swap3A_760] {strides = array<i32>} : memref<40x128xf32, #tpu.memory_space<vmem>>, vector<1x16xf32>,
        %swap3A_762 = vector.shape_cast %swap3A_761 : vector<1x16xf32> to vector<16xf32>
        %swap3A_763 = vector.shape_cast %max3A_758 : vector<16xf32> to vector<1x16xf32>
        tpu.vector_store %arg12[%swap3A_759, %swap3A_760], %swap3A_763 {strides = array<i32>} : memref<40x128xf32, #tpu.memory_space<vmem>>, vector<1x16xf32>,
        %get3A_764 = arith.index_cast %add3A_644 : i32 to index
        %get3A_765 = arith.constant 112 : index
        %get3A_766 = tpu.vector_load %arg8[%get3A_764, %get3A_765] {strides = array<i32>} : memref<40x128xf32, #tpu.memory_space<vmem>>, vector<1x16xf32>,
        %get3A_767 = vector.shape_cast %get3A_766 : vector<1x16xf32> to vector<16xf32>
        %get3A_768 = arith.index_cast %add3A_644 : i32 to index
        %get3A_769 = arith.constant 112 : index
        %get3A_770 = tpu.vector_load %arg10[%get3A_768, %get3A_769] {strides = array<i32>} : memref<40x128xf32, #tpu.memory_space<vmem>>, vector<1x16xf32>,
        %get3A_771 = vector.shape_cast %get3A_770 : vector<1x16xf32> to vector<16xf32>
        %add3A_772 = arith.addf %get3A_767, %get3A_771 : vector<16xf32>
        %max3A_773 = arith.constant 0.000000e+00 : f32
        %max3A_774 = vector.broadcast %max3A_773 : f32 to vector<16xf32>
        %max3A_775 = arith.maximumf %add3A_772, %max3A_774 : vector<16xf32>
        %swap3A_776 = arith.index_cast %add3A_644 : i32 to index
        %swap3A_777 = arith.constant 112 : index
        %swap3A_778 = tpu.vector_load %arg12[%swap3A_776, %swap3A_777] {strides = array<i32>} : memref<40x128xf32, #tpu.memory_space<vmem>>, vector<1x16xf32>,
        %swap3A_779 = vector.shape_cast %swap3A_778 : vector<1x16xf32> to vector<16xf32>
        %swap3A_780 = vector.shape_cast %max3A_775 : vector<16xf32> to vector<1x16xf32>
        tpu.vector_store %arg12[%swap3A_776, %swap3A_777], %swap3A_780 {strides = array<i32>} : memref<40x128xf32, #tpu.memory_space<vmem>>, vector<1x16xf32>,
      }
      %scan3A_229 = arith.constant 20 : i32
      %dma_wait3A_230 = arith.constant 0 : i32
      %dma_wait3A_231 = tpu.memref_slice %arg5[%dma_wait3A_230] : memref<320000xi32, #tpu.memory_space<hbm>> -> memref<40xi32, #tpu.memory_space<hbm>>
      %dma_wait3A_232 = arith.constant 0 : i32
      %dma_wait3A_233 = tpu.memref_slice %arg5[%dma_wait3A_232] : memref<320000xi32, #tpu.memory_space<hbm>> -> memref<40xi32, #tpu.memory_space<hbm>>
      tpu.wait_dma2 semaphore(%arg39 : memref<!tpu.dma_semaphore, #tpu.memory_space<semaphore_mem>>) src(%dma_wait3A_233 : memref<40xi32, #tpu.memory_space<hbm>>) dst(%arg20 : memref<40xi32, #tpu.memory_space<vmem>>)
      %dma_start3A_234 = arith.constant 0 : i32
      %dma_start3A_235 = arith.constant 0 : i32
      %dma_start3A_236 = tpu.memref_slice %arg25[%dma_start3A_234, %dma_start3A_235] : memref<10240x128xf32, #tpu.memory_space<vmem_shared>> -> memref<10240x128xf32, #tpu.memory_space<vmem_shared>>
      tpu.enqueue_indirect_dma source(%arg12 : memref<40x128xf32, #tpu.memory_space<vmem>>) target(%dma_start3A_236 : memref<10240x128xf32, #tpu.memory_space<vmem_shared>>) offsets(%arg20 : memref<40xi32, #tpu.memory_space<vmem>>) semaphore(%arg31 : memref<!tpu.dma_semaphore, #tpu.memory_space<semaphore_mem>>) {add = true}
      %add3A_237 = arith.constant 2 : i32
      %add3A_238 = arith.addi %add3A_210, %add3A_237 : i32
      %lt3A_239 = arith.constant 250 : i32
      %lt3A_240 = arith.cmpi slt, %add3A_238, %lt3A_239 : i32
      %convert_element_type3A_241 = arith.extui %lt3A_240 : i1 to i32
      %cond3A_242 = arith.constant 0 : i32
      %cond3A_243 = arith.cmpi ne, %convert_element_type3A_241, %cond3A_242 : i32
      scf.if %cond3A_243 {
        %dma_wait3A_503 = arith.constant 0 : i32
        %dma_wait3A_504 = tpu.memref_slice %arg4[%dma_wait3A_503] : memref<320000xi32, #tpu.memory_space<hbm>> -> memref<40xi32, #tpu.memory_space<hbm>>
        %dma_wait3A_505 = arith.constant 0 : i32
        %dma_wait3A_506 = tpu.memref_slice %arg4[%dma_wait3A_505] : memref<320000xi32, #tpu.memory_space<hbm>> -> memref<40xi32, #tpu.memory_space<hbm>>
        tpu.wait_dma2 semaphore(%arg33 : memref<!tpu.dma_semaphore, #tpu.memory_space<semaphore_mem>>) src(%dma_wait3A_506 : memref<40xi32, #tpu.memory_space<hbm>>) dst(%arg14 : memref<40xi32, #tpu.memory_space<vmem>>)
        %add3A_507 = arith.constant 2 : i32
        %add3A_508 = arith.addi %add3A_210, %add3A_507 : i32
        %dma_start3A_509 = arith.constant 0 : i32
        %dma_start3A_510 = arith.constant 0 : i32
        %dma_start3A_511 = tpu.memref_slice %arg2[%dma_start3A_509, %dma_start3A_510] : memref<10000x128xf32, #tpu.memory_space<hbm>> -> memref<10000x128xf32, #tpu.memory_space<hbm>>
        tpu.enqueue_indirect_dma source(%dma_start3A_511 : memref<10000x128xf32, #tpu.memory_space<hbm>>) target(%arg8 : memref<40x128xf32, #tpu.memory_space<vmem>>) offsets(%arg14 : memref<40xi32, #tpu.memory_space<vmem>>) semaphore(%arg27 : memref<!tpu.dma_semaphore, #tpu.memory_space<semaphore_mem>>)
        %mul3A_512 = arith.constant 40 : i32
        %mul3A_513 = arith.muli %add3A_508, %mul3A_512 : i32
        %add3A_514 = arith.addi %mul3A_2, %mul3A_513 : i32
        %dma_start3A_515 = arith.constant 0 : i32
        %dma_start3A_516 = tpu.memref_slice %arg3[%add3A_514, %dma_start3A_515] : memref<320000x128xf32, #tpu.memory_space<hbm>> -> memref<40x128xf32, #tpu.memory_space<hbm>>
        %dma_start3A_517 = arith.constant 0 : i32
        %dma_start3A_518 = tpu.memref_slice %arg3[%add3A_514, %dma_start3A_517] : memref<320000x128xf32, #tpu.memory_space<hbm>> -> memref<40x128xf32, #tpu.memory_space<hbm>>
        tpu.enqueue_dma source(%dma_start3A_518 : memref<40x128xf32, #tpu.memory_space<hbm>>) target(%arg10 : memref<40x128xf32, #tpu.memory_space<vmem>>) target_semaphore(%arg29 : memref<!tpu.dma_semaphore, #tpu.memory_space<semaphore_mem>>)
      } else {
      }
      %add3A_244 = arith.constant 3 : i32
      %add3A_245 = arith.addi %add3A_210, %add3A_244 : i32
      %lt3A_246 = arith.constant 250 : i32
      %lt3A_247 = arith.cmpi slt, %add3A_245, %lt3A_246 : i32
      %convert_element_type3A_248 = arith.extui %lt3A_247 : i1 to i32
      %cond3A_249 = arith.constant 0 : i32
      %cond3A_250 = arith.cmpi ne, %convert_element_type3A_248, %cond3A_249 : i32
      scf.if %cond3A_250 {
        %add3A_503 = arith.constant 3 : i32
        %add3A_504 = arith.addi %add3A_210, %add3A_503 : i32
        %mul3A_505 = arith.constant 40 : i32
        %mul3A_506 = arith.muli %add3A_504, %mul3A_505 : i32
        %add3A_507 = arith.addi %mul3A_2, %mul3A_506 : i32
        %dma_start3A_508 = tpu.memref_slice %arg4[%add3A_507] : memref<320000xi32, #tpu.memory_space<hbm>> -> memref<40xi32, #tpu.memory_space<hbm>>
        %dma_start3A_509 = tpu.memref_slice %arg4[%add3A_507] : memref<320000xi32, #tpu.memory_space<hbm>> -> memref<40xi32, #tpu.memory_space<hbm>>
        tpu.enqueue_dma source(%dma_start3A_509 : memref<40xi32, #tpu.memory_space<hbm>>) target(%arg15 : memref<40xi32, #tpu.memory_space<vmem>>) target_semaphore(%arg34 : memref<!tpu.dma_semaphore, #tpu.memory_space<semaphore_mem>>)
        %mul3A_510 = arith.constant 40 : i32
        %mul3A_511 = arith.muli %add3A_504, %mul3A_510 : i32
        %add3A_512 = arith.addi %mul3A_2, %mul3A_511 : i32
        %dma_start3A_513 = tpu.memref_slice %arg5[%add3A_512] : memref<320000xi32, #tpu.memory_space<hbm>> -> memref<40xi32, #tpu.memory_space<hbm>>
        %dma_start3A_514 = tpu.memref_slice %arg5[%add3A_512] : memref<320000xi32, #tpu.memory_space<hbm>> -> memref<40xi32, #tpu.memory_space<hbm>>
        tpu.enqueue_dma source(%dma_start3A_514 : memref<40xi32, #tpu.memory_space<hbm>>) target(%arg23 : memref<40xi32, #tpu.memory_space<vmem>>) target_semaphore(%arg42 : memref<!tpu.dma_semaphore, #tpu.memory_space<semaphore_mem>>)
      } else {
      }
      %add3A_251 = arith.constant 2 : i32
      %add3A_252 = arith.addi %add3A_169, %add3A_251 : i32
      %dma_wait3A_253 = arith.constant 0 : i32
      %dma_wait3A_254 = arith.constant 0 : i32
      %dma_wait3A_255 = tpu.memref_slice %arg2[%dma_wait3A_253, %dma_wait3A_254] : memref<10000x128xf32, #tpu.memory_space<hbm>> -> memref<10000x128xf32, #tpu.memory_space<hbm>>
      tpu.wait_indirect_dma semaphore(%arg26 : memref<!tpu.dma_semaphore, #tpu.memory_space<semaphore_mem>>) src(%dma_wait3A_255 : memref<10000x128xf32, #tpu.memory_space<hbm>>) dst(%arg7 : memref<40x128xf32, #tpu.memory_space<vmem>>)
      %mul3A_256 = arith.constant 40 : i32
      %mul3A_257 = arith.muli %add3A_252, %mul3A_256 : i32
      %add3A_258 = arith.addi %mul3A_2, %mul3A_257 : i32
      %dma_wait3A_259 = arith.constant 0 : i32
      %dma_wait3A_260 = tpu.memref_slice %arg3[%add3A_258, %dma_wait3A_259] : memref<320000x128xf32, #tpu.memory_space<hbm>> -> memref<40x128xf32, #tpu.memory_space<hbm>>
      %dma_wait3A_261 = arith.constant 0 : i32
      %dma_wait3A_262 = tpu.memref_slice %arg3[%add3A_258, %dma_wait3A_261] : memref<320000x128xf32, #tpu.memory_space<hbm>> -> memref<40x128xf32, #tpu.memory_space<hbm>>
      tpu.wait_dma2 semaphore(%arg28 : memref<!tpu.dma_semaphore, #tpu.memory_space<semaphore_mem>>) src(%dma_wait3A_262 : memref<40x128xf32, #tpu.memory_space<hbm>>) dst(%arg9 : memref<40x128xf32, #tpu.memory_space<vmem>>)
      %dma_wait3A_263 = arith.constant 0 : i32
      %dma_wait3A_264 = arith.constant 0 : i32
      %dma_wait3A_265 = tpu.memref_slice %arg25[%dma_wait3A_263, %dma_wait3A_264] : memref<10240x128xf32, #tpu.memory_space<vmem_shared>> -> memref<10240x128xf32, #tpu.memory_space<vmem_shared>>
      tpu.wait_indirect_dma semaphore(%arg30 : memref<!tpu.dma_semaphore, #tpu.memory_space<semaphore_mem>>) src(%arg11 : memref<40x128xf32, #tpu.memory_space<vmem>>) dst(%dma_wait3A_265 : memref<10240x128xf32, #tpu.memory_space<vmem_shared>>)
      %scan3A_266 = arith.constant 0 : i32
      %scan3A_267 = arith.constant 0 : i32
      %scan3A_268 = arith.constant 20 : i32
      %scan3A_269 = arith.addi %scan3A_267, %scan3A_268 : i32
      %scan3A_270 = arith.constant 1 : i32
      scf.for %scan3A_503 = %scan3A_267 to %scan3A_269 step %scan3A_270  : i32 {
        %mul3A_504 = arith.constant 2 : i32
        %mul3A_505 = arith.muli %scan3A_503, %mul3A_504 : i32
        %add3A_506 = arith.constant 0 : i32
        %add3A_507 = arith.addi %mul3A_505, %add3A_506 : i32
        %get3A = arith.index_cast %add3A_507 : i32 to index
        %get3A_508 = arith.constant 0 : index
        %get3A_509 = tpu.vector_load %arg7[%get3A, %get3A_508] {strides = array<i32>} : memref<40x128xf32, #tpu.memory_space<vmem>>, vector<1x16xf32>,
        %get3A_510 = vector.shape_cast %get3A_509 : vector<1x16xf32> to vector<16xf32>
        %get3A_511 = arith.index_cast %add3A_507 : i32 to index
        %get3A_512 = arith.constant 0 : index
        %get3A_513 = tpu.vector_load %arg9[%get3A_511, %get3A_512] {strides = array<i32>} : memref<40x128xf32, #tpu.memory_space<vmem>>, vector<1x16xf32>,
        %get3A_514 = vector.shape_cast %get3A_513 : vector<1x16xf32> to vector<16xf32>
        %add3A_515 = arith.addf %get3A_510, %get3A_514 : vector<16xf32>
        %max3A = arith.constant 0.000000e+00 : f32
        %max3A_516 = vector.broadcast %max3A : f32 to vector<16xf32>
        %max3A_517 = arith.maximumf %add3A_515, %max3A_516 : vector<16xf32>
        %swap3A = arith.index_cast %add3A_507 : i32 to index
        %swap3A_518 = arith.constant 0 : index
        %swap3A_519 = tpu.vector_load %arg11[%swap3A, %swap3A_518] {strides = array<i32>} : memref<40x128xf32, #tpu.memory_space<vmem>>, vector<1x16xf32>,
        %swap3A_520 = vector.shape_cast %swap3A_519 : vector<1x16xf32> to vector<16xf32>
        %swap3A_521 = vector.shape_cast %max3A_517 : vector<16xf32> to vector<1x16xf32>
        tpu.vector_store %arg11[%swap3A, %swap3A_518], %swap3A_521 {strides = array<i32>} : memref<40x128xf32, #tpu.memory_space<vmem>>, vector<1x16xf32>,
        %get3A_522 = arith.index_cast %add3A_507 : i32 to index
        %get3A_523 = arith.constant 16 : index
        %get3A_524 = tpu.vector_load %arg7[%get3A_522, %get3A_523] {strides = array<i32>} : memref<40x128xf32, #tpu.memory_space<vmem>>, vector<1x16xf32>,
        %get3A_525 = vector.shape_cast %get3A_524 : vector<1x16xf32> to vector<16xf32>
        %get3A_526 = arith.index_cast %add3A_507 : i32 to index
        %get3A_527 = arith.constant 16 : index
        %get3A_528 = tpu.vector_load %arg9[%get3A_526, %get3A_527] {strides = array<i32>} : memref<40x128xf32, #tpu.memory_space<vmem>>, vector<1x16xf32>,
        %get3A_529 = vector.shape_cast %get3A_528 : vector<1x16xf32> to vector<16xf32>
        %add3A_530 = arith.addf %get3A_525, %get3A_529 : vector<16xf32>
        %max3A_531 = arith.constant 0.000000e+00 : f32
        %max3A_532 = vector.broadcast %max3A_531 : f32 to vector<16xf32>
        %max3A_533 = arith.maximumf %add3A_530, %max3A_532 : vector<16xf32>
        %swap3A_534 = arith.index_cast %add3A_507 : i32 to index
        %swap3A_535 = arith.constant 16 : index
        %swap3A_536 = tpu.vector_load %arg11[%swap3A_534, %swap3A_535] {strides = array<i32>} : memref<40x128xf32, #tpu.memory_space<vmem>>, vector<1x16xf32>,
        %swap3A_537 = vector.shape_cast %swap3A_536 : vector<1x16xf32> to vector<16xf32>
        %swap3A_538 = vector.shape_cast %max3A_533 : vector<16xf32> to vector<1x16xf32>
        tpu.vector_store %arg11[%swap3A_534, %swap3A_535], %swap3A_538 {strides = array<i32>} : memref<40x128xf32, #tpu.memory_space<vmem>>, vector<1x16xf32>,
        %get3A_539 = arith.index_cast %add3A_507 : i32 to index
        %get3A_540 = arith.constant 32 : index
        %get3A_541 = tpu.vector_load %arg7[%get3A_539, %get3A_540] {strides = array<i32>} : memref<40x128xf32, #tpu.memory_space<vmem>>, vector<1x16xf32>,
        %get3A_542 = vector.shape_cast %get3A_541 : vector<1x16xf32> to vector<16xf32>
        %get3A_543 = arith.index_cast %add3A_507 : i32 to index
        %get3A_544 = arith.constant 32 : index
        %get3A_545 = tpu.vector_load %arg9[%get3A_543, %get3A_544] {strides = array<i32>} : memref<40x128xf32, #tpu.memory_space<vmem>>, vector<1x16xf32>,
        %get3A_546 = vector.shape_cast %get3A_545 : vector<1x16xf32> to vector<16xf32>
        %add3A_547 = arith.addf %get3A_542, %get3A_546 : vector<16xf32>
        %max3A_548 = arith.constant 0.000000e+00 : f32
        %max3A_549 = vector.broadcast %max3A_548 : f32 to vector<16xf32>
        %max3A_550 = arith.maximumf %add3A_547, %max3A_549 : vector<16xf32>
        %swap3A_551 = arith.index_cast %add3A_507 : i32 to index
        %swap3A_552 = arith.constant 32 : index
        %swap3A_553 = tpu.vector_load %arg11[%swap3A_551, %swap3A_552] {strides = array<i32>} : memref<40x128xf32, #tpu.memory_space<vmem>>, vector<1x16xf32>,
        %swap3A_554 = vector.shape_cast %swap3A_553 : vector<1x16xf32> to vector<16xf32>
        %swap3A_555 = vector.shape_cast %max3A_550 : vector<16xf32> to vector<1x16xf32>
        tpu.vector_store %arg11[%swap3A_551, %swap3A_552], %swap3A_555 {strides = array<i32>} : memref<40x128xf32, #tpu.memory_space<vmem>>, vector<1x16xf32>,
        %get3A_556 = arith.index_cast %add3A_507 : i32 to index
        %get3A_557 = arith.constant 48 : index
        %get3A_558 = tpu.vector_load %arg7[%get3A_556, %get3A_557] {strides = array<i32>} : memref<40x128xf32, #tpu.memory_space<vmem>>, vector<1x16xf32>,
        %get3A_559 = vector.shape_cast %get3A_558 : vector<1x16xf32> to vector<16xf32>
        %get3A_560 = arith.index_cast %add3A_507 : i32 to index
        %get3A_561 = arith.constant 48 : index
        %get3A_562 = tpu.vector_load %arg9[%get3A_560, %get3A_561] {strides = array<i32>} : memref<40x128xf32, #tpu.memory_space<vmem>>, vector<1x16xf32>,
        %get3A_563 = vector.shape_cast %get3A_562 : vector<1x16xf32> to vector<16xf32>
        %add3A_564 = arith.addf %get3A_559, %get3A_563 : vector<16xf32>
        %max3A_565 = arith.constant 0.000000e+00 : f32
        %max3A_566 = vector.broadcast %max3A_565 : f32 to vector<16xf32>
        %max3A_567 = arith.maximumf %add3A_564, %max3A_566 : vector<16xf32>
        %swap3A_568 = arith.index_cast %add3A_507 : i32 to index
        %swap3A_569 = arith.constant 48 : index
        %swap3A_570 = tpu.vector_load %arg11[%swap3A_568, %swap3A_569] {strides = array<i32>} : memref<40x128xf32, #tpu.memory_space<vmem>>, vector<1x16xf32>,
        %swap3A_571 = vector.shape_cast %swap3A_570 : vector<1x16xf32> to vector<16xf32>
        %swap3A_572 = vector.shape_cast %max3A_567 : vector<16xf32> to vector<1x16xf32>
        tpu.vector_store %arg11[%swap3A_568, %swap3A_569], %swap3A_572 {strides = array<i32>} : memref<40x128xf32, #tpu.memory_space<vmem>>, vector<1x16xf32>,
        %get3A_573 = arith.index_cast %add3A_507 : i32 to index
        %get3A_574 = arith.constant 64 : index
        %get3A_575 = tpu.vector_load %arg7[%get3A_573, %get3A_574] {strides = array<i32>} : memref<40x128xf32, #tpu.memory_space<vmem>>, vector<1x16xf32>,
        %get3A_576 = vector.shape_cast %get3A_575 : vector<1x16xf32> to vector<16xf32>
        %get3A_577 = arith.index_cast %add3A_507 : i32 to index
        %get3A_578 = arith.constant 64 : index
        %get3A_579 = tpu.vector_load %arg9[%get3A_577, %get3A_578] {strides = array<i32>} : memref<40x128xf32, #tpu.memory_space<vmem>>, vector<1x16xf32>,
        %get3A_580 = vector.shape_cast %get3A_579 : vector<1x16xf32> to vector<16xf32>
        %add3A_581 = arith.addf %get3A_576, %get3A_580 : vector<16xf32>
        %max3A_582 = arith.constant 0.000000e+00 : f32
        %max3A_583 = vector.broadcast %max3A_582 : f32 to vector<16xf32>
        %max3A_584 = arith.maximumf %add3A_581, %max3A_583 : vector<16xf32>
        %swap3A_585 = arith.index_cast %add3A_507 : i32 to index
        %swap3A_586 = arith.constant 64 : index
        %swap3A_587 = tpu.vector_load %arg11[%swap3A_585, %swap3A_586] {strides = array<i32>} : memref<40x128xf32, #tpu.memory_space<vmem>>, vector<1x16xf32>,
        %swap3A_588 = vector.shape_cast %swap3A_587 : vector<1x16xf32> to vector<16xf32>
        %swap3A_589 = vector.shape_cast %max3A_584 : vector<16xf32> to vector<1x16xf32>
        tpu.vector_store %arg11[%swap3A_585, %swap3A_586], %swap3A_589 {strides = array<i32>} : memref<40x128xf32, #tpu.memory_space<vmem>>, vector<1x16xf32>,
        %get3A_590 = arith.index_cast %add3A_507 : i32 to index
        %get3A_591 = arith.constant 80 : index
        %get3A_592 = tpu.vector_load %arg7[%get3A_590, %get3A_591] {strides = array<i32>} : memref<40x128xf32, #tpu.memory_space<vmem>>, vector<1x16xf32>,
        %get3A_593 = vector.shape_cast %get3A_592 : vector<1x16xf32> to vector<16xf32>
        %get3A_594 = arith.index_cast %add3A_507 : i32 to index
        %get3A_595 = arith.constant 80 : index
        %get3A_596 = tpu.vector_load %arg9[%get3A_594, %get3A_595] {strides = array<i32>} : memref<40x128xf32, #tpu.memory_space<vmem>>, vector<1x16xf32>,
        %get3A_597 = vector.shape_cast %get3A_596 : vector<1x16xf32> to vector<16xf32>
        %add3A_598 = arith.addf %get3A_593, %get3A_597 : vector<16xf32>
        %max3A_599 = arith.constant 0.000000e+00 : f32
        %max3A_600 = vector.broadcast %max3A_599 : f32 to vector<16xf32>
        %max3A_601 = arith.maximumf %add3A_598, %max3A_600 : vector<16xf32>
        %swap3A_602 = arith.index_cast %add3A_507 : i32 to index
        %swap3A_603 = arith.constant 80 : index
        %swap3A_604 = tpu.vector_load %arg11[%swap3A_602, %swap3A_603] {strides = array<i32>} : memref<40x128xf32, #tpu.memory_space<vmem>>, vector<1x16xf32>,
        %swap3A_605 = vector.shape_cast %swap3A_604 : vector<1x16xf32> to vector<16xf32>
        %swap3A_606 = vector.shape_cast %max3A_601 : vector<16xf32> to vector<1x16xf32>
        tpu.vector_store %arg11[%swap3A_602, %swap3A_603], %swap3A_606 {strides = array<i32>} : memref<40x128xf32, #tpu.memory_space<vmem>>, vector<1x16xf32>,
        %get3A_607 = arith.index_cast %add3A_507 : i32 to index
        %get3A_608 = arith.constant 96 : index
        %get3A_609 = tpu.vector_load %arg7[%get3A_607, %get3A_608] {strides = array<i32>} : memref<40x128xf32, #tpu.memory_space<vmem>>, vector<1x16xf32>,
        %get3A_610 = vector.shape_cast %get3A_609 : vector<1x16xf32> to vector<16xf32>
        %get3A_611 = arith.index_cast %add3A_507 : i32 to index
        %get3A_612 = arith.constant 96 : index
        %get3A_613 = tpu.vector_load %arg9[%get3A_611, %get3A_612] {strides = array<i32>} : memref<40x128xf32, #tpu.memory_space<vmem>>, vector<1x16xf32>,
        %get3A_614 = vector.shape_cast %get3A_613 : vector<1x16xf32> to vector<16xf32>
        %add3A_615 = arith.addf %get3A_610, %get3A_614 : vector<16xf32>
        %max3A_616 = arith.constant 0.000000e+00 : f32
        %max3A_617 = vector.broadcast %max3A_616 : f32 to vector<16xf32>
        %max3A_618 = arith.maximumf %add3A_615, %max3A_617 : vector<16xf32>
        %swap3A_619 = arith.index_cast %add3A_507 : i32 to index
        %swap3A_620 = arith.constant 96 : index
        %swap3A_621 = tpu.vector_load %arg11[%swap3A_619, %swap3A_620] {strides = array<i32>} : memref<40x128xf32, #tpu.memory_space<vmem>>, vector<1x16xf32>,
        %swap3A_622 = vector.shape_cast %swap3A_621 : vector<1x16xf32> to vector<16xf32>
        %swap3A_623 = vector.shape_cast %max3A_618 : vector<16xf32> to vector<1x16xf32>
        tpu.vector_store %arg11[%swap3A_619, %swap3A_620], %swap3A_623 {strides = array<i32>} : memref<40x128xf32, #tpu.memory_space<vmem>>, vector<1x16xf32>,
        %get3A_624 = arith.index_cast %add3A_507 : i32 to index
        %get3A_625 = arith.constant 112 : index
        %get3A_626 = tpu.vector_load %arg7[%get3A_624, %get3A_625] {strides = array<i32>} : memref<40x128xf32, #tpu.memory_space<vmem>>, vector<1x16xf32>,
        %get3A_627 = vector.shape_cast %get3A_626 : vector<1x16xf32> to vector<16xf32>
        %get3A_628 = arith.index_cast %add3A_507 : i32 to index
        %get3A_629 = arith.constant 112 : index
        %get3A_630 = tpu.vector_load %arg9[%get3A_628, %get3A_629] {strides = array<i32>} : memref<40x128xf32, #tpu.memory_space<vmem>>, vector<1x16xf32>,
        %get3A_631 = vector.shape_cast %get3A_630 : vector<1x16xf32> to vector<16xf32>
        %add3A_632 = arith.addf %get3A_627, %get3A_631 : vector<16xf32>
        %max3A_633 = arith.constant 0.000000e+00 : f32
        %max3A_634 = vector.broadcast %max3A_633 : f32 to vector<16xf32>
        %max3A_635 = arith.maximumf %add3A_632, %max3A_634 : vector<16xf32>
        %swap3A_636 = arith.index_cast %add3A_507 : i32 to index
        %swap3A_637 = arith.constant 112 : index
        %swap3A_638 = tpu.vector_load %arg11[%swap3A_636, %swap3A_637] {strides = array<i32>} : memref<40x128xf32, #tpu.memory_space<vmem>>, vector<1x16xf32>,
        %swap3A_639 = vector.shape_cast %swap3A_638 : vector<1x16xf32> to vector<16xf32>
        %swap3A_640 = vector.shape_cast %max3A_635 : vector<16xf32> to vector<1x16xf32>
        tpu.vector_store %arg11[%swap3A_636, %swap3A_637], %swap3A_640 {strides = array<i32>} : memref<40x128xf32, #tpu.memory_space<vmem>>, vector<1x16xf32>,
        %mul3A_641 = arith.constant 2 : i32
        %mul3A_642 = arith.muli %scan3A_503, %mul3A_641 : i32
        %add3A_643 = arith.constant 1 : i32
        %add3A_644 = arith.addi %mul3A_642, %add3A_643 : i32
        %get3A_645 = arith.index_cast %add3A_644 : i32 to index
        %get3A_646 = arith.constant 0 : index
        %get3A_647 = tpu.vector_load %arg7[%get3A_645, %get3A_646] {strides = array<i32>} : memref<40x128xf32, #tpu.memory_space<vmem>>, vector<1x16xf32>,
        %get3A_648 = vector.shape_cast %get3A_647 : vector<1x16xf32> to vector<16xf32>
        %get3A_649 = arith.index_cast %add3A_644 : i32 to index
        %get3A_650 = arith.constant 0 : index
        %get3A_651 = tpu.vector_load %arg9[%get3A_649, %get3A_650] {strides = array<i32>} : memref<40x128xf32, #tpu.memory_space<vmem>>, vector<1x16xf32>,
        %get3A_652 = vector.shape_cast %get3A_651 : vector<1x16xf32> to vector<16xf32>
        %add3A_653 = arith.addf %get3A_648, %get3A_652 : vector<16xf32>
        %max3A_654 = arith.constant 0.000000e+00 : f32
        %max3A_655 = vector.broadcast %max3A_654 : f32 to vector<16xf32>
        %max3A_656 = arith.maximumf %add3A_653, %max3A_655 : vector<16xf32>
        %swap3A_657 = arith.index_cast %add3A_644 : i32 to index
        %swap3A_658 = arith.constant 0 : index
        %swap3A_659 = tpu.vector_load %arg11[%swap3A_657, %swap3A_658] {strides = array<i32>} : memref<40x128xf32, #tpu.memory_space<vmem>>, vector<1x16xf32>,
        %swap3A_660 = vector.shape_cast %swap3A_659 : vector<1x16xf32> to vector<16xf32>
        %swap3A_661 = vector.shape_cast %max3A_656 : vector<16xf32> to vector<1x16xf32>
        tpu.vector_store %arg11[%swap3A_657, %swap3A_658], %swap3A_661 {strides = array<i32>} : memref<40x128xf32, #tpu.memory_space<vmem>>, vector<1x16xf32>,
        %get3A_662 = arith.index_cast %add3A_644 : i32 to index
        %get3A_663 = arith.constant 16 : index
        %get3A_664 = tpu.vector_load %arg7[%get3A_662, %get3A_663] {strides = array<i32>} : memref<40x128xf32, #tpu.memory_space<vmem>>, vector<1x16xf32>,
        %get3A_665 = vector.shape_cast %get3A_664 : vector<1x16xf32> to vector<16xf32>
        %get3A_666 = arith.index_cast %add3A_644 : i32 to index
        %get3A_667 = arith.constant 16 : index
        %get3A_668 = tpu.vector_load %arg9[%get3A_666, %get3A_667] {strides = array<i32>} : memref<40x128xf32, #tpu.memory_space<vmem>>, vector<1x16xf32>,
        %get3A_669 = vector.shape_cast %get3A_668 : vector<1x16xf32> to vector<16xf32>
        %add3A_670 = arith.addf %get3A_665, %get3A_669 : vector<16xf32>
        %max3A_671 = arith.constant 0.000000e+00 : f32
        %max3A_672 = vector.broadcast %max3A_671 : f32 to vector<16xf32>
        %max3A_673 = arith.maximumf %add3A_670, %max3A_672 : vector<16xf32>
        %swap3A_674 = arith.index_cast %add3A_644 : i32 to index
        %swap3A_675 = arith.constant 16 : index
        %swap3A_676 = tpu.vector_load %arg11[%swap3A_674, %swap3A_675] {strides = array<i32>} : memref<40x128xf32, #tpu.memory_space<vmem>>, vector<1x16xf32>,
        %swap3A_677 = vector.shape_cast %swap3A_676 : vector<1x16xf32> to vector<16xf32>
        %swap3A_678 = vector.shape_cast %max3A_673 : vector<16xf32> to vector<1x16xf32>
        tpu.vector_store %arg11[%swap3A_674, %swap3A_675], %swap3A_678 {strides = array<i32>} : memref<40x128xf32, #tpu.memory_space<vmem>>, vector<1x16xf32>,
        %get3A_679 = arith.index_cast %add3A_644 : i32 to index
        %get3A_680 = arith.constant 32 : index
        %get3A_681 = tpu.vector_load %arg7[%get3A_679, %get3A_680] {strides = array<i32>} : memref<40x128xf32, #tpu.memory_space<vmem>>, vector<1x16xf32>,
        %get3A_682 = vector.shape_cast %get3A_681 : vector<1x16xf32> to vector<16xf32>
        %get3A_683 = arith.index_cast %add3A_644 : i32 to index
        %get3A_684 = arith.constant 32 : index
        %get3A_685 = tpu.vector_load %arg9[%get3A_683, %get3A_684] {strides = array<i32>} : memref<40x128xf32, #tpu.memory_space<vmem>>, vector<1x16xf32>,
        %get3A_686 = vector.shape_cast %get3A_685 : vector<1x16xf32> to vector<16xf32>
        %add3A_687 = arith.addf %get3A_682, %get3A_686 : vector<16xf32>
        %max3A_688 = arith.constant 0.000000e+00 : f32
        %max3A_689 = vector.broadcast %max3A_688 : f32 to vector<16xf32>
        %max3A_690 = arith.maximumf %add3A_687, %max3A_689 : vector<16xf32>
        %swap3A_691 = arith.index_cast %add3A_644 : i32 to index
        %swap3A_692 = arith.constant 32 : index
        %swap3A_693 = tpu.vector_load %arg11[%swap3A_691, %swap3A_692] {strides = array<i32>} : memref<40x128xf32, #tpu.memory_space<vmem>>, vector<1x16xf32>,
        %swap3A_694 = vector.shape_cast %swap3A_693 : vector<1x16xf32> to vector<16xf32>
        %swap3A_695 = vector.shape_cast %max3A_690 : vector<16xf32> to vector<1x16xf32>
        tpu.vector_store %arg11[%swap3A_691, %swap3A_692], %swap3A_695 {strides = array<i32>} : memref<40x128xf32, #tpu.memory_space<vmem>>, vector<1x16xf32>,
        %get3A_696 = arith.index_cast %add3A_644 : i32 to index
        %get3A_697 = arith.constant 48 : index
        %get3A_698 = tpu.vector_load %arg7[%get3A_696, %get3A_697] {strides = array<i32>} : memref<40x128xf32, #tpu.memory_space<vmem>>, vector<1x16xf32>,
        %get3A_699 = vector.shape_cast %get3A_698 : vector<1x16xf32> to vector<16xf32>
        %get3A_700 = arith.index_cast %add3A_644 : i32 to index
        %get3A_701 = arith.constant 48 : index
        %get3A_702 = tpu.vector_load %arg9[%get3A_700, %get3A_701] {strides = array<i32>} : memref<40x128xf32, #tpu.memory_space<vmem>>, vector<1x16xf32>,
        %get3A_703 = vector.shape_cast %get3A_702 : vector<1x16xf32> to vector<16xf32>
        %add3A_704 = arith.addf %get3A_699, %get3A_703 : vector<16xf32>
        %max3A_705 = arith.constant 0.000000e+00 : f32
        %max3A_706 = vector.broadcast %max3A_705 : f32 to vector<16xf32>
        %max3A_707 = arith.maximumf %add3A_704, %max3A_706 : vector<16xf32>
        %swap3A_708 = arith.index_cast %add3A_644 : i32 to index
        %swap3A_709 = arith.constant 48 : index
        %swap3A_710 = tpu.vector_load %arg11[%swap3A_708, %swap3A_709] {strides = array<i32>} : memref<40x128xf32, #tpu.memory_space<vmem>>, vector<1x16xf32>,
        %swap3A_711 = vector.shape_cast %swap3A_710 : vector<1x16xf32> to vector<16xf32>
        %swap3A_712 = vector.shape_cast %max3A_707 : vector<16xf32> to vector<1x16xf32>
        tpu.vector_store %arg11[%swap3A_708, %swap3A_709], %swap3A_712 {strides = array<i32>} : memref<40x128xf32, #tpu.memory_space<vmem>>, vector<1x16xf32>,
        %get3A_713 = arith.index_cast %add3A_644 : i32 to index
        %get3A_714 = arith.constant 64 : index
        %get3A_715 = tpu.vector_load %arg7[%get3A_713, %get3A_714] {strides = array<i32>} : memref<40x128xf32, #tpu.memory_space<vmem>>, vector<1x16xf32>,
        %get3A_716 = vector.shape_cast %get3A_715 : vector<1x16xf32> to vector<16xf32>
        %get3A_717 = arith.index_cast %add3A_644 : i32 to index
        %get3A_718 = arith.constant 64 : index
        %get3A_719 = tpu.vector_load %arg9[%get3A_717, %get3A_718] {strides = array<i32>} : memref<40x128xf32, #tpu.memory_space<vmem>>, vector<1x16xf32>,
        %get3A_720 = vector.shape_cast %get3A_719 : vector<1x16xf32> to vector<16xf32>
        %add3A_721 = arith.addf %get3A_716, %get3A_720 : vector<16xf32>
        %max3A_722 = arith.constant 0.000000e+00 : f32
        %max3A_723 = vector.broadcast %max3A_722 : f32 to vector<16xf32>
        %max3A_724 = arith.maximumf %add3A_721, %max3A_723 : vector<16xf32>
        %swap3A_725 = arith.index_cast %add3A_644 : i32 to index
        %swap3A_726 = arith.constant 64 : index
        %swap3A_727 = tpu.vector_load %arg11[%swap3A_725, %swap3A_726] {strides = array<i32>} : memref<40x128xf32, #tpu.memory_space<vmem>>, vector<1x16xf32>,
        %swap3A_728 = vector.shape_cast %swap3A_727 : vector<1x16xf32> to vector<16xf32>
        %swap3A_729 = vector.shape_cast %max3A_724 : vector<16xf32> to vector<1x16xf32>
        tpu.vector_store %arg11[%swap3A_725, %swap3A_726], %swap3A_729 {strides = array<i32>} : memref<40x128xf32, #tpu.memory_space<vmem>>, vector<1x16xf32>,
        %get3A_730 = arith.index_cast %add3A_644 : i32 to index
        %get3A_731 = arith.constant 80 : index
        %get3A_732 = tpu.vector_load %arg7[%get3A_730, %get3A_731] {strides = array<i32>} : memref<40x128xf32, #tpu.memory_space<vmem>>, vector<1x16xf32>,
        %get3A_733 = vector.shape_cast %get3A_732 : vector<1x16xf32> to vector<16xf32>
        %get3A_734 = arith.index_cast %add3A_644 : i32 to index
        %get3A_735 = arith.constant 80 : index
        %get3A_736 = tpu.vector_load %arg9[%get3A_734, %get3A_735] {strides = array<i32>} : memref<40x128xf32, #tpu.memory_space<vmem>>, vector<1x16xf32>,
        %get3A_737 = vector.shape_cast %get3A_736 : vector<1x16xf32> to vector<16xf32>
        %add3A_738 = arith.addf %get3A_733, %get3A_737 : vector<16xf32>
        %max3A_739 = arith.constant 0.000000e+00 : f32
        %max3A_740 = vector.broadcast %max3A_739 : f32 to vector<16xf32>
        %max3A_741 = arith.maximumf %add3A_738, %max3A_740 : vector<16xf32>
        %swap3A_742 = arith.index_cast %add3A_644 : i32 to index
        %swap3A_743 = arith.constant 80 : index
        %swap3A_744 = tpu.vector_load %arg11[%swap3A_742, %swap3A_743] {strides = array<i32>} : memref<40x128xf32, #tpu.memory_space<vmem>>, vector<1x16xf32>,
        %swap3A_745 = vector.shape_cast %swap3A_744 : vector<1x16xf32> to vector<16xf32>
        %swap3A_746 = vector.shape_cast %max3A_741 : vector<16xf32> to vector<1x16xf32>
        tpu.vector_store %arg11[%swap3A_742, %swap3A_743], %swap3A_746 {strides = array<i32>} : memref<40x128xf32, #tpu.memory_space<vmem>>, vector<1x16xf32>,
        %get3A_747 = arith.index_cast %add3A_644 : i32 to index
        %get3A_748 = arith.constant 96 : index
        %get3A_749 = tpu.vector_load %arg7[%get3A_747, %get3A_748] {strides = array<i32>} : memref<40x128xf32, #tpu.memory_space<vmem>>, vector<1x16xf32>,
        %get3A_750 = vector.shape_cast %get3A_749 : vector<1x16xf32> to vector<16xf32>
        %get3A_751 = arith.index_cast %add3A_644 : i32 to index
        %get3A_752 = arith.constant 96 : index
        %get3A_753 = tpu.vector_load %arg9[%get3A_751, %get3A_752] {strides = array<i32>} : memref<40x128xf32, #tpu.memory_space<vmem>>, vector<1x16xf32>,
        %get3A_754 = vector.shape_cast %get3A_753 : vector<1x16xf32> to vector<16xf32>
        %add3A_755 = arith.addf %get3A_750, %get3A_754 : vector<16xf32>
        %max3A_756 = arith.constant 0.000000e+00 : f32
        %max3A_757 = vector.broadcast %max3A_756 : f32 to vector<16xf32>
        %max3A_758 = arith.maximumf %add3A_755, %max3A_757 : vector<16xf32>
        %swap3A_759 = arith.index_cast %add3A_644 : i32 to index
        %swap3A_760 = arith.constant 96 : index
        %swap3A_761 = tpu.vector_load %arg11[%swap3A_759, %swap3A_760] {strides = array<i32>} : memref<40x128xf32, #tpu.memory_space<vmem>>, vector<1x16xf32>,
        %swap3A_762 = vector.shape_cast %swap3A_761 : vector<1x16xf32> to vector<16xf32>
        %swap3A_763 = vector.shape_cast %max3A_758 : vector<16xf32> to vector<1x16xf32>
        tpu.vector_store %arg11[%swap3A_759, %swap3A_760], %swap3A_763 {strides = array<i32>} : memref<40x128xf32, #tpu.memory_space<vmem>>, vector<1x16xf32>,
        %get3A_764 = arith.index_cast %add3A_644 : i32 to index
        %get3A_765 = arith.constant 112 : index
        %get3A_766 = tpu.vector_load %arg7[%get3A_764, %get3A_765] {strides = array<i32>} : memref<40x128xf32, #tpu.memory_space<vmem>>, vector<1x16xf32>,
        %get3A_767 = vector.shape_cast %get3A_766 : vector<1x16xf32> to vector<16xf32>
        %get3A_768 = arith.index_cast %add3A_644 : i32 to index
        %get3A_769 = arith.constant 112 : index
        %get3A_770 = tpu.vector_load %arg9[%get3A_768, %get3A_769] {strides = array<i32>} : memref<40x128xf32, #tpu.memory_space<vmem>>, vector<1x16xf32>,
        %get3A_771 = vector.shape_cast %get3A_770 : vector<1x16xf32> to vector<16xf32>
        %add3A_772 = arith.addf %get3A_767, %get3A_771 : vector<16xf32>
        %max3A_773 = arith.constant 0.000000e+00 : f32
        %max3A_774 = vector.broadcast %max3A_773 : f32 to vector<16xf32>
        %max3A_775 = arith.maximumf %add3A_772, %max3A_774 : vector<16xf32>
        %swap3A_776 = arith.index_cast %add3A_644 : i32 to index
        %swap3A_777 = arith.constant 112 : index
        %swap3A_778 = tpu.vector_load %arg11[%swap3A_776, %swap3A_777] {strides = array<i32>} : memref<40x128xf32, #tpu.memory_space<vmem>>, vector<1x16xf32>,
        %swap3A_779 = vector.shape_cast %swap3A_778 : vector<1x16xf32> to vector<16xf32>
        %swap3A_780 = vector.shape_cast %max3A_775 : vector<16xf32> to vector<1x16xf32>
        tpu.vector_store %arg11[%swap3A_776, %swap3A_777], %swap3A_780 {strides = array<i32>} : memref<40x128xf32, #tpu.memory_space<vmem>>, vector<1x16xf32>,
      }
      %scan3A_271 = arith.constant 20 : i32
      %dma_wait3A_272 = arith.constant 0 : i32
      %dma_wait3A_273 = tpu.memref_slice %arg5[%dma_wait3A_272] : memref<320000xi32, #tpu.memory_space<hbm>> -> memref<40xi32, #tpu.memory_space<hbm>>
      %dma_wait3A_274 = arith.constant 0 : i32
      %dma_wait3A_275 = tpu.memref_slice %arg5[%dma_wait3A_274] : memref<320000xi32, #tpu.memory_space<hbm>> -> memref<40xi32, #tpu.memory_space<hbm>>
      tpu.wait_dma2 semaphore(%arg40 : memref<!tpu.dma_semaphore, #tpu.memory_space<semaphore_mem>>) src(%dma_wait3A_275 : memref<40xi32, #tpu.memory_space<hbm>>) dst(%arg21 : memref<40xi32, #tpu.memory_space<vmem>>)
      %dma_start3A_276 = arith.constant 0 : i32
      %dma_start3A_277 = arith.constant 0 : i32
      %dma_start3A_278 = tpu.memref_slice %arg25[%dma_start3A_276, %dma_start3A_277] : memref<10240x128xf32, #tpu.memory_space<vmem_shared>> -> memref<10240x128xf32, #tpu.memory_space<vmem_shared>>
      tpu.enqueue_indirect_dma source(%arg11 : memref<40x128xf32, #tpu.memory_space<vmem>>) target(%dma_start3A_278 : memref<10240x128xf32, #tpu.memory_space<vmem_shared>>) offsets(%arg21 : memref<40xi32, #tpu.memory_space<vmem>>) semaphore(%arg30 : memref<!tpu.dma_semaphore, #tpu.memory_space<semaphore_mem>>) {add = true}
      %add3A_279 = arith.constant 2 : i32
      %add3A_280 = arith.addi %add3A_252, %add3A_279 : i32
      %lt3A_281 = arith.constant 250 : i32
      %lt3A_282 = arith.cmpi slt, %add3A_280, %lt3A_281 : i32
      %convert_element_type3A_283 = arith.extui %lt3A_282 : i1 to i32
      %cond3A_284 = arith.constant 0 : i32
      %cond3A_285 = arith.cmpi ne, %convert_element_type3A_283, %cond3A_284 : i32
      scf.if %cond3A_285 {
        %dma_wait3A_503 = arith.constant 0 : i32
        %dma_wait3A_504 = tpu.memref_slice %arg4[%dma_wait3A_503] : memref<320000xi32, #tpu.memory_space<hbm>> -> memref<40xi32, #tpu.memory_space<hbm>>
        %dma_wait3A_505 = arith.constant 0 : i32
        %dma_wait3A_506 = tpu.memref_slice %arg4[%dma_wait3A_505] : memref<320000xi32, #tpu.memory_space<hbm>> -> memref<40xi32, #tpu.memory_space<hbm>>
        tpu.wait_dma2 semaphore(%arg34 : memref<!tpu.dma_semaphore, #tpu.memory_space<semaphore_mem>>) src(%dma_wait3A_506 : memref<40xi32, #tpu.memory_space<hbm>>) dst(%arg15 : memref<40xi32, #tpu.memory_space<vmem>>)
        %add3A_507 = arith.constant 2 : i32
        %add3A_508 = arith.addi %add3A_252, %add3A_507 : i32
        %dma_start3A_509 = arith.constant 0 : i32
        %dma_start3A_510 = arith.constant 0 : i32
        %dma_start3A_511 = tpu.memref_slice %arg2[%dma_start3A_509, %dma_start3A_510] : memref<10000x128xf32, #tpu.memory_space<hbm>> -> memref<10000x128xf32, #tpu.memory_space<hbm>>
        tpu.enqueue_indirect_dma source(%dma_start3A_511 : memref<10000x128xf32, #tpu.memory_space<hbm>>) target(%arg7 : memref<40x128xf32, #tpu.memory_space<vmem>>) offsets(%arg15 : memref<40xi32, #tpu.memory_space<vmem>>) semaphore(%arg26 : memref<!tpu.dma_semaphore, #tpu.memory_space<semaphore_mem>>)
        %mul3A_512 = arith.constant 40 : i32
        %mul3A_513 = arith.muli %add3A_508, %mul3A_512 : i32
        %add3A_514 = arith.addi %mul3A_2, %mul3A_513 : i32
        %dma_start3A_515 = arith.constant 0 : i32
        %dma_start3A_516 = tpu.memref_slice %arg3[%add3A_514, %dma_start3A_515] : memref<320000x128xf32, #tpu.memory_space<hbm>> -> memref<40x128xf32, #tpu.memory_space<hbm>>
        %dma_start3A_517 = arith.constant 0 : i32
        %dma_start3A_518 = tpu.memref_slice %arg3[%add3A_514, %dma_start3A_517] : memref<320000x128xf32, #tpu.memory_space<hbm>> -> memref<40x128xf32, #tpu.memory_space<hbm>>
        tpu.enqueue_dma source(%dma_start3A_518 : memref<40x128xf32, #tpu.memory_space<hbm>>) target(%arg9 : memref<40x128xf32, #tpu.memory_space<vmem>>) target_semaphore(%arg28 : memref<!tpu.dma_semaphore, #tpu.memory_space<semaphore_mem>>)
      } else {
      }
      %add3A_286 = arith.constant 3 : i32
      %add3A_287 = arith.addi %add3A_252, %add3A_286 : i32
      %lt3A_288 = arith.constant 250 : i32
      %lt3A_289 = arith.cmpi slt, %add3A_287, %lt3A_288 : i32
      %convert_element_type3A_290 = arith.extui %lt3A_289 : i1 to i32
      %cond3A_291 = arith.constant 0 : i32
      %cond3A_292 = arith.cmpi ne, %convert_element_type3A_290, %cond3A_291 : i32
      scf.if %cond3A_292 {
        %add3A_503 = arith.constant 3 : i32
        %add3A_504 = arith.addi %add3A_252, %add3A_503 : i32
        %mul3A_505 = arith.constant 40 : i32
        %mul3A_506 = arith.muli %add3A_504, %mul3A_505 : i32
        %add3A_507 = arith.addi %mul3A_2, %mul3A_506 : i32
        %dma_start3A_508 = tpu.memref_slice %arg4[%add3A_507] : memref<320000xi32, #tpu.memory_space<hbm>> -> memref<40xi32, #tpu.memory_space<hbm>>
        %dma_start3A_509 = tpu.memref_slice %arg4[%add3A_507] : memref<320000xi32, #tpu.memory_space<hbm>> -> memref<40xi32, #tpu.memory_space<hbm>>
        tpu.enqueue_dma source(%dma_start3A_509 : memref<40xi32, #tpu.memory_space<hbm>>) target(%arg16 : memref<40xi32, #tpu.memory_space<vmem>>) target_semaphore(%arg35 : memref<!tpu.dma_semaphore, #tpu.memory_space<semaphore_mem>>)
        %mul3A_510 = arith.constant 40 : i32
        %mul3A_511 = arith.muli %add3A_504, %mul3A_510 : i32
        %add3A_512 = arith.addi %mul3A_2, %mul3A_511 : i32
        %dma_start3A_513 = tpu.memref_slice %arg5[%add3A_512] : memref<320000xi32, #tpu.memory_space<hbm>> -> memref<40xi32, #tpu.memory_space<hbm>>
        %dma_start3A_514 = tpu.memref_slice %arg5[%add3A_512] : memref<320000xi32, #tpu.memory_space<hbm>> -> memref<40xi32, #tpu.memory_space<hbm>>
        tpu.enqueue_dma source(%dma_start3A_514 : memref<40xi32, #tpu.memory_space<hbm>>) target(%arg24 : memref<40xi32, #tpu.memory_space<vmem>>) target_semaphore(%arg43 : memref<!tpu.dma_semaphore, #tpu.memory_space<semaphore_mem>>)
      } else {
      }
      %add3A_293 = arith.constant 3 : i32
      %add3A_294 = arith.addi %add3A_169, %add3A_293 : i32
      %dma_wait3A_295 = arith.constant 0 : i32
      %dma_wait3A_296 = arith.constant 0 : i32
      %dma_wait3A_297 = tpu.memref_slice %arg2[%dma_wait3A_295, %dma_wait3A_296] : memref<10000x128xf32, #tpu.memory_space<hbm>> -> memref<10000x128xf32, #tpu.memory_space<hbm>>
      tpu.wait_indirect_dma semaphore(%arg27 : memref<!tpu.dma_semaphore, #tpu.memory_space<semaphore_mem>>) src(%dma_wait3A_297 : memref<10000x128xf32, #tpu.memory_space<hbm>>) dst(%arg8 : memref<40x128xf32, #tpu.memory_space<vmem>>)
      %mul3A_298 = arith.constant 40 : i32
      %mul3A_299 = arith.muli %add3A_294, %mul3A_298 : i32
      %add3A_300 = arith.addi %mul3A_2, %mul3A_299 : i32
      %dma_wait3A_301 = arith.constant 0 : i32
      %dma_wait3A_302 = tpu.memref_slice %arg3[%add3A_300, %dma_wait3A_301] : memref<320000x128xf32, #tpu.memory_space<hbm>> -> memref<40x128xf32, #tpu.memory_space<hbm>>
      %dma_wait3A_303 = arith.constant 0 : i32
      %dma_wait3A_304 = tpu.memref_slice %arg3[%add3A_300, %dma_wait3A_303] : memref<320000x128xf32, #tpu.memory_space<hbm>> -> memref<40x128xf32, #tpu.memory_space<hbm>>
      tpu.wait_dma2 semaphore(%arg29 : memref<!tpu.dma_semaphore, #tpu.memory_space<semaphore_mem>>) src(%dma_wait3A_304 : memref<40x128xf32, #tpu.memory_space<hbm>>) dst(%arg10 : memref<40x128xf32, #tpu.memory_space<vmem>>)
      %dma_wait3A_305 = arith.constant 0 : i32
      %dma_wait3A_306 = arith.constant 0 : i32
      %dma_wait3A_307 = tpu.memref_slice %arg25[%dma_wait3A_305, %dma_wait3A_306] : memref<10240x128xf32, #tpu.memory_space<vmem_shared>> -> memref<10240x128xf32, #tpu.memory_space<vmem_shared>>
      tpu.wait_indirect_dma semaphore(%arg31 : memref<!tpu.dma_semaphore, #tpu.memory_space<semaphore_mem>>) src(%arg12 : memref<40x128xf32, #tpu.memory_space<vmem>>) dst(%dma_wait3A_307 : memref<10240x128xf32, #tpu.memory_space<vmem_shared>>)
      %scan3A_308 = arith.constant 0 : i32
      %scan3A_309 = arith.constant 0 : i32
      %scan3A_310 = arith.constant 20 : i32
      %scan3A_311 = arith.addi %scan3A_309, %scan3A_310 : i32
      %scan3A_312 = arith.constant 1 : i32
      scf.for %scan3A_503 = %scan3A_309 to %scan3A_311 step %scan3A_312  : i32 {
        %mul3A_504 = arith.constant 2 : i32
        %mul3A_505 = arith.muli %scan3A_503, %mul3A_504 : i32
        %add3A_506 = arith.constant 0 : i32
        %add3A_507 = arith.addi %mul3A_505, %add3A_506 : i32
        %get3A = arith.index_cast %add3A_507 : i32 to index
        %get3A_508 = arith.constant 0 : index
        %get3A_509 = tpu.vector_load %arg8[%get3A, %get3A_508] {strides = array<i32>} : memref<40x128xf32, #tpu.memory_space<vmem>>, vector<1x16xf32>,
        %get3A_510 = vector.shape_cast %get3A_509 : vector<1x16xf32> to vector<16xf32>
        %get3A_511 = arith.index_cast %add3A_507 : i32 to index
        %get3A_512 = arith.constant 0 : index
        %get3A_513 = tpu.vector_load %arg10[%get3A_511, %get3A_512] {strides = array<i32>} : memref<40x128xf32, #tpu.memory_space<vmem>>, vector<1x16xf32>,
        %get3A_514 = vector.shape_cast %get3A_513 : vector<1x16xf32> to vector<16xf32>
        %add3A_515 = arith.addf %get3A_510, %get3A_514 : vector<16xf32>
        %max3A = arith.constant 0.000000e+00 : f32
        %max3A_516 = vector.broadcast %max3A : f32 to vector<16xf32>
        %max3A_517 = arith.maximumf %add3A_515, %max3A_516 : vector<16xf32>
        %swap3A = arith.index_cast %add3A_507 : i32 to index
        %swap3A_518 = arith.constant 0 : index
        %swap3A_519 = tpu.vector_load %arg12[%swap3A, %swap3A_518] {strides = array<i32>} : memref<40x128xf32, #tpu.memory_space<vmem>>, vector<1x16xf32>,
        %swap3A_520 = vector.shape_cast %swap3A_519 : vector<1x16xf32> to vector<16xf32>
        %swap3A_521 = vector.shape_cast %max3A_517 : vector<16xf32> to vector<1x16xf32>
        tpu.vector_store %arg12[%swap3A, %swap3A_518], %swap3A_521 {strides = array<i32>} : memref<40x128xf32, #tpu.memory_space<vmem>>, vector<1x16xf32>,
        %get3A_522 = arith.index_cast %add3A_507 : i32 to index
        %get3A_523 = arith.constant 16 : index
        %get3A_524 = tpu.vector_load %arg8[%get3A_522, %get3A_523] {strides = array<i32>} : memref<40x128xf32, #tpu.memory_space<vmem>>, vector<1x16xf32>,
        %get3A_525 = vector.shape_cast %get3A_524 : vector<1x16xf32> to vector<16xf32>
        %get3A_526 = arith.index_cast %add3A_507 : i32 to index
        %get3A_527 = arith.constant 16 : index
        %get3A_528 = tpu.vector_load %arg10[%get3A_526, %get3A_527] {strides = array<i32>} : memref<40x128xf32, #tpu.memory_space<vmem>>, vector<1x16xf32>,
        %get3A_529 = vector.shape_cast %get3A_528 : vector<1x16xf32> to vector<16xf32>
        %add3A_530 = arith.addf %get3A_525, %get3A_529 : vector<16xf32>
        %max3A_531 = arith.constant 0.000000e+00 : f32
        %max3A_532 = vector.broadcast %max3A_531 : f32 to vector<16xf32>
        %max3A_533 = arith.maximumf %add3A_530, %max3A_532 : vector<16xf32>
        %swap3A_534 = arith.index_cast %add3A_507 : i32 to index
        %swap3A_535 = arith.constant 16 : index
        %swap3A_536 = tpu.vector_load %arg12[%swap3A_534, %swap3A_535] {strides = array<i32>} : memref<40x128xf32, #tpu.memory_space<vmem>>, vector<1x16xf32>,
        %swap3A_537 = vector.shape_cast %swap3A_536 : vector<1x16xf32> to vector<16xf32>
        %swap3A_538 = vector.shape_cast %max3A_533 : vector<16xf32> to vector<1x16xf32>
        tpu.vector_store %arg12[%swap3A_534, %swap3A_535], %swap3A_538 {strides = array<i32>} : memref<40x128xf32, #tpu.memory_space<vmem>>, vector<1x16xf32>,
        %get3A_539 = arith.index_cast %add3A_507 : i32 to index
        %get3A_540 = arith.constant 32 : index
        %get3A_541 = tpu.vector_load %arg8[%get3A_539, %get3A_540] {strides = array<i32>} : memref<40x128xf32, #tpu.memory_space<vmem>>, vector<1x16xf32>,
        %get3A_542 = vector.shape_cast %get3A_541 : vector<1x16xf32> to vector<16xf32>
        %get3A_543 = arith.index_cast %add3A_507 : i32 to index
        %get3A_544 = arith.constant 32 : index
        %get3A_545 = tpu.vector_load %arg10[%get3A_543, %get3A_544] {strides = array<i32>} : memref<40x128xf32, #tpu.memory_space<vmem>>, vector<1x16xf32>,
        %get3A_546 = vector.shape_cast %get3A_545 : vector<1x16xf32> to vector<16xf32>
        %add3A_547 = arith.addf %get3A_542, %get3A_546 : vector<16xf32>
        %max3A_548 = arith.constant 0.000000e+00 : f32
        %max3A_549 = vector.broadcast %max3A_548 : f32 to vector<16xf32>
        %max3A_550 = arith.maximumf %add3A_547, %max3A_549 : vector<16xf32>
        %swap3A_551 = arith.index_cast %add3A_507 : i32 to index
        %swap3A_552 = arith.constant 32 : index
        %swap3A_553 = tpu.vector_load %arg12[%swap3A_551, %swap3A_552] {strides = array<i32>} : memref<40x128xf32, #tpu.memory_space<vmem>>, vector<1x16xf32>,
        %swap3A_554 = vector.shape_cast %swap3A_553 : vector<1x16xf32> to vector<16xf32>
        %swap3A_555 = vector.shape_cast %max3A_550 : vector<16xf32> to vector<1x16xf32>
        tpu.vector_store %arg12[%swap3A_551, %swap3A_552], %swap3A_555 {strides = array<i32>} : memref<40x128xf32, #tpu.memory_space<vmem>>, vector<1x16xf32>,
        %get3A_556 = arith.index_cast %add3A_507 : i32 to index
        %get3A_557 = arith.constant 48 : index
        %get3A_558 = tpu.vector_load %arg8[%get3A_556, %get3A_557] {strides = array<i32>} : memref<40x128xf32, #tpu.memory_space<vmem>>, vector<1x16xf32>,
        %get3A_559 = vector.shape_cast %get3A_558 : vector<1x16xf32> to vector<16xf32>
        %get3A_560 = arith.index_cast %add3A_507 : i32 to index
        %get3A_561 = arith.constant 48 : index
        %get3A_562 = tpu.vector_load %arg10[%get3A_560, %get3A_561] {strides = array<i32>} : memref<40x128xf32, #tpu.memory_space<vmem>>, vector<1x16xf32>,
        %get3A_563 = vector.shape_cast %get3A_562 : vector<1x16xf32> to vector<16xf32>
        %add3A_564 = arith.addf %get3A_559, %get3A_563 : vector<16xf32>
        %max3A_565 = arith.constant 0.000000e+00 : f32
        %max3A_566 = vector.broadcast %max3A_565 : f32 to vector<16xf32>
        %max3A_567 = arith.maximumf %add3A_564, %max3A_566 : vector<16xf32>
        %swap3A_568 = arith.index_cast %add3A_507 : i32 to index
        %swap3A_569 = arith.constant 48 : index
        %swap3A_570 = tpu.vector_load %arg12[%swap3A_568, %swap3A_569] {strides = array<i32>} : memref<40x128xf32, #tpu.memory_space<vmem>>, vector<1x16xf32>,
        %swap3A_571 = vector.shape_cast %swap3A_570 : vector<1x16xf32> to vector<16xf32>
        %swap3A_572 = vector.shape_cast %max3A_567 : vector<16xf32> to vector<1x16xf32>
        tpu.vector_store %arg12[%swap3A_568, %swap3A_569], %swap3A_572 {strides = array<i32>} : memref<40x128xf32, #tpu.memory_space<vmem>>, vector<1x16xf32>,
        %get3A_573 = arith.index_cast %add3A_507 : i32 to index
        %get3A_574 = arith.constant 64 : index
        %get3A_575 = tpu.vector_load %arg8[%get3A_573, %get3A_574] {strides = array<i32>} : memref<40x128xf32, #tpu.memory_space<vmem>>, vector<1x16xf32>,
        %get3A_576 = vector.shape_cast %get3A_575 : vector<1x16xf32> to vector<16xf32>
        %get3A_577 = arith.index_cast %add3A_507 : i32 to index
        %get3A_578 = arith.constant 64 : index
        %get3A_579 = tpu.vector_load %arg10[%get3A_577, %get3A_578] {strides = array<i32>} : memref<40x128xf32, #tpu.memory_space<vmem>>, vector<1x16xf32>,
        %get3A_580 = vector.shape_cast %get3A_579 : vector<1x16xf32> to vector<16xf32>
        %add3A_581 = arith.addf %get3A_576, %get3A_580 : vector<16xf32>
        %max3A_582 = arith.constant 0.000000e+00 : f32
        %max3A_583 = vector.broadcast %max3A_582 : f32 to vector<16xf32>
        %max3A_584 = arith.maximumf %add3A_581, %max3A_583 : vector<16xf32>
        %swap3A_585 = arith.index_cast %add3A_507 : i32 to index
        %swap3A_586 = arith.constant 64 : index
        %swap3A_587 = tpu.vector_load %arg12[%swap3A_585, %swap3A_586] {strides = array<i32>} : memref<40x128xf32, #tpu.memory_space<vmem>>, vector<1x16xf32>,
        %swap3A_588 = vector.shape_cast %swap3A_587 : vector<1x16xf32> to vector<16xf32>
        %swap3A_589 = vector.shape_cast %max3A_584 : vector<16xf32> to vector<1x16xf32>
        tpu.vector_store %arg12[%swap3A_585, %swap3A_586], %swap3A_589 {strides = array<i32>} : memref<40x128xf32, #tpu.memory_space<vmem>>, vector<1x16xf32>,
        %get3A_590 = arith.index_cast %add3A_507 : i32 to index
        %get3A_591 = arith.constant 80 : index
        %get3A_592 = tpu.vector_load %arg8[%get3A_590, %get3A_591] {strides = array<i32>} : memref<40x128xf32, #tpu.memory_space<vmem>>, vector<1x16xf32>,
        %get3A_593 = vector.shape_cast %get3A_592 : vector<1x16xf32> to vector<16xf32>
        %get3A_594 = arith.index_cast %add3A_507 : i32 to index
        %get3A_595 = arith.constant 80 : index
        %get3A_596 = tpu.vector_load %arg10[%get3A_594, %get3A_595] {strides = array<i32>} : memref<40x128xf32, #tpu.memory_space<vmem>>, vector<1x16xf32>,
        %get3A_597 = vector.shape_cast %get3A_596 : vector<1x16xf32> to vector<16xf32>
        %add3A_598 = arith.addf %get3A_593, %get3A_597 : vector<16xf32>
        %max3A_599 = arith.constant 0.000000e+00 : f32
        %max3A_600 = vector.broadcast %max3A_599 : f32 to vector<16xf32>
        %max3A_601 = arith.maximumf %add3A_598, %max3A_600 : vector<16xf32>
        %swap3A_602 = arith.index_cast %add3A_507 : i32 to index
        %swap3A_603 = arith.constant 80 : index
        %swap3A_604 = tpu.vector_load %arg12[%swap3A_602, %swap3A_603] {strides = array<i32>} : memref<40x128xf32, #tpu.memory_space<vmem>>, vector<1x16xf32>,
        %swap3A_605 = vector.shape_cast %swap3A_604 : vector<1x16xf32> to vector<16xf32>
        %swap3A_606 = vector.shape_cast %max3A_601 : vector<16xf32> to vector<1x16xf32>
        tpu.vector_store %arg12[%swap3A_602, %swap3A_603], %swap3A_606 {strides = array<i32>} : memref<40x128xf32, #tpu.memory_space<vmem>>, vector<1x16xf32>,
        %get3A_607 = arith.index_cast %add3A_507 : i32 to index
        %get3A_608 = arith.constant 96 : index
        %get3A_609 = tpu.vector_load %arg8[%get3A_607, %get3A_608] {strides = array<i32>} : memref<40x128xf32, #tpu.memory_space<vmem>>, vector<1x16xf32>,
        %get3A_610 = vector.shape_cast %get3A_609 : vector<1x16xf32> to vector<16xf32>
        %get3A_611 = arith.index_cast %add3A_507 : i32 to index
        %get3A_612 = arith.constant 96 : index
        %get3A_613 = tpu.vector_load %arg10[%get3A_611, %get3A_612] {strides = array<i32>} : memref<40x128xf32, #tpu.memory_space<vmem>>, vector<1x16xf32>,
        %get3A_614 = vector.shape_cast %get3A_613 : vector<1x16xf32> to vector<16xf32>
        %add3A_615 = arith.addf %get3A_610, %get3A_614 : vector<16xf32>
        %max3A_616 = arith.constant 0.000000e+00 : f32
        %max3A_617 = vector.broadcast %max3A_616 : f32 to vector<16xf32>
        %max3A_618 = arith.maximumf %add3A_615, %max3A_617 : vector<16xf32>
        %swap3A_619 = arith.index_cast %add3A_507 : i32 to index
        %swap3A_620 = arith.constant 96 : index
        %swap3A_621 = tpu.vector_load %arg12[%swap3A_619, %swap3A_620] {strides = array<i32>} : memref<40x128xf32, #tpu.memory_space<vmem>>, vector<1x16xf32>,
        %swap3A_622 = vector.shape_cast %swap3A_621 : vector<1x16xf32> to vector<16xf32>
        %swap3A_623 = vector.shape_cast %max3A_618 : vector<16xf32> to vector<1x16xf32>
        tpu.vector_store %arg12[%swap3A_619, %swap3A_620], %swap3A_623 {strides = array<i32>} : memref<40x128xf32, #tpu.memory_space<vmem>>, vector<1x16xf32>,
        %get3A_624 = arith.index_cast %add3A_507 : i32 to index
        %get3A_625 = arith.constant 112 : index
        %get3A_626 = tpu.vector_load %arg8[%get3A_624, %get3A_625] {strides = array<i32>} : memref<40x128xf32, #tpu.memory_space<vmem>>, vector<1x16xf32>,
        %get3A_627 = vector.shape_cast %get3A_626 : vector<1x16xf32> to vector<16xf32>
        %get3A_628 = arith.index_cast %add3A_507 : i32 to index
        %get3A_629 = arith.constant 112 : index
        %get3A_630 = tpu.vector_load %arg10[%get3A_628, %get3A_629] {strides = array<i32>} : memref<40x128xf32, #tpu.memory_space<vmem>>, vector<1x16xf32>,
        %get3A_631 = vector.shape_cast %get3A_630 : vector<1x16xf32> to vector<16xf32>
        %add3A_632 = arith.addf %get3A_627, %get3A_631 : vector<16xf32>
        %max3A_633 = arith.constant 0.000000e+00 : f32
        %max3A_634 = vector.broadcast %max3A_633 : f32 to vector<16xf32>
        %max3A_635 = arith.maximumf %add3A_632, %max3A_634 : vector<16xf32>
        %swap3A_636 = arith.index_cast %add3A_507 : i32 to index
        %swap3A_637 = arith.constant 112 : index
        %swap3A_638 = tpu.vector_load %arg12[%swap3A_636, %swap3A_637] {strides = array<i32>} : memref<40x128xf32, #tpu.memory_space<vmem>>, vector<1x16xf32>,
        %swap3A_639 = vector.shape_cast %swap3A_638 : vector<1x16xf32> to vector<16xf32>
        %swap3A_640 = vector.shape_cast %max3A_635 : vector<16xf32> to vector<1x16xf32>
        tpu.vector_store %arg12[%swap3A_636, %swap3A_637], %swap3A_640 {strides = array<i32>} : memref<40x128xf32, #tpu.memory_space<vmem>>, vector<1x16xf32>,
        %mul3A_641 = arith.constant 2 : i32
        %mul3A_642 = arith.muli %scan3A_503, %mul3A_641 : i32
        %add3A_643 = arith.constant 1 : i32
        %add3A_644 = arith.addi %mul3A_642, %add3A_643 : i32
        %get3A_645 = arith.index_cast %add3A_644 : i32 to index
        %get3A_646 = arith.constant 0 : index
        %get3A_647 = tpu.vector_load %arg8[%get3A_645, %get3A_646] {strides = array<i32>} : memref<40x128xf32, #tpu.memory_space<vmem>>, vector<1x16xf32>,
        %get3A_648 = vector.shape_cast %get3A_647 : vector<1x16xf32> to vector<16xf32>
        %get3A_649 = arith.index_cast %add3A_644 : i32 to index
        %get3A_650 = arith.constant 0 : index
        %get3A_651 = tpu.vector_load %arg10[%get3A_649, %get3A_650] {strides = array<i32>} : memref<40x128xf32, #tpu.memory_space<vmem>>, vector<1x16xf32>,
        %get3A_652 = vector.shape_cast %get3A_651 : vector<1x16xf32> to vector<16xf32>
        %add3A_653 = arith.addf %get3A_648, %get3A_652 : vector<16xf32>
        %max3A_654 = arith.constant 0.000000e+00 : f32
        %max3A_655 = vector.broadcast %max3A_654 : f32 to vector<16xf32>
        %max3A_656 = arith.maximumf %add3A_653, %max3A_655 : vector<16xf32>
        %swap3A_657 = arith.index_cast %add3A_644 : i32 to index
        %swap3A_658 = arith.constant 0 : index
        %swap3A_659 = tpu.vector_load %arg12[%swap3A_657, %swap3A_658] {strides = array<i32>} : memref<40x128xf32, #tpu.memory_space<vmem>>, vector<1x16xf32>,
        %swap3A_660 = vector.shape_cast %swap3A_659 : vector<1x16xf32> to vector<16xf32>
        %swap3A_661 = vector.shape_cast %max3A_656 : vector<16xf32> to vector<1x16xf32>
        tpu.vector_store %arg12[%swap3A_657, %swap3A_658], %swap3A_661 {strides = array<i32>} : memref<40x128xf32, #tpu.memory_space<vmem>>, vector<1x16xf32>,
        %get3A_662 = arith.index_cast %add3A_644 : i32 to index
        %get3A_663 = arith.constant 16 : index
        %get3A_664 = tpu.vector_load %arg8[%get3A_662, %get3A_663] {strides = array<i32>} : memref<40x128xf32, #tpu.memory_space<vmem>>, vector<1x16xf32>,
        %get3A_665 = vector.shape_cast %get3A_664 : vector<1x16xf32> to vector<16xf32>
        %get3A_666 = arith.index_cast %add3A_644 : i32 to index
        %get3A_667 = arith.constant 16 : index
        %get3A_668 = tpu.vector_load %arg10[%get3A_666, %get3A_667] {strides = array<i32>} : memref<40x128xf32, #tpu.memory_space<vmem>>, vector<1x16xf32>,
        %get3A_669 = vector.shape_cast %get3A_668 : vector<1x16xf32> to vector<16xf32>
        %add3A_670 = arith.addf %get3A_665, %get3A_669 : vector<16xf32>
        %max3A_671 = arith.constant 0.000000e+00 : f32
        %max3A_672 = vector.broadcast %max3A_671 : f32 to vector<16xf32>
        %max3A_673 = arith.maximumf %add3A_670, %max3A_672 : vector<16xf32>
        %swap3A_674 = arith.index_cast %add3A_644 : i32 to index
        %swap3A_675 = arith.constant 16 : index
        %swap3A_676 = tpu.vector_load %arg12[%swap3A_674, %swap3A_675] {strides = array<i32>} : memref<40x128xf32, #tpu.memory_space<vmem>>, vector<1x16xf32>,
        %swap3A_677 = vector.shape_cast %swap3A_676 : vector<1x16xf32> to vector<16xf32>
        %swap3A_678 = vector.shape_cast %max3A_673 : vector<16xf32> to vector<1x16xf32>
        tpu.vector_store %arg12[%swap3A_674, %swap3A_675], %swap3A_678 {strides = array<i32>} : memref<40x128xf32, #tpu.memory_space<vmem>>, vector<1x16xf32>,
        %get3A_679 = arith.index_cast %add3A_644 : i32 to index
        %get3A_680 = arith.constant 32 : index
        %get3A_681 = tpu.vector_load %arg8[%get3A_679, %get3A_680] {strides = array<i32>} : memref<40x128xf32, #tpu.memory_space<vmem>>, vector<1x16xf32>,
        %get3A_682 = vector.shape_cast %get3A_681 : vector<1x16xf32> to vector<16xf32>
        %get3A_683 = arith.index_cast %add3A_644 : i32 to index
        %get3A_684 = arith.constant 32 : index
        %get3A_685 = tpu.vector_load %arg10[%get3A_683, %get3A_684] {strides = array<i32>} : memref<40x128xf32, #tpu.memory_space<vmem>>, vector<1x16xf32>,
        %get3A_686 = vector.shape_cast %get3A_685 : vector<1x16xf32> to vector<16xf32>
        %add3A_687 = arith.addf %get3A_682, %get3A_686 : vector<16xf32>
        %max3A_688 = arith.constant 0.000000e+00 : f32
        %max3A_689 = vector.broadcast %max3A_688 : f32 to vector<16xf32>
        %max3A_690 = arith.maximumf %add3A_687, %max3A_689 : vector<16xf32>
        %swap3A_691 = arith.index_cast %add3A_644 : i32 to index
        %swap3A_692 = arith.constant 32 : index
        %swap3A_693 = tpu.vector_load %arg12[%swap3A_691, %swap3A_692] {strides = array<i32>} : memref<40x128xf32, #tpu.memory_space<vmem>>, vector<1x16xf32>,
        %swap3A_694 = vector.shape_cast %swap3A_693 : vector<1x16xf32> to vector<16xf32>
        %swap3A_695 = vector.shape_cast %max3A_690 : vector<16xf32> to vector<1x16xf32>
        tpu.vector_store %arg12[%swap3A_691, %swap3A_692], %swap3A_695 {strides = array<i32>} : memref<40x128xf32, #tpu.memory_space<vmem>>, vector<1x16xf32>,
        %get3A_696 = arith.index_cast %add3A_644 : i32 to index
        %get3A_697 = arith.constant 48 : index
        %get3A_698 = tpu.vector_load %arg8[%get3A_696, %get3A_697] {strides = array<i32>} : memref<40x128xf32, #tpu.memory_space<vmem>>, vector<1x16xf32>,
        %get3A_699 = vector.shape_cast %get3A_698 : vector<1x16xf32> to vector<16xf32>
        %get3A_700 = arith.index_cast %add3A_644 : i32 to index
        %get3A_701 = arith.constant 48 : index
        %get3A_702 = tpu.vector_load %arg10[%get3A_700, %get3A_701] {strides = array<i32>} : memref<40x128xf32, #tpu.memory_space<vmem>>, vector<1x16xf32>,
        %get3A_703 = vector.shape_cast %get3A_702 : vector<1x16xf32> to vector<16xf32>
        %add3A_704 = arith.addf %get3A_699, %get3A_703 : vector<16xf32>
        %max3A_705 = arith.constant 0.000000e+00 : f32
        %max3A_706 = vector.broadcast %max3A_705 : f32 to vector<16xf32>
        %max3A_707 = arith.maximumf %add3A_704, %max3A_706 : vector<16xf32>
        %swap3A_708 = arith.index_cast %add3A_644 : i32 to index
        %swap3A_709 = arith.constant 48 : index
        %swap3A_710 = tpu.vector_load %arg12[%swap3A_708, %swap3A_709] {strides = array<i32>} : memref<40x128xf32, #tpu.memory_space<vmem>>, vector<1x16xf32>,
        %swap3A_711 = vector.shape_cast %swap3A_710 : vector<1x16xf32> to vector<16xf32>
        %swap3A_712 = vector.shape_cast %max3A_707 : vector<16xf32> to vector<1x16xf32>
        tpu.vector_store %arg12[%swap3A_708, %swap3A_709], %swap3A_712 {strides = array<i32>} : memref<40x128xf32, #tpu.memory_space<vmem>>, vector<1x16xf32>,
        %get3A_713 = arith.index_cast %add3A_644 : i32 to index
        %get3A_714 = arith.constant 64 : index
        %get3A_715 = tpu.vector_load %arg8[%get3A_713, %get3A_714] {strides = array<i32>} : memref<40x128xf32, #tpu.memory_space<vmem>>, vector<1x16xf32>,
        %get3A_716 = vector.shape_cast %get3A_715 : vector<1x16xf32> to vector<16xf32>
        %get3A_717 = arith.index_cast %add3A_644 : i32 to index
        %get3A_718 = arith.constant 64 : index
        %get3A_719 = tpu.vector_load %arg10[%get3A_717, %get3A_718] {strides = array<i32>} : memref<40x128xf32, #tpu.memory_space<vmem>>, vector<1x16xf32>,
        %get3A_720 = vector.shape_cast %get3A_719 : vector<1x16xf32> to vector<16xf32>
        %add3A_721 = arith.addf %get3A_716, %get3A_720 : vector<16xf32>
        %max3A_722 = arith.constant 0.000000e+00 : f32
        %max3A_723 = vector.broadcast %max3A_722 : f32 to vector<16xf32>
        %max3A_724 = arith.maximumf %add3A_721, %max3A_723 : vector<16xf32>
        %swap3A_725 = arith.index_cast %add3A_644 : i32 to index
        %swap3A_726 = arith.constant 64 : index
        %swap3A_727 = tpu.vector_load %arg12[%swap3A_725, %swap3A_726] {strides = array<i32>} : memref<40x128xf32, #tpu.memory_space<vmem>>, vector<1x16xf32>,
        %swap3A_728 = vector.shape_cast %swap3A_727 : vector<1x16xf32> to vector<16xf32>
        %swap3A_729 = vector.shape_cast %max3A_724 : vector<16xf32> to vector<1x16xf32>
        tpu.vector_store %arg12[%swap3A_725, %swap3A_726], %swap3A_729 {strides = array<i32>} : memref<40x128xf32, #tpu.memory_space<vmem>>, vector<1x16xf32>,
        %get3A_730 = arith.index_cast %add3A_644 : i32 to index
        %get3A_731 = arith.constant 80 : index
        %get3A_732 = tpu.vector_load %arg8[%get3A_730, %get3A_731] {strides = array<i32>} : memref<40x128xf32, #tpu.memory_space<vmem>>, vector<1x16xf32>,
        %get3A_733 = vector.shape_cast %get3A_732 : vector<1x16xf32> to vector<16xf32>
        %get3A_734 = arith.index_cast %add3A_644 : i32 to index
        %get3A_735 = arith.constant 80 : index
        %get3A_736 = tpu.vector_load %arg10[%get3A_734, %get3A_735] {strides = array<i32>} : memref<40x128xf32, #tpu.memory_space<vmem>>, vector<1x16xf32>,
        %get3A_737 = vector.shape_cast %get3A_736 : vector<1x16xf32> to vector<16xf32>
        %add3A_738 = arith.addf %get3A_733, %get3A_737 : vector<16xf32>
        %max3A_739 = arith.constant 0.000000e+00 : f32
        %max3A_740 = vector.broadcast %max3A_739 : f32 to vector<16xf32>
        %max3A_741 = arith.maximumf %add3A_738, %max3A_740 : vector<16xf32>
        %swap3A_742 = arith.index_cast %add3A_644 : i32 to index
        %swap3A_743 = arith.constant 80 : index
        %swap3A_744 = tpu.vector_load %arg12[%swap3A_742, %swap3A_743] {strides = array<i32>} : memref<40x128xf32, #tpu.memory_space<vmem>>, vector<1x16xf32>,
        %swap3A_745 = vector.shape_cast %swap3A_744 : vector<1x16xf32> to vector<16xf32>
        %swap3A_746 = vector.shape_cast %max3A_741 : vector<16xf32> to vector<1x16xf32>
        tpu.vector_store %arg12[%swap3A_742, %swap3A_743], %swap3A_746 {strides = array<i32>} : memref<40x128xf32, #tpu.memory_space<vmem>>, vector<1x16xf32>,
        %get3A_747 = arith.index_cast %add3A_644 : i32 to index
        %get3A_748 = arith.constant 96 : index
        %get3A_749 = tpu.vector_load %arg8[%get3A_747, %get3A_748] {strides = array<i32>} : memref<40x128xf32, #tpu.memory_space<vmem>>, vector<1x16xf32>,
        %get3A_750 = vector.shape_cast %get3A_749 : vector<1x16xf32> to vector<16xf32>
        %get3A_751 = arith.index_cast %add3A_644 : i32 to index
        %get3A_752 = arith.constant 96 : index
        %get3A_753 = tpu.vector_load %arg10[%get3A_751, %get3A_752] {strides = array<i32>} : memref<40x128xf32, #tpu.memory_space<vmem>>, vector<1x16xf32>,
        %get3A_754 = vector.shape_cast %get3A_753 : vector<1x16xf32> to vector<16xf32>
        %add3A_755 = arith.addf %get3A_750, %get3A_754 : vector<16xf32>
        %max3A_756 = arith.constant 0.000000e+00 : f32
        %max3A_757 = vector.broadcast %max3A_756 : f32 to vector<16xf32>
        %max3A_758 = arith.maximumf %add3A_755, %max3A_757 : vector<16xf32>
        %swap3A_759 = arith.index_cast %add3A_644 : i32 to index
        %swap3A_760 = arith.constant 96 : index
        %swap3A_761 = tpu.vector_load %arg12[%swap3A_759, %swap3A_760] {strides = array<i32>} : memref<40x128xf32, #tpu.memory_space<vmem>>, vector<1x16xf32>,
        %swap3A_762 = vector.shape_cast %swap3A_761 : vector<1x16xf32> to vector<16xf32>
        %swap3A_763 = vector.shape_cast %max3A_758 : vector<16xf32> to vector<1x16xf32>
        tpu.vector_store %arg12[%swap3A_759, %swap3A_760], %swap3A_763 {strides = array<i32>} : memref<40x128xf32, #tpu.memory_space<vmem>>, vector<1x16xf32>,
        %get3A_764 = arith.index_cast %add3A_644 : i32 to index
        %get3A_765 = arith.constant 112 : index
        %get3A_766 = tpu.vector_load %arg8[%get3A_764, %get3A_765] {strides = array<i32>} : memref<40x128xf32, #tpu.memory_space<vmem>>, vector<1x16xf32>,
        %get3A_767 = vector.shape_cast %get3A_766 : vector<1x16xf32> to vector<16xf32>
        %get3A_768 = arith.index_cast %add3A_644 : i32 to index
        %get3A_769 = arith.constant 112 : index
        %get3A_770 = tpu.vector_load %arg10[%get3A_768, %get3A_769] {strides = array<i32>} : memref<40x128xf32, #tpu.memory_space<vmem>>, vector<1x16xf32>,
        %get3A_771 = vector.shape_cast %get3A_770 : vector<1x16xf32> to vector<16xf32>
        %add3A_772 = arith.addf %get3A_767, %get3A_771 : vector<16xf32>
        %max3A_773 = arith.constant 0.000000e+00 : f32
        %max3A_774 = vector.broadcast %max3A_773 : f32 to vector<16xf32>
        %max3A_775 = arith.maximumf %add3A_772, %max3A_774 : vector<16xf32>
        %swap3A_776 = arith.index_cast %add3A_644 : i32 to index
        %swap3A_777 = arith.constant 112 : index
        %swap3A_778 = tpu.vector_load %arg12[%swap3A_776, %swap3A_777] {strides = array<i32>} : memref<40x128xf32, #tpu.memory_space<vmem>>, vector<1x16xf32>,
        %swap3A_779 = vector.shape_cast %swap3A_778 : vector<1x16xf32> to vector<16xf32>
        %swap3A_780 = vector.shape_cast %max3A_775 : vector<16xf32> to vector<1x16xf32>
        tpu.vector_store %arg12[%swap3A_776, %swap3A_777], %swap3A_780 {strides = array<i32>} : memref<40x128xf32, #tpu.memory_space<vmem>>, vector<1x16xf32>,
      }
      %scan3A_313 = arith.constant 20 : i32
      %dma_wait3A_314 = arith.constant 0 : i32
      %dma_wait3A_315 = tpu.memref_slice %arg5[%dma_wait3A_314] : memref<320000xi32, #tpu.memory_space<hbm>> -> memref<40xi32, #tpu.memory_space<hbm>>
      %dma_wait3A_316 = arith.constant 0 : i32
      %dma_wait3A_317 = tpu.memref_slice %arg5[%dma_wait3A_316] : memref<320000xi32, #tpu.memory_space<hbm>> -> memref<40xi32, #tpu.memory_space<hbm>>
      tpu.wait_dma2 semaphore(%arg41 : memref<!tpu.dma_semaphore, #tpu.memory_space<semaphore_mem>>) src(%dma_wait3A_317 : memref<40xi32, #tpu.memory_space<hbm>>) dst(%arg22 : memref<40xi32, #tpu.memory_space<vmem>>)
      %dma_start3A_318 = arith.constant 0 : i32
      %dma_start3A_319 = arith.constant 0 : i32
      %dma_start3A_320 = tpu.memref_slice %arg25[%dma_start3A_318, %dma_start3A_319] : memref<10240x128xf32, #tpu.memory_space<vmem_shared>> -> memref<10240x128xf32, #tpu.memory_space<vmem_shared>>
      tpu.enqueue_indirect_dma source(%arg12 : memref<40x128xf32, #tpu.memory_space<vmem>>) target(%dma_start3A_320 : memref<10240x128xf32, #tpu.memory_space<vmem_shared>>) offsets(%arg22 : memref<40xi32, #tpu.memory_space<vmem>>) semaphore(%arg31 : memref<!tpu.dma_semaphore, #tpu.memory_space<semaphore_mem>>) {add = true}
      %add3A_321 = arith.constant 2 : i32
      %add3A_322 = arith.addi %add3A_294, %add3A_321 : i32
      %lt3A_323 = arith.constant 250 : i32
      %lt3A_324 = arith.cmpi slt, %add3A_322, %lt3A_323 : i32
      %convert_element_type3A_325 = arith.extui %lt3A_324 : i1 to i32
      %cond3A_326 = arith.constant 0 : i32
      %cond3A_327 = arith.cmpi ne, %convert_element_type3A_325, %cond3A_326 : i32
      scf.if %cond3A_327 {
        %dma_wait3A_503 = arith.constant 0 : i32
        %dma_wait3A_504 = tpu.memref_slice %arg4[%dma_wait3A_503] : memref<320000xi32, #tpu.memory_space<hbm>> -> memref<40xi32, #tpu.memory_space<hbm>>
        %dma_wait3A_505 = arith.constant 0 : i32
        %dma_wait3A_506 = tpu.memref_slice %arg4[%dma_wait3A_505] : memref<320000xi32, #tpu.memory_space<hbm>> -> memref<40xi32, #tpu.memory_space<hbm>>
        tpu.wait_dma2 semaphore(%arg35 : memref<!tpu.dma_semaphore, #tpu.memory_space<semaphore_mem>>) src(%dma_wait3A_506 : memref<40xi32, #tpu.memory_space<hbm>>) dst(%arg16 : memref<40xi32, #tpu.memory_space<vmem>>)
        %add3A_507 = arith.constant 2 : i32
        %add3A_508 = arith.addi %add3A_294, %add3A_507 : i32
        %dma_start3A_509 = arith.constant 0 : i32
        %dma_start3A_510 = arith.constant 0 : i32
        %dma_start3A_511 = tpu.memref_slice %arg2[%dma_start3A_509, %dma_start3A_510] : memref<10000x128xf32, #tpu.memory_space<hbm>> -> memref<10000x128xf32, #tpu.memory_space<hbm>>
        tpu.enqueue_indirect_dma source(%dma_start3A_511 : memref<10000x128xf32, #tpu.memory_space<hbm>>) target(%arg8 : memref<40x128xf32, #tpu.memory_space<vmem>>) offsets(%arg16 : memref<40xi32, #tpu.memory_space<vmem>>) semaphore(%arg27 : memref<!tpu.dma_semaphore, #tpu.memory_space<semaphore_mem>>)
        %mul3A_512 = arith.constant 40 : i32
        %mul3A_513 = arith.muli %add3A_508, %mul3A_512 : i32
        %add3A_514 = arith.addi %mul3A_2, %mul3A_513 : i32
        %dma_start3A_515 = arith.constant 0 : i32
        %dma_start3A_516 = tpu.memref_slice %arg3[%add3A_514, %dma_start3A_515] : memref<320000x128xf32, #tpu.memory_space<hbm>> -> memref<40x128xf32, #tpu.memory_space<hbm>>
        %dma_start3A_517 = arith.constant 0 : i32
        %dma_start3A_518 = tpu.memref_slice %arg3[%add3A_514, %dma_start3A_517] : memref<320000x128xf32, #tpu.memory_space<hbm>> -> memref<40x128xf32, #tpu.memory_space<hbm>>
        tpu.enqueue_dma source(%dma_start3A_518 : memref<40x128xf32, #tpu.memory_space<hbm>>) target(%arg10 : memref<40x128xf32, #tpu.memory_space<vmem>>) target_semaphore(%arg29 : memref<!tpu.dma_semaphore, #tpu.memory_space<semaphore_mem>>)
      } else {
      }
      %add3A_328 = arith.constant 3 : i32
      %add3A_329 = arith.addi %add3A_294, %add3A_328 : i32
      %lt3A_330 = arith.constant 250 : i32
      %lt3A_331 = arith.cmpi slt, %add3A_329, %lt3A_330 : i32
      %convert_element_type3A_332 = arith.extui %lt3A_331 : i1 to i32
      %cond3A_333 = arith.constant 0 : i32
      %cond3A_334 = arith.cmpi ne, %convert_element_type3A_332, %cond3A_333 : i32
      scf.if %cond3A_334 {
        %add3A_503 = arith.constant 3 : i32
        %add3A_504 = arith.addi %add3A_294, %add3A_503 : i32
        %mul3A_505 = arith.constant 40 : i32
        %mul3A_506 = arith.muli %add3A_504, %mul3A_505 : i32
        %add3A_507 = arith.addi %mul3A_2, %mul3A_506 : i32
        %dma_start3A_508 = tpu.memref_slice %arg4[%add3A_507] : memref<320000xi32, #tpu.memory_space<hbm>> -> memref<40xi32, #tpu.memory_space<hbm>>
        %dma_start3A_509 = tpu.memref_slice %arg4[%add3A_507] : memref<320000xi32, #tpu.memory_space<hbm>> -> memref<40xi32, #tpu.memory_space<hbm>>
        tpu.enqueue_dma source(%dma_start3A_509 : memref<40xi32, #tpu.memory_space<hbm>>) target(%arg13 : memref<40xi32, #tpu.memory_space<vmem>>) target_semaphore(%arg32 : memref<!tpu.dma_semaphore, #tpu.memory_space<semaphore_mem>>)
        %mul3A_510 = arith.constant 40 : i32
        %mul3A_511 = arith.muli %add3A_504, %mul3A_510 : i32
        %add3A_512 = arith.addi %mul3A_2, %mul3A_511 : i32
        %dma_start3A_513 = tpu.memref_slice %arg5[%add3A_512] : memref<320000xi32, #tpu.memory_space<hbm>> -> memref<40xi32, #tpu.memory_space<hbm>>
        %dma_start3A_514 = tpu.memref_slice %arg5[%add3A_512] : memref<320000xi32, #tpu.memory_space<hbm>> -> memref<40xi32, #tpu.memory_space<hbm>>
        tpu.enqueue_dma source(%dma_start3A_514 : memref<40xi32, #tpu.memory_space<hbm>>) target(%arg17 : memref<40xi32, #tpu.memory_space<vmem>>) target_semaphore(%arg36 : memref<!tpu.dma_semaphore, #tpu.memory_space<semaphore_mem>>)
      } else {
      }
      %add3A_335 = arith.constant 4 : i32
      %add3A_336 = arith.addi %add3A_169, %add3A_335 : i32
      %dma_wait3A_337 = arith.constant 0 : i32
      %dma_wait3A_338 = arith.constant 0 : i32
      %dma_wait3A_339 = tpu.memref_slice %arg2[%dma_wait3A_337, %dma_wait3A_338] : memref<10000x128xf32, #tpu.memory_space<hbm>> -> memref<10000x128xf32, #tpu.memory_space<hbm>>
      tpu.wait_indirect_dma semaphore(%arg26 : memref<!tpu.dma_semaphore, #tpu.memory_space<semaphore_mem>>) src(%dma_wait3A_339 : memref<10000x128xf32, #tpu.memory_space<hbm>>) dst(%arg7 : memref<40x128xf32, #tpu.memory_space<vmem>>)
      %mul3A_340 = arith.constant 40 : i32
      %mul3A_341 = arith.muli %add3A_336, %mul3A_340 : i32
      %add3A_342 = arith.addi %mul3A_2, %mul3A_341 : i32
      %dma_wait3A_343 = arith.constant 0 : i32
      %dma_wait3A_344 = tpu.memref_slice %arg3[%add3A_342, %dma_wait3A_343] : memref<320000x128xf32, #tpu.memory_space<hbm>> -> memref<40x128xf32, #tpu.memory_space<hbm>>
      %dma_wait3A_345 = arith.constant 0 : i32
      %dma_wait3A_346 = tpu.memref_slice %arg3[%add3A_342, %dma_wait3A_345] : memref<320000x128xf32, #tpu.memory_space<hbm>> -> memref<40x128xf32, #tpu.memory_space<hbm>>
      tpu.wait_dma2 semaphore(%arg28 : memref<!tpu.dma_semaphore, #tpu.memory_space<semaphore_mem>>) src(%dma_wait3A_346 : memref<40x128xf32, #tpu.memory_space<hbm>>) dst(%arg9 : memref<40x128xf32, #tpu.memory_space<vmem>>)
      %dma_wait3A_347 = arith.constant 0 : i32
      %dma_wait3A_348 = arith.constant 0 : i32
      %dma_wait3A_349 = tpu.memref_slice %arg25[%dma_wait3A_347, %dma_wait3A_348] : memref<10240x128xf32, #tpu.memory_space<vmem_shared>> -> memref<10240x128xf32, #tpu.memory_space<vmem_shared>>
      tpu.wait_indirect_dma semaphore(%arg30 : memref<!tpu.dma_semaphore, #tpu.memory_space<semaphore_mem>>) src(%arg11 : memref<40x128xf32, #tpu.memory_space<vmem>>) dst(%dma_wait3A_349 : memref<10240x128xf32, #tpu.memory_space<vmem_shared>>)
      %scan3A_350 = arith.constant 0 : i32
      %scan3A_351 = arith.constant 0 : i32
      %scan3A_352 = arith.constant 20 : i32
      %scan3A_353 = arith.addi %scan3A_351, %scan3A_352 : i32
      %scan3A_354 = arith.constant 1 : i32
      scf.for %scan3A_503 = %scan3A_351 to %scan3A_353 step %scan3A_354  : i32 {
        %mul3A_504 = arith.constant 2 : i32
        %mul3A_505 = arith.muli %scan3A_503, %mul3A_504 : i32
        %add3A_506 = arith.constant 0 : i32
        %add3A_507 = arith.addi %mul3A_505, %add3A_506 : i32
        %get3A = arith.index_cast %add3A_507 : i32 to index
        %get3A_508 = arith.constant 0 : index
        %get3A_509 = tpu.vector_load %arg7[%get3A, %get3A_508] {strides = array<i32>} : memref<40x128xf32, #tpu.memory_space<vmem>>, vector<1x16xf32>,
        %get3A_510 = vector.shape_cast %get3A_509 : vector<1x16xf32> to vector<16xf32>
        %get3A_511 = arith.index_cast %add3A_507 : i32 to index
        %get3A_512 = arith.constant 0 : index
        %get3A_513 = tpu.vector_load %arg9[%get3A_511, %get3A_512] {strides = array<i32>} : memref<40x128xf32, #tpu.memory_space<vmem>>, vector<1x16xf32>,
        %get3A_514 = vector.shape_cast %get3A_513 : vector<1x16xf32> to vector<16xf32>
        %add3A_515 = arith.addf %get3A_510, %get3A_514 : vector<16xf32>
        %max3A = arith.constant 0.000000e+00 : f32
        %max3A_516 = vector.broadcast %max3A : f32 to vector<16xf32>
        %max3A_517 = arith.maximumf %add3A_515, %max3A_516 : vector<16xf32>
        %swap3A = arith.index_cast %add3A_507 : i32 to index
        %swap3A_518 = arith.constant 0 : index
        %swap3A_519 = tpu.vector_load %arg11[%swap3A, %swap3A_518] {strides = array<i32>} : memref<40x128xf32, #tpu.memory_space<vmem>>, vector<1x16xf32>,
        %swap3A_520 = vector.shape_cast %swap3A_519 : vector<1x16xf32> to vector<16xf32>
        %swap3A_521 = vector.shape_cast %max3A_517 : vector<16xf32> to vector<1x16xf32>
        tpu.vector_store %arg11[%swap3A, %swap3A_518], %swap3A_521 {strides = array<i32>} : memref<40x128xf32, #tpu.memory_space<vmem>>, vector<1x16xf32>,
        %get3A_522 = arith.index_cast %add3A_507 : i32 to index
        %get3A_523 = arith.constant 16 : index
        %get3A_524 = tpu.vector_load %arg7[%get3A_522, %get3A_523] {strides = array<i32>} : memref<40x128xf32, #tpu.memory_space<vmem>>, vector<1x16xf32>,
        %get3A_525 = vector.shape_cast %get3A_524 : vector<1x16xf32> to vector<16xf32>
        %get3A_526 = arith.index_cast %add3A_507 : i32 to index
        %get3A_527 = arith.constant 16 : index
        %get3A_528 = tpu.vector_load %arg9[%get3A_526, %get3A_527] {strides = array<i32>} : memref<40x128xf32, #tpu.memory_space<vmem>>, vector<1x16xf32>,
        %get3A_529 = vector.shape_cast %get3A_528 : vector<1x16xf32> to vector<16xf32>
        %add3A_530 = arith.addf %get3A_525, %get3A_529 : vector<16xf32>
        %max3A_531 = arith.constant 0.000000e+00 : f32
        %max3A_532 = vector.broadcast %max3A_531 : f32 to vector<16xf32>
        %max3A_533 = arith.maximumf %add3A_530, %max3A_532 : vector<16xf32>
        %swap3A_534 = arith.index_cast %add3A_507 : i32 to index
        %swap3A_535 = arith.constant 16 : index
        %swap3A_536 = tpu.vector_load %arg11[%swap3A_534, %swap3A_535] {strides = array<i32>} : memref<40x128xf32, #tpu.memory_space<vmem>>, vector<1x16xf32>,
        %swap3A_537 = vector.shape_cast %swap3A_536 : vector<1x16xf32> to vector<16xf32>
        %swap3A_538 = vector.shape_cast %max3A_533 : vector<16xf32> to vector<1x16xf32>
        tpu.vector_store %arg11[%swap3A_534, %swap3A_535], %swap3A_538 {strides = array<i32>} : memref<40x128xf32, #tpu.memory_space<vmem>>, vector<1x16xf32>,
        %get3A_539 = arith.index_cast %add3A_507 : i32 to index
        %get3A_540 = arith.constant 32 : index
        %get3A_541 = tpu.vector_load %arg7[%get3A_539, %get3A_540] {strides = array<i32>} : memref<40x128xf32, #tpu.memory_space<vmem>>, vector<1x16xf32>,
        %get3A_542 = vector.shape_cast %get3A_541 : vector<1x16xf32> to vector<16xf32>
        %get3A_543 = arith.index_cast %add3A_507 : i32 to index
        %get3A_544 = arith.constant 32 : index
        %get3A_545 = tpu.vector_load %arg9[%get3A_543, %get3A_544] {strides = array<i32>} : memref<40x128xf32, #tpu.memory_space<vmem>>, vector<1x16xf32>,
        %get3A_546 = vector.shape_cast %get3A_545 : vector<1x16xf32> to vector<16xf32>
        %add3A_547 = arith.addf %get3A_542, %get3A_546 : vector<16xf32>
        %max3A_548 = arith.constant 0.000000e+00 : f32
        %max3A_549 = vector.broadcast %max3A_548 : f32 to vector<16xf32>
        %max3A_550 = arith.maximumf %add3A_547, %max3A_549 : vector<16xf32>
        %swap3A_551 = arith.index_cast %add3A_507 : i32 to index
        %swap3A_552 = arith.constant 32 : index
        %swap3A_553 = tpu.vector_load %arg11[%swap3A_551, %swap3A_552] {strides = array<i32>} : memref<40x128xf32, #tpu.memory_space<vmem>>, vector<1x16xf32>,
        %swap3A_554 = vector.shape_cast %swap3A_553 : vector<1x16xf32> to vector<16xf32>
        %swap3A_555 = vector.shape_cast %max3A_550 : vector<16xf32> to vector<1x16xf32>
        tpu.vector_store %arg11[%swap3A_551, %swap3A_552], %swap3A_555 {strides = array<i32>} : memref<40x128xf32, #tpu.memory_space<vmem>>, vector<1x16xf32>,
        %get3A_556 = arith.index_cast %add3A_507 : i32 to index
        %get3A_557 = arith.constant 48 : index
        %get3A_558 = tpu.vector_load %arg7[%get3A_556, %get3A_557] {strides = array<i32>} : memref<40x128xf32, #tpu.memory_space<vmem>>, vector<1x16xf32>,
        %get3A_559 = vector.shape_cast %get3A_558 : vector<1x16xf32> to vector<16xf32>
        %get3A_560 = arith.index_cast %add3A_507 : i32 to index
        %get3A_561 = arith.constant 48 : index
        %get3A_562 = tpu.vector_load %arg9[%get3A_560, %get3A_561] {strides = array<i32>} : memref<40x128xf32, #tpu.memory_space<vmem>>, vector<1x16xf32>,
        %get3A_563 = vector.shape_cast %get3A_562 : vector<1x16xf32> to vector<16xf32>
        %add3A_564 = arith.addf %get3A_559, %get3A_563 : vector<16xf32>
        %max3A_565 = arith.constant 0.000000e+00 : f32
        %max3A_566 = vector.broadcast %max3A_565 : f32 to vector<16xf32>
        %max3A_567 = arith.maximumf %add3A_564, %max3A_566 : vector<16xf32>
        %swap3A_568 = arith.index_cast %add3A_507 : i32 to index
        %swap3A_569 = arith.constant 48 : index
        %swap3A_570 = tpu.vector_load %arg11[%swap3A_568, %swap3A_569] {strides = array<i32>} : memref<40x128xf32, #tpu.memory_space<vmem>>, vector<1x16xf32>,
        %swap3A_571 = vector.shape_cast %swap3A_570 : vector<1x16xf32> to vector<16xf32>
        %swap3A_572 = vector.shape_cast %max3A_567 : vector<16xf32> to vector<1x16xf32>
        tpu.vector_store %arg11[%swap3A_568, %swap3A_569], %swap3A_572 {strides = array<i32>} : memref<40x128xf32, #tpu.memory_space<vmem>>, vector<1x16xf32>,
        %get3A_573 = arith.index_cast %add3A_507 : i32 to index
        %get3A_574 = arith.constant 64 : index
        %get3A_575 = tpu.vector_load %arg7[%get3A_573, %get3A_574] {strides = array<i32>} : memref<40x128xf32, #tpu.memory_space<vmem>>, vector<1x16xf32>,
        %get3A_576 = vector.shape_cast %get3A_575 : vector<1x16xf32> to vector<16xf32>
        %get3A_577 = arith.index_cast %add3A_507 : i32 to index
        %get3A_578 = arith.constant 64 : index
        %get3A_579 = tpu.vector_load %arg9[%get3A_577, %get3A_578] {strides = array<i32>} : memref<40x128xf32, #tpu.memory_space<vmem>>, vector<1x16xf32>,
        %get3A_580 = vector.shape_cast %get3A_579 : vector<1x16xf32> to vector<16xf32>
        %add3A_581 = arith.addf %get3A_576, %get3A_580 : vector<16xf32>
        %max3A_582 = arith.constant 0.000000e+00 : f32
        %max3A_583 = vector.broadcast %max3A_582 : f32 to vector<16xf32>
        %max3A_584 = arith.maximumf %add3A_581, %max3A_583 : vector<16xf32>
        %swap3A_585 = arith.index_cast %add3A_507 : i32 to index
        %swap3A_586 = arith.constant 64 : index
        %swap3A_587 = tpu.vector_load %arg11[%swap3A_585, %swap3A_586] {strides = array<i32>} : memref<40x128xf32, #tpu.memory_space<vmem>>, vector<1x16xf32>,
        %swap3A_588 = vector.shape_cast %swap3A_587 : vector<1x16xf32> to vector<16xf32>
        %swap3A_589 = vector.shape_cast %max3A_584 : vector<16xf32> to vector<1x16xf32>
        tpu.vector_store %arg11[%swap3A_585, %swap3A_586], %swap3A_589 {strides = array<i32>} : memref<40x128xf32, #tpu.memory_space<vmem>>, vector<1x16xf32>,
        %get3A_590 = arith.index_cast %add3A_507 : i32 to index
        %get3A_591 = arith.constant 80 : index
        %get3A_592 = tpu.vector_load %arg7[%get3A_590, %get3A_591] {strides = array<i32>} : memref<40x128xf32, #tpu.memory_space<vmem>>, vector<1x16xf32>,
        %get3A_593 = vector.shape_cast %get3A_592 : vector<1x16xf32> to vector<16xf32>
        %get3A_594 = arith.index_cast %add3A_507 : i32 to index
        %get3A_595 = arith.constant 80 : index
        %get3A_596 = tpu.vector_load %arg9[%get3A_594, %get3A_595] {strides = array<i32>} : memref<40x128xf32, #tpu.memory_space<vmem>>, vector<1x16xf32>,
        %get3A_597 = vector.shape_cast %get3A_596 : vector<1x16xf32> to vector<16xf32>
        %add3A_598 = arith.addf %get3A_593, %get3A_597 : vector<16xf32>
        %max3A_599 = arith.constant 0.000000e+00 : f32
        %max3A_600 = vector.broadcast %max3A_599 : f32 to vector<16xf32>
        %max3A_601 = arith.maximumf %add3A_598, %max3A_600 : vector<16xf32>
        %swap3A_602 = arith.index_cast %add3A_507 : i32 to index
        %swap3A_603 = arith.constant 80 : index
        %swap3A_604 = tpu.vector_load %arg11[%swap3A_602, %swap3A_603] {strides = array<i32>} : memref<40x128xf32, #tpu.memory_space<vmem>>, vector<1x16xf32>,
        %swap3A_605 = vector.shape_cast %swap3A_604 : vector<1x16xf32> to vector<16xf32>
        %swap3A_606 = vector.shape_cast %max3A_601 : vector<16xf32> to vector<1x16xf32>
        tpu.vector_store %arg11[%swap3A_602, %swap3A_603], %swap3A_606 {strides = array<i32>} : memref<40x128xf32, #tpu.memory_space<vmem>>, vector<1x16xf32>,
        %get3A_607 = arith.index_cast %add3A_507 : i32 to index
        %get3A_608 = arith.constant 96 : index
        %get3A_609 = tpu.vector_load %arg7[%get3A_607, %get3A_608] {strides = array<i32>} : memref<40x128xf32, #tpu.memory_space<vmem>>, vector<1x16xf32>,
        %get3A_610 = vector.shape_cast %get3A_609 : vector<1x16xf32> to vector<16xf32>
        %get3A_611 = arith.index_cast %add3A_507 : i32 to index
        %get3A_612 = arith.constant 96 : index
        %get3A_613 = tpu.vector_load %arg9[%get3A_611, %get3A_612] {strides = array<i32>} : memref<40x128xf32, #tpu.memory_space<vmem>>, vector<1x16xf32>,
        %get3A_614 = vector.shape_cast %get3A_613 : vector<1x16xf32> to vector<16xf32>
        %add3A_615 = arith.addf %get3A_610, %get3A_614 : vector<16xf32>
        %max3A_616 = arith.constant 0.000000e+00 : f32
        %max3A_617 = vector.broadcast %max3A_616 : f32 to vector<16xf32>
        %max3A_618 = arith.maximumf %add3A_615, %max3A_617 : vector<16xf32>
        %swap3A_619 = arith.index_cast %add3A_507 : i32 to index
        %swap3A_620 = arith.constant 96 : index
        %swap3A_621 = tpu.vector_load %arg11[%swap3A_619, %swap3A_620] {strides = array<i32>} : memref<40x128xf32, #tpu.memory_space<vmem>>, vector<1x16xf32>,
        %swap3A_622 = vector.shape_cast %swap3A_621 : vector<1x16xf32> to vector<16xf32>
        %swap3A_623 = vector.shape_cast %max3A_618 : vector<16xf32> to vector<1x16xf32>
        tpu.vector_store %arg11[%swap3A_619, %swap3A_620], %swap3A_623 {strides = array<i32>} : memref<40x128xf32, #tpu.memory_space<vmem>>, vector<1x16xf32>,
        %get3A_624 = arith.index_cast %add3A_507 : i32 to index
        %get3A_625 = arith.constant 112 : index
        %get3A_626 = tpu.vector_load %arg7[%get3A_624, %get3A_625] {strides = array<i32>} : memref<40x128xf32, #tpu.memory_space<vmem>>, vector<1x16xf32>,
        %get3A_627 = vector.shape_cast %get3A_626 : vector<1x16xf32> to vector<16xf32>
        %get3A_628 = arith.index_cast %add3A_507 : i32 to index
        %get3A_629 = arith.constant 112 : index
        %get3A_630 = tpu.vector_load %arg9[%get3A_628, %get3A_629] {strides = array<i32>} : memref<40x128xf32, #tpu.memory_space<vmem>>, vector<1x16xf32>,
        %get3A_631 = vector.shape_cast %get3A_630 : vector<1x16xf32> to vector<16xf32>
        %add3A_632 = arith.addf %get3A_627, %get3A_631 : vector<16xf32>
        %max3A_633 = arith.constant 0.000000e+00 : f32
        %max3A_634 = vector.broadcast %max3A_633 : f32 to vector<16xf32>
        %max3A_635 = arith.maximumf %add3A_632, %max3A_634 : vector<16xf32>
        %swap3A_636 = arith.index_cast %add3A_507 : i32 to index
        %swap3A_637 = arith.constant 112 : index
        %swap3A_638 = tpu.vector_load %arg11[%swap3A_636, %swap3A_637] {strides = array<i32>} : memref<40x128xf32, #tpu.memory_space<vmem>>, vector<1x16xf32>,
        %swap3A_639 = vector.shape_cast %swap3A_638 : vector<1x16xf32> to vector<16xf32>
        %swap3A_640 = vector.shape_cast %max3A_635 : vector<16xf32> to vector<1x16xf32>
        tpu.vector_store %arg11[%swap3A_636, %swap3A_637], %swap3A_640 {strides = array<i32>} : memref<40x128xf32, #tpu.memory_space<vmem>>, vector<1x16xf32>,
        %mul3A_641 = arith.constant 2 : i32
        %mul3A_642 = arith.muli %scan3A_503, %mul3A_641 : i32
        %add3A_643 = arith.constant 1 : i32
        %add3A_644 = arith.addi %mul3A_642, %add3A_643 : i32
        %get3A_645 = arith.index_cast %add3A_644 : i32 to index
        %get3A_646 = arith.constant 0 : index
        %get3A_647 = tpu.vector_load %arg7[%get3A_645, %get3A_646] {strides = array<i32>} : memref<40x128xf32, #tpu.memory_space<vmem>>, vector<1x16xf32>,
        %get3A_648 = vector.shape_cast %get3A_647 : vector<1x16xf32> to vector<16xf32>
        %get3A_649 = arith.index_cast %add3A_644 : i32 to index
        %get3A_650 = arith.constant 0 : index
        %get3A_651 = tpu.vector_load %arg9[%get3A_649, %get3A_650] {strides = array<i32>} : memref<40x128xf32, #tpu.memory_space<vmem>>, vector<1x16xf32>,
        %get3A_652 = vector.shape_cast %get3A_651 : vector<1x16xf32> to vector<16xf32>
        %add3A_653 = arith.addf %get3A_648, %get3A_652 : vector<16xf32>
        %max3A_654 = arith.constant 0.000000e+00 : f32
        %max3A_655 = vector.broadcast %max3A_654 : f32 to vector<16xf32>
        %max3A_656 = arith.maximumf %add3A_653, %max3A_655 : vector<16xf32>
        %swap3A_657 = arith.index_cast %add3A_644 : i32 to index
        %swap3A_658 = arith.constant 0 : index
        %swap3A_659 = tpu.vector_load %arg11[%swap3A_657, %swap3A_658] {strides = array<i32>} : memref<40x128xf32, #tpu.memory_space<vmem>>, vector<1x16xf32>,
        %swap3A_660 = vector.shape_cast %swap3A_659 : vector<1x16xf32> to vector<16xf32>
        %swap3A_661 = vector.shape_cast %max3A_656 : vector<16xf32> to vector<1x16xf32>
        tpu.vector_store %arg11[%swap3A_657, %swap3A_658], %swap3A_661 {strides = array<i32>} : memref<40x128xf32, #tpu.memory_space<vmem>>, vector<1x16xf32>,
        %get3A_662 = arith.index_cast %add3A_644 : i32 to index
        %get3A_663 = arith.constant 16 : index
        %get3A_664 = tpu.vector_load %arg7[%get3A_662, %get3A_663] {strides = array<i32>} : memref<40x128xf32, #tpu.memory_space<vmem>>, vector<1x16xf32>,
        %get3A_665 = vector.shape_cast %get3A_664 : vector<1x16xf32> to vector<16xf32>
        %get3A_666 = arith.index_cast %add3A_644 : i32 to index
        %get3A_667 = arith.constant 16 : index
        %get3A_668 = tpu.vector_load %arg9[%get3A_666, %get3A_667] {strides = array<i32>} : memref<40x128xf32, #tpu.memory_space<vmem>>, vector<1x16xf32>,
        %get3A_669 = vector.shape_cast %get3A_668 : vector<1x16xf32> to vector<16xf32>
        %add3A_670 = arith.addf %get3A_665, %get3A_669 : vector<16xf32>
        %max3A_671 = arith.constant 0.000000e+00 : f32
        %max3A_672 = vector.broadcast %max3A_671 : f32 to vector<16xf32>
        %max3A_673 = arith.maximumf %add3A_670, %max3A_672 : vector<16xf32>
        %swap3A_674 = arith.index_cast %add3A_644 : i32 to index
        %swap3A_675 = arith.constant 16 : index
        %swap3A_676 = tpu.vector_load %arg11[%swap3A_674, %swap3A_675] {strides = array<i32>} : memref<40x128xf32, #tpu.memory_space<vmem>>, vector<1x16xf32>,
        %swap3A_677 = vector.shape_cast %swap3A_676 : vector<1x16xf32> to vector<16xf32>
        %swap3A_678 = vector.shape_cast %max3A_673 : vector<16xf32> to vector<1x16xf32>
        tpu.vector_store %arg11[%swap3A_674, %swap3A_675], %swap3A_678 {strides = array<i32>} : memref<40x128xf32, #tpu.memory_space<vmem>>, vector<1x16xf32>,
        %get3A_679 = arith.index_cast %add3A_644 : i32 to index
        %get3A_680 = arith.constant 32 : index
        %get3A_681 = tpu.vector_load %arg7[%get3A_679, %get3A_680] {strides = array<i32>} : memref<40x128xf32, #tpu.memory_space<vmem>>, vector<1x16xf32>,
        %get3A_682 = vector.shape_cast %get3A_681 : vector<1x16xf32> to vector<16xf32>
        %get3A_683 = arith.index_cast %add3A_644 : i32 to index
        %get3A_684 = arith.constant 32 : index
        %get3A_685 = tpu.vector_load %arg9[%get3A_683, %get3A_684] {strides = array<i32>} : memref<40x128xf32, #tpu.memory_space<vmem>>, vector<1x16xf32>,
        %get3A_686 = vector.shape_cast %get3A_685 : vector<1x16xf32> to vector<16xf32>
        %add3A_687 = arith.addf %get3A_682, %get3A_686 : vector<16xf32>
        %max3A_688 = arith.constant 0.000000e+00 : f32
        %max3A_689 = vector.broadcast %max3A_688 : f32 to vector<16xf32>
        %max3A_690 = arith.maximumf %add3A_687, %max3A_689 : vector<16xf32>
        %swap3A_691 = arith.index_cast %add3A_644 : i32 to index
        %swap3A_692 = arith.constant 32 : index
        %swap3A_693 = tpu.vector_load %arg11[%swap3A_691, %swap3A_692] {strides = array<i32>} : memref<40x128xf32, #tpu.memory_space<vmem>>, vector<1x16xf32>,
        %swap3A_694 = vector.shape_cast %swap3A_693 : vector<1x16xf32> to vector<16xf32>
        %swap3A_695 = vector.shape_cast %max3A_690 : vector<16xf32> to vector<1x16xf32>
        tpu.vector_store %arg11[%swap3A_691, %swap3A_692], %swap3A_695 {strides = array<i32>} : memref<40x128xf32, #tpu.memory_space<vmem>>, vector<1x16xf32>,
        %get3A_696 = arith.index_cast %add3A_644 : i32 to index
        %get3A_697 = arith.constant 48 : index
        %get3A_698 = tpu.vector_load %arg7[%get3A_696, %get3A_697] {strides = array<i32>} : memref<40x128xf32, #tpu.memory_space<vmem>>, vector<1x16xf32>,
        %get3A_699 = vector.shape_cast %get3A_698 : vector<1x16xf32> to vector<16xf32>
        %get3A_700 = arith.index_cast %add3A_644 : i32 to index
        %get3A_701 = arith.constant 48 : index
        %get3A_702 = tpu.vector_load %arg9[%get3A_700, %get3A_701] {strides = array<i32>} : memref<40x128xf32, #tpu.memory_space<vmem>>, vector<1x16xf32>,
        %get3A_703 = vector.shape_cast %get3A_702 : vector<1x16xf32> to vector<16xf32>
        %add3A_704 = arith.addf %get3A_699, %get3A_703 : vector<16xf32>
        %max3A_705 = arith.constant 0.000000e+00 : f32
        %max3A_706 = vector.broadcast %max3A_705 : f32 to vector<16xf32>
        %max3A_707 = arith.maximumf %add3A_704, %max3A_706 : vector<16xf32>
        %swap3A_708 = arith.index_cast %add3A_644 : i32 to index
        %swap3A_709 = arith.constant 48 : index
        %swap3A_710 = tpu.vector_load %arg11[%swap3A_708, %swap3A_709] {strides = array<i32>} : memref<40x128xf32, #tpu.memory_space<vmem>>, vector<1x16xf32>,
        %swap3A_711 = vector.shape_cast %swap3A_710 : vector<1x16xf32> to vector<16xf32>
        %swap3A_712 = vector.shape_cast %max3A_707 : vector<16xf32> to vector<1x16xf32>
        tpu.vector_store %arg11[%swap3A_708, %swap3A_709], %swap3A_712 {strides = array<i32>} : memref<40x128xf32, #tpu.memory_space<vmem>>, vector<1x16xf32>,
        %get3A_713 = arith.index_cast %add3A_644 : i32 to index
        %get3A_714 = arith.constant 64 : index
        %get3A_715 = tpu.vector_load %arg7[%get3A_713, %get3A_714] {strides = array<i32>} : memref<40x128xf32, #tpu.memory_space<vmem>>, vector<1x16xf32>,
        %get3A_716 = vector.shape_cast %get3A_715 : vector<1x16xf32> to vector<16xf32>
        %get3A_717 = arith.index_cast %add3A_644 : i32 to index
        %get3A_718 = arith.constant 64 : index
        %get3A_719 = tpu.vector_load %arg9[%get3A_717, %get3A_718] {strides = array<i32>} : memref<40x128xf32, #tpu.memory_space<vmem>>, vector<1x16xf32>,
        %get3A_720 = vector.shape_cast %get3A_719 : vector<1x16xf32> to vector<16xf32>
        %add3A_721 = arith.addf %get3A_716, %get3A_720 : vector<16xf32>
        %max3A_722 = arith.constant 0.000000e+00 : f32
        %max3A_723 = vector.broadcast %max3A_722 : f32 to vector<16xf32>
        %max3A_724 = arith.maximumf %add3A_721, %max3A_723 : vector<16xf32>
        %swap3A_725 = arith.index_cast %add3A_644 : i32 to index
        %swap3A_726 = arith.constant 64 : index
        %swap3A_727 = tpu.vector_load %arg11[%swap3A_725, %swap3A_726] {strides = array<i32>} : memref<40x128xf32, #tpu.memory_space<vmem>>, vector<1x16xf32>,
        %swap3A_728 = vector.shape_cast %swap3A_727 : vector<1x16xf32> to vector<16xf32>
        %swap3A_729 = vector.shape_cast %max3A_724 : vector<16xf32> to vector<1x16xf32>
        tpu.vector_store %arg11[%swap3A_725, %swap3A_726], %swap3A_729 {strides = array<i32>} : memref<40x128xf32, #tpu.memory_space<vmem>>, vector<1x16xf32>,
        %get3A_730 = arith.index_cast %add3A_644 : i32 to index
        %get3A_731 = arith.constant 80 : index
        %get3A_732 = tpu.vector_load %arg7[%get3A_730, %get3A_731] {strides = array<i32>} : memref<40x128xf32, #tpu.memory_space<vmem>>, vector<1x16xf32>,
        %get3A_733 = vector.shape_cast %get3A_732 : vector<1x16xf32> to vector<16xf32>
        %get3A_734 = arith.index_cast %add3A_644 : i32 to index
        %get3A_735 = arith.constant 80 : index
        %get3A_736 = tpu.vector_load %arg9[%get3A_734, %get3A_735] {strides = array<i32>} : memref<40x128xf32, #tpu.memory_space<vmem>>, vector<1x16xf32>,
        %get3A_737 = vector.shape_cast %get3A_736 : vector<1x16xf32> to vector<16xf32>
        %add3A_738 = arith.addf %get3A_733, %get3A_737 : vector<16xf32>
        %max3A_739 = arith.constant 0.000000e+00 : f32
        %max3A_740 = vector.broadcast %max3A_739 : f32 to vector<16xf32>
        %max3A_741 = arith.maximumf %add3A_738, %max3A_740 : vector<16xf32>
        %swap3A_742 = arith.index_cast %add3A_644 : i32 to index
        %swap3A_743 = arith.constant 80 : index
        %swap3A_744 = tpu.vector_load %arg11[%swap3A_742, %swap3A_743] {strides = array<i32>} : memref<40x128xf32, #tpu.memory_space<vmem>>, vector<1x16xf32>,
        %swap3A_745 = vector.shape_cast %swap3A_744 : vector<1x16xf32> to vector<16xf32>
        %swap3A_746 = vector.shape_cast %max3A_741 : vector<16xf32> to vector<1x16xf32>
        tpu.vector_store %arg11[%swap3A_742, %swap3A_743], %swap3A_746 {strides = array<i32>} : memref<40x128xf32, #tpu.memory_space<vmem>>, vector<1x16xf32>,
        %get3A_747 = arith.index_cast %add3A_644 : i32 to index
        %get3A_748 = arith.constant 96 : index
        %get3A_749 = tpu.vector_load %arg7[%get3A_747, %get3A_748] {strides = array<i32>} : memref<40x128xf32, #tpu.memory_space<vmem>>, vector<1x16xf32>,
        %get3A_750 = vector.shape_cast %get3A_749 : vector<1x16xf32> to vector<16xf32>
        %get3A_751 = arith.index_cast %add3A_644 : i32 to index
        %get3A_752 = arith.constant 96 : index
        %get3A_753 = tpu.vector_load %arg9[%get3A_751, %get3A_752] {strides = array<i32>} : memref<40x128xf32, #tpu.memory_space<vmem>>, vector<1x16xf32>,
        %get3A_754 = vector.shape_cast %get3A_753 : vector<1x16xf32> to vector<16xf32>
        %add3A_755 = arith.addf %get3A_750, %get3A_754 : vector<16xf32>
        %max3A_756 = arith.constant 0.000000e+00 : f32
        %max3A_757 = vector.broadcast %max3A_756 : f32 to vector<16xf32>
        %max3A_758 = arith.maximumf %add3A_755, %max3A_757 : vector<16xf32>
        %swap3A_759 = arith.index_cast %add3A_644 : i32 to index
        %swap3A_760 = arith.constant 96 : index
        %swap3A_761 = tpu.vector_load %arg11[%swap3A_759, %swap3A_760] {strides = array<i32>} : memref<40x128xf32, #tpu.memory_space<vmem>>, vector<1x16xf32>,
        %swap3A_762 = vector.shape_cast %swap3A_761 : vector<1x16xf32> to vector<16xf32>
        %swap3A_763 = vector.shape_cast %max3A_758 : vector<16xf32> to vector<1x16xf32>
        tpu.vector_store %arg11[%swap3A_759, %swap3A_760], %swap3A_763 {strides = array<i32>} : memref<40x128xf32, #tpu.memory_space<vmem>>, vector<1x16xf32>,
        %get3A_764 = arith.index_cast %add3A_644 : i32 to index
        %get3A_765 = arith.constant 112 : index
        %get3A_766 = tpu.vector_load %arg7[%get3A_764, %get3A_765] {strides = array<i32>} : memref<40x128xf32, #tpu.memory_space<vmem>>, vector<1x16xf32>,
        %get3A_767 = vector.shape_cast %get3A_766 : vector<1x16xf32> to vector<16xf32>
        %get3A_768 = arith.index_cast %add3A_644 : i32 to index
        %get3A_769 = arith.constant 112 : index
        %get3A_770 = tpu.vector_load %arg9[%get3A_768, %get3A_769] {strides = array<i32>} : memref<40x128xf32, #tpu.memory_space<vmem>>, vector<1x16xf32>,
        %get3A_771 = vector.shape_cast %get3A_770 : vector<1x16xf32> to vector<16xf32>
        %add3A_772 = arith.addf %get3A_767, %get3A_771 : vector<16xf32>
        %max3A_773 = arith.constant 0.000000e+00 : f32
        %max3A_774 = vector.broadcast %max3A_773 : f32 to vector<16xf32>
        %max3A_775 = arith.maximumf %add3A_772, %max3A_774 : vector<16xf32>
        %swap3A_776 = arith.index_cast %add3A_644 : i32 to index
        %swap3A_777 = arith.constant 112 : index
        %swap3A_778 = tpu.vector_load %arg11[%swap3A_776, %swap3A_777] {strides = array<i32>} : memref<40x128xf32, #tpu.memory_space<vmem>>, vector<1x16xf32>,
        %swap3A_779 = vector.shape_cast %swap3A_778 : vector<1x16xf32> to vector<16xf32>
        %swap3A_780 = vector.shape_cast %max3A_775 : vector<16xf32> to vector<1x16xf32>
        tpu.vector_store %arg11[%swap3A_776, %swap3A_777], %swap3A_780 {strides = array<i32>} : memref<40x128xf32, #tpu.memory_space<vmem>>, vector<1x16xf32>,
      }
      %scan3A_355 = arith.constant 20 : i32
      %dma_wait3A_356 = arith.constant 0 : i32
      %dma_wait3A_357 = tpu.memref_slice %arg5[%dma_wait3A_356] : memref<320000xi32, #tpu.memory_space<hbm>> -> memref<40xi32, #tpu.memory_space<hbm>>
      %dma_wait3A_358 = arith.constant 0 : i32
      %dma_wait3A_359 = tpu.memref_slice %arg5[%dma_wait3A_358] : memref<320000xi32, #tpu.memory_space<hbm>> -> memref<40xi32, #tpu.memory_space<hbm>>
      tpu.wait_dma2 semaphore(%arg42 : memref<!tpu.dma_semaphore, #tpu.memory_space<semaphore_mem>>) src(%dma_wait3A_359 : memref<40xi32, #tpu.memory_space<hbm>>) dst(%arg23 : memref<40xi32, #tpu.memory_space<vmem>>)
      %dma_start3A_360 = arith.constant 0 : i32
      %dma_start3A_361 = arith.constant 0 : i32
      %dma_start3A_362 = tpu.memref_slice %arg25[%dma_start3A_360, %dma_start3A_361] : memref<10240x128xf32, #tpu.memory_space<vmem_shared>> -> memref<10240x128xf32, #tpu.memory_space<vmem_shared>>
      tpu.enqueue_indirect_dma source(%arg11 : memref<40x128xf32, #tpu.memory_space<vmem>>) target(%dma_start3A_362 : memref<10240x128xf32, #tpu.memory_space<vmem_shared>>) offsets(%arg23 : memref<40xi32, #tpu.memory_space<vmem>>) semaphore(%arg30 : memref<!tpu.dma_semaphore, #tpu.memory_space<semaphore_mem>>) {add = true}
      %add3A_363 = arith.constant 2 : i32
      %add3A_364 = arith.addi %add3A_336, %add3A_363 : i32
      %lt3A_365 = arith.constant 250 : i32
      %lt3A_366 = arith.cmpi slt, %add3A_364, %lt3A_365 : i32
      %convert_element_type3A_367 = arith.extui %lt3A_366 : i1 to i32
      %cond3A_368 = arith.constant 0 : i32
      %cond3A_369 = arith.cmpi ne, %convert_element_type3A_367, %cond3A_368 : i32
      scf.if %cond3A_369 {
        %dma_wait3A_503 = arith.constant 0 : i32
        %dma_wait3A_504 = tpu.memref_slice %arg4[%dma_wait3A_503] : memref<320000xi32, #tpu.memory_space<hbm>> -> memref<40xi32, #tpu.memory_space<hbm>>
        %dma_wait3A_505 = arith.constant 0 : i32
        %dma_wait3A_506 = tpu.memref_slice %arg4[%dma_wait3A_505] : memref<320000xi32, #tpu.memory_space<hbm>> -> memref<40xi32, #tpu.memory_space<hbm>>
        tpu.wait_dma2 semaphore(%arg32 : memref<!tpu.dma_semaphore, #tpu.memory_space<semaphore_mem>>) src(%dma_wait3A_506 : memref<40xi32, #tpu.memory_space<hbm>>) dst(%arg13 : memref<40xi32, #tpu.memory_space<vmem>>)
        %add3A_507 = arith.constant 2 : i32
        %add3A_508 = arith.addi %add3A_336, %add3A_507 : i32
        %dma_start3A_509 = arith.constant 0 : i32
        %dma_start3A_510 = arith.constant 0 : i32
        %dma_start3A_511 = tpu.memref_slice %arg2[%dma_start3A_509, %dma_start3A_510] : memref<10000x128xf32, #tpu.memory_space<hbm>> -> memref<10000x128xf32, #tpu.memory_space<hbm>>
        tpu.enqueue_indirect_dma source(%dma_start3A_511 : memref<10000x128xf32, #tpu.memory_space<hbm>>) target(%arg7 : memref<40x128xf32, #tpu.memory_space<vmem>>) offsets(%arg13 : memref<40xi32, #tpu.memory_space<vmem>>) semaphore(%arg26 : memref<!tpu.dma_semaphore, #tpu.memory_space<semaphore_mem>>)
        %mul3A_512 = arith.constant 40 : i32
        %mul3A_513 = arith.muli %add3A_508, %mul3A_512 : i32
        %add3A_514 = arith.addi %mul3A_2, %mul3A_513 : i32
        %dma_start3A_515 = arith.constant 0 : i32
        %dma_start3A_516 = tpu.memref_slice %arg3[%add3A_514, %dma_start3A_515] : memref<320000x128xf32, #tpu.memory_space<hbm>> -> memref<40x128xf32, #tpu.memory_space<hbm>>
        %dma_start3A_517 = arith.constant 0 : i32
        %dma_start3A_518 = tpu.memref_slice %arg3[%add3A_514, %dma_start3A_517] : memref<320000x128xf32, #tpu.memory_space<hbm>> -> memref<40x128xf32, #tpu.memory_space<hbm>>
        tpu.enqueue_dma source(%dma_start3A_518 : memref<40x128xf32, #tpu.memory_space<hbm>>) target(%arg9 : memref<40x128xf32, #tpu.memory_space<vmem>>) target_semaphore(%arg28 : memref<!tpu.dma_semaphore, #tpu.memory_space<semaphore_mem>>)
      } else {
      }
      %add3A_370 = arith.constant 3 : i32
      %add3A_371 = arith.addi %add3A_336, %add3A_370 : i32
      %lt3A_372 = arith.constant 250 : i32
      %lt3A_373 = arith.cmpi slt, %add3A_371, %lt3A_372 : i32
      %convert_element_type3A_374 = arith.extui %lt3A_373 : i1 to i32
      %cond3A_375 = arith.constant 0 : i32
      %cond3A_376 = arith.cmpi ne, %convert_element_type3A_374, %cond3A_375 : i32
      scf.if %cond3A_376 {
        %add3A_503 = arith.constant 3 : i32
        %add3A_504 = arith.addi %add3A_336, %add3A_503 : i32
        %mul3A_505 = arith.constant 40 : i32
        %mul3A_506 = arith.muli %add3A_504, %mul3A_505 : i32
        %add3A_507 = arith.addi %mul3A_2, %mul3A_506 : i32
        %dma_start3A_508 = tpu.memref_slice %arg4[%add3A_507] : memref<320000xi32, #tpu.memory_space<hbm>> -> memref<40xi32, #tpu.memory_space<hbm>>
        %dma_start3A_509 = tpu.memref_slice %arg4[%add3A_507] : memref<320000xi32, #tpu.memory_space<hbm>> -> memref<40xi32, #tpu.memory_space<hbm>>
        tpu.enqueue_dma source(%dma_start3A_509 : memref<40xi32, #tpu.memory_space<hbm>>) target(%arg14 : memref<40xi32, #tpu.memory_space<vmem>>) target_semaphore(%arg33 : memref<!tpu.dma_semaphore, #tpu.memory_space<semaphore_mem>>)
        %mul3A_510 = arith.constant 40 : i32
        %mul3A_511 = arith.muli %add3A_504, %mul3A_510 : i32
        %add3A_512 = arith.addi %mul3A_2, %mul3A_511 : i32
        %dma_start3A_513 = tpu.memref_slice %arg5[%add3A_512] : memref<320000xi32, #tpu.memory_space<hbm>> -> memref<40xi32, #tpu.memory_space<hbm>>
        %dma_start3A_514 = tpu.memref_slice %arg5[%add3A_512] : memref<320000xi32, #tpu.memory_space<hbm>> -> memref<40xi32, #tpu.memory_space<hbm>>
        tpu.enqueue_dma source(%dma_start3A_514 : memref<40xi32, #tpu.memory_space<hbm>>) target(%arg18 : memref<40xi32, #tpu.memory_space<vmem>>) target_semaphore(%arg37 : memref<!tpu.dma_semaphore, #tpu.memory_space<semaphore_mem>>)
      } else {
      }
      %add3A_377 = arith.constant 5 : i32
      %add3A_378 = arith.addi %add3A_169, %add3A_377 : i32
      %dma_wait3A_379 = arith.constant 0 : i32
      %dma_wait3A_380 = arith.constant 0 : i32
      %dma_wait3A_381 = tpu.memref_slice %arg2[%dma_wait3A_379, %dma_wait3A_380] : memref<10000x128xf32, #tpu.memory_space<hbm>> -> memref<10000x128xf32, #tpu.memory_space<hbm>>
      tpu.wait_indirect_dma semaphore(%arg27 : memref<!tpu.dma_semaphore, #tpu.memory_space<semaphore_mem>>) src(%dma_wait3A_381 : memref<10000x128xf32, #tpu.memory_space<hbm>>) dst(%arg8 : memref<40x128xf32, #tpu.memory_space<vmem>>)
      %mul3A_382 = arith.constant 40 : i32
      %mul3A_383 = arith.muli %add3A_378, %mul3A_382 : i32
      %add3A_384 = arith.addi %mul3A_2, %mul3A_383 : i32
      %dma_wait3A_385 = arith.constant 0 : i32
      %dma_wait3A_386 = tpu.memref_slice %arg3[%add3A_384, %dma_wait3A_385] : memref<320000x128xf32, #tpu.memory_space<hbm>> -> memref<40x128xf32, #tpu.memory_space<hbm>>
      %dma_wait3A_387 = arith.constant 0 : i32
      %dma_wait3A_388 = tpu.memref_slice %arg3[%add3A_384, %dma_wait3A_387] : memref<320000x128xf32, #tpu.memory_space<hbm>> -> memref<40x128xf32, #tpu.memory_space<hbm>>
      tpu.wait_dma2 semaphore(%arg29 : memref<!tpu.dma_semaphore, #tpu.memory_space<semaphore_mem>>) src(%dma_wait3A_388 : memref<40x128xf32, #tpu.memory_space<hbm>>) dst(%arg10 : memref<40x128xf32, #tpu.memory_space<vmem>>)
      %dma_wait3A_389 = arith.constant 0 : i32
      %dma_wait3A_390 = arith.constant 0 : i32
      %dma_wait3A_391 = tpu.memref_slice %arg25[%dma_wait3A_389, %dma_wait3A_390] : memref<10240x128xf32, #tpu.memory_space<vmem_shared>> -> memref<10240x128xf32, #tpu.memory_space<vmem_shared>>
      tpu.wait_indirect_dma semaphore(%arg31 : memref<!tpu.dma_semaphore, #tpu.memory_space<semaphore_mem>>) src(%arg12 : memref<40x128xf32, #tpu.memory_space<vmem>>) dst(%dma_wait3A_391 : memref<10240x128xf32, #tpu.memory_space<vmem_shared>>)
      %scan3A_392 = arith.constant 0 : i32
      %scan3A_393 = arith.constant 0 : i32
      %scan3A_394 = arith.constant 20 : i32
      %scan3A_395 = arith.addi %scan3A_393, %scan3A_394 : i32
      %scan3A_396 = arith.constant 1 : i32
      scf.for %scan3A_503 = %scan3A_393 to %scan3A_395 step %scan3A_396  : i32 {
        %mul3A_504 = arith.constant 2 : i32
        %mul3A_505 = arith.muli %scan3A_503, %mul3A_504 : i32
        %add3A_506 = arith.constant 0 : i32
        %add3A_507 = arith.addi %mul3A_505, %add3A_506 : i32
        %get3A = arith.index_cast %add3A_507 : i32 to index
        %get3A_508 = arith.constant 0 : index
        %get3A_509 = tpu.vector_load %arg8[%get3A, %get3A_508] {strides = array<i32>} : memref<40x128xf32, #tpu.memory_space<vmem>>, vector<1x16xf32>,
        %get3A_510 = vector.shape_cast %get3A_509 : vector<1x16xf32> to vector<16xf32>
        %get3A_511 = arith.index_cast %add3A_507 : i32 to index
        %get3A_512 = arith.constant 0 : index
        %get3A_513 = tpu.vector_load %arg10[%get3A_511, %get3A_512] {strides = array<i32>} : memref<40x128xf32, #tpu.memory_space<vmem>>, vector<1x16xf32>,
        %get3A_514 = vector.shape_cast %get3A_513 : vector<1x16xf32> to vector<16xf32>
        %add3A_515 = arith.addf %get3A_510, %get3A_514 : vector<16xf32>
        %max3A = arith.constant 0.000000e+00 : f32
        %max3A_516 = vector.broadcast %max3A : f32 to vector<16xf32>
        %max3A_517 = arith.maximumf %add3A_515, %max3A_516 : vector<16xf32>
        %swap3A = arith.index_cast %add3A_507 : i32 to index
        %swap3A_518 = arith.constant 0 : index
        %swap3A_519 = tpu.vector_load %arg12[%swap3A, %swap3A_518] {strides = array<i32>} : memref<40x128xf32, #tpu.memory_space<vmem>>, vector<1x16xf32>,
        %swap3A_520 = vector.shape_cast %swap3A_519 : vector<1x16xf32> to vector<16xf32>
        %swap3A_521 = vector.shape_cast %max3A_517 : vector<16xf32> to vector<1x16xf32>
        tpu.vector_store %arg12[%swap3A, %swap3A_518], %swap3A_521 {strides = array<i32>} : memref<40x128xf32, #tpu.memory_space<vmem>>, vector<1x16xf32>,
        %get3A_522 = arith.index_cast %add3A_507 : i32 to index
        %get3A_523 = arith.constant 16 : index
        %get3A_524 = tpu.vector_load %arg8[%get3A_522, %get3A_523] {strides = array<i32>} : memref<40x128xf32, #tpu.memory_space<vmem>>, vector<1x16xf32>,
        %get3A_525 = vector.shape_cast %get3A_524 : vector<1x16xf32> to vector<16xf32>
        %get3A_526 = arith.index_cast %add3A_507 : i32 to index
        %get3A_527 = arith.constant 16 : index
        %get3A_528 = tpu.vector_load %arg10[%get3A_526, %get3A_527] {strides = array<i32>} : memref<40x128xf32, #tpu.memory_space<vmem>>, vector<1x16xf32>,
        %get3A_529 = vector.shape_cast %get3A_528 : vector<1x16xf32> to vector<16xf32>
        %add3A_530 = arith.addf %get3A_525, %get3A_529 : vector<16xf32>
        %max3A_531 = arith.constant 0.000000e+00 : f32
        %max3A_532 = vector.broadcast %max3A_531 : f32 to vector<16xf32>
        %max3A_533 = arith.maximumf %add3A_530, %max3A_532 : vector<16xf32>
        %swap3A_534 = arith.index_cast %add3A_507 : i32 to index
        %swap3A_535 = arith.constant 16 : index
        %swap3A_536 = tpu.vector_load %arg12[%swap3A_534, %swap3A_535] {strides = array<i32>} : memref<40x128xf32, #tpu.memory_space<vmem>>, vector<1x16xf32>,
        %swap3A_537 = vector.shape_cast %swap3A_536 : vector<1x16xf32> to vector<16xf32>
        %swap3A_538 = vector.shape_cast %max3A_533 : vector<16xf32> to vector<1x16xf32>
        tpu.vector_store %arg12[%swap3A_534, %swap3A_535], %swap3A_538 {strides = array<i32>} : memref<40x128xf32, #tpu.memory_space<vmem>>, vector<1x16xf32>,
        %get3A_539 = arith.index_cast %add3A_507 : i32 to index
        %get3A_540 = arith.constant 32 : index
        %get3A_541 = tpu.vector_load %arg8[%get3A_539, %get3A_540] {strides = array<i32>} : memref<40x128xf32, #tpu.memory_space<vmem>>, vector<1x16xf32>,
        %get3A_542 = vector.shape_cast %get3A_541 : vector<1x16xf32> to vector<16xf32>
        %get3A_543 = arith.index_cast %add3A_507 : i32 to index
        %get3A_544 = arith.constant 32 : index
        %get3A_545 = tpu.vector_load %arg10[%get3A_543, %get3A_544] {strides = array<i32>} : memref<40x128xf32, #tpu.memory_space<vmem>>, vector<1x16xf32>,
        %get3A_546 = vector.shape_cast %get3A_545 : vector<1x16xf32> to vector<16xf32>
        %add3A_547 = arith.addf %get3A_542, %get3A_546 : vector<16xf32>
        %max3A_548 = arith.constant 0.000000e+00 : f32
        %max3A_549 = vector.broadcast %max3A_548 : f32 to vector<16xf32>
        %max3A_550 = arith.maximumf %add3A_547, %max3A_549 : vector<16xf32>
        %swap3A_551 = arith.index_cast %add3A_507 : i32 to index
        %swap3A_552 = arith.constant 32 : index
        %swap3A_553 = tpu.vector_load %arg12[%swap3A_551, %swap3A_552] {strides = array<i32>} : memref<40x128xf32, #tpu.memory_space<vmem>>, vector<1x16xf32>,
        %swap3A_554 = vector.shape_cast %swap3A_553 : vector<1x16xf32> to vector<16xf32>
        %swap3A_555 = vector.shape_cast %max3A_550 : vector<16xf32> to vector<1x16xf32>
        tpu.vector_store %arg12[%swap3A_551, %swap3A_552], %swap3A_555 {strides = array<i32>} : memref<40x128xf32, #tpu.memory_space<vmem>>, vector<1x16xf32>,
        %get3A_556 = arith.index_cast %add3A_507 : i32 to index
        %get3A_557 = arith.constant 48 : index
        %get3A_558 = tpu.vector_load %arg8[%get3A_556, %get3A_557] {strides = array<i32>} : memref<40x128xf32, #tpu.memory_space<vmem>>, vector<1x16xf32>,
        %get3A_559 = vector.shape_cast %get3A_558 : vector<1x16xf32> to vector<16xf32>
        %get3A_560 = arith.index_cast %add3A_507 : i32 to index
        %get3A_561 = arith.constant 48 : index
        %get3A_562 = tpu.vector_load %arg10[%get3A_560, %get3A_561] {strides = array<i32>} : memref<40x128xf32, #tpu.memory_space<vmem>>, vector<1x16xf32>,
        %get3A_563 = vector.shape_cast %get3A_562 : vector<1x16xf32> to vector<16xf32>
        %add3A_564 = arith.addf %get3A_559, %get3A_563 : vector<16xf32>
        %max3A_565 = arith.constant 0.000000e+00 : f32
        %max3A_566 = vector.broadcast %max3A_565 : f32 to vector<16xf32>
        %max3A_567 = arith.maximumf %add3A_564, %max3A_566 : vector<16xf32>
        %swap3A_568 = arith.index_cast %add3A_507 : i32 to index
        %swap3A_569 = arith.constant 48 : index
        %swap3A_570 = tpu.vector_load %arg12[%swap3A_568, %swap3A_569] {strides = array<i32>} : memref<40x128xf32, #tpu.memory_space<vmem>>, vector<1x16xf32>,
        %swap3A_571 = vector.shape_cast %swap3A_570 : vector<1x16xf32> to vector<16xf32>
        %swap3A_572 = vector.shape_cast %max3A_567 : vector<16xf32> to vector<1x16xf32>
        tpu.vector_store %arg12[%swap3A_568, %swap3A_569], %swap3A_572 {strides = array<i32>} : memref<40x128xf32, #tpu.memory_space<vmem>>, vector<1x16xf32>,
        %get3A_573 = arith.index_cast %add3A_507 : i32 to index
        %get3A_574 = arith.constant 64 : index
        %get3A_575 = tpu.vector_load %arg8[%get3A_573, %get3A_574] {strides = array<i32>} : memref<40x128xf32, #tpu.memory_space<vmem>>, vector<1x16xf32>,
        %get3A_576 = vector.shape_cast %get3A_575 : vector<1x16xf32> to vector<16xf32>
        %get3A_577 = arith.index_cast %add3A_507 : i32 to index
        %get3A_578 = arith.constant 64 : index
        %get3A_579 = tpu.vector_load %arg10[%get3A_577, %get3A_578] {strides = array<i32>} : memref<40x128xf32, #tpu.memory_space<vmem>>, vector<1x16xf32>,
        %get3A_580 = vector.shape_cast %get3A_579 : vector<1x16xf32> to vector<16xf32>
        %add3A_581 = arith.addf %get3A_576, %get3A_580 : vector<16xf32>
        %max3A_582 = arith.constant 0.000000e+00 : f32
        %max3A_583 = vector.broadcast %max3A_582 : f32 to vector<16xf32>
        %max3A_584 = arith.maximumf %add3A_581, %max3A_583 : vector<16xf32>
        %swap3A_585 = arith.index_cast %add3A_507 : i32 to index
        %swap3A_586 = arith.constant 64 : index
        %swap3A_587 = tpu.vector_load %arg12[%swap3A_585, %swap3A_586] {strides = array<i32>} : memref<40x128xf32, #tpu.memory_space<vmem>>, vector<1x16xf32>,
        %swap3A_588 = vector.shape_cast %swap3A_587 : vector<1x16xf32> to vector<16xf32>
        %swap3A_589 = vector.shape_cast %max3A_584 : vector<16xf32> to vector<1x16xf32>
        tpu.vector_store %arg12[%swap3A_585, %swap3A_586], %swap3A_589 {strides = array<i32>} : memref<40x128xf32, #tpu.memory_space<vmem>>, vector<1x16xf32>,
        %get3A_590 = arith.index_cast %add3A_507 : i32 to index
        %get3A_591 = arith.constant 80 : index
        %get3A_592 = tpu.vector_load %arg8[%get3A_590, %get3A_591] {strides = array<i32>} : memref<40x128xf32, #tpu.memory_space<vmem>>, vector<1x16xf32>,
        %get3A_593 = vector.shape_cast %get3A_592 : vector<1x16xf32> to vector<16xf32>
        %get3A_594 = arith.index_cast %add3A_507 : i32 to index
        %get3A_595 = arith.constant 80 : index
        %get3A_596 = tpu.vector_load %arg10[%get3A_594, %get3A_595] {strides = array<i32>} : memref<40x128xf32, #tpu.memory_space<vmem>>, vector<1x16xf32>,
        %get3A_597 = vector.shape_cast %get3A_596 : vector<1x16xf32> to vector<16xf32>
        %add3A_598 = arith.addf %get3A_593, %get3A_597 : vector<16xf32>
        %max3A_599 = arith.constant 0.000000e+00 : f32
        %max3A_600 = vector.broadcast %max3A_599 : f32 to vector<16xf32>
        %max3A_601 = arith.maximumf %add3A_598, %max3A_600 : vector<16xf32>
        %swap3A_602 = arith.index_cast %add3A_507 : i32 to index
        %swap3A_603 = arith.constant 80 : index
        %swap3A_604 = tpu.vector_load %arg12[%swap3A_602, %swap3A_603] {strides = array<i32>} : memref<40x128xf32, #tpu.memory_space<vmem>>, vector<1x16xf32>,
        %swap3A_605 = vector.shape_cast %swap3A_604 : vector<1x16xf32> to vector<16xf32>
        %swap3A_606 = vector.shape_cast %max3A_601 : vector<16xf32> to vector<1x16xf32>
        tpu.vector_store %arg12[%swap3A_602, %swap3A_603], %swap3A_606 {strides = array<i32>} : memref<40x128xf32, #tpu.memory_space<vmem>>, vector<1x16xf32>,
        %get3A_607 = arith.index_cast %add3A_507 : i32 to index
        %get3A_608 = arith.constant 96 : index
        %get3A_609 = tpu.vector_load %arg8[%get3A_607, %get3A_608] {strides = array<i32>} : memref<40x128xf32, #tpu.memory_space<vmem>>, vector<1x16xf32>,
        %get3A_610 = vector.shape_cast %get3A_609 : vector<1x16xf32> to vector<16xf32>
        %get3A_611 = arith.index_cast %add3A_507 : i32 to index
        %get3A_612 = arith.constant 96 : index
        %get3A_613 = tpu.vector_load %arg10[%get3A_611, %get3A_612] {strides = array<i32>} : memref<40x128xf32, #tpu.memory_space<vmem>>, vector<1x16xf32>,
        %get3A_614 = vector.shape_cast %get3A_613 : vector<1x16xf32> to vector<16xf32>
        %add3A_615 = arith.addf %get3A_610, %get3A_614 : vector<16xf32>
        %max3A_616 = arith.constant 0.000000e+00 : f32
        %max3A_617 = vector.broadcast %max3A_616 : f32 to vector<16xf32>
        %max3A_618 = arith.maximumf %add3A_615, %max3A_617 : vector<16xf32>
        %swap3A_619 = arith.index_cast %add3A_507 : i32 to index
        %swap3A_620 = arith.constant 96 : index
        %swap3A_621 = tpu.vector_load %arg12[%swap3A_619, %swap3A_620] {strides = array<i32>} : memref<40x128xf32, #tpu.memory_space<vmem>>, vector<1x16xf32>,
        %swap3A_622 = vector.shape_cast %swap3A_621 : vector<1x16xf32> to vector<16xf32>
        %swap3A_623 = vector.shape_cast %max3A_618 : vector<16xf32> to vector<1x16xf32>
        tpu.vector_store %arg12[%swap3A_619, %swap3A_620], %swap3A_623 {strides = array<i32>} : memref<40x128xf32, #tpu.memory_space<vmem>>, vector<1x16xf32>,
        %get3A_624 = arith.index_cast %add3A_507 : i32 to index
        %get3A_625 = arith.constant 112 : index
        %get3A_626 = tpu.vector_load %arg8[%get3A_624, %get3A_625] {strides = array<i32>} : memref<40x128xf32, #tpu.memory_space<vmem>>, vector<1x16xf32>,
        %get3A_627 = vector.shape_cast %get3A_626 : vector<1x16xf32> to vector<16xf32>
        %get3A_628 = arith.index_cast %add3A_507 : i32 to index
        %get3A_629 = arith.constant 112 : index
        %get3A_630 = tpu.vector_load %arg10[%get3A_628, %get3A_629] {strides = array<i32>} : memref<40x128xf32, #tpu.memory_space<vmem>>, vector<1x16xf32>,
        %get3A_631 = vector.shape_cast %get3A_630 : vector<1x16xf32> to vector<16xf32>
        %add3A_632 = arith.addf %get3A_627, %get3A_631 : vector<16xf32>
        %max3A_633 = arith.constant 0.000000e+00 : f32
        %max3A_634 = vector.broadcast %max3A_633 : f32 to vector<16xf32>
        %max3A_635 = arith.maximumf %add3A_632, %max3A_634 : vector<16xf32>
        %swap3A_636 = arith.index_cast %add3A_507 : i32 to index
        %swap3A_637 = arith.constant 112 : index
        %swap3A_638 = tpu.vector_load %arg12[%swap3A_636, %swap3A_637] {strides = array<i32>} : memref<40x128xf32, #tpu.memory_space<vmem>>, vector<1x16xf32>,
        %swap3A_639 = vector.shape_cast %swap3A_638 : vector<1x16xf32> to vector<16xf32>
        %swap3A_640 = vector.shape_cast %max3A_635 : vector<16xf32> to vector<1x16xf32>
        tpu.vector_store %arg12[%swap3A_636, %swap3A_637], %swap3A_640 {strides = array<i32>} : memref<40x128xf32, #tpu.memory_space<vmem>>, vector<1x16xf32>,
        %mul3A_641 = arith.constant 2 : i32
        %mul3A_642 = arith.muli %scan3A_503, %mul3A_641 : i32
        %add3A_643 = arith.constant 1 : i32
        %add3A_644 = arith.addi %mul3A_642, %add3A_643 : i32
        %get3A_645 = arith.index_cast %add3A_644 : i32 to index
        %get3A_646 = arith.constant 0 : index
        %get3A_647 = tpu.vector_load %arg8[%get3A_645, %get3A_646] {strides = array<i32>} : memref<40x128xf32, #tpu.memory_space<vmem>>, vector<1x16xf32>,
        %get3A_648 = vector.shape_cast %get3A_647 : vector<1x16xf32> to vector<16xf32>
        %get3A_649 = arith.index_cast %add3A_644 : i32 to index
        %get3A_650 = arith.constant 0 : index
        %get3A_651 = tpu.vector_load %arg10[%get3A_649, %get3A_650] {strides = array<i32>} : memref<40x128xf32, #tpu.memory_space<vmem>>, vector<1x16xf32>,
        %get3A_652 = vector.shape_cast %get3A_651 : vector<1x16xf32> to vector<16xf32>
        %add3A_653 = arith.addf %get3A_648, %get3A_652 : vector<16xf32>
        %max3A_654 = arith.constant 0.000000e+00 : f32
        %max3A_655 = vector.broadcast %max3A_654 : f32 to vector<16xf32>
        %max3A_656 = arith.maximumf %add3A_653, %max3A_655 : vector<16xf32>
        %swap3A_657 = arith.index_cast %add3A_644 : i32 to index
        %swap3A_658 = arith.constant 0 : index
        %swap3A_659 = tpu.vector_load %arg12[%swap3A_657, %swap3A_658] {strides = array<i32>} : memref<40x128xf32, #tpu.memory_space<vmem>>, vector<1x16xf32>,
        %swap3A_660 = vector.shape_cast %swap3A_659 : vector<1x16xf32> to vector<16xf32>
        %swap3A_661 = vector.shape_cast %max3A_656 : vector<16xf32> to vector<1x16xf32>
        tpu.vector_store %arg12[%swap3A_657, %swap3A_658], %swap3A_661 {strides = array<i32>} : memref<40x128xf32, #tpu.memory_space<vmem>>, vector<1x16xf32>,
        %get3A_662 = arith.index_cast %add3A_644 : i32 to index
        %get3A_663 = arith.constant 16 : index
        %get3A_664 = tpu.vector_load %arg8[%get3A_662, %get3A_663] {strides = array<i32>} : memref<40x128xf32, #tpu.memory_space<vmem>>, vector<1x16xf32>,
        %get3A_665 = vector.shape_cast %get3A_664 : vector<1x16xf32> to vector<16xf32>
        %get3A_666 = arith.index_cast %add3A_644 : i32 to index
        %get3A_667 = arith.constant 16 : index
        %get3A_668 = tpu.vector_load %arg10[%get3A_666, %get3A_667] {strides = array<i32>} : memref<40x128xf32, #tpu.memory_space<vmem>>, vector<1x16xf32>,
        %get3A_669 = vector.shape_cast %get3A_668 : vector<1x16xf32> to vector<16xf32>
        %add3A_670 = arith.addf %get3A_665, %get3A_669 : vector<16xf32>
        %max3A_671 = arith.constant 0.000000e+00 : f32
        %max3A_672 = vector.broadcast %max3A_671 : f32 to vector<16xf32>
        %max3A_673 = arith.maximumf %add3A_670, %max3A_672 : vector<16xf32>
        %swap3A_674 = arith.index_cast %add3A_644 : i32 to index
        %swap3A_675 = arith.constant 16 : index
        %swap3A_676 = tpu.vector_load %arg12[%swap3A_674, %swap3A_675] {strides = array<i32>} : memref<40x128xf32, #tpu.memory_space<vmem>>, vector<1x16xf32>,
        %swap3A_677 = vector.shape_cast %swap3A_676 : vector<1x16xf32> to vector<16xf32>
        %swap3A_678 = vector.shape_cast %max3A_673 : vector<16xf32> to vector<1x16xf32>
        tpu.vector_store %arg12[%swap3A_674, %swap3A_675], %swap3A_678 {strides = array<i32>} : memref<40x128xf32, #tpu.memory_space<vmem>>, vector<1x16xf32>,
        %get3A_679 = arith.index_cast %add3A_644 : i32 to index
        %get3A_680 = arith.constant 32 : index
        %get3A_681 = tpu.vector_load %arg8[%get3A_679, %get3A_680] {strides = array<i32>} : memref<40x128xf32, #tpu.memory_space<vmem>>, vector<1x16xf32>,
        %get3A_682 = vector.shape_cast %get3A_681 : vector<1x16xf32> to vector<16xf32>
        %get3A_683 = arith.index_cast %add3A_644 : i32 to index
        %get3A_684 = arith.constant 32 : index
        %get3A_685 = tpu.vector_load %arg10[%get3A_683, %get3A_684] {strides = array<i32>} : memref<40x128xf32, #tpu.memory_space<vmem>>, vector<1x16xf32>,
        %get3A_686 = vector.shape_cast %get3A_685 : vector<1x16xf32> to vector<16xf32>
        %add3A_687 = arith.addf %get3A_682, %get3A_686 : vector<16xf32>
        %max3A_688 = arith.constant 0.000000e+00 : f32
        %max3A_689 = vector.broadcast %max3A_688 : f32 to vector<16xf32>
        %max3A_690 = arith.maximumf %add3A_687, %max3A_689 : vector<16xf32>
        %swap3A_691 = arith.index_cast %add3A_644 : i32 to index
        %swap3A_692 = arith.constant 32 : index
        %swap3A_693 = tpu.vector_load %arg12[%swap3A_691, %swap3A_692] {strides = array<i32>} : memref<40x128xf32, #tpu.memory_space<vmem>>, vector<1x16xf32>,
        %swap3A_694 = vector.shape_cast %swap3A_693 : vector<1x16xf32> to vector<16xf32>
        %swap3A_695 = vector.shape_cast %max3A_690 : vector<16xf32> to vector<1x16xf32>
        tpu.vector_store %arg12[%swap3A_691, %swap3A_692], %swap3A_695 {strides = array<i32>} : memref<40x128xf32, #tpu.memory_space<vmem>>, vector<1x16xf32>,
        %get3A_696 = arith.index_cast %add3A_644 : i32 to index
        %get3A_697 = arith.constant 48 : index
        %get3A_698 = tpu.vector_load %arg8[%get3A_696, %get3A_697] {strides = array<i32>} : memref<40x128xf32, #tpu.memory_space<vmem>>, vector<1x16xf32>,
        %get3A_699 = vector.shape_cast %get3A_698 : vector<1x16xf32> to vector<16xf32>
        %get3A_700 = arith.index_cast %add3A_644 : i32 to index
        %get3A_701 = arith.constant 48 : index
        %get3A_702 = tpu.vector_load %arg10[%get3A_700, %get3A_701] {strides = array<i32>} : memref<40x128xf32, #tpu.memory_space<vmem>>, vector<1x16xf32>,
        %get3A_703 = vector.shape_cast %get3A_702 : vector<1x16xf32> to vector<16xf32>
        %add3A_704 = arith.addf %get3A_699, %get3A_703 : vector<16xf32>
        %max3A_705 = arith.constant 0.000000e+00 : f32
        %max3A_706 = vector.broadcast %max3A_705 : f32 to vector<16xf32>
        %max3A_707 = arith.maximumf %add3A_704, %max3A_706 : vector<16xf32>
        %swap3A_708 = arith.index_cast %add3A_644 : i32 to index
        %swap3A_709 = arith.constant 48 : index
        %swap3A_710 = tpu.vector_load %arg12[%swap3A_708, %swap3A_709] {strides = array<i32>} : memref<40x128xf32, #tpu.memory_space<vmem>>, vector<1x16xf32>,
        %swap3A_711 = vector.shape_cast %swap3A_710 : vector<1x16xf32> to vector<16xf32>
        %swap3A_712 = vector.shape_cast %max3A_707 : vector<16xf32> to vector<1x16xf32>
        tpu.vector_store %arg12[%swap3A_708, %swap3A_709], %swap3A_712 {strides = array<i32>} : memref<40x128xf32, #tpu.memory_space<vmem>>, vector<1x16xf32>,
        %get3A_713 = arith.index_cast %add3A_644 : i32 to index
        %get3A_714 = arith.constant 64 : index
        %get3A_715 = tpu.vector_load %arg8[%get3A_713, %get3A_714] {strides = array<i32>} : memref<40x128xf32, #tpu.memory_space<vmem>>, vector<1x16xf32>,
        %get3A_716 = vector.shape_cast %get3A_715 : vector<1x16xf32> to vector<16xf32>
        %get3A_717 = arith.index_cast %add3A_644 : i32 to index
        %get3A_718 = arith.constant 64 : index
        %get3A_719 = tpu.vector_load %arg10[%get3A_717, %get3A_718] {strides = array<i32>} : memref<40x128xf32, #tpu.memory_space<vmem>>, vector<1x16xf32>,
        %get3A_720 = vector.shape_cast %get3A_719 : vector<1x16xf32> to vector<16xf32>
        %add3A_721 = arith.addf %get3A_716, %get3A_720 : vector<16xf32>
        %max3A_722 = arith.constant 0.000000e+00 : f32
        %max3A_723 = vector.broadcast %max3A_722 : f32 to vector<16xf32>
        %max3A_724 = arith.maximumf %add3A_721, %max3A_723 : vector<16xf32>
        %swap3A_725 = arith.index_cast %add3A_644 : i32 to index
        %swap3A_726 = arith.constant 64 : index
        %swap3A_727 = tpu.vector_load %arg12[%swap3A_725, %swap3A_726] {strides = array<i32>} : memref<40x128xf32, #tpu.memory_space<vmem>>, vector<1x16xf32>,
        %swap3A_728 = vector.shape_cast %swap3A_727 : vector<1x16xf32> to vector<16xf32>
        %swap3A_729 = vector.shape_cast %max3A_724 : vector<16xf32> to vector<1x16xf32>
        tpu.vector_store %arg12[%swap3A_725, %swap3A_726], %swap3A_729 {strides = array<i32>} : memref<40x128xf32, #tpu.memory_space<vmem>>, vector<1x16xf32>,
        %get3A_730 = arith.index_cast %add3A_644 : i32 to index
        %get3A_731 = arith.constant 80 : index
        %get3A_732 = tpu.vector_load %arg8[%get3A_730, %get3A_731] {strides = array<i32>} : memref<40x128xf32, #tpu.memory_space<vmem>>, vector<1x16xf32>,
        %get3A_733 = vector.shape_cast %get3A_732 : vector<1x16xf32> to vector<16xf32>
        %get3A_734 = arith.index_cast %add3A_644 : i32 to index
        %get3A_735 = arith.constant 80 : index
        %get3A_736 = tpu.vector_load %arg10[%get3A_734, %get3A_735] {strides = array<i32>} : memref<40x128xf32, #tpu.memory_space<vmem>>, vector<1x16xf32>,
        %get3A_737 = vector.shape_cast %get3A_736 : vector<1x16xf32> to vector<16xf32>
        %add3A_738 = arith.addf %get3A_733, %get3A_737 : vector<16xf32>
        %max3A_739 = arith.constant 0.000000e+00 : f32
        %max3A_740 = vector.broadcast %max3A_739 : f32 to vector<16xf32>
        %max3A_741 = arith.maximumf %add3A_738, %max3A_740 : vector<16xf32>
        %swap3A_742 = arith.index_cast %add3A_644 : i32 to index
        %swap3A_743 = arith.constant 80 : index
        %swap3A_744 = tpu.vector_load %arg12[%swap3A_742, %swap3A_743] {strides = array<i32>} : memref<40x128xf32, #tpu.memory_space<vmem>>, vector<1x16xf32>,
        %swap3A_745 = vector.shape_cast %swap3A_744 : vector<1x16xf32> to vector<16xf32>
        %swap3A_746 = vector.shape_cast %max3A_741 : vector<16xf32> to vector<1x16xf32>
        tpu.vector_store %arg12[%swap3A_742, %swap3A_743], %swap3A_746 {strides = array<i32>} : memref<40x128xf32, #tpu.memory_space<vmem>>, vector<1x16xf32>,
        %get3A_747 = arith.index_cast %add3A_644 : i32 to index
        %get3A_748 = arith.constant 96 : index
        %get3A_749 = tpu.vector_load %arg8[%get3A_747, %get3A_748] {strides = array<i32>} : memref<40x128xf32, #tpu.memory_space<vmem>>, vector<1x16xf32>,
        %get3A_750 = vector.shape_cast %get3A_749 : vector<1x16xf32> to vector<16xf32>
        %get3A_751 = arith.index_cast %add3A_644 : i32 to index
        %get3A_752 = arith.constant 96 : index
        %get3A_753 = tpu.vector_load %arg10[%get3A_751, %get3A_752] {strides = array<i32>} : memref<40x128xf32, #tpu.memory_space<vmem>>, vector<1x16xf32>,
        %get3A_754 = vector.shape_cast %get3A_753 : vector<1x16xf32> to vector<16xf32>
        %add3A_755 = arith.addf %get3A_750, %get3A_754 : vector<16xf32>
        %max3A_756 = arith.constant 0.000000e+00 : f32
        %max3A_757 = vector.broadcast %max3A_756 : f32 to vector<16xf32>
        %max3A_758 = arith.maximumf %add3A_755, %max3A_757 : vector<16xf32>
        %swap3A_759 = arith.index_cast %add3A_644 : i32 to index
        %swap3A_760 = arith.constant 96 : index
        %swap3A_761 = tpu.vector_load %arg12[%swap3A_759, %swap3A_760] {strides = array<i32>} : memref<40x128xf32, #tpu.memory_space<vmem>>, vector<1x16xf32>,
        %swap3A_762 = vector.shape_cast %swap3A_761 : vector<1x16xf32> to vector<16xf32>
        %swap3A_763 = vector.shape_cast %max3A_758 : vector<16xf32> to vector<1x16xf32>
        tpu.vector_store %arg12[%swap3A_759, %swap3A_760], %swap3A_763 {strides = array<i32>} : memref<40x128xf32, #tpu.memory_space<vmem>>, vector<1x16xf32>,
        %get3A_764 = arith.index_cast %add3A_644 : i32 to index
        %get3A_765 = arith.constant 112 : index
        %get3A_766 = tpu.vector_load %arg8[%get3A_764, %get3A_765] {strides = array<i32>} : memref<40x128xf32, #tpu.memory_space<vmem>>, vector<1x16xf32>,
        %get3A_767 = vector.shape_cast %get3A_766 : vector<1x16xf32> to vector<16xf32>
        %get3A_768 = arith.index_cast %add3A_644 : i32 to index
        %get3A_769 = arith.constant 112 : index
        %get3A_770 = tpu.vector_load %arg10[%get3A_768, %get3A_769] {strides = array<i32>} : memref<40x128xf32, #tpu.memory_space<vmem>>, vector<1x16xf32>,
        %get3A_771 = vector.shape_cast %get3A_770 : vector<1x16xf32> to vector<16xf32>
        %add3A_772 = arith.addf %get3A_767, %get3A_771 : vector<16xf32>
        %max3A_773 = arith.constant 0.000000e+00 : f32
        %max3A_774 = vector.broadcast %max3A_773 : f32 to vector<16xf32>
        %max3A_775 = arith.maximumf %add3A_772, %max3A_774 : vector<16xf32>
        %swap3A_776 = arith.index_cast %add3A_644 : i32 to index
        %swap3A_777 = arith.constant 112 : index
        %swap3A_778 = tpu.vector_load %arg12[%swap3A_776, %swap3A_777] {strides = array<i32>} : memref<40x128xf32, #tpu.memory_space<vmem>>, vector<1x16xf32>,
        %swap3A_779 = vector.shape_cast %swap3A_778 : vector<1x16xf32> to vector<16xf32>
        %swap3A_780 = vector.shape_cast %max3A_775 : vector<16xf32> to vector<1x16xf32>
        tpu.vector_store %arg12[%swap3A_776, %swap3A_777], %swap3A_780 {strides = array<i32>} : memref<40x128xf32, #tpu.memory_space<vmem>>, vector<1x16xf32>,
      }
      %scan3A_397 = arith.constant 20 : i32
      %dma_wait3A_398 = arith.constant 0 : i32
      %dma_wait3A_399 = tpu.memref_slice %arg5[%dma_wait3A_398] : memref<320000xi32, #tpu.memory_space<hbm>> -> memref<40xi32, #tpu.memory_space<hbm>>
      %dma_wait3A_400 = arith.constant 0 : i32
      %dma_wait3A_401 = tpu.memref_slice %arg5[%dma_wait3A_400] : memref<320000xi32, #tpu.memory_space<hbm>> -> memref<40xi32, #tpu.memory_space<hbm>>
      tpu.wait_dma2 semaphore(%arg43 : memref<!tpu.dma_semaphore, #tpu.memory_space<semaphore_mem>>) src(%dma_wait3A_401 : memref<40xi32, #tpu.memory_space<hbm>>) dst(%arg24 : memref<40xi32, #tpu.memory_space<vmem>>)
      %dma_start3A_402 = arith.constant 0 : i32
      %dma_start3A_403 = arith.constant 0 : i32
      %dma_start3A_404 = tpu.memref_slice %arg25[%dma_start3A_402, %dma_start3A_403] : memref<10240x128xf32, #tpu.memory_space<vmem_shared>> -> memref<10240x128xf32, #tpu.memory_space<vmem_shared>>
      tpu.enqueue_indirect_dma source(%arg12 : memref<40x128xf32, #tpu.memory_space<vmem>>) target(%dma_start3A_404 : memref<10240x128xf32, #tpu.memory_space<vmem_shared>>) offsets(%arg24 : memref<40xi32, #tpu.memory_space<vmem>>) semaphore(%arg31 : memref<!tpu.dma_semaphore, #tpu.memory_space<semaphore_mem>>) {add = true}
      %add3A_405 = arith.constant 2 : i32
      %add3A_406 = arith.addi %add3A_378, %add3A_405 : i32
      %lt3A_407 = arith.constant 250 : i32
      %lt3A_408 = arith.cmpi slt, %add3A_406, %lt3A_407 : i32
      %convert_element_type3A_409 = arith.extui %lt3A_408 : i1 to i32
      %cond3A_410 = arith.constant 0 : i32
      %cond3A_411 = arith.cmpi ne, %convert_element_type3A_409, %cond3A_410 : i32
      scf.if %cond3A_411 {
        %dma_wait3A_503 = arith.constant 0 : i32
        %dma_wait3A_504 = tpu.memref_slice %arg4[%dma_wait3A_503] : memref<320000xi32, #tpu.memory_space<hbm>> -> memref<40xi32, #tpu.memory_space<hbm>>
        %dma_wait3A_505 = arith.constant 0 : i32
        %dma_wait3A_506 = tpu.memref_slice %arg4[%dma_wait3A_505] : memref<320000xi32, #tpu.memory_space<hbm>> -> memref<40xi32, #tpu.memory_space<hbm>>
        tpu.wait_dma2 semaphore(%arg33 : memref<!tpu.dma_semaphore, #tpu.memory_space<semaphore_mem>>) src(%dma_wait3A_506 : memref<40xi32, #tpu.memory_space<hbm>>) dst(%arg14 : memref<40xi32, #tpu.memory_space<vmem>>)
        %add3A_507 = arith.constant 2 : i32
        %add3A_508 = arith.addi %add3A_378, %add3A_507 : i32
        %dma_start3A_509 = arith.constant 0 : i32
        %dma_start3A_510 = arith.constant 0 : i32
        %dma_start3A_511 = tpu.memref_slice %arg2[%dma_start3A_509, %dma_start3A_510] : memref<10000x128xf32, #tpu.memory_space<hbm>> -> memref<10000x128xf32, #tpu.memory_space<hbm>>
        tpu.enqueue_indirect_dma source(%dma_start3A_511 : memref<10000x128xf32, #tpu.memory_space<hbm>>) target(%arg8 : memref<40x128xf32, #tpu.memory_space<vmem>>) offsets(%arg14 : memref<40xi32, #tpu.memory_space<vmem>>) semaphore(%arg27 : memref<!tpu.dma_semaphore, #tpu.memory_space<semaphore_mem>>)
        %mul3A_512 = arith.constant 40 : i32
        %mul3A_513 = arith.muli %add3A_508, %mul3A_512 : i32
        %add3A_514 = arith.addi %mul3A_2, %mul3A_513 : i32
        %dma_start3A_515 = arith.constant 0 : i32
        %dma_start3A_516 = tpu.memref_slice %arg3[%add3A_514, %dma_start3A_515] : memref<320000x128xf32, #tpu.memory_space<hbm>> -> memref<40x128xf32, #tpu.memory_space<hbm>>
        %dma_start3A_517 = arith.constant 0 : i32
        %dma_start3A_518 = tpu.memref_slice %arg3[%add3A_514, %dma_start3A_517] : memref<320000x128xf32, #tpu.memory_space<hbm>> -> memref<40x128xf32, #tpu.memory_space<hbm>>
        tpu.enqueue_dma source(%dma_start3A_518 : memref<40x128xf32, #tpu.memory_space<hbm>>) target(%arg10 : memref<40x128xf32, #tpu.memory_space<vmem>>) target_semaphore(%arg29 : memref<!tpu.dma_semaphore, #tpu.memory_space<semaphore_mem>>)
      } else {
      }
      %add3A_412 = arith.constant 3 : i32
      %add3A_413 = arith.addi %add3A_378, %add3A_412 : i32
      %lt3A_414 = arith.constant 250 : i32
      %lt3A_415 = arith.cmpi slt, %add3A_413, %lt3A_414 : i32
      %convert_element_type3A_416 = arith.extui %lt3A_415 : i1 to i32
      %cond3A_417 = arith.constant 0 : i32
      %cond3A_418 = arith.cmpi ne, %convert_element_type3A_416, %cond3A_417 : i32
      scf.if %cond3A_418 {
        %add3A_503 = arith.constant 3 : i32
        %add3A_504 = arith.addi %add3A_378, %add3A_503 : i32
        %mul3A_505 = arith.constant 40 : i32
        %mul3A_506 = arith.muli %add3A_504, %mul3A_505 : i32
        %add3A_507 = arith.addi %mul3A_2, %mul3A_506 : i32
        %dma_start3A_508 = tpu.memref_slice %arg4[%add3A_507] : memref<320000xi32, #tpu.memory_space<hbm>> -> memref<40xi32, #tpu.memory_space<hbm>>
        %dma_start3A_509 = tpu.memref_slice %arg4[%add3A_507] : memref<320000xi32, #tpu.memory_space<hbm>> -> memref<40xi32, #tpu.memory_space<hbm>>
        tpu.enqueue_dma source(%dma_start3A_509 : memref<40xi32, #tpu.memory_space<hbm>>) target(%arg15 : memref<40xi32, #tpu.memory_space<vmem>>) target_semaphore(%arg34 : memref<!tpu.dma_semaphore, #tpu.memory_space<semaphore_mem>>)
        %mul3A_510 = arith.constant 40 : i32
        %mul3A_511 = arith.muli %add3A_504, %mul3A_510 : i32
        %add3A_512 = arith.addi %mul3A_2, %mul3A_511 : i32
        %dma_start3A_513 = tpu.memref_slice %arg5[%add3A_512] : memref<320000xi32, #tpu.memory_space<hbm>> -> memref<40xi32, #tpu.memory_space<hbm>>
        %dma_start3A_514 = tpu.memref_slice %arg5[%add3A_512] : memref<320000xi32, #tpu.memory_space<hbm>> -> memref<40xi32, #tpu.memory_space<hbm>>
        tpu.enqueue_dma source(%dma_start3A_514 : memref<40xi32, #tpu.memory_space<hbm>>) target(%arg19 : memref<40xi32, #tpu.memory_space<vmem>>) target_semaphore(%arg38 : memref<!tpu.dma_semaphore, #tpu.memory_space<semaphore_mem>>)
      } else {
      }
      %add3A_419 = arith.constant 6 : i32
      %add3A_420 = arith.addi %add3A_169, %add3A_419 : i32
      %dma_wait3A_421 = arith.constant 0 : i32
      %dma_wait3A_422 = arith.constant 0 : i32
      %dma_wait3A_423 = tpu.memref_slice %arg2[%dma_wait3A_421, %dma_wait3A_422] : memref<10000x128xf32, #tpu.memory_space<hbm>> -> memref<10000x128xf32, #tpu.memory_space<hbm>>
      tpu.wait_indirect_dma semaphore(%arg26 : memref<!tpu.dma_semaphore, #tpu.memory_space<semaphore_mem>>) src(%dma_wait3A_423 : memref<10000x128xf32, #tpu.memory_space<hbm>>) dst(%arg7 : memref<40x128xf32, #tpu.memory_space<vmem>>)
      %mul3A_424 = arith.constant 40 : i32
      %mul3A_425 = arith.muli %add3A_420, %mul3A_424 : i32
      %add3A_426 = arith.addi %mul3A_2, %mul3A_425 : i32
      %dma_wait3A_427 = arith.constant 0 : i32
      %dma_wait3A_428 = tpu.memref_slice %arg3[%add3A_426, %dma_wait3A_427] : memref<320000x128xf32, #tpu.memory_space<hbm>> -> memref<40x128xf32, #tpu.memory_space<hbm>>
      %dma_wait3A_429 = arith.constant 0 : i32
      %dma_wait3A_430 = tpu.memref_slice %arg3[%add3A_426, %dma_wait3A_429] : memref<320000x128xf32, #tpu.memory_space<hbm>> -> memref<40x128xf32, #tpu.memory_space<hbm>>
      tpu.wait_dma2 semaphore(%arg28 : memref<!tpu.dma_semaphore, #tpu.memory_space<semaphore_mem>>) src(%dma_wait3A_430 : memref<40x128xf32, #tpu.memory_space<hbm>>) dst(%arg9 : memref<40x128xf32, #tpu.memory_space<vmem>>)
      %dma_wait3A_431 = arith.constant 0 : i32
      %dma_wait3A_432 = arith.constant 0 : i32
      %dma_wait3A_433 = tpu.memref_slice %arg25[%dma_wait3A_431, %dma_wait3A_432] : memref<10240x128xf32, #tpu.memory_space<vmem_shared>> -> memref<10240x128xf32, #tpu.memory_space<vmem_shared>>
      tpu.wait_indirect_dma semaphore(%arg30 : memref<!tpu.dma_semaphore, #tpu.memory_space<semaphore_mem>>) src(%arg11 : memref<40x128xf32, #tpu.memory_space<vmem>>) dst(%dma_wait3A_433 : memref<10240x128xf32, #tpu.memory_space<vmem_shared>>)
      %scan3A_434 = arith.constant 0 : i32
      %scan3A_435 = arith.constant 0 : i32
      %scan3A_436 = arith.constant 20 : i32
      %scan3A_437 = arith.addi %scan3A_435, %scan3A_436 : i32
      %scan3A_438 = arith.constant 1 : i32
      scf.for %scan3A_503 = %scan3A_435 to %scan3A_437 step %scan3A_438  : i32 {
        %mul3A_504 = arith.constant 2 : i32
        %mul3A_505 = arith.muli %scan3A_503, %mul3A_504 : i32
        %add3A_506 = arith.constant 0 : i32
        %add3A_507 = arith.addi %mul3A_505, %add3A_506 : i32
        %get3A = arith.index_cast %add3A_507 : i32 to index
        %get3A_508 = arith.constant 0 : index
        %get3A_509 = tpu.vector_load %arg7[%get3A, %get3A_508] {strides = array<i32>} : memref<40x128xf32, #tpu.memory_space<vmem>>, vector<1x16xf32>,
        %get3A_510 = vector.shape_cast %get3A_509 : vector<1x16xf32> to vector<16xf32>
        %get3A_511 = arith.index_cast %add3A_507 : i32 to index
        %get3A_512 = arith.constant 0 : index
        %get3A_513 = tpu.vector_load %arg9[%get3A_511, %get3A_512] {strides = array<i32>} : memref<40x128xf32, #tpu.memory_space<vmem>>, vector<1x16xf32>,
        %get3A_514 = vector.shape_cast %get3A_513 : vector<1x16xf32> to vector<16xf32>
        %add3A_515 = arith.addf %get3A_510, %get3A_514 : vector<16xf32>
        %max3A = arith.constant 0.000000e+00 : f32
        %max3A_516 = vector.broadcast %max3A : f32 to vector<16xf32>
        %max3A_517 = arith.maximumf %add3A_515, %max3A_516 : vector<16xf32>
        %swap3A = arith.index_cast %add3A_507 : i32 to index
        %swap3A_518 = arith.constant 0 : index
        %swap3A_519 = tpu.vector_load %arg11[%swap3A, %swap3A_518] {strides = array<i32>} : memref<40x128xf32, #tpu.memory_space<vmem>>, vector<1x16xf32>,
        %swap3A_520 = vector.shape_cast %swap3A_519 : vector<1x16xf32> to vector<16xf32>
        %swap3A_521 = vector.shape_cast %max3A_517 : vector<16xf32> to vector<1x16xf32>
        tpu.vector_store %arg11[%swap3A, %swap3A_518], %swap3A_521 {strides = array<i32>} : memref<40x128xf32, #tpu.memory_space<vmem>>, vector<1x16xf32>,
        %get3A_522 = arith.index_cast %add3A_507 : i32 to index
        %get3A_523 = arith.constant 16 : index
        %get3A_524 = tpu.vector_load %arg7[%get3A_522, %get3A_523] {strides = array<i32>} : memref<40x128xf32, #tpu.memory_space<vmem>>, vector<1x16xf32>,
        %get3A_525 = vector.shape_cast %get3A_524 : vector<1x16xf32> to vector<16xf32>
        %get3A_526 = arith.index_cast %add3A_507 : i32 to index
        %get3A_527 = arith.constant 16 : index
        %get3A_528 = tpu.vector_load %arg9[%get3A_526, %get3A_527] {strides = array<i32>} : memref<40x128xf32, #tpu.memory_space<vmem>>, vector<1x16xf32>,
        %get3A_529 = vector.shape_cast %get3A_528 : vector<1x16xf32> to vector<16xf32>
        %add3A_530 = arith.addf %get3A_525, %get3A_529 : vector<16xf32>
        %max3A_531 = arith.constant 0.000000e+00 : f32
        %max3A_532 = vector.broadcast %max3A_531 : f32 to vector<16xf32>
        %max3A_533 = arith.maximumf %add3A_530, %max3A_532 : vector<16xf32>
        %swap3A_534 = arith.index_cast %add3A_507 : i32 to index
        %swap3A_535 = arith.constant 16 : index
        %swap3A_536 = tpu.vector_load %arg11[%swap3A_534, %swap3A_535] {strides = array<i32>} : memref<40x128xf32, #tpu.memory_space<vmem>>, vector<1x16xf32>,
        %swap3A_537 = vector.shape_cast %swap3A_536 : vector<1x16xf32> to vector<16xf32>
        %swap3A_538 = vector.shape_cast %max3A_533 : vector<16xf32> to vector<1x16xf32>
        tpu.vector_store %arg11[%swap3A_534, %swap3A_535], %swap3A_538 {strides = array<i32>} : memref<40x128xf32, #tpu.memory_space<vmem>>, vector<1x16xf32>,
        %get3A_539 = arith.index_cast %add3A_507 : i32 to index
        %get3A_540 = arith.constant 32 : index
        %get3A_541 = tpu.vector_load %arg7[%get3A_539, %get3A_540] {strides = array<i32>} : memref<40x128xf32, #tpu.memory_space<vmem>>, vector<1x16xf32>,
        %get3A_542 = vector.shape_cast %get3A_541 : vector<1x16xf32> to vector<16xf32>
        %get3A_543 = arith.index_cast %add3A_507 : i32 to index
        %get3A_544 = arith.constant 32 : index
        %get3A_545 = tpu.vector_load %arg9[%get3A_543, %get3A_544] {strides = array<i32>} : memref<40x128xf32, #tpu.memory_space<vmem>>, vector<1x16xf32>,
        %get3A_546 = vector.shape_cast %get3A_545 : vector<1x16xf32> to vector<16xf32>
        %add3A_547 = arith.addf %get3A_542, %get3A_546 : vector<16xf32>
        %max3A_548 = arith.constant 0.000000e+00 : f32
        %max3A_549 = vector.broadcast %max3A_548 : f32 to vector<16xf32>
        %max3A_550 = arith.maximumf %add3A_547, %max3A_549 : vector<16xf32>
        %swap3A_551 = arith.index_cast %add3A_507 : i32 to index
        %swap3A_552 = arith.constant 32 : index
        %swap3A_553 = tpu.vector_load %arg11[%swap3A_551, %swap3A_552] {strides = array<i32>} : memref<40x128xf32, #tpu.memory_space<vmem>>, vector<1x16xf32>,
        %swap3A_554 = vector.shape_cast %swap3A_553 : vector<1x16xf32> to vector<16xf32>
        %swap3A_555 = vector.shape_cast %max3A_550 : vector<16xf32> to vector<1x16xf32>
        tpu.vector_store %arg11[%swap3A_551, %swap3A_552], %swap3A_555 {strides = array<i32>} : memref<40x128xf32, #tpu.memory_space<vmem>>, vector<1x16xf32>,
        %get3A_556 = arith.index_cast %add3A_507 : i32 to index
        %get3A_557 = arith.constant 48 : index
        %get3A_558 = tpu.vector_load %arg7[%get3A_556, %get3A_557] {strides = array<i32>} : memref<40x128xf32, #tpu.memory_space<vmem>>, vector<1x16xf32>,
        %get3A_559 = vector.shape_cast %get3A_558 : vector<1x16xf32> to vector<16xf32>
        %get3A_560 = arith.index_cast %add3A_507 : i32 to index
        %get3A_561 = arith.constant 48 : index
        %get3A_562 = tpu.vector_load %arg9[%get3A_560, %get3A_561] {strides = array<i32>} : memref<40x128xf32, #tpu.memory_space<vmem>>, vector<1x16xf32>,
        %get3A_563 = vector.shape_cast %get3A_562 : vector<1x16xf32> to vector<16xf32>
        %add3A_564 = arith.addf %get3A_559, %get3A_563 : vector<16xf32>
        %max3A_565 = arith.constant 0.000000e+00 : f32
        %max3A_566 = vector.broadcast %max3A_565 : f32 to vector<16xf32>
        %max3A_567 = arith.maximumf %add3A_564, %max3A_566 : vector<16xf32>
        %swap3A_568 = arith.index_cast %add3A_507 : i32 to index
        %swap3A_569 = arith.constant 48 : index
        %swap3A_570 = tpu.vector_load %arg11[%swap3A_568, %swap3A_569] {strides = array<i32>} : memref<40x128xf32, #tpu.memory_space<vmem>>, vector<1x16xf32>,
        %swap3A_571 = vector.shape_cast %swap3A_570 : vector<1x16xf32> to vector<16xf32>
        %swap3A_572 = vector.shape_cast %max3A_567 : vector<16xf32> to vector<1x16xf32>
        tpu.vector_store %arg11[%swap3A_568, %swap3A_569], %swap3A_572 {strides = array<i32>} : memref<40x128xf32, #tpu.memory_space<vmem>>, vector<1x16xf32>,
        %get3A_573 = arith.index_cast %add3A_507 : i32 to index
        %get3A_574 = arith.constant 64 : index
        %get3A_575 = tpu.vector_load %arg7[%get3A_573, %get3A_574] {strides = array<i32>} : memref<40x128xf32, #tpu.memory_space<vmem>>, vector<1x16xf32>,
        %get3A_576 = vector.shape_cast %get3A_575 : vector<1x16xf32> to vector<16xf32>
        %get3A_577 = arith.index_cast %add3A_507 : i32 to index
        %get3A_578 = arith.constant 64 : index
        %get3A_579 = tpu.vector_load %arg9[%get3A_577, %get3A_578] {strides = array<i32>} : memref<40x128xf32, #tpu.memory_space<vmem>>, vector<1x16xf32>,
        %get3A_580 = vector.shape_cast %get3A_579 : vector<1x16xf32> to vector<16xf32>
        %add3A_581 = arith.addf %get3A_576, %get3A_580 : vector<16xf32>
        %max3A_582 = arith.constant 0.000000e+00 : f32
        %max3A_583 = vector.broadcast %max3A_582 : f32 to vector<16xf32>
        %max3A_584 = arith.maximumf %add3A_581, %max3A_583 : vector<16xf32>
        %swap3A_585 = arith.index_cast %add3A_507 : i32 to index
        %swap3A_586 = arith.constant 64 : index
        %swap3A_587 = tpu.vector_load %arg11[%swap3A_585, %swap3A_586] {strides = array<i32>} : memref<40x128xf32, #tpu.memory_space<vmem>>, vector<1x16xf32>,
        %swap3A_588 = vector.shape_cast %swap3A_587 : vector<1x16xf32> to vector<16xf32>
        %swap3A_589 = vector.shape_cast %max3A_584 : vector<16xf32> to vector<1x16xf32>
        tpu.vector_store %arg11[%swap3A_585, %swap3A_586], %swap3A_589 {strides = array<i32>} : memref<40x128xf32, #tpu.memory_space<vmem>>, vector<1x16xf32>,
        %get3A_590 = arith.index_cast %add3A_507 : i32 to index
        %get3A_591 = arith.constant 80 : index
        %get3A_592 = tpu.vector_load %arg7[%get3A_590, %get3A_591] {strides = array<i32>} : memref<40x128xf32, #tpu.memory_space<vmem>>, vector<1x16xf32>,
        %get3A_593 = vector.shape_cast %get3A_592 : vector<1x16xf32> to vector<16xf32>
        %get3A_594 = arith.index_cast %add3A_507 : i32 to index
        %get3A_595 = arith.constant 80 : index
        %get3A_596 = tpu.vector_load %arg9[%get3A_594, %get3A_595] {strides = array<i32>} : memref<40x128xf32, #tpu.memory_space<vmem>>, vector<1x16xf32>,
        %get3A_597 = vector.shape_cast %get3A_596 : vector<1x16xf32> to vector<16xf32>
        %add3A_598 = arith.addf %get3A_593, %get3A_597 : vector<16xf32>
        %max3A_599 = arith.constant 0.000000e+00 : f32
        %max3A_600 = vector.broadcast %max3A_599 : f32 to vector<16xf32>
        %max3A_601 = arith.maximumf %add3A_598, %max3A_600 : vector<16xf32>
        %swap3A_602 = arith.index_cast %add3A_507 : i32 to index
        %swap3A_603 = arith.constant 80 : index
        %swap3A_604 = tpu.vector_load %arg11[%swap3A_602, %swap3A_603] {strides = array<i32>} : memref<40x128xf32, #tpu.memory_space<vmem>>, vector<1x16xf32>,
        %swap3A_605 = vector.shape_cast %swap3A_604 : vector<1x16xf32> to vector<16xf32>
        %swap3A_606 = vector.shape_cast %max3A_601 : vector<16xf32> to vector<1x16xf32>
        tpu.vector_store %arg11[%swap3A_602, %swap3A_603], %swap3A_606 {strides = array<i32>} : memref<40x128xf32, #tpu.memory_space<vmem>>, vector<1x16xf32>,
        %get3A_607 = arith.index_cast %add3A_507 : i32 to index
        %get3A_608 = arith.constant 96 : index
        %get3A_609 = tpu.vector_load %arg7[%get3A_607, %get3A_608] {strides = array<i32>} : memref<40x128xf32, #tpu.memory_space<vmem>>, vector<1x16xf32>,
        %get3A_610 = vector.shape_cast %get3A_609 : vector<1x16xf32> to vector<16xf32>
        %get3A_611 = arith.index_cast %add3A_507 : i32 to index
        %get3A_612 = arith.constant 96 : index
        %get3A_613 = tpu.vector_load %arg9[%get3A_611, %get3A_612] {strides = array<i32>} : memref<40x128xf32, #tpu.memory_space<vmem>>, vector<1x16xf32>,
        %get3A_614 = vector.shape_cast %get3A_613 : vector<1x16xf32> to vector<16xf32>
        %add3A_615 = arith.addf %get3A_610, %get3A_614 : vector<16xf32>
        %max3A_616 = arith.constant 0.000000e+00 : f32
        %max3A_617 = vector.broadcast %max3A_616 : f32 to vector<16xf32>
        %max3A_618 = arith.maximumf %add3A_615, %max3A_617 : vector<16xf32>
        %swap3A_619 = arith.index_cast %add3A_507 : i32 to index
        %swap3A_620 = arith.constant 96 : index
        %swap3A_621 = tpu.vector_load %arg11[%swap3A_619, %swap3A_620] {strides = array<i32>} : memref<40x128xf32, #tpu.memory_space<vmem>>, vector<1x16xf32>,
        %swap3A_622 = vector.shape_cast %swap3A_621 : vector<1x16xf32> to vector<16xf32>
        %swap3A_623 = vector.shape_cast %max3A_618 : vector<16xf32> to vector<1x16xf32>
        tpu.vector_store %arg11[%swap3A_619, %swap3A_620], %swap3A_623 {strides = array<i32>} : memref<40x128xf32, #tpu.memory_space<vmem>>, vector<1x16xf32>,
        %get3A_624 = arith.index_cast %add3A_507 : i32 to index
        %get3A_625 = arith.constant 112 : index
        %get3A_626 = tpu.vector_load %arg7[%get3A_624, %get3A_625] {strides = array<i32>} : memref<40x128xf32, #tpu.memory_space<vmem>>, vector<1x16xf32>,
        %get3A_627 = vector.shape_cast %get3A_626 : vector<1x16xf32> to vector<16xf32>
        %get3A_628 = arith.index_cast %add3A_507 : i32 to index
        %get3A_629 = arith.constant 112 : index
        %get3A_630 = tpu.vector_load %arg9[%get3A_628, %get3A_629] {strides = array<i32>} : memref<40x128xf32, #tpu.memory_space<vmem>>, vector<1x16xf32>,
        %get3A_631 = vector.shape_cast %get3A_630 : vector<1x16xf32> to vector<16xf32>
        %add3A_632 = arith.addf %get3A_627, %get3A_631 : vector<16xf32>
        %max3A_633 = arith.constant 0.000000e+00 : f32
        %max3A_634 = vector.broadcast %max3A_633 : f32 to vector<16xf32>
        %max3A_635 = arith.maximumf %add3A_632, %max3A_634 : vector<16xf32>
        %swap3A_636 = arith.index_cast %add3A_507 : i32 to index
        %swap3A_637 = arith.constant 112 : index
        %swap3A_638 = tpu.vector_load %arg11[%swap3A_636, %swap3A_637] {strides = array<i32>} : memref<40x128xf32, #tpu.memory_space<vmem>>, vector<1x16xf32>,
        %swap3A_639 = vector.shape_cast %swap3A_638 : vector<1x16xf32> to vector<16xf32>
        %swap3A_640 = vector.shape_cast %max3A_635 : vector<16xf32> to vector<1x16xf32>
        tpu.vector_store %arg11[%swap3A_636, %swap3A_637], %swap3A_640 {strides = array<i32>} : memref<40x128xf32, #tpu.memory_space<vmem>>, vector<1x16xf32>,
        %mul3A_641 = arith.constant 2 : i32
        %mul3A_642 = arith.muli %scan3A_503, %mul3A_641 : i32
        %add3A_643 = arith.constant 1 : i32
        %add3A_644 = arith.addi %mul3A_642, %add3A_643 : i32
        %get3A_645 = arith.index_cast %add3A_644 : i32 to index
        %get3A_646 = arith.constant 0 : index
        %get3A_647 = tpu.vector_load %arg7[%get3A_645, %get3A_646] {strides = array<i32>} : memref<40x128xf32, #tpu.memory_space<vmem>>, vector<1x16xf32>,
        %get3A_648 = vector.shape_cast %get3A_647 : vector<1x16xf32> to vector<16xf32>
        %get3A_649 = arith.index_cast %add3A_644 : i32 to index
        %get3A_650 = arith.constant 0 : index
        %get3A_651 = tpu.vector_load %arg9[%get3A_649, %get3A_650] {strides = array<i32>} : memref<40x128xf32, #tpu.memory_space<vmem>>, vector<1x16xf32>,
        %get3A_652 = vector.shape_cast %get3A_651 : vector<1x16xf32> to vector<16xf32>
        %add3A_653 = arith.addf %get3A_648, %get3A_652 : vector<16xf32>
        %max3A_654 = arith.constant 0.000000e+00 : f32
        %max3A_655 = vector.broadcast %max3A_654 : f32 to vector<16xf32>
        %max3A_656 = arith.maximumf %add3A_653, %max3A_655 : vector<16xf32>
        %swap3A_657 = arith.index_cast %add3A_644 : i32 to index
        %swap3A_658 = arith.constant 0 : index
        %swap3A_659 = tpu.vector_load %arg11[%swap3A_657, %swap3A_658] {strides = array<i32>} : memref<40x128xf32, #tpu.memory_space<vmem>>, vector<1x16xf32>,
        %swap3A_660 = vector.shape_cast %swap3A_659 : vector<1x16xf32> to vector<16xf32>
        %swap3A_661 = vector.shape_cast %max3A_656 : vector<16xf32> to vector<1x16xf32>
        tpu.vector_store %arg11[%swap3A_657, %swap3A_658], %swap3A_661 {strides = array<i32>} : memref<40x128xf32, #tpu.memory_space<vmem>>, vector<1x16xf32>,
        %get3A_662 = arith.index_cast %add3A_644 : i32 to index
        %get3A_663 = arith.constant 16 : index
        %get3A_664 = tpu.vector_load %arg7[%get3A_662, %get3A_663] {strides = array<i32>} : memref<40x128xf32, #tpu.memory_space<vmem>>, vector<1x16xf32>,
        %get3A_665 = vector.shape_cast %get3A_664 : vector<1x16xf32> to vector<16xf32>
        %get3A_666 = arith.index_cast %add3A_644 : i32 to index
        %get3A_667 = arith.constant 16 : index
        %get3A_668 = tpu.vector_load %arg9[%get3A_666, %get3A_667] {strides = array<i32>} : memref<40x128xf32, #tpu.memory_space<vmem>>, vector<1x16xf32>,
        %get3A_669 = vector.shape_cast %get3A_668 : vector<1x16xf32> to vector<16xf32>
        %add3A_670 = arith.addf %get3A_665, %get3A_669 : vector<16xf32>
        %max3A_671 = arith.constant 0.000000e+00 : f32
        %max3A_672 = vector.broadcast %max3A_671 : f32 to vector<16xf32>
        %max3A_673 = arith.maximumf %add3A_670, %max3A_672 : vector<16xf32>
        %swap3A_674 = arith.index_cast %add3A_644 : i32 to index
        %swap3A_675 = arith.constant 16 : index
        %swap3A_676 = tpu.vector_load %arg11[%swap3A_674, %swap3A_675] {strides = array<i32>} : memref<40x128xf32, #tpu.memory_space<vmem>>, vector<1x16xf32>,
        %swap3A_677 = vector.shape_cast %swap3A_676 : vector<1x16xf32> to vector<16xf32>
        %swap3A_678 = vector.shape_cast %max3A_673 : vector<16xf32> to vector<1x16xf32>
        tpu.vector_store %arg11[%swap3A_674, %swap3A_675], %swap3A_678 {strides = array<i32>} : memref<40x128xf32, #tpu.memory_space<vmem>>, vector<1x16xf32>,
        %get3A_679 = arith.index_cast %add3A_644 : i32 to index
        %get3A_680 = arith.constant 32 : index
        %get3A_681 = tpu.vector_load %arg7[%get3A_679, %get3A_680] {strides = array<i32>} : memref<40x128xf32, #tpu.memory_space<vmem>>, vector<1x16xf32>,
        %get3A_682 = vector.shape_cast %get3A_681 : vector<1x16xf32> to vector<16xf32>
        %get3A_683 = arith.index_cast %add3A_644 : i32 to index
        %get3A_684 = arith.constant 32 : index
        %get3A_685 = tpu.vector_load %arg9[%get3A_683, %get3A_684] {strides = array<i32>} : memref<40x128xf32, #tpu.memory_space<vmem>>, vector<1x16xf32>,
        %get3A_686 = vector.shape_cast %get3A_685 : vector<1x16xf32> to vector<16xf32>
        %add3A_687 = arith.addf %get3A_682, %get3A_686 : vector<16xf32>
        %max3A_688 = arith.constant 0.000000e+00 : f32
        %max3A_689 = vector.broadcast %max3A_688 : f32 to vector<16xf32>
        %max3A_690 = arith.maximumf %add3A_687, %max3A_689 : vector<16xf32>
        %swap3A_691 = arith.index_cast %add3A_644 : i32 to index
        %swap3A_692 = arith.constant 32 : index
        %swap3A_693 = tpu.vector_load %arg11[%swap3A_691, %swap3A_692] {strides = array<i32>} : memref<40x128xf32, #tpu.memory_space<vmem>>, vector<1x16xf32>,
        %swap3A_694 = vector.shape_cast %swap3A_693 : vector<1x16xf32> to vector<16xf32>
        %swap3A_695 = vector.shape_cast %max3A_690 : vector<16xf32> to vector<1x16xf32>
        tpu.vector_store %arg11[%swap3A_691, %swap3A_692], %swap3A_695 {strides = array<i32>} : memref<40x128xf32, #tpu.memory_space<vmem>>, vector<1x16xf32>,
        %get3A_696 = arith.index_cast %add3A_644 : i32 to index
        %get3A_697 = arith.constant 48 : index
        %get3A_698 = tpu.vector_load %arg7[%get3A_696, %get3A_697] {strides = array<i32>} : memref<40x128xf32, #tpu.memory_space<vmem>>, vector<1x16xf32>,
        %get3A_699 = vector.shape_cast %get3A_698 : vector<1x16xf32> to vector<16xf32>
        %get3A_700 = arith.index_cast %add3A_644 : i32 to index
        %get3A_701 = arith.constant 48 : index
        %get3A_702 = tpu.vector_load %arg9[%get3A_700, %get3A_701] {strides = array<i32>} : memref<40x128xf32, #tpu.memory_space<vmem>>, vector<1x16xf32>,
        %get3A_703 = vector.shape_cast %get3A_702 : vector<1x16xf32> to vector<16xf32>
        %add3A_704 = arith.addf %get3A_699, %get3A_703 : vector<16xf32>
        %max3A_705 = arith.constant 0.000000e+00 : f32
        %max3A_706 = vector.broadcast %max3A_705 : f32 to vector<16xf32>
        %max3A_707 = arith.maximumf %add3A_704, %max3A_706 : vector<16xf32>
        %swap3A_708 = arith.index_cast %add3A_644 : i32 to index
        %swap3A_709 = arith.constant 48 : index
        %swap3A_710 = tpu.vector_load %arg11[%swap3A_708, %swap3A_709] {strides = array<i32>} : memref<40x128xf32, #tpu.memory_space<vmem>>, vector<1x16xf32>,
        %swap3A_711 = vector.shape_cast %swap3A_710 : vector<1x16xf32> to vector<16xf32>
        %swap3A_712 = vector.shape_cast %max3A_707 : vector<16xf32> to vector<1x16xf32>
        tpu.vector_store %arg11[%swap3A_708, %swap3A_709], %swap3A_712 {strides = array<i32>} : memref<40x128xf32, #tpu.memory_space<vmem>>, vector<1x16xf32>,
        %get3A_713 = arith.index_cast %add3A_644 : i32 to index
        %get3A_714 = arith.constant 64 : index
        %get3A_715 = tpu.vector_load %arg7[%get3A_713, %get3A_714] {strides = array<i32>} : memref<40x128xf32, #tpu.memory_space<vmem>>, vector<1x16xf32>,
        %get3A_716 = vector.shape_cast %get3A_715 : vector<1x16xf32> to vector<16xf32>
        %get3A_717 = arith.index_cast %add3A_644 : i32 to index
        %get3A_718 = arith.constant 64 : index
        %get3A_719 = tpu.vector_load %arg9[%get3A_717, %get3A_718] {strides = array<i32>} : memref<40x128xf32, #tpu.memory_space<vmem>>, vector<1x16xf32>,
        %get3A_720 = vector.shape_cast %get3A_719 : vector<1x16xf32> to vector<16xf32>
        %add3A_721 = arith.addf %get3A_716, %get3A_720 : vector<16xf32>
        %max3A_722 = arith.constant 0.000000e+00 : f32
        %max3A_723 = vector.broadcast %max3A_722 : f32 to vector<16xf32>
        %max3A_724 = arith.maximumf %add3A_721, %max3A_723 : vector<16xf32>
        %swap3A_725 = arith.index_cast %add3A_644 : i32 to index
        %swap3A_726 = arith.constant 64 : index
        %swap3A_727 = tpu.vector_load %arg11[%swap3A_725, %swap3A_726] {strides = array<i32>} : memref<40x128xf32, #tpu.memory_space<vmem>>, vector<1x16xf32>,
        %swap3A_728 = vector.shape_cast %swap3A_727 : vector<1x16xf32> to vector<16xf32>
        %swap3A_729 = vector.shape_cast %max3A_724 : vector<16xf32> to vector<1x16xf32>
        tpu.vector_store %arg11[%swap3A_725, %swap3A_726], %swap3A_729 {strides = array<i32>} : memref<40x128xf32, #tpu.memory_space<vmem>>, vector<1x16xf32>,
        %get3A_730 = arith.index_cast %add3A_644 : i32 to index
        %get3A_731 = arith.constant 80 : index
        %get3A_732 = tpu.vector_load %arg7[%get3A_730, %get3A_731] {strides = array<i32>} : memref<40x128xf32, #tpu.memory_space<vmem>>, vector<1x16xf32>,
        %get3A_733 = vector.shape_cast %get3A_732 : vector<1x16xf32> to vector<16xf32>
        %get3A_734 = arith.index_cast %add3A_644 : i32 to index
        %get3A_735 = arith.constant 80 : index
        %get3A_736 = tpu.vector_load %arg9[%get3A_734, %get3A_735] {strides = array<i32>} : memref<40x128xf32, #tpu.memory_space<vmem>>, vector<1x16xf32>,
        %get3A_737 = vector.shape_cast %get3A_736 : vector<1x16xf32> to vector<16xf32>
        %add3A_738 = arith.addf %get3A_733, %get3A_737 : vector<16xf32>
        %max3A_739 = arith.constant 0.000000e+00 : f32
        %max3A_740 = vector.broadcast %max3A_739 : f32 to vector<16xf32>
        %max3A_741 = arith.maximumf %add3A_738, %max3A_740 : vector<16xf32>
        %swap3A_742 = arith.index_cast %add3A_644 : i32 to index
        %swap3A_743 = arith.constant 80 : index
        %swap3A_744 = tpu.vector_load %arg11[%swap3A_742, %swap3A_743] {strides = array<i32>} : memref<40x128xf32, #tpu.memory_space<vmem>>, vector<1x16xf32>,
        %swap3A_745 = vector.shape_cast %swap3A_744 : vector<1x16xf32> to vector<16xf32>
        %swap3A_746 = vector.shape_cast %max3A_741 : vector<16xf32> to vector<1x16xf32>
        tpu.vector_store %arg11[%swap3A_742, %swap3A_743], %swap3A_746 {strides = array<i32>} : memref<40x128xf32, #tpu.memory_space<vmem>>, vector<1x16xf32>,
        %get3A_747 = arith.index_cast %add3A_644 : i32 to index
        %get3A_748 = arith.constant 96 : index
        %get3A_749 = tpu.vector_load %arg7[%get3A_747, %get3A_748] {strides = array<i32>} : memref<40x128xf32, #tpu.memory_space<vmem>>, vector<1x16xf32>,
        %get3A_750 = vector.shape_cast %get3A_749 : vector<1x16xf32> to vector<16xf32>
        %get3A_751 = arith.index_cast %add3A_644 : i32 to index
        %get3A_752 = arith.constant 96 : index
        %get3A_753 = tpu.vector_load %arg9[%get3A_751, %get3A_752] {strides = array<i32>} : memref<40x128xf32, #tpu.memory_space<vmem>>, vector<1x16xf32>,
        %get3A_754 = vector.shape_cast %get3A_753 : vector<1x16xf32> to vector<16xf32>
        %add3A_755 = arith.addf %get3A_750, %get3A_754 : vector<16xf32>
        %max3A_756 = arith.constant 0.000000e+00 : f32
        %max3A_757 = vector.broadcast %max3A_756 : f32 to vector<16xf32>
        %max3A_758 = arith.maximumf %add3A_755, %max3A_757 : vector<16xf32>
        %swap3A_759 = arith.index_cast %add3A_644 : i32 to index
        %swap3A_760 = arith.constant 96 : index
        %swap3A_761 = tpu.vector_load %arg11[%swap3A_759, %swap3A_760] {strides = array<i32>} : memref<40x128xf32, #tpu.memory_space<vmem>>, vector<1x16xf32>,
        %swap3A_762 = vector.shape_cast %swap3A_761 : vector<1x16xf32> to vector<16xf32>
        %swap3A_763 = vector.shape_cast %max3A_758 : vector<16xf32> to vector<1x16xf32>
        tpu.vector_store %arg11[%swap3A_759, %swap3A_760], %swap3A_763 {strides = array<i32>} : memref<40x128xf32, #tpu.memory_space<vmem>>, vector<1x16xf32>,
        %get3A_764 = arith.index_cast %add3A_644 : i32 to index
        %get3A_765 = arith.constant 112 : index
        %get3A_766 = tpu.vector_load %arg7[%get3A_764, %get3A_765] {strides = array<i32>} : memref<40x128xf32, #tpu.memory_space<vmem>>, vector<1x16xf32>,
        %get3A_767 = vector.shape_cast %get3A_766 : vector<1x16xf32> to vector<16xf32>
        %get3A_768 = arith.index_cast %add3A_644 : i32 to index
        %get3A_769 = arith.constant 112 : index
        %get3A_770 = tpu.vector_load %arg9[%get3A_768, %get3A_769] {strides = array<i32>} : memref<40x128xf32, #tpu.memory_space<vmem>>, vector<1x16xf32>,
        %get3A_771 = vector.shape_cast %get3A_770 : vector<1x16xf32> to vector<16xf32>
        %add3A_772 = arith.addf %get3A_767, %get3A_771 : vector<16xf32>
        %max3A_773 = arith.constant 0.000000e+00 : f32
        %max3A_774 = vector.broadcast %max3A_773 : f32 to vector<16xf32>
        %max3A_775 = arith.maximumf %add3A_772, %max3A_774 : vector<16xf32>
        %swap3A_776 = arith.index_cast %add3A_644 : i32 to index
        %swap3A_777 = arith.constant 112 : index
        %swap3A_778 = tpu.vector_load %arg11[%swap3A_776, %swap3A_777] {strides = array<i32>} : memref<40x128xf32, #tpu.memory_space<vmem>>, vector<1x16xf32>,
        %swap3A_779 = vector.shape_cast %swap3A_778 : vector<1x16xf32> to vector<16xf32>
        %swap3A_780 = vector.shape_cast %max3A_775 : vector<16xf32> to vector<1x16xf32>
        tpu.vector_store %arg11[%swap3A_776, %swap3A_777], %swap3A_780 {strides = array<i32>} : memref<40x128xf32, #tpu.memory_space<vmem>>, vector<1x16xf32>,
      }
      %scan3A_439 = arith.constant 20 : i32
      %dma_wait3A_440 = arith.constant 0 : i32
      %dma_wait3A_441 = tpu.memref_slice %arg5[%dma_wait3A_440] : memref<320000xi32, #tpu.memory_space<hbm>> -> memref<40xi32, #tpu.memory_space<hbm>>
      %dma_wait3A_442 = arith.constant 0 : i32
      %dma_wait3A_443 = tpu.memref_slice %arg5[%dma_wait3A_442] : memref<320000xi32, #tpu.memory_space<hbm>> -> memref<40xi32, #tpu.memory_space<hbm>>
      tpu.wait_dma2 semaphore(%arg36 : memref<!tpu.dma_semaphore, #tpu.memory_space<semaphore_mem>>) src(%dma_wait3A_443 : memref<40xi32, #tpu.memory_space<hbm>>) dst(%arg17 : memref<40xi32, #tpu.memory_space<vmem>>)
      %dma_start3A_444 = arith.constant 0 : i32
      %dma_start3A_445 = arith.constant 0 : i32
      %dma_start3A_446 = tpu.memref_slice %arg25[%dma_start3A_444, %dma_start3A_445] : memref<10240x128xf32, #tpu.memory_space<vmem_shared>> -> memref<10240x128xf32, #tpu.memory_space<vmem_shared>>
      tpu.enqueue_indirect_dma source(%arg11 : memref<40x128xf32, #tpu.memory_space<vmem>>) target(%dma_start3A_446 : memref<10240x128xf32, #tpu.memory_space<vmem_shared>>) offsets(%arg17 : memref<40xi32, #tpu.memory_space<vmem>>) semaphore(%arg30 : memref<!tpu.dma_semaphore, #tpu.memory_space<semaphore_mem>>) {add = true}
      %add3A_447 = arith.constant 2 : i32
      %add3A_448 = arith.addi %add3A_420, %add3A_447 : i32
      %lt3A_449 = arith.constant 250 : i32
      %lt3A_450 = arith.cmpi slt, %add3A_448, %lt3A_449 : i32
      %convert_element_type3A_451 = arith.extui %lt3A_450 : i1 to i32
      %cond3A_452 = arith.constant 0 : i32
      %cond3A_453 = arith.cmpi ne, %convert_element_type3A_451, %cond3A_452 : i32
      scf.if %cond3A_453 {
        %dma_wait3A_503 = arith.constant 0 : i32
        %dma_wait3A_504 = tpu.memref_slice %arg4[%dma_wait3A_503] : memref<320000xi32, #tpu.memory_space<hbm>> -> memref<40xi32, #tpu.memory_space<hbm>>
        %dma_wait3A_505 = arith.constant 0 : i32
        %dma_wait3A_506 = tpu.memref_slice %arg4[%dma_wait3A_505] : memref<320000xi32, #tpu.memory_space<hbm>> -> memref<40xi32, #tpu.memory_space<hbm>>
        tpu.wait_dma2 semaphore(%arg34 : memref<!tpu.dma_semaphore, #tpu.memory_space<semaphore_mem>>) src(%dma_wait3A_506 : memref<40xi32, #tpu.memory_space<hbm>>) dst(%arg15 : memref<40xi32, #tpu.memory_space<vmem>>)
        %add3A_507 = arith.constant 2 : i32
        %add3A_508 = arith.addi %add3A_420, %add3A_507 : i32
        %dma_start3A_509 = arith.constant 0 : i32
        %dma_start3A_510 = arith.constant 0 : i32
        %dma_start3A_511 = tpu.memref_slice %arg2[%dma_start3A_509, %dma_start3A_510] : memref<10000x128xf32, #tpu.memory_space<hbm>> -> memref<10000x128xf32, #tpu.memory_space<hbm>>
        tpu.enqueue_indirect_dma source(%dma_start3A_511 : memref<10000x128xf32, #tpu.memory_space<hbm>>) target(%arg7 : memref<40x128xf32, #tpu.memory_space<vmem>>) offsets(%arg15 : memref<40xi32, #tpu.memory_space<vmem>>) semaphore(%arg26 : memref<!tpu.dma_semaphore, #tpu.memory_space<semaphore_mem>>)
        %mul3A_512 = arith.constant 40 : i32
        %mul3A_513 = arith.muli %add3A_508, %mul3A_512 : i32
        %add3A_514 = arith.addi %mul3A_2, %mul3A_513 : i32
        %dma_start3A_515 = arith.constant 0 : i32
        %dma_start3A_516 = tpu.memref_slice %arg3[%add3A_514, %dma_start3A_515] : memref<320000x128xf32, #tpu.memory_space<hbm>> -> memref<40x128xf32, #tpu.memory_space<hbm>>
        %dma_start3A_517 = arith.constant 0 : i32
        %dma_start3A_518 = tpu.memref_slice %arg3[%add3A_514, %dma_start3A_517] : memref<320000x128xf32, #tpu.memory_space<hbm>> -> memref<40x128xf32, #tpu.memory_space<hbm>>
        tpu.enqueue_dma source(%dma_start3A_518 : memref<40x128xf32, #tpu.memory_space<hbm>>) target(%arg9 : memref<40x128xf32, #tpu.memory_space<vmem>>) target_semaphore(%arg28 : memref<!tpu.dma_semaphore, #tpu.memory_space<semaphore_mem>>)
      } else {
      }
      %add3A_454 = arith.constant 3 : i32
      %add3A_455 = arith.addi %add3A_420, %add3A_454 : i32
      %lt3A_456 = arith.constant 250 : i32
      %lt3A_457 = arith.cmpi slt, %add3A_455, %lt3A_456 : i32
      %convert_element_type3A_458 = arith.extui %lt3A_457 : i1 to i32
      %cond3A_459 = arith.constant 0 : i32
      %cond3A_460 = arith.cmpi ne, %convert_element_type3A_458, %cond3A_459 : i32
      scf.if %cond3A_460 {
        %add3A_503 = arith.constant 3 : i32
        %add3A_504 = arith.addi %add3A_420, %add3A_503 : i32
        %mul3A_505 = arith.constant 40 : i32
        %mul3A_506 = arith.muli %add3A_504, %mul3A_505 : i32
        %add3A_507 = arith.addi %mul3A_2, %mul3A_506 : i32
        %dma_start3A_508 = tpu.memref_slice %arg4[%add3A_507] : memref<320000xi32, #tpu.memory_space<hbm>> -> memref<40xi32, #tpu.memory_space<hbm>>
        %dma_start3A_509 = tpu.memref_slice %arg4[%add3A_507] : memref<320000xi32, #tpu.memory_space<hbm>> -> memref<40xi32, #tpu.memory_space<hbm>>
        tpu.enqueue_dma source(%dma_start3A_509 : memref<40xi32, #tpu.memory_space<hbm>>) target(%arg16 : memref<40xi32, #tpu.memory_space<vmem>>) target_semaphore(%arg35 : memref<!tpu.dma_semaphore, #tpu.memory_space<semaphore_mem>>)
        %mul3A_510 = arith.constant 40 : i32
        %mul3A_511 = arith.muli %add3A_504, %mul3A_510 : i32
        %add3A_512 = arith.addi %mul3A_2, %mul3A_511 : i32
        %dma_start3A_513 = tpu.memref_slice %arg5[%add3A_512] : memref<320000xi32, #tpu.memory_space<hbm>> -> memref<40xi32, #tpu.memory_space<hbm>>
        %dma_start3A_514 = tpu.memref_slice %arg5[%add3A_512] : memref<320000xi32, #tpu.memory_space<hbm>> -> memref<40xi32, #tpu.memory_space<hbm>>
        tpu.enqueue_dma source(%dma_start3A_514 : memref<40xi32, #tpu.memory_space<hbm>>) target(%arg20 : memref<40xi32, #tpu.memory_space<vmem>>) target_semaphore(%arg39 : memref<!tpu.dma_semaphore, #tpu.memory_space<semaphore_mem>>)
      } else {
      }
      %add3A_461 = arith.constant 7 : i32
      %add3A_462 = arith.addi %add3A_169, %add3A_461 : i32
      %dma_wait3A_463 = arith.constant 0 : i32
      %dma_wait3A_464 = arith.constant 0 : i32
      %dma_wait3A_465 = tpu.memref_slice %arg2[%dma_wait3A_463, %dma_wait3A_464] : memref<10000x128xf32, #tpu.memory_space<hbm>> -> memref<10000x128xf32, #tpu.memory_space<hbm>>
      tpu.wait_indirect_dma semaphore(%arg27 : memref<!tpu.dma_semaphore, #tpu.memory_space<semaphore_mem>>) src(%dma_wait3A_465 : memref<10000x128xf32, #tpu.memory_space<hbm>>) dst(%arg8 : memref<40x128xf32, #tpu.memory_space<vmem>>)
      %mul3A_466 = arith.constant 40 : i32
      %mul3A_467 = arith.muli %add3A_462, %mul3A_466 : i32
      %add3A_468 = arith.addi %mul3A_2, %mul3A_467 : i32
      %dma_wait3A_469 = arith.constant 0 : i32
      %dma_wait3A_470 = tpu.memref_slice %arg3[%add3A_468, %dma_wait3A_469] : memref<320000x128xf32, #tpu.memory_space<hbm>> -> memref<40x128xf32, #tpu.memory_space<hbm>>
      %dma_wait3A_471 = arith.constant 0 : i32
      %dma_wait3A_472 = tpu.memref_slice %arg3[%add3A_468, %dma_wait3A_471] : memref<320000x128xf32, #tpu.memory_space<hbm>> -> memref<40x128xf32, #tpu.memory_space<hbm>>
      tpu.wait_dma2 semaphore(%arg29 : memref<!tpu.dma_semaphore, #tpu.memory_space<semaphore_mem>>) src(%dma_wait3A_472 : memref<40x128xf32, #tpu.memory_space<hbm>>) dst(%arg10 : memref<40x128xf32, #tpu.memory_space<vmem>>)
      %dma_wait3A_473 = arith.constant 0 : i32
      %dma_wait3A_474 = arith.constant 0 : i32
      %dma_wait3A_475 = tpu.memref_slice %arg25[%dma_wait3A_473, %dma_wait3A_474] : memref<10240x128xf32, #tpu.memory_space<vmem_shared>> -> memref<10240x128xf32, #tpu.memory_space<vmem_shared>>
      tpu.wait_indirect_dma semaphore(%arg31 : memref<!tpu.dma_semaphore, #tpu.memory_space<semaphore_mem>>) src(%arg12 : memref<40x128xf32, #tpu.memory_space<vmem>>) dst(%dma_wait3A_475 : memref<10240x128xf32, #tpu.memory_space<vmem_shared>>)
      %scan3A_476 = arith.constant 0 : i32
      %scan3A_477 = arith.constant 0 : i32
      %scan3A_478 = arith.constant 20 : i32
      %scan3A_479 = arith.addi %scan3A_477, %scan3A_478 : i32
      %scan3A_480 = arith.constant 1 : i32
      scf.for %scan3A_503 = %scan3A_477 to %scan3A_479 step %scan3A_480  : i32 {
        %mul3A_504 = arith.constant 2 : i32
        %mul3A_505 = arith.muli %scan3A_503, %mul3A_504 : i32
        %add3A_506 = arith.constant 0 : i32
        %add3A_507 = arith.addi %mul3A_505, %add3A_506 : i32
        %get3A = arith.index_cast %add3A_507 : i32 to index
        %get3A_508 = arith.constant 0 : index
        %get3A_509 = tpu.vector_load %arg8[%get3A, %get3A_508] {strides = array<i32>} : memref<40x128xf32, #tpu.memory_space<vmem>>, vector<1x16xf32>,
        %get3A_510 = vector.shape_cast %get3A_509 : vector<1x16xf32> to vector<16xf32>
        %get3A_511 = arith.index_cast %add3A_507 : i32 to index
        %get3A_512 = arith.constant 0 : index
        %get3A_513 = tpu.vector_load %arg10[%get3A_511, %get3A_512] {strides = array<i32>} : memref<40x128xf32, #tpu.memory_space<vmem>>, vector<1x16xf32>,
        %get3A_514 = vector.shape_cast %get3A_513 : vector<1x16xf32> to vector<16xf32>
        %add3A_515 = arith.addf %get3A_510, %get3A_514 : vector<16xf32>
        %max3A = arith.constant 0.000000e+00 : f32
        %max3A_516 = vector.broadcast %max3A : f32 to vector<16xf32>
        %max3A_517 = arith.maximumf %add3A_515, %max3A_516 : vector<16xf32>
        %swap3A = arith.index_cast %add3A_507 : i32 to index
        %swap3A_518 = arith.constant 0 : index
        %swap3A_519 = tpu.vector_load %arg12[%swap3A, %swap3A_518] {strides = array<i32>} : memref<40x128xf32, #tpu.memory_space<vmem>>, vector<1x16xf32>,
        %swap3A_520 = vector.shape_cast %swap3A_519 : vector<1x16xf32> to vector<16xf32>
        %swap3A_521 = vector.shape_cast %max3A_517 : vector<16xf32> to vector<1x16xf32>
        tpu.vector_store %arg12[%swap3A, %swap3A_518], %swap3A_521 {strides = array<i32>} : memref<40x128xf32, #tpu.memory_space<vmem>>, vector<1x16xf32>,
        %get3A_522 = arith.index_cast %add3A_507 : i32 to index
        %get3A_523 = arith.constant 16 : index
        %get3A_524 = tpu.vector_load %arg8[%get3A_522, %get3A_523] {strides = array<i32>} : memref<40x128xf32, #tpu.memory_space<vmem>>, vector<1x16xf32>,
        %get3A_525 = vector.shape_cast %get3A_524 : vector<1x16xf32> to vector<16xf32>
        %get3A_526 = arith.index_cast %add3A_507 : i32 to index
        %get3A_527 = arith.constant 16 : index
        %get3A_528 = tpu.vector_load %arg10[%get3A_526, %get3A_527] {strides = array<i32>} : memref<40x128xf32, #tpu.memory_space<vmem>>, vector<1x16xf32>,
        %get3A_529 = vector.shape_cast %get3A_528 : vector<1x16xf32> to vector<16xf32>
        %add3A_530 = arith.addf %get3A_525, %get3A_529 : vector<16xf32>
        %max3A_531 = arith.constant 0.000000e+00 : f32
        %max3A_532 = vector.broadcast %max3A_531 : f32 to vector<16xf32>
        %max3A_533 = arith.maximumf %add3A_530, %max3A_532 : vector<16xf32>
        %swap3A_534 = arith.index_cast %add3A_507 : i32 to index
        %swap3A_535 = arith.constant 16 : index
        %swap3A_536 = tpu.vector_load %arg12[%swap3A_534, %swap3A_535] {strides = array<i32>} : memref<40x128xf32, #tpu.memory_space<vmem>>, vector<1x16xf32>,
        %swap3A_537 = vector.shape_cast %swap3A_536 : vector<1x16xf32> to vector<16xf32>
        %swap3A_538 = vector.shape_cast %max3A_533 : vector<16xf32> to vector<1x16xf32>
        tpu.vector_store %arg12[%swap3A_534, %swap3A_535], %swap3A_538 {strides = array<i32>} : memref<40x128xf32, #tpu.memory_space<vmem>>, vector<1x16xf32>,
        %get3A_539 = arith.index_cast %add3A_507 : i32 to index
        %get3A_540 = arith.constant 32 : index
        %get3A_541 = tpu.vector_load %arg8[%get3A_539, %get3A_540] {strides = array<i32>} : memref<40x128xf32, #tpu.memory_space<vmem>>, vector<1x16xf32>,
        %get3A_542 = vector.shape_cast %get3A_541 : vector<1x16xf32> to vector<16xf32>
        %get3A_543 = arith.index_cast %add3A_507 : i32 to index
        %get3A_544 = arith.constant 32 : index
        %get3A_545 = tpu.vector_load %arg10[%get3A_543, %get3A_544] {strides = array<i32>} : memref<40x128xf32, #tpu.memory_space<vmem>>, vector<1x16xf32>,
        %get3A_546 = vector.shape_cast %get3A_545 : vector<1x16xf32> to vector<16xf32>
        %add3A_547 = arith.addf %get3A_542, %get3A_546 : vector<16xf32>
        %max3A_548 = arith.constant 0.000000e+00 : f32
        %max3A_549 = vector.broadcast %max3A_548 : f32 to vector<16xf32>
        %max3A_550 = arith.maximumf %add3A_547, %max3A_549 : vector<16xf32>
        %swap3A_551 = arith.index_cast %add3A_507 : i32 to index
        %swap3A_552 = arith.constant 32 : index
        %swap3A_553 = tpu.vector_load %arg12[%swap3A_551, %swap3A_552] {strides = array<i32>} : memref<40x128xf32, #tpu.memory_space<vmem>>, vector<1x16xf32>,
        %swap3A_554 = vector.shape_cast %swap3A_553 : vector<1x16xf32> to vector<16xf32>
        %swap3A_555 = vector.shape_cast %max3A_550 : vector<16xf32> to vector<1x16xf32>
        tpu.vector_store %arg12[%swap3A_551, %swap3A_552], %swap3A_555 {strides = array<i32>} : memref<40x128xf32, #tpu.memory_space<vmem>>, vector<1x16xf32>,
        %get3A_556 = arith.index_cast %add3A_507 : i32 to index
        %get3A_557 = arith.constant 48 : index
        %get3A_558 = tpu.vector_load %arg8[%get3A_556, %get3A_557] {strides = array<i32>} : memref<40x128xf32, #tpu.memory_space<vmem>>, vector<1x16xf32>,
        %get3A_559 = vector.shape_cast %get3A_558 : vector<1x16xf32> to vector<16xf32>
        %get3A_560 = arith.index_cast %add3A_507 : i32 to index
        %get3A_561 = arith.constant 48 : index
        %get3A_562 = tpu.vector_load %arg10[%get3A_560, %get3A_561] {strides = array<i32>} : memref<40x128xf32, #tpu.memory_space<vmem>>, vector<1x16xf32>,
        %get3A_563 = vector.shape_cast %get3A_562 : vector<1x16xf32> to vector<16xf32>
        %add3A_564 = arith.addf %get3A_559, %get3A_563 : vector<16xf32>
        %max3A_565 = arith.constant 0.000000e+00 : f32
        %max3A_566 = vector.broadcast %max3A_565 : f32 to vector<16xf32>
        %max3A_567 = arith.maximumf %add3A_564, %max3A_566 : vector<16xf32>
        %swap3A_568 = arith.index_cast %add3A_507 : i32 to index
        %swap3A_569 = arith.constant 48 : index
        %swap3A_570 = tpu.vector_load %arg12[%swap3A_568, %swap3A_569] {strides = array<i32>} : memref<40x128xf32, #tpu.memory_space<vmem>>, vector<1x16xf32>,
        %swap3A_571 = vector.shape_cast %swap3A_570 : vector<1x16xf32> to vector<16xf32>
        %swap3A_572 = vector.shape_cast %max3A_567 : vector<16xf32> to vector<1x16xf32>
        tpu.vector_store %arg12[%swap3A_568, %swap3A_569], %swap3A_572 {strides = array<i32>} : memref<40x128xf32, #tpu.memory_space<vmem>>, vector<1x16xf32>,
        %get3A_573 = arith.index_cast %add3A_507 : i32 to index
        %get3A_574 = arith.constant 64 : index
        %get3A_575 = tpu.vector_load %arg8[%get3A_573, %get3A_574] {strides = array<i32>} : memref<40x128xf32, #tpu.memory_space<vmem>>, vector<1x16xf32>,
        %get3A_576 = vector.shape_cast %get3A_575 : vector<1x16xf32> to vector<16xf32>
        %get3A_577 = arith.index_cast %add3A_507 : i32 to index
        %get3A_578 = arith.constant 64 : index
        %get3A_579 = tpu.vector_load %arg10[%get3A_577, %get3A_578] {strides = array<i32>} : memref<40x128xf32, #tpu.memory_space<vmem>>, vector<1x16xf32>,
        %get3A_580 = vector.shape_cast %get3A_579 : vector<1x16xf32> to vector<16xf32>
        %add3A_581 = arith.addf %get3A_576, %get3A_580 : vector<16xf32>
        %max3A_582 = arith.constant 0.000000e+00 : f32
        %max3A_583 = vector.broadcast %max3A_582 : f32 to vector<16xf32>
        %max3A_584 = arith.maximumf %add3A_581, %max3A_583 : vector<16xf32>
        %swap3A_585 = arith.index_cast %add3A_507 : i32 to index
        %swap3A_586 = arith.constant 64 : index
        %swap3A_587 = tpu.vector_load %arg12[%swap3A_585, %swap3A_586] {strides = array<i32>} : memref<40x128xf32, #tpu.memory_space<vmem>>, vector<1x16xf32>,
        %swap3A_588 = vector.shape_cast %swap3A_587 : vector<1x16xf32> to vector<16xf32>
        %swap3A_589 = vector.shape_cast %max3A_584 : vector<16xf32> to vector<1x16xf32>
        tpu.vector_store %arg12[%swap3A_585, %swap3A_586], %swap3A_589 {strides = array<i32>} : memref<40x128xf32, #tpu.memory_space<vmem>>, vector<1x16xf32>,
        %get3A_590 = arith.index_cast %add3A_507 : i32 to index
        %get3A_591 = arith.constant 80 : index
        %get3A_592 = tpu.vector_load %arg8[%get3A_590, %get3A_591] {strides = array<i32>} : memref<40x128xf32, #tpu.memory_space<vmem>>, vector<1x16xf32>,
        %get3A_593 = vector.shape_cast %get3A_592 : vector<1x16xf32> to vector<16xf32>
        %get3A_594 = arith.index_cast %add3A_507 : i32 to index
        %get3A_595 = arith.constant 80 : index
        %get3A_596 = tpu.vector_load %arg10[%get3A_594, %get3A_595] {strides = array<i32>} : memref<40x128xf32, #tpu.memory_space<vmem>>, vector<1x16xf32>,
        %get3A_597 = vector.shape_cast %get3A_596 : vector<1x16xf32> to vector<16xf32>
        %add3A_598 = arith.addf %get3A_593, %get3A_597 : vector<16xf32>
        %max3A_599 = arith.constant 0.000000e+00 : f32
        %max3A_600 = vector.broadcast %max3A_599 : f32 to vector<16xf32>
        %max3A_601 = arith.maximumf %add3A_598, %max3A_600 : vector<16xf32>
        %swap3A_602 = arith.index_cast %add3A_507 : i32 to index
        %swap3A_603 = arith.constant 80 : index
        %swap3A_604 = tpu.vector_load %arg12[%swap3A_602, %swap3A_603] {strides = array<i32>} : memref<40x128xf32, #tpu.memory_space<vmem>>, vector<1x16xf32>,
        %swap3A_605 = vector.shape_cast %swap3A_604 : vector<1x16xf32> to vector<16xf32>
        %swap3A_606 = vector.shape_cast %max3A_601 : vector<16xf32> to vector<1x16xf32>
        tpu.vector_store %arg12[%swap3A_602, %swap3A_603], %swap3A_606 {strides = array<i32>} : memref<40x128xf32, #tpu.memory_space<vmem>>, vector<1x16xf32>,
        %get3A_607 = arith.index_cast %add3A_507 : i32 to index
        %get3A_608 = arith.constant 96 : index
        %get3A_609 = tpu.vector_load %arg8[%get3A_607, %get3A_608] {strides = array<i32>} : memref<40x128xf32, #tpu.memory_space<vmem>>, vector<1x16xf32>,
        %get3A_610 = vector.shape_cast %get3A_609 : vector<1x16xf32> to vector<16xf32>
        %get3A_611 = arith.index_cast %add3A_507 : i32 to index
        %get3A_612 = arith.constant 96 : index
        %get3A_613 = tpu.vector_load %arg10[%get3A_611, %get3A_612] {strides = array<i32>} : memref<40x128xf32, #tpu.memory_space<vmem>>, vector<1x16xf32>,
        %get3A_614 = vector.shape_cast %get3A_613 : vector<1x16xf32> to vector<16xf32>
        %add3A_615 = arith.addf %get3A_610, %get3A_614 : vector<16xf32>
        %max3A_616 = arith.constant 0.000000e+00 : f32
        %max3A_617 = vector.broadcast %max3A_616 : f32 to vector<16xf32>
        %max3A_618 = arith.maximumf %add3A_615, %max3A_617 : vector<16xf32>
        %swap3A_619 = arith.index_cast %add3A_507 : i32 to index
        %swap3A_620 = arith.constant 96 : index
        %swap3A_621 = tpu.vector_load %arg12[%swap3A_619, %swap3A_620] {strides = array<i32>} : memref<40x128xf32, #tpu.memory_space<vmem>>, vector<1x16xf32>,
        %swap3A_622 = vector.shape_cast %swap3A_621 : vector<1x16xf32> to vector<16xf32>
        %swap3A_623 = vector.shape_cast %max3A_618 : vector<16xf32> to vector<1x16xf32>
        tpu.vector_store %arg12[%swap3A_619, %swap3A_620], %swap3A_623 {strides = array<i32>} : memref<40x128xf32, #tpu.memory_space<vmem>>, vector<1x16xf32>,
        %get3A_624 = arith.index_cast %add3A_507 : i32 to index
        %get3A_625 = arith.constant 112 : index
        %get3A_626 = tpu.vector_load %arg8[%get3A_624, %get3A_625] {strides = array<i32>} : memref<40x128xf32, #tpu.memory_space<vmem>>, vector<1x16xf32>,
        %get3A_627 = vector.shape_cast %get3A_626 : vector<1x16xf32> to vector<16xf32>
        %get3A_628 = arith.index_cast %add3A_507 : i32 to index
        %get3A_629 = arith.constant 112 : index
        %get3A_630 = tpu.vector_load %arg10[%get3A_628, %get3A_629] {strides = array<i32>} : memref<40x128xf32, #tpu.memory_space<vmem>>, vector<1x16xf32>,
        %get3A_631 = vector.shape_cast %get3A_630 : vector<1x16xf32> to vector<16xf32>
        %add3A_632 = arith.addf %get3A_627, %get3A_631 : vector<16xf32>
        %max3A_633 = arith.constant 0.000000e+00 : f32
        %max3A_634 = vector.broadcast %max3A_633 : f32 to vector<16xf32>
        %max3A_635 = arith.maximumf %add3A_632, %max3A_634 : vector<16xf32>
        %swap3A_636 = arith.index_cast %add3A_507 : i32 to index
        %swap3A_637 = arith.constant 112 : index
        %swap3A_638 = tpu.vector_load %arg12[%swap3A_636, %swap3A_637] {strides = array<i32>} : memref<40x128xf32, #tpu.memory_space<vmem>>, vector<1x16xf32>,
        %swap3A_639 = vector.shape_cast %swap3A_638 : vector<1x16xf32> to vector<16xf32>
        %swap3A_640 = vector.shape_cast %max3A_635 : vector<16xf32> to vector<1x16xf32>
        tpu.vector_store %arg12[%swap3A_636, %swap3A_637], %swap3A_640 {strides = array<i32>} : memref<40x128xf32, #tpu.memory_space<vmem>>, vector<1x16xf32>,
        %mul3A_641 = arith.constant 2 : i32
        %mul3A_642 = arith.muli %scan3A_503, %mul3A_641 : i32
        %add3A_643 = arith.constant 1 : i32
        %add3A_644 = arith.addi %mul3A_642, %add3A_643 : i32
        %get3A_645 = arith.index_cast %add3A_644 : i32 to index
        %get3A_646 = arith.constant 0 : index
        %get3A_647 = tpu.vector_load %arg8[%get3A_645, %get3A_646] {strides = array<i32>} : memref<40x128xf32, #tpu.memory_space<vmem>>, vector<1x16xf32>,
        %get3A_648 = vector.shape_cast %get3A_647 : vector<1x16xf32> to vector<16xf32>
        %get3A_649 = arith.index_cast %add3A_644 : i32 to index
        %get3A_650 = arith.constant 0 : index
        %get3A_651 = tpu.vector_load %arg10[%get3A_649, %get3A_650] {strides = array<i32>} : memref<40x128xf32, #tpu.memory_space<vmem>>, vector<1x16xf32>,
        %get3A_652 = vector.shape_cast %get3A_651 : vector<1x16xf32> to vector<16xf32>
        %add3A_653 = arith.addf %get3A_648, %get3A_652 : vector<16xf32>
        %max3A_654 = arith.constant 0.000000e+00 : f32
        %max3A_655 = vector.broadcast %max3A_654 : f32 to vector<16xf32>
        %max3A_656 = arith.maximumf %add3A_653, %max3A_655 : vector<16xf32>
        %swap3A_657 = arith.index_cast %add3A_644 : i32 to index
        %swap3A_658 = arith.constant 0 : index
        %swap3A_659 = tpu.vector_load %arg12[%swap3A_657, %swap3A_658] {strides = array<i32>} : memref<40x128xf32, #tpu.memory_space<vmem>>, vector<1x16xf32>,
        %swap3A_660 = vector.shape_cast %swap3A_659 : vector<1x16xf32> to vector<16xf32>
        %swap3A_661 = vector.shape_cast %max3A_656 : vector<16xf32> to vector<1x16xf32>
        tpu.vector_store %arg12[%swap3A_657, %swap3A_658], %swap3A_661 {strides = array<i32>} : memref<40x128xf32, #tpu.memory_space<vmem>>, vector<1x16xf32>,
        %get3A_662 = arith.index_cast %add3A_644 : i32 to index
        %get3A_663 = arith.constant 16 : index
        %get3A_664 = tpu.vector_load %arg8[%get3A_662, %get3A_663] {strides = array<i32>} : memref<40x128xf32, #tpu.memory_space<vmem>>, vector<1x16xf32>,
        %get3A_665 = vector.shape_cast %get3A_664 : vector<1x16xf32> to vector<16xf32>
        %get3A_666 = arith.index_cast %add3A_644 : i32 to index
        %get3A_667 = arith.constant 16 : index
        %get3A_668 = tpu.vector_load %arg10[%get3A_666, %get3A_667] {strides = array<i32>} : memref<40x128xf32, #tpu.memory_space<vmem>>, vector<1x16xf32>,
        %get3A_669 = vector.shape_cast %get3A_668 : vector<1x16xf32> to vector<16xf32>
        %add3A_670 = arith.addf %get3A_665, %get3A_669 : vector<16xf32>
        %max3A_671 = arith.constant 0.000000e+00 : f32
        %max3A_672 = vector.broadcast %max3A_671 : f32 to vector<16xf32>
        %max3A_673 = arith.maximumf %add3A_670, %max3A_672 : vector<16xf32>
        %swap3A_674 = arith.index_cast %add3A_644 : i32 to index
        %swap3A_675 = arith.constant 16 : index
        %swap3A_676 = tpu.vector_load %arg12[%swap3A_674, %swap3A_675] {strides = array<i32>} : memref<40x128xf32, #tpu.memory_space<vmem>>, vector<1x16xf32>,
        %swap3A_677 = vector.shape_cast %swap3A_676 : vector<1x16xf32> to vector<16xf32>
        %swap3A_678 = vector.shape_cast %max3A_673 : vector<16xf32> to vector<1x16xf32>
        tpu.vector_store %arg12[%swap3A_674, %swap3A_675], %swap3A_678 {strides = array<i32>} : memref<40x128xf32, #tpu.memory_space<vmem>>, vector<1x16xf32>,
        %get3A_679 = arith.index_cast %add3A_644 : i32 to index
        %get3A_680 = arith.constant 32 : index
        %get3A_681 = tpu.vector_load %arg8[%get3A_679, %get3A_680] {strides = array<i32>} : memref<40x128xf32, #tpu.memory_space<vmem>>, vector<1x16xf32>,
        %get3A_682 = vector.shape_cast %get3A_681 : vector<1x16xf32> to vector<16xf32>
        %get3A_683 = arith.index_cast %add3A_644 : i32 to index
        %get3A_684 = arith.constant 32 : index
        %get3A_685 = tpu.vector_load %arg10[%get3A_683, %get3A_684] {strides = array<i32>} : memref<40x128xf32, #tpu.memory_space<vmem>>, vector<1x16xf32>,
        %get3A_686 = vector.shape_cast %get3A_685 : vector<1x16xf32> to vector<16xf32>
        %add3A_687 = arith.addf %get3A_682, %get3A_686 : vector<16xf32>
        %max3A_688 = arith.constant 0.000000e+00 : f32
        %max3A_689 = vector.broadcast %max3A_688 : f32 to vector<16xf32>
        %max3A_690 = arith.maximumf %add3A_687, %max3A_689 : vector<16xf32>
        %swap3A_691 = arith.index_cast %add3A_644 : i32 to index
        %swap3A_692 = arith.constant 32 : index
        %swap3A_693 = tpu.vector_load %arg12[%swap3A_691, %swap3A_692] {strides = array<i32>} : memref<40x128xf32, #tpu.memory_space<vmem>>, vector<1x16xf32>,
        %swap3A_694 = vector.shape_cast %swap3A_693 : vector<1x16xf32> to vector<16xf32>
        %swap3A_695 = vector.shape_cast %max3A_690 : vector<16xf32> to vector<1x16xf32>
        tpu.vector_store %arg12[%swap3A_691, %swap3A_692], %swap3A_695 {strides = array<i32>} : memref<40x128xf32, #tpu.memory_space<vmem>>, vector<1x16xf32>,
        %get3A_696 = arith.index_cast %add3A_644 : i32 to index
        %get3A_697 = arith.constant 48 : index
        %get3A_698 = tpu.vector_load %arg8[%get3A_696, %get3A_697] {strides = array<i32>} : memref<40x128xf32, #tpu.memory_space<vmem>>, vector<1x16xf32>,
        %get3A_699 = vector.shape_cast %get3A_698 : vector<1x16xf32> to vector<16xf32>
        %get3A_700 = arith.index_cast %add3A_644 : i32 to index
        %get3A_701 = arith.constant 48 : index
        %get3A_702 = tpu.vector_load %arg10[%get3A_700, %get3A_701] {strides = array<i32>} : memref<40x128xf32, #tpu.memory_space<vmem>>, vector<1x16xf32>,
        %get3A_703 = vector.shape_cast %get3A_702 : vector<1x16xf32> to vector<16xf32>
        %add3A_704 = arith.addf %get3A_699, %get3A_703 : vector<16xf32>
        %max3A_705 = arith.constant 0.000000e+00 : f32
        %max3A_706 = vector.broadcast %max3A_705 : f32 to vector<16xf32>
        %max3A_707 = arith.maximumf %add3A_704, %max3A_706 : vector<16xf32>
        %swap3A_708 = arith.index_cast %add3A_644 : i32 to index
        %swap3A_709 = arith.constant 48 : index
        %swap3A_710 = tpu.vector_load %arg12[%swap3A_708, %swap3A_709] {strides = array<i32>} : memref<40x128xf32, #tpu.memory_space<vmem>>, vector<1x16xf32>,
        %swap3A_711 = vector.shape_cast %swap3A_710 : vector<1x16xf32> to vector<16xf32>
        %swap3A_712 = vector.shape_cast %max3A_707 : vector<16xf32> to vector<1x16xf32>
        tpu.vector_store %arg12[%swap3A_708, %swap3A_709], %swap3A_712 {strides = array<i32>} : memref<40x128xf32, #tpu.memory_space<vmem>>, vector<1x16xf32>,
        %get3A_713 = arith.index_cast %add3A_644 : i32 to index
        %get3A_714 = arith.constant 64 : index
        %get3A_715 = tpu.vector_load %arg8[%get3A_713, %get3A_714] {strides = array<i32>} : memref<40x128xf32, #tpu.memory_space<vmem>>, vector<1x16xf32>,
        %get3A_716 = vector.shape_cast %get3A_715 : vector<1x16xf32> to vector<16xf32>
        %get3A_717 = arith.index_cast %add3A_644 : i32 to index
        %get3A_718 = arith.constant 64 : index
        %get3A_719 = tpu.vector_load %arg10[%get3A_717, %get3A_718] {strides = array<i32>} : memref<40x128xf32, #tpu.memory_space<vmem>>, vector<1x16xf32>,
        %get3A_720 = vector.shape_cast %get3A_719 : vector<1x16xf32> to vector<16xf32>
        %add3A_721 = arith.addf %get3A_716, %get3A_720 : vector<16xf32>
        %max3A_722 = arith.constant 0.000000e+00 : f32
        %max3A_723 = vector.broadcast %max3A_722 : f32 to vector<16xf32>
        %max3A_724 = arith.maximumf %add3A_721, %max3A_723 : vector<16xf32>
        %swap3A_725 = arith.index_cast %add3A_644 : i32 to index
        %swap3A_726 = arith.constant 64 : index
        %swap3A_727 = tpu.vector_load %arg12[%swap3A_725, %swap3A_726] {strides = array<i32>} : memref<40x128xf32, #tpu.memory_space<vmem>>, vector<1x16xf32>,
        %swap3A_728 = vector.shape_cast %swap3A_727 : vector<1x16xf32> to vector<16xf32>
        %swap3A_729 = vector.shape_cast %max3A_724 : vector<16xf32> to vector<1x16xf32>
        tpu.vector_store %arg12[%swap3A_725, %swap3A_726], %swap3A_729 {strides = array<i32>} : memref<40x128xf32, #tpu.memory_space<vmem>>, vector<1x16xf32>,
        %get3A_730 = arith.index_cast %add3A_644 : i32 to index
        %get3A_731 = arith.constant 80 : index
        %get3A_732 = tpu.vector_load %arg8[%get3A_730, %get3A_731] {strides = array<i32>} : memref<40x128xf32, #tpu.memory_space<vmem>>, vector<1x16xf32>,
        %get3A_733 = vector.shape_cast %get3A_732 : vector<1x16xf32> to vector<16xf32>
        %get3A_734 = arith.index_cast %add3A_644 : i32 to index
        %get3A_735 = arith.constant 80 : index
        %get3A_736 = tpu.vector_load %arg10[%get3A_734, %get3A_735] {strides = array<i32>} : memref<40x128xf32, #tpu.memory_space<vmem>>, vector<1x16xf32>,
        %get3A_737 = vector.shape_cast %get3A_736 : vector<1x16xf32> to vector<16xf32>
        %add3A_738 = arith.addf %get3A_733, %get3A_737 : vector<16xf32>
        %max3A_739 = arith.constant 0.000000e+00 : f32
        %max3A_740 = vector.broadcast %max3A_739 : f32 to vector<16xf32>
        %max3A_741 = arith.maximumf %add3A_738, %max3A_740 : vector<16xf32>
        %swap3A_742 = arith.index_cast %add3A_644 : i32 to index
        %swap3A_743 = arith.constant 80 : index
        %swap3A_744 = tpu.vector_load %arg12[%swap3A_742, %swap3A_743] {strides = array<i32>} : memref<40x128xf32, #tpu.memory_space<vmem>>, vector<1x16xf32>,
        %swap3A_745 = vector.shape_cast %swap3A_744 : vector<1x16xf32> to vector<16xf32>
        %swap3A_746 = vector.shape_cast %max3A_741 : vector<16xf32> to vector<1x16xf32>
        tpu.vector_store %arg12[%swap3A_742, %swap3A_743], %swap3A_746 {strides = array<i32>} : memref<40x128xf32, #tpu.memory_space<vmem>>, vector<1x16xf32>,
        %get3A_747 = arith.index_cast %add3A_644 : i32 to index
        %get3A_748 = arith.constant 96 : index
        %get3A_749 = tpu.vector_load %arg8[%get3A_747, %get3A_748] {strides = array<i32>} : memref<40x128xf32, #tpu.memory_space<vmem>>, vector<1x16xf32>,
        %get3A_750 = vector.shape_cast %get3A_749 : vector<1x16xf32> to vector<16xf32>
        %get3A_751 = arith.index_cast %add3A_644 : i32 to index
        %get3A_752 = arith.constant 96 : index
        %get3A_753 = tpu.vector_load %arg10[%get3A_751, %get3A_752] {strides = array<i32>} : memref<40x128xf32, #tpu.memory_space<vmem>>, vector<1x16xf32>,
        %get3A_754 = vector.shape_cast %get3A_753 : vector<1x16xf32> to vector<16xf32>
        %add3A_755 = arith.addf %get3A_750, %get3A_754 : vector<16xf32>
        %max3A_756 = arith.constant 0.000000e+00 : f32
        %max3A_757 = vector.broadcast %max3A_756 : f32 to vector<16xf32>
        %max3A_758 = arith.maximumf %add3A_755, %max3A_757 : vector<16xf32>
        %swap3A_759 = arith.index_cast %add3A_644 : i32 to index
        %swap3A_760 = arith.constant 96 : index
        %swap3A_761 = tpu.vector_load %arg12[%swap3A_759, %swap3A_760] {strides = array<i32>} : memref<40x128xf32, #tpu.memory_space<vmem>>, vector<1x16xf32>,
        %swap3A_762 = vector.shape_cast %swap3A_761 : vector<1x16xf32> to vector<16xf32>
        %swap3A_763 = vector.shape_cast %max3A_758 : vector<16xf32> to vector<1x16xf32>
        tpu.vector_store %arg12[%swap3A_759, %swap3A_760], %swap3A_763 {strides = array<i32>} : memref<40x128xf32, #tpu.memory_space<vmem>>, vector<1x16xf32>,
        %get3A_764 = arith.index_cast %add3A_644 : i32 to index
        %get3A_765 = arith.constant 112 : index
        %get3A_766 = tpu.vector_load %arg8[%get3A_764, %get3A_765] {strides = array<i32>} : memref<40x128xf32, #tpu.memory_space<vmem>>, vector<1x16xf32>,
        %get3A_767 = vector.shape_cast %get3A_766 : vector<1x16xf32> to vector<16xf32>
        %get3A_768 = arith.index_cast %add3A_644 : i32 to index
        %get3A_769 = arith.constant 112 : index
        %get3A_770 = tpu.vector_load %arg10[%get3A_768, %get3A_769] {strides = array<i32>} : memref<40x128xf32, #tpu.memory_space<vmem>>, vector<1x16xf32>,
        %get3A_771 = vector.shape_cast %get3A_770 : vector<1x16xf32> to vector<16xf32>
        %add3A_772 = arith.addf %get3A_767, %get3A_771 : vector<16xf32>
        %max3A_773 = arith.constant 0.000000e+00 : f32
        %max3A_774 = vector.broadcast %max3A_773 : f32 to vector<16xf32>
        %max3A_775 = arith.maximumf %add3A_772, %max3A_774 : vector<16xf32>
        %swap3A_776 = arith.index_cast %add3A_644 : i32 to index
        %swap3A_777 = arith.constant 112 : index
        %swap3A_778 = tpu.vector_load %arg12[%swap3A_776, %swap3A_777] {strides = array<i32>} : memref<40x128xf32, #tpu.memory_space<vmem>>, vector<1x16xf32>,
        %swap3A_779 = vector.shape_cast %swap3A_778 : vector<1x16xf32> to vector<16xf32>
        %swap3A_780 = vector.shape_cast %max3A_775 : vector<16xf32> to vector<1x16xf32>
        tpu.vector_store %arg12[%swap3A_776, %swap3A_777], %swap3A_780 {strides = array<i32>} : memref<40x128xf32, #tpu.memory_space<vmem>>, vector<1x16xf32>,
      }
      %scan3A_481 = arith.constant 20 : i32
      %dma_wait3A_482 = arith.constant 0 : i32
      %dma_wait3A_483 = tpu.memref_slice %arg5[%dma_wait3A_482] : memref<320000xi32, #tpu.memory_space<hbm>> -> memref<40xi32, #tpu.memory_space<hbm>>
      %dma_wait3A_484 = arith.constant 0 : i32
      %dma_wait3A_485 = tpu.memref_slice %arg5[%dma_wait3A_484] : memref<320000xi32, #tpu.memory_space<hbm>> -> memref<40xi32, #tpu.memory_space<hbm>>
      tpu.wait_dma2 semaphore(%arg37 : memref<!tpu.dma_semaphore, #tpu.memory_space<semaphore_mem>>) src(%dma_wait3A_485 : memref<40xi32, #tpu.memory_space<hbm>>) dst(%arg18 : memref<40xi32, #tpu.memory_space<vmem>>)
      %dma_start3A_486 = arith.constant 0 : i32
      %dma_start3A_487 = arith.constant 0 : i32
      %dma_start3A_488 = tpu.memref_slice %arg25[%dma_start3A_486, %dma_start3A_487] : memref<10240x128xf32, #tpu.memory_space<vmem_shared>> -> memref<10240x128xf32, #tpu.memory_space<vmem_shared>>
      tpu.enqueue_indirect_dma source(%arg12 : memref<40x128xf32, #tpu.memory_space<vmem>>) target(%dma_start3A_488 : memref<10240x128xf32, #tpu.memory_space<vmem_shared>>) offsets(%arg18 : memref<40xi32, #tpu.memory_space<vmem>>) semaphore(%arg31 : memref<!tpu.dma_semaphore, #tpu.memory_space<semaphore_mem>>) {add = true}
      %add3A_489 = arith.constant 2 : i32
      %add3A_490 = arith.addi %add3A_462, %add3A_489 : i32
      %lt3A_491 = arith.constant 250 : i32
      %lt3A_492 = arith.cmpi slt, %add3A_490, %lt3A_491 : i32
      %convert_element_type3A_493 = arith.extui %lt3A_492 : i1 to i32
      %cond3A_494 = arith.constant 0 : i32
      %cond3A_495 = arith.cmpi ne, %convert_element_type3A_493, %cond3A_494 : i32
      scf.if %cond3A_495 {
        %dma_wait3A_503 = arith.constant 0 : i32
        %dma_wait3A_504 = tpu.memref_slice %arg4[%dma_wait3A_503] : memref<320000xi32, #tpu.memory_space<hbm>> -> memref<40xi32, #tpu.memory_space<hbm>>
        %dma_wait3A_505 = arith.constant 0 : i32
        %dma_wait3A_506 = tpu.memref_slice %arg4[%dma_wait3A_505] : memref<320000xi32, #tpu.memory_space<hbm>> -> memref<40xi32, #tpu.memory_space<hbm>>
        tpu.wait_dma2 semaphore(%arg35 : memref<!tpu.dma_semaphore, #tpu.memory_space<semaphore_mem>>) src(%dma_wait3A_506 : memref<40xi32, #tpu.memory_space<hbm>>) dst(%arg16 : memref<40xi32, #tpu.memory_space<vmem>>)
        %add3A_507 = arith.constant 2 : i32
        %add3A_508 = arith.addi %add3A_462, %add3A_507 : i32
        %dma_start3A_509 = arith.constant 0 : i32
        %dma_start3A_510 = arith.constant 0 : i32
        %dma_start3A_511 = tpu.memref_slice %arg2[%dma_start3A_509, %dma_start3A_510] : memref<10000x128xf32, #tpu.memory_space<hbm>> -> memref<10000x128xf32, #tpu.memory_space<hbm>>
        tpu.enqueue_indirect_dma source(%dma_start3A_511 : memref<10000x128xf32, #tpu.memory_space<hbm>>) target(%arg8 : memref<40x128xf32, #tpu.memory_space<vmem>>) offsets(%arg16 : memref<40xi32, #tpu.memory_space<vmem>>) semaphore(%arg27 : memref<!tpu.dma_semaphore, #tpu.memory_space<semaphore_mem>>)
        %mul3A_512 = arith.constant 40 : i32
        %mul3A_513 = arith.muli %add3A_508, %mul3A_512 : i32
        %add3A_514 = arith.addi %mul3A_2, %mul3A_513 : i32
        %dma_start3A_515 = arith.constant 0 : i32
        %dma_start3A_516 = tpu.memref_slice %arg3[%add3A_514, %dma_start3A_515] : memref<320000x128xf32, #tpu.memory_space<hbm>> -> memref<40x128xf32, #tpu.memory_space<hbm>>
        %dma_start3A_517 = arith.constant 0 : i32
        %dma_start3A_518 = tpu.memref_slice %arg3[%add3A_514, %dma_start3A_517] : memref<320000x128xf32, #tpu.memory_space<hbm>> -> memref<40x128xf32, #tpu.memory_space<hbm>>
        tpu.enqueue_dma source(%dma_start3A_518 : memref<40x128xf32, #tpu.memory_space<hbm>>) target(%arg10 : memref<40x128xf32, #tpu.memory_space<vmem>>) target_semaphore(%arg29 : memref<!tpu.dma_semaphore, #tpu.memory_space<semaphore_mem>>)
      } else {
      }
      %add3A_496 = arith.constant 3 : i32
      %add3A_497 = arith.addi %add3A_462, %add3A_496 : i32
      %lt3A_498 = arith.constant 250 : i32
      %lt3A_499 = arith.cmpi slt, %add3A_497, %lt3A_498 : i32
      %convert_element_type3A_500 = arith.extui %lt3A_499 : i1 to i32
      %cond3A_501 = arith.constant 0 : i32
      %cond3A_502 = arith.cmpi ne, %convert_element_type3A_500, %cond3A_501 : i32
      scf.if %cond3A_502 {
        %add3A_503 = arith.constant 3 : i32
        %add3A_504 = arith.addi %add3A_462, %add3A_503 : i32
        %mul3A_505 = arith.constant 40 : i32
        %mul3A_506 = arith.muli %add3A_504, %mul3A_505 : i32
        %add3A_507 = arith.addi %mul3A_2, %mul3A_506 : i32
        %dma_start3A_508 = tpu.memref_slice %arg4[%add3A_507] : memref<320000xi32, #tpu.memory_space<hbm>> -> memref<40xi32, #tpu.memory_space<hbm>>
        %dma_start3A_509 = tpu.memref_slice %arg4[%add3A_507] : memref<320000xi32, #tpu.memory_space<hbm>> -> memref<40xi32, #tpu.memory_space<hbm>>
        tpu.enqueue_dma source(%dma_start3A_509 : memref<40xi32, #tpu.memory_space<hbm>>) target(%arg13 : memref<40xi32, #tpu.memory_space<vmem>>) target_semaphore(%arg32 : memref<!tpu.dma_semaphore, #tpu.memory_space<semaphore_mem>>)
        %mul3A_510 = arith.constant 40 : i32
        %mul3A_511 = arith.muli %add3A_504, %mul3A_510 : i32
        %add3A_512 = arith.addi %mul3A_2, %mul3A_511 : i32
        %dma_start3A_513 = tpu.memref_slice %arg5[%add3A_512] : memref<320000xi32, #tpu.memory_space<hbm>> -> memref<40xi32, #tpu.memory_space<hbm>>
        %dma_start3A_514 = tpu.memref_slice %arg5[%add3A_512] : memref<320000xi32, #tpu.memory_space<hbm>> -> memref<40xi32, #tpu.memory_space<hbm>>
        tpu.enqueue_dma source(%dma_start3A_514 : memref<40xi32, #tpu.memory_space<hbm>>) target(%arg21 : memref<40xi32, #tpu.memory_space<vmem>>) target_semaphore(%arg40 : memref<!tpu.dma_semaphore, #tpu.memory_space<semaphore_mem>>)
      } else {
      }
    }
    %scan3A_153 = arith.constant 31 : i32
    %dma_wait3A_154 = arith.constant 0 : i32
    %dma_wait3A_155 = arith.constant 0 : i32
    %dma_wait3A_156 = tpu.memref_slice %arg25[%dma_wait3A_154, %dma_wait3A_155] : memref<10240x128xf32, #tpu.memory_space<vmem_shared>> -> memref<10240x128xf32, #tpu.memory_space<vmem_shared>>
    tpu.wait_indirect_dma semaphore(%arg30 : memref<!tpu.dma_semaphore, #tpu.memory_space<semaphore_mem>>) src(%arg11 : memref<40x128xf32, #tpu.memory_space<vmem>>) dst(%dma_wait3A_156 : memref<10240x128xf32, #tpu.memory_space<vmem_shared>>)
    %dma_wait3A_157 = arith.constant 0 : i32
    %dma_wait3A_158 = arith.constant 0 : i32
    %dma_wait3A_159 = tpu.memref_slice %arg25[%dma_wait3A_157, %dma_wait3A_158] : memref<10240x128xf32, #tpu.memory_space<vmem_shared>> -> memref<10240x128xf32, #tpu.memory_space<vmem_shared>>
    tpu.wait_indirect_dma semaphore(%arg31 : memref<!tpu.dma_semaphore, #tpu.memory_space<semaphore_mem>>) src(%arg12 : memref<40x128xf32, #tpu.memory_space<vmem>>) dst(%dma_wait3A_159 : memref<10240x128xf32, #tpu.memory_space<vmem_shared>>)
    %barrier3A_160 = arith.constant 0 : index
    tpu.barrier barrier_id(%barrier3A_160)
    %mul3A_161 = arith.constant 640 : i32
    %mul3A_162 = arith.muli %arg1, %mul3A_161 : i32
    %mul3A_163 = arith.constant 640 : i32
    %mul3A_164 = arith.muli %arg1, %mul3A_163 : i32
    "tpu.region"() ({
      %run_scoped3A = tpu.sem_alloc : memref<!tpu.dma_semaphore, #tpu.memory_space<semaphore_mem>>
      %dma_start3A_165 = arith.constant 0 : i32
      %dma_start3A_166 = tpu.memref_slice %arg6[%arg0, %mul3A_164, %dma_start3A_165] : memref<2x10240x128xf32, #tpu.memory_space<hbm>> -> memref<1x640x128xf32, #tpu.memory_space<hbm>>
      %dma_start3A_167 = tpu.memref_squeeze %dma_start3A_166 : memref<1x640x128xf32, #tpu.memory_space<hbm>> -> memref<640x128xf32, #tpu.memory_space<hbm>>
      %dma_start3A_168 = arith.constant 0 : i32
      %dma_start3A_169 = tpu.memref_slice %arg25[%mul3A_162, %dma_start3A_168] : memref<10240x128xf32, #tpu.memory_space<vmem_shared>> -> memref<640x128xf32, #tpu.memory_space<vmem_shared>>
      tpu.enqueue_dma source(%dma_start3A_169 : memref<640x128xf32, #tpu.memory_space<vmem_shared>>) target(%dma_start3A_167 : memref<640x128xf32, #tpu.memory_space<hbm>>) target_semaphore(%run_scoped3A : memref<!tpu.dma_semaphore, #tpu.memory_space<semaphore_mem>>)
      %dma_wait3A_170 = arith.constant 0 : i32
      %dma_wait3A_171 = tpu.memref_slice %arg6[%arg0, %mul3A_164, %dma_wait3A_170] : memref<2x10240x128xf32, #tpu.memory_space<hbm>> -> memref<1x640x128xf32, #tpu.memory_space<hbm>>
      %dma_wait3A_172 = tpu.memref_squeeze %dma_wait3A_171 : memref<1x640x128xf32, #tpu.memory_space<hbm>> -> memref<640x128xf32, #tpu.memory_space<hbm>>
      %dma_wait3A_173 = arith.constant 0 : i32
      %dma_wait3A_174 = tpu.memref_slice %arg25[%mul3A_162, %dma_wait3A_173] : memref<10240x128xf32, #tpu.memory_space<vmem_shared>> -> memref<640x128xf32, #tpu.memory_space<vmem_shared>>
      tpu.wait_dma2 semaphore(%run_scoped3A : memref<!tpu.dma_semaphore, #tpu.memory_space<semaphore_mem>>) src(%dma_wait3A_174 : memref<640x128xf32, #tpu.memory_space<vmem_shared>>) dst(%dma_wait3A_172 : memref<640x128xf32, #tpu.memory_space<hbm>>)
      tpu.yield
    }) : () -> ()
    return
  }
}

module attributes {stable_mosaic.version = 14 : i64} {
  func.func @_emb_body(%arg0: i32, %arg1: memref<16000x16xf32, #tpu.memory_space<vmem>>, %arg2: memref<16x128xf32, #tpu.memory_space<vmem>>, %arg3: memref<1x128xf32, #tpu.memory_space<vmem>>, %arg4: memref<16000x128xf32, #tpu.memory_space<vmem>>) attributes {dimension_semantics = [#tpu.dimension_semantics<arbitrary>], iteration_bounds = array<i64: 20>, scalar_prefetch = 0 : i64, scratch_operands = 0 : i64, tpu.core_type = #tpu.core_type<tc>, window_params = [{transform_indices = @transform_0, window_bounds = array<i64: 16000, 16>}, {pipeline_mode = #tpu.pipeline_mode<synchronous>, transform_indices = @transform_1, window_bounds = array<i64: 16, 128>}, {pipeline_mode = #tpu.pipeline_mode<synchronous>, transform_indices = @transform_2, window_bounds = array<i64: 1, 128>}, {transform_indices = @transform_3, window_bounds = array<i64: 16000, 128>}]} {
    %get3A = arith.constant 0 : index
    %get3A_0 = arith.constant 0 : index
    %get3A_1 = vector.load %arg1[%get3A, %get3A_0] : memref<16000x16xf32, #tpu.memory_space<vmem>>, vector<16000x16xf32>
    %get3A_2 = arith.constant 0 : index
    %get3A_3 = arith.constant 0 : index
    %get3A_4 = vector.load %arg2[%get3A_2, %get3A_3] : memref<16x128xf32, #tpu.memory_space<vmem>>, vector<16x128xf32>
    %dot_general3A = arith.constant dense<0.000000e+00> : vector<16000x128xf32>
    %dot_general3A_5 = tpu.matmul %get3A_1, %get3A_4, %dot_general3A {dimension_numbers = #tpu.dot_dimension_numbers<[1], [0], [0], [1], [0, 0, 1, 1], [], []>, transpose_lhs_hint = false} : vector<16000x16xf32>, vector<16x128xf32>, vector<16000x128xf32> -> vector<16000x128xf32>
    %get3A_6 = arith.constant 0 : index
    %get3A_7 = arith.constant 0 : index
    %get3A_8 = vector.load %arg3[%get3A_6, %get3A_7] : memref<1x128xf32, #tpu.memory_space<vmem>>, vector<1x128xf32>
    %add3A = vector.broadcast %get3A_8 : vector<1x128xf32> to vector<16000x128xf32>
    %add3A_9 = arith.addf %dot_general3A_5, %add3A : vector<16000x128xf32>
    %swap3A = arith.constant 0 : index
    %swap3A_10 = arith.constant 0 : index
    %swap3A_11 = vector.load %arg4[%swap3A, %swap3A_10] : memref<16000x128xf32, #tpu.memory_space<vmem>>, vector<16000x128xf32>
    tpu.vector_store %arg4[%swap3A, %swap3A_10], %add3A_9 {strides = array<i32>} : memref<16000x128xf32, #tpu.memory_space<vmem>>, vector<16000x128xf32>,
    return
  }
  func.func @transform_0(%arg0: i32) -> (i32, i32) {
    %c0_i32 = arith.constant 0 : i32
    %c0_i32_0 = arith.constant 0 : i32
    return %arg0, %c0_i32 : i32, i32
  }
  func.func @transform_1(%arg0: i32) -> (i32, i32) {
    %c0_i32 = arith.constant 0 : i32
    %c0_i32_0 = arith.constant 0 : i32
    %c0_i32_1 = arith.constant 0 : i32
    return %c0_i32, %c0_i32_0 : i32, i32
  }
  func.func @transform_2(%arg0: i32) -> (i32, i32) {
    %c0_i32 = arith.constant 0 : i32
    %c0_i32_0 = arith.constant 0 : i32
    %c0_i32_1 = arith.constant 0 : i32
    return %c0_i32, %c0_i32_0 : i32, i32
  }
  func.func @transform_3(%arg0: i32) -> (i32, i32) {
    %c0_i32 = arith.constant 0 : i32
    %c0_i32_0 = arith.constant 0 : i32
    return %arg0, %c0_i32 : i32, i32
  }
}

module attributes {stable_mosaic.version = 14 : i64} {
  func.func @_out_body(%arg0: i32, %arg1: memref<2x1000x128xf32, #tpu.memory_space<vmem>>, %arg2: memref<1000x128xf32, #tpu.memory_space<vmem>>, %arg3: memref<128x128xf32, #tpu.memory_space<vmem>>, %arg4: memref<1x128xf32, #tpu.memory_space<vmem>>, %arg5: memref<1x128xf32, #tpu.memory_space<vmem>>, %arg6: memref<1x128xf32, #tpu.memory_space<vmem>>, %arg7: memref<1000x128xf32, #tpu.memory_space<vmem>>) attributes {dimension_semantics = [#tpu.dimension_semantics<arbitrary>], iteration_bounds = array<i64: 10>, scalar_prefetch = 0 : i64, scratch_operands = 0 : i64, tpu.core_type = #tpu.core_type<tc>, window_params = [{transform_indices = @transform_0, window_bounds = array<i64: 2, 1000, 128>}, {transform_indices = @transform_1, window_bounds = array<i64: 1000, 128>}, {pipeline_mode = #tpu.pipeline_mode<synchronous>, transform_indices = @transform_2, window_bounds = array<i64: 128, 128>}, {pipeline_mode = #tpu.pipeline_mode<synchronous>, transform_indices = @transform_3, window_bounds = array<i64: 1, 128>}, {pipeline_mode = #tpu.pipeline_mode<synchronous>, transform_indices = @transform_4, window_bounds = array<i64: 1, 128>}, {pipeline_mode = #tpu.pipeline_mode<synchronous>, transform_indices = @transform_5, window_bounds = array<i64: 1, 128>}, {transform_indices = @transform_6, window_bounds = array<i64: 1000, 128>}]} {
    %get3A = arith.constant 0 : index
    %get3A_0 = arith.constant 0 : index
    %get3A_1 = arith.constant 0 : index
    %get3A_2 = vector.load %arg1[%get3A, %get3A_0, %get3A_1] : memref<2x1000x128xf32, #tpu.memory_space<vmem>>, vector<1x1000x128xf32>
    %get3A_3 = vector.shape_cast %get3A_2 : vector<1x1000x128xf32> to vector<1000x128xf32>
    %get3A_4 = arith.constant 1 : index
    %get3A_5 = arith.constant 0 : index
    %get3A_6 = arith.constant 0 : index
    %get3A_7 = vector.load %arg1[%get3A_4, %get3A_5, %get3A_6] : memref<2x1000x128xf32, #tpu.memory_space<vmem>>, vector<1x1000x128xf32>
    %get3A_8 = vector.shape_cast %get3A_7 : vector<1x1000x128xf32> to vector<1000x128xf32>
    %add3A = arith.addf %get3A_3, %get3A_8 : vector<1000x128xf32>
    %get3A_9 = arith.constant 0 : index
    %get3A_10 = arith.constant 0 : index
    %get3A_11 = vector.load %arg3[%get3A_9, %get3A_10] : memref<128x128xf32, #tpu.memory_space<vmem>>, vector<128x128xf32>
    %dot_general3A = arith.constant dense<0.000000e+00> : vector<1000x128xf32>
    %dot_general3A_12 = tpu.matmul %add3A, %get3A_11, %dot_general3A {dimension_numbers = #tpu.dot_dimension_numbers<[1], [0], [0], [1], [0, 0, 1, 1], [], []>, transpose_lhs_hint = false} : vector<1000x128xf32>, vector<128x128xf32>, vector<1000x128xf32> -> vector<1000x128xf32>
    %get3A_13 = arith.constant 0 : index
    %get3A_14 = arith.constant 0 : index
    %get3A_15 = vector.load %arg4[%get3A_13, %get3A_14] : memref<1x128xf32, #tpu.memory_space<vmem>>, vector<1x128xf32>
    %add3A_16 = vector.broadcast %get3A_15 : vector<1x128xf32> to vector<1000x128xf32>
    %add3A_17 = arith.addf %dot_general3A_12, %add3A_16 : vector<1000x128xf32>
    %reduce_sum3A = arith.constant dense<0.000000e+00> : vector<1000xf32>
    %reduce_sum3A_18 = vector.multi_reduction <add>, %add3A_17, %reduce_sum3A [1] : vector<1000x128xf32> to vector<1000xf32>
    %broadcast_in_dim3A = vector.shape_cast %reduce_sum3A_18 : vector<1000xf32> to vector<1000x1xf32>
    %div3A = arith.constant 1.280000e+02 : f32
    %div3A_19 = vector.broadcast %div3A : f32 to vector<1000x1xf32>
    %div3A_20 = arith.divf %broadcast_in_dim3A, %div3A_19 : vector<1000x1xf32>
    %sub3A = vector.broadcast %div3A_20 : vector<1000x1xf32> to vector<1000x128xf32>
    %sub3A_21 = arith.subf %add3A_17, %sub3A : vector<1000x128xf32>
    %integer_pow3A = arith.mulf %sub3A_21, %sub3A_21 : vector<1000x128xf32>
    %reduce_sum3A_22 = arith.constant dense<0.000000e+00> : vector<1000xf32>
    %reduce_sum3A_23 = vector.multi_reduction <add>, %integer_pow3A, %reduce_sum3A_22 [1] : vector<1000x128xf32> to vector<1000xf32>
    %broadcast_in_dim3A_24 = vector.shape_cast %reduce_sum3A_23 : vector<1000xf32> to vector<1000x1xf32>
    %div3A_25 = arith.constant 1.280000e+02 : f32
    %div3A_26 = vector.broadcast %div3A_25 : f32 to vector<1000x1xf32>
    %div3A_27 = arith.divf %broadcast_in_dim3A_24, %div3A_26 : vector<1000x1xf32>
    %sub3A_28 = vector.broadcast %div3A_20 : vector<1000x1xf32> to vector<1000x128xf32>
    %sub3A_29 = arith.subf %add3A_17, %sub3A_28 : vector<1000x128xf32>
    %add3A_30 = arith.constant 9.99999974E-6 : f32
    %add3A_31 = vector.broadcast %add3A_30 : f32 to vector<1000x1xf32>
    %add3A_32 = arith.addf %div3A_27, %add3A_31 : vector<1000x1xf32>
    %rsqrt3A = math.rsqrt %add3A_32 : vector<1000x1xf32>
    %mul3A = vector.broadcast %rsqrt3A : vector<1000x1xf32> to vector<1000x128xf32>
    %mul3A_33 = arith.mulf %sub3A_29, %mul3A : vector<1000x128xf32>
    %get3A_34 = arith.constant 0 : index
    %get3A_35 = arith.constant 0 : index
    %get3A_36 = vector.load %arg5[%get3A_34, %get3A_35] : memref<1x128xf32, #tpu.memory_space<vmem>>, vector<1x128xf32>
    %mul3A_37 = vector.broadcast %get3A_36 : vector<1x128xf32> to vector<1000x128xf32>
    %mul3A_38 = arith.mulf %mul3A_33, %mul3A_37 : vector<1000x128xf32>
    %get3A_39 = arith.constant 0 : index
    %get3A_40 = arith.constant 0 : index
    %get3A_41 = vector.load %arg6[%get3A_39, %get3A_40] : memref<1x128xf32, #tpu.memory_space<vmem>>, vector<1x128xf32>
    %add3A_42 = vector.broadcast %get3A_41 : vector<1x128xf32> to vector<1000x128xf32>
    %add3A_43 = arith.addf %mul3A_38, %add3A_42 : vector<1000x128xf32>
    %mul3A_44 = arith.constant 0.00999999977 : f32
    %mul3A_45 = vector.broadcast %mul3A_44 : f32 to vector<1000x128xf32>
    %mul3A_46 = arith.mulf %add3A_43, %mul3A_45 : vector<1000x128xf32>
    %get3A_47 = arith.constant 0 : index
    %get3A_48 = arith.constant 0 : index
    %get3A_49 = vector.load %arg2[%get3A_47, %get3A_48] : memref<1000x128xf32, #tpu.memory_space<vmem>>, vector<1000x128xf32>
    %add3A_50 = arith.addf %mul3A_46, %get3A_49 : vector<1000x128xf32>
    %swap3A = arith.constant 0 : index
    %swap3A_51 = arith.constant 0 : index
    %swap3A_52 = vector.load %arg7[%swap3A, %swap3A_51] : memref<1000x128xf32, #tpu.memory_space<vmem>>, vector<1000x128xf32>
    tpu.vector_store %arg7[%swap3A, %swap3A_51], %add3A_50 {strides = array<i32>} : memref<1000x128xf32, #tpu.memory_space<vmem>>, vector<1000x128xf32>,
    return
  }
  func.func @transform_0(%arg0: i32) -> (i32, i32, i32) {
    %c0_i32 = arith.constant 0 : i32
    %c0_i32_0 = arith.constant 0 : i32
    %c0_i32_1 = arith.constant 0 : i32
    return %c0_i32, %arg0, %c0_i32_0 : i32, i32, i32
  }
  func.func @transform_1(%arg0: i32) -> (i32, i32) {
    %c0_i32 = arith.constant 0 : i32
    %c0_i32_0 = arith.constant 0 : i32
    return %arg0, %c0_i32 : i32, i32
  }
  func.func @transform_2(%arg0: i32) -> (i32, i32) {
    %c0_i32 = arith.constant 0 : i32
    %c0_i32_0 = arith.constant 0 : i32
    %c0_i32_1 = arith.constant 0 : i32
    return %c0_i32, %c0_i32_0 : i32, i32
  }
  func.func @transform_3(%arg0: i32) -> (i32, i32) {
    %c0_i32 = arith.constant 0 : i32
    %c0_i32_0 = arith.constant 0 : i32
    %c0_i32_1 = arith.constant 0 : i32
    return %c0_i32, %c0_i32_0 : i32, i32
  }
  func.func @transform_4(%arg0: i32) -> (i32, i32) {
    %c0_i32 = arith.constant 0 : i32
    %c0_i32_0 = arith.constant 0 : i32
    %c0_i32_1 = arith.constant 0 : i32
    return %c0_i32, %c0_i32_0 : i32, i32
  }
  func.func @transform_5(%arg0: i32) -> (i32, i32) {
    %c0_i32 = arith.constant 0 : i32
    %c0_i32_0 = arith.constant 0 : i32
    %c0_i32_1 = arith.constant 0 : i32
    return %c0_i32, %c0_i32_0 : i32, i32
  }
  func.func @transform_6(%arg0: i32) -> (i32, i32) {
    %c0_i32 = arith.constant 0 : i32
    %c0_i32_0 = arith.constant 0 : i32
    return %arg0, %c0_i32 : i32, i32
  }
}

</mosaic_0001>

<sc_bundles>
// kernel: kernel.5.cloned.1.call-start
scs
__scs_entry_jumppad:
0x0: {  	(pc) =	sbr.rel $0x88, $3  }
0x1: {  	(tag) =	ssettag $0x0;
	lr =	simm.s32 $0x1  }
0x2: {  	[smem:$0x3F98] =	sst lr;
	_ =	strace $0xD0000000  }
0x3: {  	_ = 	snop  }
0x4: {  	_ = 	snop  }
0x5: {  	_ = 	snop  }
0x6: {  	_ = 	snop  }
0x7: {  	_ = 	snop  }
__scs_overlays_trampoline_lowered:
0x8: {  	[smem:$0x3FA7] =	sst s0  }
0x9: {  	[smem:$0x3FA8] =	sst s1  }
0xa: {  	[smem:$0x3FA9] =	sst s2  }
0xb: {  	[smem:$0x3FAA] =	sst s3  }
0xc: {  	[smem:$0x3FAB] =	sst s4  }
0xd: {  	[smem:$0x3FAC] =	sst s5  }
0xe: {  	[smem:$0x3FAD] =	sst s6  }
0xf: {  	[smem:$0x3FAE] =	sst s7  }
0x10: {  	[smem:$0x3FAF] =	sst s8  }
0x11: {  	[smem:$0x3FB0] =	sst s9;
	s0 =	simm.s32 @!p0 $0x0  }
0x12: {  	s1 =	sld [smem:$0x3F96];
	s0 =	simm.s32 @p0 $0x1  }
0x13: {  	[smem:$0x3FB1] =	sst s0;
	s0 =	simm.s32 @!p1 $0x0  }
0x14: {  	s2 =	sld [smem:$0x3F95];
	s0 =	simm.s32 @p1 $0x1  }
0x15: {  	[smem:$0x3FB2] =	sst s0;
	s0 =	simm.s32 @!p2 $0x0  }
0x16: {  	s3 =	sld [smem:$0x3FDB];
	s0 =	simm.s32 @p2 $0x1  }
0x17: {  	s4 =	simm.s32 $0x1BF5;
	[smem:$0x3FB4] =	sst s0  }
0x18: {  	s0 =	sld [smem:$0x3F97];
	_ =	swait.ge [sflag:s4], $0x0  }
0x19: {  	s7 =	sld [smem:$0x3F98]  }
0x1a: {  	s8 =	sadd.s32 $0xFFFFE003, lr  }
0x1b: {  	s9 =	sadd.s32 $0xFFFFFEF7, lr;
	s5 =	simm.s32 $0xFFFFFFFF;
	p2 =	slt.u32 s8, $0xFFFFF086  }
0x1c: {  	p1 =	slt.u32 s9, $0xF7A;
	s5 =	simm.s32 @!p2 $0x0  }
0x1d: {  	s5 =	simm.s32 @p1 $0x1;
	p0 =	seq.s32 s7, s2  }
0x1e: {  	s7 =	smul.u32 @!p0 $0xF7A, s2;
	p2 =	seq.s32 @!p0 s5, $0x0  }
0x1f: {  	s9 =	smul.u32 $0xF7A, s1;
	s8 =	simm.s32 @!p0 $0x1BF5;
	p2 =	por !p2, p0  }
0x20: {  	[sflag:s8] =	ssyncset.s32 @!p0 $0xFFFFF086;
	s6 =	sadd.s32 @!p0 s3, s7;
	s7 =	simm.s32 @!p0 $0x108  }
0x21: {  	s3 =	sadd.s32 s3, s9;
	s6 =	sadd.s32 @!p0 $0x88, s6;
	s7 =	simm.s32 @p2 $0x1082  }
0x22: {  	[simem:s7], [sflag:s8] =	dma.local @!p0 [hbm:s6], $0xF7A  }
0x23: {  	s9 =	sor.u32 $0xD0000000, s2;
	s6 =	simm.s32 $0x108;
	_ =	swait.ge @!p0 [sflag:s8], $0x0  }
0x24: {  	s3 =	sadd.s32 $0x88, s3;
	s6 =	simm.s32 @!p1 $0x1082;
	[sflag:s4] =	ssyncset.s32 $0xFFFFF086  }
0x25: {  	[simem:s6], [sflag:s4] =	dma.local [hbm:s3], $0xF7A  }
0x26: {  	[smem:$0x3F98] =	sst s1;
	(tag) =	ssettag s2;
	_ =	strace s9  }
0x27: {  	s1 =	sld [smem:$0x3FA8]  }
0x28: {  	s2 =	sld [smem:$0x3FA9]  }
0x29: {  	s4 =	sld [smem:$0x3FAB]  }
0x2a: {  	p0 =	seq.s32 s5, $0x0;
	s5 =	sld [smem:$0x3FAC]  }
0x2b: {  	s6 =	sld [smem:$0x3FAD]  }
0x2c: {  	s7 =	sld [smem:$0x3FAE]  }
0x2d: {  	s3 =	simm.s32 $0x108;
	s8 =	sld [smem:$0x3FAF]  }
0x2e: {  	s3 =	simm.s32 @!p0 $0x1082;
	s9 =	sld [smem:$0x3FB0]  }
0x2f: {  	lr =	sadd.s32 s0, s3;
	s0 =	sld [smem:$0x3FA7]  }
0x30: {  	s3 =	sld [smem:$0x3FAA]  }
0x31: {  	[smem:$0x3FB3] =	sst s10  }
0x32: {  	s10 =	sld [smem:$0x3FB1];
	_ =	sdelay $0x3  }
0x33: {  	p0 =	seq.s32 s10, $0x1;
	s10 =	sld [smem:$0x3FB3];
	_ =	sdelay $0x3  }
0x34: {  	[smem:$0x3FB3] =	sst s10  }
0x35: {  	s10 =	sld [smem:$0x3FB2];
	_ =	sdelay $0x3  }
0x36: {  	p1 =	seq.s32 s10, $0x1;
	s10 =	sld [smem:$0x3FB3];
	_ =	sdelay $0x3  }
0x37: {  	[smem:$0x3FB3] =	sst s10  }
0x38: {  	s10 =	sld [smem:$0x3FB4]  }
0x39: {  	_ = 	snop;
	(pc) =	sbr.ind lr, $3  }
0x3a: {  	_ = 	snop  }
0x3b: {  	_ = 	snop  }
0x3c: {  	p2 =	seq.s32 s10, $0x1;
	s10 =	sld [smem:$0x3FB3]  }
0x3d: {  	_ =	shalt  }
0x3e: {  	_ =	shalt  }
0x3f: {  	_ =	shalt  }
0x40: {  	_ =	shalt  }
0x41: {  	_ =	shalt  }
0x42: {  	_ =	shalt  }
0x43: {  	_ =	shalt  }
0x44: {  	_ =	shalt  }
0x45: {  	_ =	shalt  }
0x46: {  	_ =	shalt  }
0x47: {  	_ =	shalt  }
0x48: {  	_ =	shalt  }
0x49: {  	_ =	shalt  }
0x4a: {  	_ =	shalt  }
0x4b: {  	_ =	shalt  }
0x4c: {  	_ =	shalt  }
0x4d: {  	_ =	shalt  }
0x4e: {  	_ =	shalt  }
0x4f: {  	_ =	shalt  }
0x50: {  	_ =	shalt  }
0x51: {  	_ =	shalt  }
0x52: {  	_ =	shalt  }
0x53: {  	_ =	shalt  }
0x54: {  	_ =	shalt  }
0x55: {  	_ =	shalt  }
0x56: {  	_ =	shalt  }
0x57: {  	_ =	shalt  }
0x58: {  	_ =	shalt  }
0x59: {  	_ =	shalt  }
0x5a: {  	_ =	shalt  }
0x5b: {  	_ =	shalt  }
0x5c: {  	_ =	shalt  }
0x5d: {  	_ =	shalt  }
0x5e: {  	_ =	shalt  }
0x5f: {  	_ =	shalt  }
0x60: {  	_ =	shalt  }
0x61: {  	_ =	shalt  }
0x62: {  	_ =	shalt  }
0x63: {  	_ =	shalt  }
0x64: {  	_ =	shalt  }
0x65: {  	_ =	shalt  }
0x66: {  	_ =	shalt  }
0x67: {  	_ =	shalt  }
0x68: {  	_ =	shalt  }
0x69: {  	_ =	shalt  }
0x6a: {  	_ =	shalt  }
0x6b: {  	_ =	shalt  }
0x6c: {  	_ =	shalt  }
0x6d: {  	_ =	shalt  }
0x6e: {  	_ =	shalt  }
0x6f: {  	_ =	shalt  }
0x70: {  	_ =	shalt  }
0x71: {  	_ =	shalt  }
0x72: {  	_ =	shalt  }
0x73: {  	_ =	shalt  }
0x74: {  	_ =	shalt  }
0x75: {  	_ =	shalt  }
0x76: {  	_ =	shalt  }
0x77: {  	_ =	shalt  }
0x78: {  	_ =	shalt  }
0x79: {  	_ =	shalt  }
0x7a: {  	_ =	shalt  }
0x7b: {  	_ =	shalt  }
0x7c: {  	_ =	shalt  }
0x7d: {  	_ =	shalt  }
0x7e: {  	_ =	shalt  }
0x7f: {  	_ =	shalt  }
0x80: {  	_ =	shalt  }
0x81: {  	_ =	shalt  }
0x82: {  	_ =	shalt  }
0x83: {  	_ =	shalt  }
0x84: {  	_ =	shalt  }
0x85: {  	_ =	shalt  }
0x86: {  	_ =	shalt  }
0x87: {  	_ =	shalt  }
.Lfunc_end0:
.L_simem_size_0:
called_computation_lowered:
.L_overlay_start_0:
0x88: {  	s2 =	sld [smem:$0x3FD9]  }
0x89: {  	s3 =	sld [smem:$0x3FFE];
	_ =	sdelay $0x1  }
0x8a: {  	s1 =	srdreg.scid  }
0x8b: {  	s0 =	sand.u32 $0x1, s1  }
0x8c: {  	s17 =	sshll.u32 s0, $0xA;
	s2 =	sadd.s32 s3, s2  }
0x8d: {  	s2 =	sadd.s32 s2, s17  }
0x8e: {  	[smem:$0x3FBF] =	sst s2  }
0x8f: {  	_ = 	snop  }
0x90: {  	s2 =	sld [smem:$0x3FC9]  }
0x91: {  	s18 =	sld [smem:$0x3FD0];
	(tm) =	ssettm $0x1  }
0x92: {  	s4 =	sld [smem:$0x3FFB];
	_ =	sdelay $0x3  }
0x93: {  	_ =	strace s4  }
0x94: {  	s4 =	sld [smem:$0x3FFC];
	_ =	sdelay $0x3  }
0x95: {  	_ =	strace s4  }
0x96: {  	s4 =	sld [smem:$0x3FFD];
	_ =	sdelay $0x3  }
0x97: {  	_ =	strace s4  }
0x98: {  	_ =	strace $0x8FFFFFFF  }
0x99: {  	s19 =	sld [smem:$0x3FDB];
	_ =	sdelay $0x1  }
0x9a: {  	s5 =	simm.s32 $_scs_section_size  }
0x9b: {  	s6 =	simm.s32 $_size__tile_overlayer_lowered;
	s7 =	simm.s32 $_tile_overlayer_lowered  }
0x9c: {  	s22 =	simm.s32 $0x1BFF;
	s21 =	sshll.u32 s7, $0x1;
	s4 =	sadd.s32 s5, s19  }
0x9d: {  	s8 =	simm.s32 $0x0;
	s20 =	sshll.u32 s6, $0x1;
	s6 =	sadd.s32 s21, s4  }
0x9e: {  	[timem:s8], [sflag:s22] =	dma.local [hbm:s6], s20  }
0x9f: {  	_ =	swait.ge [sflag:s22], s20  }
0xa0: {  	s5 =	ssub.s32 $0x0, s20;
	[sflag:s22] =	ssyncset.done $0x0  }
0xa1: {  	[sflag:s22] =	ssyncadd.s32 s5;
	_ =	sdelay $0x1  }
0xa2: {  	s23 =	simm.s32 $0x1B8B  }
0xa3: {  	_ =	swait.ge [sflag:s23], $0x1  }
0xa4: {  	[sflag:s23] =	ssyncset.done $0x0  }
0xa5: {  	s25 =	simm.s32 $0x1B8E;
	s24 =	sld [smem:$0x3FFE];
	[sflag:s23] =	ssyncadd.s32 $0xFFFFFFFF  }
0xa6: {  	s26 =	simm.s32 $execute0_lowered;
	[smem:$0x3FD2] =	sst s25  }
0xa7: {  	s6 =	sshll.u32 s26, $0x1;
	_ =	strace $0x80000046;
	[dreg:$0x1] =	wrdreg $0xFFFFFFFF  }
0xa8: {  	s28 =	simm.s32 $_size_execute0_lowered;
	s4 =	sadd.s32 s4, s6;
	[dreg:$0x0] =	wrdreg $0x0  }
0xa9: {  	s6 =	sshll.u32 s28, $0x1;
	[dreg:$0x2] =	wrdreg s4  }
0xaa: {  	[dreg:$0x3] =	wrdreg s6  }
0xab: {  	[dreg:$0x4] =	wrdreg $0xC0  }
0xac: {  	_ =	task [dreg:s8], $0x5FFFF  }
0xad: {  	[dreg:$0x1] =	wrdreg $0xFFFFFFFF  }
0xae: {  	[dreg:$0x0] =	wrdreg $0x60  }
0xaf: {  	[dreg:$0x2] =	wrdreg s2  }
0xb0: {  	[dreg:$0x3] =	wrdreg s24  }
0xb1: {  	[dreg:$0x4] =	wrdreg s18  }
0xb2: {  	[dreg:$0x5] =	wrdreg $0x7E000  }
0xb3: {  	[dreg:$0x6] =	wrdreg $0x9  }
0xb4: {  	_ =	task.clear_ibuf [dreg:s8], $0x7FFFF;
	_ =	strace $0x90000046  }
0xb5: {  	s29 =	simm.s32 $0x9;
	_ =	strace $0x80000048  }
0xb6: {  	_ =	swait.ge [sflag:s29], $0x1  }
0xb7: {  	[sflag:s29] =	ssyncadd.s32 $0xFFFFFFFF  }
0xb8: {  	_ =	strace $0x90000048  }
0xb9: {  	_ =	sfence  }
0xba: {  	s30 =	sld [smem:$0x0];
	_ =	sdelay $0x2  }
0xbb: {  	s31 =	sshll.u32 s1, $0xD;
	s1 =	sshrl.u32 s1, $0x2  }
0xbc: {  	s3 =	sand.u32 $0x4000, s31;
	s1 =	sadd.s32 s1, s30  }
0xbd: {  	s0 =	sor.u32 s3, s0;
	s1 =	sshll.u32 s1, $0x11  }
0xbe: {  	s0 =	sor.u32 s1, s0  }
0xbf: {  	s0 =	sadd.s32 $0x8F2B, s0  }
0xc0: {  	[sflag:s0] =	ssyncadd.remote.s32 $0x1  }
0xc1: {  	_ =	sfence.sel $0xFFFF  }
0xc2: {  	[dreg:$0x0] =	wrdreg $0xFFFFFFFF;
	(pc) =	sbr.abs _section_cstart, $3  }
0xc3: {  	[dreg:$0x1] =	wrdreg $0xFFFFFFFF  }
0xc4: {  	_ =	task.clear_ibuf [dreg:s8], $0x2FFFF;
	_ =	strace $0x9FFFFFFF  }
0xc5: {  	(tm) =	ssettm $0x7FFFFFFF  }
tec
execute0_lowered:
.L_overlay_start_1:
0x0: {  	(tag) =	ssettag $0x1  }
0x1: {  	s1 =	rddreg [dreg:$0x0]  }
0x2: {  	s4 =	srdreg.scid;
	s13 =	stileid.u32  }
0x3: {  	s0 =	rddreg [dreg:$0x1];
	s4 =	sand.u32 $0x1, s4;
	s8 =	smul.u32 $0x14000, s13  }
0x4: {  	s2 =	rddreg [dreg:$0x2];
	s7 =	smul.u32 $0x140000, s4;
	s9 =	sshll.u32 s4, $0x4  }
0x5: {  	s3 =	rddreg [dreg:$0x3];
	s5 =	simm.s32 $0x0;
	s9 =	sor.u32 s13, s9  }
0x6: {  	[smem:$0x7FF] =	sst s5;
	s10 =	sadd.s32 s8, s7;
	s7 =	smul.u32 $0x2710, s9  }
0x7: {  	s6 =	sadd.s32 $0x4ECC00, s0;
	s4 =	ssub.s32 $0x2, s4;
	s9 =	smul.u32 $0x27100, s9  }
0x8: {  	_ =	strace $0x80000047;
	s11 =	sshrl.u32 s4, $0x1;
	s8 =	sadd.s32 $0x4E2E00, s0  }
0x9: {  	s4 =	ssub.s32 s4, s11;
	s10 =	sshrl.u32 s10, $0x3;
	s9 =	sadd.s32 s6, s9  }
0xa: {  	s18 =	sshrl.u32 s7, $0x3;
	s16 =	sadd.s32 $0xA0, s7;
	[dreg:$0xb] =	wrdreg s9  }
0xb: {  	s0 =	sadd.s32 s10, s0;
	s19 =	sadd.s32 s8, s18;
	[dreg:$0xf] =	wrdreg s16  }
0xc: {  	s20 =	sadd.s32 $0x28, s7;
	s10 =	sadd.s32 s2, s18;
	[dreg:$0x5] =	wrdreg s19  }
0xd: {  	s21 =	sshrl.u32 s20, $0x3;
	s0 =	sadd.s32 $0xE00, s0;
	[dreg:$0x6] =	wrdreg s10  }
0xe: {  	s12 =	sadd.s32 $0x50, s7;
	s14 =	sadd.s32 s8, s21;
	[dreg:$0x14] =	wrdreg s0  }
0xf: {  	s22 =	sshrl.u32 s12, $0x3;
	s11 =	sadd.s32 s2, s21;
	[dreg:$0x7] =	wrdreg s14  }
0x10: {  	s24 =	sshll.u32 s20, $0x4;
	s23 =	sadd.s32 s8, s22;
	[dreg:$0x8] =	wrdreg s11  }
0x11: {  	s25 =	sshll.u32 s12, $0x4;
	s9 =	sadd.s32 s6, s24;
	[dreg:$0x9] =	wrdreg s23  }
0x12: {  	s12 =	sadd.s32 s6, s25;
	[dreg:$0xc] =	wrdreg s9  }
0x13: {  	s24 =	sadd.s32 $0x140, s7;
	[dreg:$0xd] =	wrdreg s12  }
0x14: {  	s25 =	sadd.s32 $0x168, s7;
	[dreg:$0x17] =	wrdreg s24  }
0x15: {  	s19 =	sshrl.u32 s16, $0x3;
	s11 =	sadd.s32 s2, s22;
	[dreg:$0x18] =	wrdreg s25  }
0x16: {  	s17 =	smul.u32 $0x50000, s13;
	s21 =	sadd.s32 s8, s19;
	[dreg:$0xa] =	wrdreg s11  }
0x17: {  	s26 =	sadd.s32 $0x78, s7;
	s22 =	sadd.s32 s2, s19;
	[dreg:$0x12] =	wrdreg s21  }
0x18: {  	s18 =	sshll.u32 s26, $0x4;
	s23 =	smax.u32 s4, $0x1;
	[dreg:$0x13] =	wrdreg s22  }
0x19: {  	s14 =	sshrl.u32 s26, $0x3;
	s26 =	sadd.s32 $0x1E0, s7;
	[dreg:$0x16] =	wrdreg s23  }
0x1a: {  	s24 =	sadd.s32 $0xC8, s7;
	[dreg:$0x19] =	wrdreg s26  }
0x1b: {  	s20 =	sshrl.u32 s17, $0x2;
	s25 =	sadd.s32 $0xF0, s7;
	[smem:$0x7FB] =	sst s24  }
0x1c: {  	s12 =	sadd.s32 s20, s3;
	[smem:$0x7FC] =	sst s25  }
0x1d: {  	s15 =	sadd.s32 s8, s14;
	[dreg:$0x15] =	wrdreg s12  }
0x1e: {  	s9 =	sadd.s32 s2, s14;
	[dreg:$0xe] =	wrdreg s15  }
0x1f: {  	s4 =	sadd.s32 $0x1400, s12;
	[dreg:$0x10] =	wrdreg s9  }
0x20: {  	s10 =	sadd.s32 $0x3C00, s12;
	[dreg:$0x1a] =	wrdreg s4  }
0x21: {  	s11 =	sadd.s32 $0x5000, s12;
	[dreg:$0x1c] =	wrdreg s10  }
0x22: {  	s13 =	sadd.s32 $0x6400, s12;
	[dreg:$0x1d] =	wrdreg s11  }
0x23: {  	s14 =	sadd.s32 $0x7800, s12;
	[dreg:$0x1e] =	wrdreg s13  }
0x24: {  	s30 =	simm.s32 $0x2;
	s16 =	sadd.s32 $0xA000, s12;
	[dreg:$0x1f] =	wrdreg s14  }
0x25: {  	s28 =	simm.s32 $0xC;
	s17 =	sadd.s32 $0xB400, s12;
	[smem:$0x7F3] =	sst s16  }
0x26: {  	s29 =	simm.s32 $0x6400;
	s19 =	sadd.s32 $0xDC00, s12;
	[smem:$0x7F4] =	sst s17  }
0x27: {  	s31 =	simm.s32 $0x6;
	s20 =	sadd.s32 $0xF000, s12;
	[smem:$0x7F6] =	sst s19  }
0x28: {  	s0 =	simm.s32 $0x7880;
	s21 =	sadd.s32 $0x10400, s12;
	[smem:$0x7F7] =	sst s20  }
0x29: {  	s22 =	sadd.s32 $0x11800, s12;
	s23 =	sadd.s32 $0x12C00, s12;
	[smem:$0x7F8] =	sst s21  }
0x2a: {  	s26 =	sadd.s32 $0x118, s7;
	s24 =	simm.s32 $0x5;
	[smem:$0x7F9] =	sst s22  }
0x2b: {  	s9 =	sadd.s32 s6, s18;
	s15 =	sadd.s32 $0x8C00, s12;
	[smem:$0x7FA] =	sst s23  }
0x2c: {  	s18 =	sadd.s32 $0xC800, s12;
	[smem:$0x7FD] =	sst s26;
	s26 =	simm.s32 $0x7800  }
0x2d: {  	s11 =	simm.s32 $0x5000;
	s10 =	simm.s32 $0x13;
	s13 =	simm.s32 $0x7  }
.Ltmp0:
0x2e: {  	s14 =	simm.s32 $0x28;
	s16 =	simm.s32 $0x8;
	(pc) =	sbr.rel .LBB2_1-.Ltmp0, $4  }
0x2f: {  	s17 =	simm.s32 $0x1400;
	s20 =	simm.s32 $0x1;
	[dreg:$0x11] =	wrdreg s9  }
0x30: {  	s21 =	simm.s32 $0x3;
	s19 =	simm.s32 $0x4;
	[smem:$0x7F2] =	sst s15  }
0x31: {  	s22 =	simm.s32 $0xA;
	s9 =	sadd.s32 $0x2800, s12;
	[smem:$0x7F5] =	sst s18  }
0x32: {  	v0 =	vimm.f32 $0.0e+00;
	s18 =	simm.s32 $0x3C00;
	[dreg:$0x1b] =	wrdreg s9;
	s9 =	simm.s32 $0x0  }
.LBB2_26:
0x33: {  	_ =	swait.ge [sflag:s24], $0x1400  }
0x34: {  	[sflag:s24] =	ssyncset.done $0x0  }
0x35: {  	[sflag:s24] =	ssyncadd.s32 $0xFFFFEC00  }
0x36: {  	_ =	swait.ge [sflag:s31], $0x1400  }
0x37: {  	[sflag:s31] =	ssyncset.done $0x0  }
0x38: {  	[sflag:s31] =	ssyncadd.s32 $0xFFFFEC00  }
0x39: {  	s4 =	stileid.u32;
	[bflag:$0x0] =	sbarrier.arrive $0xFFFF  }
0x3a: {  	s4 =	sshll.u32 s4, $0x6;
	s12 =	rddreg [dreg:$0x15]  }
0x3b: {  	s4 =	sor.u32 $0x1C13, s4;
	s10 =	rddreg [dreg:$0x14];
	s9 =	sshrl.u32 s12, $0x3  }
0x3c: {  	[hbm:s10], [sflag:s4] =	dma.local [spmem:s9], $0x2800  }
0x3d: {  	s10 =	simm.s32 $0x13  }
0x3e: {  	_ =	swait.ge [sflag:s10], $0x2800  }
0x3f: {  	s23 =	sld [smem:$0x7F1];
	_ =	sdelay $0x2  }
0x40: {  	s25 =	rddreg [dreg:$0x16];
	s9 =	sadd.s32 $0x1, s23  }
0x41: {  	p0 =	sne.s32 s9, s25  }
.Ltmp1:
0x42: {  	_ = 	snop;
	(pc) =	sbr.rel @!p0 .LBB2_27-.Ltmp1, $3  }
0x43: {  	_ =	sdelay $0x1  }
0x44: {  	[sflag:s10] =	ssyncset.done $0x0  }
0x45: {  	[sflag:s10] =	ssyncadd.s32 $0xFFFFD800  }
.LBB2_1:
0x46: {  	[smem:$0x7F1] =	sst s9  }
0x47: {  	s4 =	rddreg [dreg:$0x5]  }
0x48: {  	[tilespmem:s26], [sflag:$0x7] =	stream.linear.gather [hbm4b:s4+s5], $0x28, $0x38;
	[tilespmem:$0x1BE00] =	vst v63  }
0x49: {  	s23 =	rddreg [dreg:$0x6];
	s25 =	simm.s32 $0x7A00  }
0x4a: {  	[tilespmem:s25], [sflag:$0xB] =	stream.linear.gather [hbm4b:s23+s5], $0x28, $0x38;
	[tilespmem:$0x1BE00] =	vst v63  }
0x4b: {  	s15 =	rddreg [dreg:$0x7]  }
0x4c: {  	[tilespmem:s0], [sflag:$0x8] =	stream.linear.gather [hbm4b:s15+s5], $0x28, $0x38;
	[tilespmem:$0x1BE00] =	vst v63  }
0x4d: {  	s23 =	rddreg [dreg:$0x8];
	s25 =	simm.s32 $0x7A80  }
0x4e: {  	[tilespmem:s25], [sflag:$0xC] =	stream.linear.gather [hbm4b:s23+s5], $0x28, $0x38;
	[tilespmem:$0x1BE00] =	vst v63  }
0x4f: {  	s9 =	rddreg [dreg:$0x9];
	s4 =	simm.s32 $0x0;
	s15 =	simm.s32 $0x7900  }
0x50: {  	[tilespmem:s15], [sflag:$0x9] =	stream.linear.gather [hbm4b:s9+s5], $0x28, $0x38;
	[tilespmem:$0x1BE00] =	vst v63  }
0x51: {  	s23 =	rddreg [dreg:$0xa];
	s25 =	simm.s32 $0x7B00;
	s9 =	simm.s32 $0x200  }
0x52: {  	[tilespmem:s25], [sflag:$0xD] =	stream.linear.gather [hbm4b:s23+s5], $0x28, $0x38;
	[tilespmem:$0x1BE00] =	vst v63  }
.LBB2_2:
0x53: {  	p0 =	sne.s32 s9, $0x4E00;
	[tilespmem:s4+$0x5070] =	vst v0  }
0x54: {  	[tilespmem:s4+$0x5000] =	vst v0  }
0x55: {  	[tilespmem:s4+$0x5010] =	vst v0  }
.Ltmp2:
0x56: {  	[tilespmem:s4+$0x5020] =	vst v0;
	(pc) =	sbr.rel @p0 .LBB2_2-.Ltmp2, $4  }
0x57: {  	[tilespmem:s4+$0x5030] =	vst v0  }
0x58: {  	[tilespmem:s4+$0x5040] =	vst v0  }
0x59: {  	[tilespmem:s4+$0x5050] =	vst v0  }
0x5a: {  	[tilespmem:s4+$0x5060] =	vst v0;
	s4 =	sshra.s32 s9, $0x2;
	s9 =	sadd.s32 $0x200, s9  }
0x5b: {  	[tilespmem:s4+$0x5070] =	vst v0  }
0x5c: {  	[tilespmem:s4+$0x5000] =	vst v0  }
0x5d: {  	[tilespmem:s4+$0x5010] =	vst v0  }
0x5e: {  	[tilespmem:s4+$0x5020] =	vst v0  }
0x5f: {  	[tilespmem:s4+$0x5030] =	vst v0  }
0x60: {  	[tilespmem:s4+$0x5040] =	vst v0  }
0x61: {  	[tilespmem:s4+$0x5050] =	vst v0  }
0x62: {  	[tilespmem:s4+$0x5060] =	vst v0  }
0x63: {  	[spmem:s12] =	stream.linear.scatter [tilespmem:s11], [sflag:$0x13], $0x1400, $0x38;
	[tilespmem:$0x1BE00] =	vst v63  }
0x64: {  	_ =	swait.ge [sflag:s10], $0x1400  }
0x65: {  	[sflag:s10] =	ssyncset.done $0x0  }
0x66: {  	s23 =	rddreg [dreg:$0x1a];
	[sflag:s10] =	ssyncadd.s32 $0xFFFFEC00  }
0x67: {  	[spmem:s23] =	stream.linear.scatter [tilespmem:s11], [sflag:$0x13], $0x1400, $0x38;
	[tilespmem:$0x1BE00] =	vst v63  }
0x68: {  	_ =	swait.ge [sflag:s10], $0x1400  }
0x69: {  	[sflag:s10] =	ssyncset.done $0x0  }
0x6a: {  	s25 =	rddreg [dreg:$0x1b];
	[sflag:s10] =	ssyncadd.s32 $0xFFFFEC00  }
0x6b: {  	[spmem:s25] =	stream.linear.scatter [tilespmem:s11], [sflag:$0x13], $0x1400, $0x38;
	[tilespmem:$0x1BE00] =	vst v63  }
0x6c: {  	_ =	swait.ge [sflag:s10], $0x1400  }
0x6d: {  	[sflag:s10] =	ssyncset.done $0x0  }
0x6e: {  	s9 =	rddreg [dreg:$0x1c];
	[sflag:s10] =	ssyncadd.s32 $0xFFFFEC00  }
0x6f: {  	[spmem:s9] =	stream.linear.scatter [tilespmem:s11], [sflag:$0x13], $0x1400, $0x38;
	[tilespmem:$0x1BE00] =	vst v63  }
0x70: {  	_ =	swait.ge [sflag:s10], $0x1400  }
0x71: {  	[sflag:s10] =	ssyncset.done $0x0  }
0x72: {  	s12 =	rddreg [dreg:$0x1d];
	[sflag:s10] =	ssyncadd.s32 $0xFFFFEC00  }
0x73: {  	[spmem:s12] =	stream.linear.scatter [tilespmem:s11], [sflag:$0x13], $0x1400, $0x38;
	[tilespmem:$0x1BE00] =	vst v63  }
0x74: {  	_ =	swait.ge [sflag:s10], $0x1400  }
0x75: {  	[sflag:s10] =	ssyncset.done $0x0  }
0x76: {  	s15 =	rddreg [dreg:$0x1e];
	[sflag:s10] =	ssyncadd.s32 $0xFFFFEC00  }
0x77: {  	[spmem:s15] =	stream.linear.scatter [tilespmem:s11], [sflag:$0x13], $0x1400, $0x38;
	[tilespmem:$0x1BE00] =	vst v63  }
0x78: {  	_ =	swait.ge [sflag:s10], $0x1400  }
0x79: {  	[sflag:s10] =	ssyncset.done $0x0  }
0x7a: {  	s23 =	rddreg [dreg:$0x1f];
	[sflag:s10] =	ssyncadd.s32 $0xFFFFEC00  }
0x7b: {  	[spmem:s23] =	stream.linear.scatter [tilespmem:s11], [sflag:$0x13], $0x1400, $0x38;
	[tilespmem:$0x1BE00] =	vst v63  }
0x7c: {  	_ =	swait.ge [sflag:s10], $0x1400  }
0x7d: {  	s25 =	sld [smem:$0x7F2]  }
0x7e: {  	[sflag:s10] =	ssyncset.done $0x0  }
0x7f: {  	[sflag:s10] =	ssyncadd.s32 $0xFFFFEC00  }
0x80: {  	[spmem:s25] =	stream.linear.scatter [tilespmem:s11], [sflag:$0x13], $0x1400, $0x38;
	[tilespmem:$0x1BE00] =	vst v63  }
0x81: {  	_ =	swait.ge [sflag:s10], $0x1400  }
0x82: {  	s9 =	sld [smem:$0x7F3]  }
0x83: {  	[sflag:s10] =	ssyncset.done $0x0  }
0x84: {  	[sflag:s10] =	ssyncadd.s32 $0xFFFFEC00  }
0x85: {  	[spmem:s9] =	stream.linear.scatter [tilespmem:s11], [sflag:$0x13], $0x1400, $0x38;
	[tilespmem:$0x1BE00] =	vst v63  }
0x86: {  	_ =	swait.ge [sflag:s10], $0x1400  }
0x87: {  	s12 =	sld [smem:$0x7F4]  }
0x88: {  	[sflag:s10] =	ssyncset.done $0x0  }
0x89: {  	[sflag:s10] =	ssyncadd.s32 $0xFFFFEC00  }
0x8a: {  	[spmem:s12] =	stream.linear.scatter [tilespmem:s11], [sflag:$0x13], $0x1400, $0x38;
	[tilespmem:$0x1BE00] =	vst v63  }
0x8b: {  	_ =	swait.ge [sflag:s10], $0x1400  }
0x8c: {  	s15 =	sld [smem:$0x7F5]  }
0x8d: {  	[sflag:s10] =	ssyncset.done $0x0  }
0x8e: {  	[sflag:s10] =	ssyncadd.s32 $0xFFFFEC00  }
0x8f: {  	[spmem:s15] =	stream.linear.scatter [tilespmem:s11], [sflag:$0x13], $0x1400, $0x38;
	[tilespmem:$0x1BE00] =	vst v63  }
0x90: {  	_ =	swait.ge [sflag:s10], $0x1400  }
0x91: {  	s23 =	sld [smem:$0x7F6]  }
0x92: {  	[sflag:s10] =	ssyncset.done $0x0  }
0x93: {  	[sflag:s10] =	ssyncadd.s32 $0xFFFFEC00  }
0x94: {  	[spmem:s23] =	stream.linear.scatter [tilespmem:s11], [sflag:$0x13], $0x1400, $0x38;
	[tilespmem:$0x1BE00] =	vst v63  }
0x95: {  	_ =	swait.ge [sflag:s10], $0x1400  }
0x96: {  	s25 =	sld [smem:$0x7F7]  }
0x97: {  	[sflag:s10] =	ssyncset.done $0x0  }
0x98: {  	[sflag:s10] =	ssyncadd.s32 $0xFFFFEC00  }
0x99: {  	[spmem:s25] =	stream.linear.scatter [tilespmem:s11], [sflag:$0x13], $0x1400, $0x38;
	[tilespmem:$0x1BE00] =	vst v63  }
0x9a: {  	_ =	swait.ge [sflag:s10], $0x1400  }
0x9b: {  	s9 =	sld [smem:$0x7F8]  }
0x9c: {  	[sflag:s10] =	ssyncset.done $0x0  }
0x9d: {  	[sflag:s10] =	ssyncadd.s32 $0xFFFFEC00  }
0x9e: {  	[spmem:s9] =	stream.linear.scatter [tilespmem:s11], [sflag:$0x13], $0x1400, $0x38;
	[tilespmem:$0x1BE00] =	vst v63  }
0x9f: {  	_ =	swait.ge [sflag:s10], $0x1400  }
0xa0: {  	s12 =	sld [smem:$0x7F9]  }
0xa1: {  	[sflag:s10] =	ssyncset.done $0x0  }
0xa2: {  	[sflag:s10] =	ssyncadd.s32 $0xFFFFEC00  }
0xa3: {  	[spmem:s12] =	stream.linear.scatter [tilespmem:s11], [sflag:$0x13], $0x1400, $0x38;
	[tilespmem:$0x1BE00] =	vst v63  }
0xa4: {  	_ =	swait.ge [sflag:s10], $0x1400  }
0xa5: {  	s15 =	sld [smem:$0x7FA]  }
0xa6: {  	[sflag:s10] =	ssyncset.done $0x0  }
0xa7: {  	[sflag:s10] =	ssyncadd.s32 $0xFFFFEC00  }
0xa8: {  	[spmem:s15] =	stream.linear.scatter [tilespmem:s11], [sflag:$0x13], $0x1400, $0x38;
	[tilespmem:$0x1BE00] =	vst v63  }
0xa9: {  	_ =	swait.ge [sflag:s10], $0x1400  }
0xaa: {  	[sflag:s10] =	ssyncset.done $0x0  }
0xab: {  	[sflag:s10] =	ssyncadd.s32 $0xFFFFEC00  }
0xac: {  	_ =	swait.ge [sflag:s13], $0x28  }
0xad: {  	[sflag:s13] =	ssyncset.done $0x0  }
0xae: {  	[sflag:s13] =	ssyncadd.s32 $0xFFFFFFD8  }
0xaf: {  	[tilespmem:s5], [sflag:$0x1] =	stream.indirect.gather [hbm4b:s1+s14], $0x80, s26, s14, $0xb8;
	[tilespmem:$0x1BE00] =	vst v63  }
0xb0: {  	s9 =	simm.s32 $0x2800;
	s23 =	rddreg [dreg:$0xb]  }
0xb1: {  	[tilespmem:s9], [sflag:$0x3] =	stream.linear.gather [hbm4b:s23+s5], $0x1400, $0x38;
	[tilespmem:$0x1BE00] =	vst v63  }
0xb2: {  	_ =	swait.ge [sflag:s16], $0x28  }
0xb3: {  	[sflag:s16] =	ssyncset.done $0x0  }
0xb4: {  	[sflag:s16] =	ssyncadd.s32 $0xFFFFFFD8  }
0xb5: {  	[tilespmem:s17], [sflag:$0x2] =	stream.indirect.gather [hbm4b:s1+s14], $0x80, s0, s14, $0xb8;
	[tilespmem:$0x1BE00] =	vst v63  }
0xb6: {  	s25 =	rddreg [dreg:$0xc]  }
0xb7: {  	[tilespmem:s18], [sflag:$0x4] =	stream.linear.gather [hbm4b:s25+s5], $0x1400, $0x38;
	[tilespmem:$0x1BE00] =	vst v63  }
0xb8: {  	[bflag:$0x0] =	sbarrier.arrive $0xFFFF  }
0xb9: {  	_ =	swait.ge [sflag:s20], $0x1400  }
0xba: {  	[sflag:s20] =	ssyncset.done $0x0  }
0xbb: {  	[sflag:s20] =	ssyncadd.s32 $0xFFFFEC00  }
0xbc: {  	_ =	swait.ge [sflag:s21], $0x1400  }
0xbd: {  	[sflag:s21] =	ssyncset.done $0x0  }
0xbe: {  	s4 =	simm.s32 $0xF0;
	[sflag:s21] =	ssyncadd.s32 $0xFFFFEC00  }
0xbf: {  	v1 =	vld [tilespmem:s4+$0x0]  }
0xc0: {  	v2 =	vld [tilespmem:s4+$0x2800]  }
0xc1: {  	v3 =	vld [tilespmem:s4+$0xFFFFFF10]  }
0xc2: {  	v4 =	vld [tilespmem:s4+$0x2710]  }
0xc3: {  	v5 =	vld [tilespmem:s4+$0xFFFFFF20]  }
0xc4: {  	v6 =	vld [tilespmem:s4+$0x2720]  }
0xc5: {  	v7 =	vld [tilespmem:s4+$0xFFFFFF30]  }
0xc6: {  	v1 =	vadd.f32 v2, v1;
	v2 =	vld [tilespmem:s4+$0x2730]  }
0xc7: {  	v8 =	vld [tilespmem:s4+$0xFFFFFF40]  }
0xc8: {  	v3 =	vadd.f32 v4, v3;
	v4 =	vld [tilespmem:s4+$0x2740]  }
0xc9: {  	v5 =	vadd.f32 v6, v5;
	v6 =	vld [tilespmem:s4+$0xFFFFFF60];
	v1 =	vmax.f32 v1, $0.0e+00  }
0xca: {  	[tilespmem:s4+$0x5000] =	vst v1;
	v1 =	vmax.f32 v3, $0.0e+00;
	v3 =	vld [tilespmem:s4+$0xFFFFFF50]  }
0xcb: {  	v5 =	vmax.f32 v5, $0.0e+00;
	[tilespmem:s4+$0x4F10] =	vst v1;
	v1 =	vld [tilespmem:s4+$0x2750];
	v2 =	vadd.f32 v2, v7  }
0xcc: {  	[tilespmem:s4+$0x4F20] =	vst v5;
	v5 =	vld [tilespmem:s4+$0x2760]  }
0xcd: {  	v7 =	vld [tilespmem:s4+$0xFFFFFF70];
	v2 =	vmax.f32 v2, $0.0e+00  }
0xce: {  	v4 =	vadd.f32 v4, v8;
	[tilespmem:s4+$0x4F30] =	vst v2;
	v2 =	vld [tilespmem:s4+$0x2770]  }
0xcf: {  	v8 =	vld [tilespmem:s4+$0xFFFFFF80]  }
0xd0: {  	v4 =	vmax.f32 v4, $0.0e+00;
	v1 =	vadd.f32 v1, v3;
	v3 =	vld [tilespmem:s4+$0x2780]  }
0xd1: {  	[tilespmem:s4+$0x4F40] =	vst v4;
	v4 =	vld [tilespmem:s4+$0xFFFFFF90];
	v5 =	vadd.f32 v5, v6  }
0xd2: {  	v6 =	vld [tilespmem:s4+$0xFFFFFFA0];
	v1 =	vmax.f32 v1, $0.0e+00  }
0xd3: {  	v5 =	vmax.f32 v5, $0.0e+00;
	[tilespmem:s4+$0x4F50] =	vst v1;
	v1 =	vld [tilespmem:s4+$0x2790];
	v2 =	vadd.f32 v2, v7  }
0xd4: {  	[tilespmem:s4+$0x4F60] =	vst v5;
	v5 =	vld [tilespmem:s4+$0x27A0]  }
0xd5: {  	v7 =	vld [tilespmem:s4+$0xFFFFFFB0];
	v3 =	vadd.f32 v3, v8;
	v2 =	vmax.f32 v2, $0.0e+00  }
0xd6: {  	[tilespmem:s4+$0x4F70] =	vst v2;
	v2 =	vld [tilespmem:s4+$0x27B0]  }
0xd7: {  	v8 =	vld [tilespmem:s4+$0xFFFFFFC0];
	v3 =	vmax.f32 v3, $0.0e+00  }
0xd8: {  	v1 =	vadd.f32 v1, v4;
	[tilespmem:s4+$0x4F80] =	vst v3;
	v3 =	vld [tilespmem:s4+$0x27C0]  }
0xd9: {  	v9 =	vld [tilespmem:s4+$0xFFFFFFD0];
	v4 =	vadd.f32 v5, v6  }
0xda: {  	v6 =	vld [tilespmem:s4+$0x27D0];
	v1 =	vmax.f32 v1, $0.0e+00  }
0xdb: {  	v4 =	vmax.f32 v4, $0.0e+00;
	[tilespmem:s4+$0x4F90] =	vst v1;
	v1 =	vld [tilespmem:s4+$0xFFFFFFE0];
	v2 =	vadd.f32 v2, v7  }
0xdc: {  	[tilespmem:s4+$0x4FA0] =	vst v4;
	v4 =	vld [tilespmem:s4+$0x27E0]  }
0xdd: {  	v7 =	vadd.f32 v3, v8;
	v5 =	vmax.f32 v2, $0.0e+00;
	v2 =	vld [tilespmem:s4+$0xFFFFFFF0]  }
0xde: {  	s9 =	simm.s32 $0x1F0;
	[tilespmem:s4+$0x4FB0] =	vst v5;
	v5 =	vld [tilespmem:s4+$0x27F0]  }
0xdf: {  	s12 =	simm.s32 $0xBC0;
	v6 =	vadd.f32 v6, v9;
	v7 =	vmax.f32 v7, $0.0e+00;
	v3 =	vld [tilespmem:s9+$0x0]  }
.LBB2_4:
0xe0: {  	p0 =	sne.s32 s12, $0x4FC0;
	v8 =	vld [tilespmem:s9+$0x2800];
	[tilespmem:s4+$0x4FC0] =	vst v7  }
0xe1: {  	v7 =	vld [tilespmem:s9+$0xFFFFFF10];
	v6 =	vmax.f32 v6, $0.0e+00;
	v1 =	vadd.f32 v4, v1  }
0xe2: {  	v4 =	vld [tilespmem:s9+$0x2710];
	[tilespmem:s4+$0x4FD0] =	vst v6  }
0xe3: {  	v6 =	vld [tilespmem:s9+$0xFFFFFF20];
	v1 =	vmax.f32 v1, $0.0e+00;
	v2 =	vadd.f32 v5, v2  }
0xe4: {  	v5 =	vld [tilespmem:s9+$0x2720];
	[tilespmem:s4+$0x4FE0] =	vst v1  }
0xe5: {  	v1 =	vld [tilespmem:s9+$0xFFFFFF30];
	v3 =	vadd.f32 v8, v3;
	v2 =	vmax.f32 v2, $0.0e+00  }
0xe6: {  	v8 =	vld [tilespmem:s9+$0x2730];
	[tilespmem:s4+$0x4FF0] =	vst v2;
	s4 =	smov.u32 s9  }
0xe7: {  	v2 =	vadd.f32 v4, v7;
	v4 =	vld [tilespmem:s4+$0xFFFFFF40];
	v3 =	vmax.f32 v3, $0.0e+00  }
0xe8: {  	v7 =	vld [tilespmem:s4+$0x2740];
	[tilespmem:s4+$0x5000] =	vst v3  }
0xe9: {  	v2 =	vmax.f32 v2, $0.0e+00;
	v3 =	vadd.f32 v5, v6;
	v5 =	vld [tilespmem:s4+$0xFFFFFF50]  }
0xea: {  	[tilespmem:s4+$0x4F10] =	vst v2;
	v2 =	vld [tilespmem:s4+$0x2750]  }
0xeb: {  	v3 =	vmax.f32 v3, $0.0e+00;
	v1 =	vadd.f32 v8, v1;
	v6 =	vld [tilespmem:s4+$0xFFFFFF60]  }
0xec: {  	[tilespmem:s4+$0x4F20] =	vst v3;
	v3 =	vld [tilespmem:s4+$0x2760]  }
0xed: {  	v1 =	vmax.f32 v1, $0.0e+00;
	v4 =	vadd.f32 v7, v4;
	v7 =	vld [tilespmem:s4+$0xFFFFFF70]  }
0xee: {  	[tilespmem:s4+$0x4F30] =	vst v1;
	v1 =	vld [tilespmem:s4+$0x2770]  }
0xef: {  	v4 =	vmax.f32 v4, $0.0e+00;
	v2 =	vadd.f32 v2, v5;
	v5 =	vld [tilespmem:s4+$0xFFFFFF80]  }
0xf0: {  	[tilespmem:s4+$0x4F40] =	vst v4;
	v4 =	vld [tilespmem:s4+$0x2780]  }
0xf1: {  	v2 =	vmax.f32 v2, $0.0e+00;
	v3 =	vadd.f32 v3, v6;
	v6 =	vld [tilespmem:s4+$0xFFFFFF90]  }
0xf2: {  	[tilespmem:s4+$0x4F50] =	vst v2;
	v2 =	vld [tilespmem:s4+$0x2790]  }
0xf3: {  	v3 =	vmax.f32 v3, $0.0e+00;
	v1 =	vadd.f32 v1, v7;
	v7 =	vld [tilespmem:s4+$0xFFFFFFA0]  }
0xf4: {  	[tilespmem:s4+$0x4F60] =	vst v3;
	v3 =	vld [tilespmem:s4+$0x27A0]  }
0xf5: {  	v1 =	vmax.f32 v1, $0.0e+00;
	v4 =	vadd.f32 v4, v5;
	v5 =	vld [tilespmem:s4+$0xFFFFFFB0]  }
0xf6: {  	[tilespmem:s4+$0x4F70] =	vst v1;
	v1 =	vld [tilespmem:s4+$0x27B0]  }
0xf7: {  	v4 =	vmax.f32 v4, $0.0e+00;
	v2 =	vadd.f32 v2, v6;
	v6 =	vld [tilespmem:s4+$0xFFFFFFC0]  }
0xf8: {  	[tilespmem:s4+$0x4F80] =	vst v4;
	v8 =	vld [tilespmem:s4+$0x27C0]  }
0xf9: {  	v2 =	vmax.f32 v2, $0.0e+00;
	v3 =	vadd.f32 v3, v7;
	v9 =	vld [tilespmem:s4+$0xFFFFFFD0]  }
0xfa: {  	[tilespmem:s4+$0x4F90] =	vst v2;
	v10 =	vld [tilespmem:s4+$0x27D0]  }
.Ltmp3:
0xfb: {  	v2 =	vmax.f32 v3, $0.0e+00;
	v3 =	vadd.f32 v1, v5;
	v1 =	vld [tilespmem:s4+$0xFFFFFFE0];
	(pc) =	sbr.rel @p0 .LBB2_4-.Ltmp3, $4  }
0xfc: {  	[tilespmem:s4+$0x4FA0] =	vst v2;
	v4 =	vld [tilespmem:s4+$0x27E0]  }
0xfd: {  	v3 =	vmax.f32 v3, $0.0e+00;
	v6 =	vadd.f32 v8, v6;
	v2 =	vld [tilespmem:s4+$0xFFFFFFF0]  }
0xfe: {  	s9 =	sshra.s32 s12, $0x2;
	[tilespmem:s4+$0x4FB0] =	vst v3;
	v5 =	vld [tilespmem:s4+$0x27F0]  }
0xff: {  	s12 =	sadd.s32 $0x400, s12;
	v3 =	vld [tilespmem:s9+$0x0];
	v7 =	vmax.f32 v6, $0.0e+00;
	v6 =	vadd.f32 v10, v9  }
0x100: {  	v8 =	vld [tilespmem:s9+$0x2800];
	[tilespmem:s4+$0x4FC0] =	vst v7  }
0x101: {  	v7 =	vld [tilespmem:s9+$0xFFFFFF10];
	v6 =	vmax.f32 v6, $0.0e+00;
	v1 =	vadd.f32 v4, v1  }
0x102: {  	v9 =	vld [tilespmem:s9+$0x2710];
	[tilespmem:s4+$0x4FD0] =	vst v6  }
0x103: {  	v4 =	vld [tilespmem:s9+$0xFFFFFF20];
	v1 =	vmax.f32 v1, $0.0e+00;
	v2 =	vadd.f32 v5, v2  }
0x104: {  	v6 =	vld [tilespmem:s9+$0x2720];
	[tilespmem:s4+$0x4FE0] =	vst v1  }
0x105: {  	v1 =	vld [tilespmem:s9+$0xFFFFFF30];
	v2 =	vmax.f32 v2, $0.0e+00  }
0x106: {  	v5 =	vld [tilespmem:s9+$0x2730];
	v3 =	vadd.f32 v8, v3;
	[tilespmem:s4+$0x4FF0] =	vst v2  }
0x107: {  	v7 =	vadd.f32 v9, v7;
	v2 =	vld [tilespmem:s9+$0xFFFFFF40]  }
0x108: {  	v3 =	vmax.f32 v3, $0.0e+00;
	v8 =	vld [tilespmem:s9+$0x2740]  }
0x109: {  	[tilespmem:s9+$0x5000] =	vst v3;
	v3 =	vmax.f32 v7, $0.0e+00;
	v7 =	vld [tilespmem:s9+$0xFFFFFF50]  }
0x10a: {  	v4 =	vadd.f32 v6, v4;
	v6 =	vld [tilespmem:s9+$0xFFFFFF60]  }
0x10b: {  	[tilespmem:s9+$0x4F10] =	vst v3;
	v3 =	vld [tilespmem:s9+$0x2750];
	v1 =	vadd.f32 v5, v1  }
0x10c: {  	v4 =	vmax.f32 v4, $0.0e+00;
	v5 =	vld [tilespmem:s9+$0xFFFFFF70]  }
0x10d: {  	[tilespmem:s9+$0x4F20] =	vst v4;
	v4 =	vld [tilespmem:s9+$0x2760];
	v1 =	vmax.f32 v1, $0.0e+00  }
0x10e: {  	v2 =	vadd.f32 v8, v2;
	[tilespmem:s9+$0x4F30] =	vst v1;
	v1 =	vld [tilespmem:s9+$0x2770]  }
0x10f: {  	v8 =	vld [tilespmem:s9+$0xFFFFFF80]  }
0x110: {  	v2 =	vmax.f32 v2, $0.0e+00;
	v3 =	vadd.f32 v3, v7;
	v7 =	vld [tilespmem:s9+$0xFFFFFF90]  }
0x111: {  	[tilespmem:s9+$0x4F40] =	vst v2;
	v2 =	vld [tilespmem:s9+$0x2780]  }
0x112: {  	v3 =	vmax.f32 v3, $0.0e+00;
	v4 =	vadd.f32 v4, v6;
	v6 =	vld [tilespmem:s9+$0xFFFFFFA0]  }
0x113: {  	[tilespmem:s9+$0x4F50] =	vst v3;
	v3 =	vld [tilespmem:s9+$0x2790];
	v1 =	vadd.f32 v1, v5  }
0x114: {  	v4 =	vmax.f32 v4, $0.0e+00;
	v5 =	vld [tilespmem:s9+$0xFFFFFFB0]  }
0x115: {  	[tilespmem:s9+$0x4F60] =	vst v4;
	v4 =	vld [tilespmem:s9+$0x27A0];
	v1 =	vmax.f32 v1, $0.0e+00  }
0x116: {  	v2 =	vadd.f32 v2, v8;
	[tilespmem:s9+$0x4F70] =	vst v1;
	v1 =	vld [tilespmem:s9+$0x27B0]  }
0x117: {  	v8 =	vld [tilespmem:s9+$0xFFFFFFC0]  }
0x118: {  	v2 =	vmax.f32 v2, $0.0e+00;
	v3 =	vadd.f32 v3, v7;
	v7 =	vld [tilespmem:s9+$0xFFFFFFD0]  }
0x119: {  	[tilespmem:s9+$0x4F80] =	vst v2;
	v2 =	vld [tilespmem:s9+$0x27C0]  }
0x11a: {  	v3 =	vmax.f32 v3, $0.0e+00;
	v4 =	vadd.f32 v4, v6;
	v6 =	vld [tilespmem:s9+$0xFFFFFFE0]  }
0x11b: {  	[tilespmem:s9+$0x4F90] =	vst v3;
	v3 =	vld [tilespmem:s9+$0x27D0];
	v1 =	vadd.f32 v1, v5  }
0x11c: {  	v4 =	vmax.f32 v4, $0.0e+00;
	v5 =	vld [tilespmem:s9+$0xFFFFFFF0]  }
0x11d: {  	[tilespmem:s9+$0x4FA0] =	vst v4;
	v4 =	vld [tilespmem:s9+$0x27E0];
	v1 =	vmax.f32 v1, $0.0e+00  }
0x11e: {  	[tilespmem:s9+$0x4FB0] =	vst v1;
	v1 =	vld [tilespmem:s9+$0x27F0];
	_ =	sdelay $0x1  }
0x11f: {  	v2 =	vadd.f32 v2, v8  }
0x120: {  	v3 =	vadd.f32 v3, v7  }
0x121: {  	v2 =	vmax.f32 v2, $0.0e+00;
	v4 =	vadd.f32 v4, v6  }
0x122: {  	[tilespmem:s9+$0x4FC0] =	vst v2;
	v2 =	vmax.f32 v3, $0.0e+00;
	v1 =	vadd.f32 v1, v5  }
0x123: {  	[tilespmem:s9+$0x4FD0] =	vst v2;
	v2 =	vmax.f32 v4, $0.0e+00  }
0x124: {  	[tilespmem:s9+$0x4FE0] =	vst v2;
	v1 =	vmax.f32 v1, $0.0e+00  }
0x125: {  	s12 =	simm.s32 $0xB;
	[tilespmem:s9+$0x4FF0] =	vst v1  }
0x126: {  	_ =	swait.ge [sflag:s12], $0x28  }
0x127: {  	[sflag:s12] =	ssyncset.done $0x0  }
0x128: {  	s15 =	simm.s32 $0x7A00;
	s23 =	simm.s32 $0x9;
	[sflag:s12] =	ssyncadd.s32 $0xFFFFFFD8  }
0x129: {  	[spmem:s3] =	stream.indirect.scatter.add.f32 [tilespmem:s11], [sflag:$0x5], $0x80, s15, s14, $0xb8;
	[tilespmem:$0x1BE00] =	vst v63  }
0x12a: {  	_ =	swait.ge [sflag:s23], $0x28  }
0x12b: {  	[sflag:s23] =	ssyncset.done $0x0  }
0x12c: {  	s25 =	simm.s32 $0x7900;
	[sflag:s23] =	ssyncadd.s32 $0xFFFFFFD8  }
0x12d: {  	[tilespmem:s5], [sflag:$0x1] =	stream.indirect.gather [hbm4b:s1+s14], $0x80, s25, s14, $0xb8;
	[tilespmem:$0x1BE00] =	vst v63  }
0x12e: {  	s10 =	simm.s32 $0x2800;
	s9 =	rddreg [dreg:$0xd]  }
0x12f: {  	[tilespmem:s10], [sflag:$0x3] =	stream.linear.gather [hbm4b:s9+s5], $0x1400, $0x38;
	[tilespmem:$0x1BE00] =	vst v63  }
0x130: {  	s15 =	simm.s32 $0x7980;
	s12 =	rddreg [dreg:$0xe]  }
0x131: {  	[tilespmem:s15], [sflag:$0xA] =	stream.linear.gather [hbm4b:s12+s5], $0x28, $0x38;
	[tilespmem:$0x1BE00] =	vst v63  }
0x132: {  	s23 =	rddreg [dreg:$0x10];
	s25 =	simm.s32 $0x7B80  }
0x133: {  	[tilespmem:s25], [sflag:$0xE] =	stream.linear.gather [hbm4b:s23+s5], $0x28, $0x38;
	[tilespmem:$0x1BE00] =	vst v63  }
0x134: {  	_ =	swait.ge [sflag:s30], $0x1400  }
0x135: {  	[sflag:s30] =	ssyncset.done $0x0  }
0x136: {  	[sflag:s30] =	ssyncadd.s32 $0xFFFFEC00  }
0x137: {  	_ =	swait.ge [sflag:s19], $0x1400  }
0x138: {  	[sflag:s19] =	ssyncset.done $0x0  }
0x139: {  	s4 =	simm.s32 $0xF0;
	[sflag:s19] =	ssyncadd.s32 $0xFFFFEC00  }
0x13a: {  	v1 =	vld [tilespmem:s4+$0x1400]  }
0x13b: {  	v2 =	vld [tilespmem:s4+$0x3C00]  }
0x13c: {  	v3 =	vld [tilespmem:s4+$0x1310]  }
0x13d: {  	v4 =	vld [tilespmem:s4+$0x3B10]  }
0x13e: {  	v5 =	vld [tilespmem:s4+$0x1320]  }
0x13f: {  	v6 =	vld [tilespmem:s4+$0x3B20]  }
0x140: {  	v7 =	vld [tilespmem:s4+$0x1330]  }
0x141: {  	v1 =	vadd.f32 v2, v1;
	v2 =	vld [tilespmem:s4+$0x3B30]  }
0x142: {  	v8 =	vld [tilespmem:s4+$0x1340]  }
0x143: {  	v3 =	vadd.f32 v4, v3;
	v4 =	vld [tilespmem:s4+$0x3B40]  }
0x144: {  	v5 =	vadd.f32 v6, v5;
	v6 =	vld [tilespmem:s4+$0x1360];
	v1 =	vmax.f32 v1, $0.0e+00  }
0x145: {  	[tilespmem:s4+$0x6400] =	vst v1;
	v1 =	vmax.f32 v3, $0.0e+00;
	v3 =	vld [tilespmem:s4+$0x1350]  }
0x146: {  	v5 =	vmax.f32 v5, $0.0e+00;
	[tilespmem:s4+$0x6310] =	vst v1;
	v1 =	vld [tilespmem:s4+$0x3B50];
	v2 =	vadd.f32 v2, v7  }
0x147: {  	[tilespmem:s4+$0x6320] =	vst v5;
	v5 =	vld [tilespmem:s4+$0x3B60]  }
0x148: {  	v7 =	vld [tilespmem:s4+$0x1370];
	v2 =	vmax.f32 v2, $0.0e+00  }
0x149: {  	v4 =	vadd.f32 v4, v8;
	[tilespmem:s4+$0x6330] =	vst v2;
	v2 =	vld [tilespmem:s4+$0x3B70]  }
0x14a: {  	v8 =	vld [tilespmem:s4+$0x1380]  }
0x14b: {  	v4 =	vmax.f32 v4, $0.0e+00;
	v1 =	vadd.f32 v1, v3;
	v3 =	vld [tilespmem:s4+$0x3B80]  }
0x14c: {  	[tilespmem:s4+$0x6340] =	vst v4;
	v4 =	vld [tilespmem:s4+$0x1390];
	v5 =	vadd.f32 v5, v6  }
0x14d: {  	v6 =	vld [tilespmem:s4+$0x13A0];
	v1 =	vmax.f32 v1, $0.0e+00  }
0x14e: {  	v5 =	vmax.f32 v5, $0.0e+00;
	[tilespmem:s4+$0x6350] =	vst v1;
	v1 =	vld [tilespmem:s4+$0x3B90];
	v2 =	vadd.f32 v2, v7  }
0x14f: {  	[tilespmem:s4+$0x6360] =	vst v5;
	v5 =	vld [tilespmem:s4+$0x3BA0]  }
0x150: {  	v7 =	vld [tilespmem:s4+$0x13B0];
	v3 =	vadd.f32 v3, v8;
	v2 =	vmax.f32 v2, $0.0e+00  }
0x151: {  	[tilespmem:s4+$0x6370] =	vst v2;
	v2 =	vld [tilespmem:s4+$0x3BB0]  }
0x152: {  	v8 =	vld [tilespmem:s4+$0x13C0];
	v3 =	vmax.f32 v3, $0.0e+00  }
0x153: {  	v1 =	vadd.f32 v1, v4;
	[tilespmem:s4+$0x6380] =	vst v3;
	v3 =	vld [tilespmem:s4+$0x3BC0]  }
0x154: {  	v63 =	vld [tilespmem:s4+$0x13D0];
	v4 =	vadd.f32 v5, v6  }
0x155: {  	v6 =	vld [tilespmem:s4+$0x3BD0];
	v1 =	vmax.f32 v1, $0.0e+00  }
0x156: {  	v4 =	vmax.f32 v4, $0.0e+00;
	[tilespmem:s4+$0x6390] =	vst v1;
	v1 =	vld [tilespmem:s4+$0x13E0];
	v2 =	vadd.f32 v2, v7  }
0x157: {  	[tilespmem:s4+$0x63A0] =	vst v4;
	v4 =	vld [tilespmem:s4+$0x3BE0]  }
0x158: {  	v7 =	vadd.f32 v3, v8;
	v5 =	vmax.f32 v2, $0.0e+00;
	v2 =	vld [tilespmem:s4+$0x13F0]  }
0x159: {  	s9 =	simm.s32 $0x1F0;
	[tilespmem:s4+$0x63B0] =	vst v5;
	v5 =	vld [tilespmem:s4+$0x3BF0]  }
0x15a: {  	s12 =	simm.s32 $0xBC0;
	v6 =	vadd.f32 v6, v63;
	v7 =	vmax.f32 v7, $0.0e+00;
	v3 =	vld [tilespmem:s9+$0x1400]  }
.LBB2_6:
0x15b: {  	p0 =	sne.s32 s12, $0x4FC0;
	v8 =	vld [tilespmem:s9+$0x3C00];
	[tilespmem:s4+$0x63C0] =	vst v7  }
0x15c: {  	v7 =	vld [tilespmem:s9+$0x1310];
	v6 =	vmax.f32 v6, $0.0e+00;
	v1 =	vadd.f32 v4, v1  }
0x15d: {  	v4 =	vld [tilespmem:s9+$0x3B10];
	[tilespmem:s4+$0x63D0] =	vst v6  }
0x15e: {  	v6 =	vld [tilespmem:s9+$0x1320];
	v1 =	vmax.f32 v1, $0.0e+00;
	v2 =	vadd.f32 v5, v2  }
0x15f: {  	v5 =	vld [tilespmem:s9+$0x3B20];
	[tilespmem:s4+$0x63E0] =	vst v1  }
0x160: {  	v1 =	vld [tilespmem:s9+$0x1330];
	v3 =	vadd.f32 v8, v3;
	v2 =	vmax.f32 v2, $0.0e+00  }
0x161: {  	v8 =	vld [tilespmem:s9+$0x3B30];
	[tilespmem:s4+$0x63F0] =	vst v2;
	s4 =	smov.u32 s9  }
0x162: {  	v2 =	vadd.f32 v4, v7;
	v4 =	vld [tilespmem:s4+$0x1340];
	v3 =	vmax.f32 v3, $0.0e+00  }
0x163: {  	v7 =	vld [tilespmem:s4+$0x3B40];
	[tilespmem:s4+$0x6400] =	vst v3  }
0x164: {  	v2 =	vmax.f32 v2, $0.0e+00;
	v3 =	vadd.f32 v5, v6;
	v5 =	vld [tilespmem:s4+$0x1350]  }
0x165: {  	[tilespmem:s4+$0x6310] =	vst v2;
	v2 =	vld [tilespmem:s4+$0x3B50]  }
0x166: {  	v3 =	vmax.f32 v3, $0.0e+00;
	v1 =	vadd.f32 v8, v1;
	v6 =	vld [tilespmem:s4+$0x1360]  }
0x167: {  	[tilespmem:s4+$0x6320] =	vst v3;
	v3 =	vld [tilespmem:s4+$0x3B60]  }
0x168: {  	v1 =	vmax.f32 v1, $0.0e+00;
	v4 =	vadd.f32 v7, v4;
	v7 =	vld [tilespmem:s4+$0x1370]  }
0x169: {  	[tilespmem:s4+$0x6330] =	vst v1;
	v1 =	vld [tilespmem:s4+$0x3B70]  }
0x16a: {  	v4 =	vmax.f32 v4, $0.0e+00;
	v2 =	vadd.f32 v2, v5;
	v5 =	vld [tilespmem:s4+$0x1380]  }
0x16b: {  	[tilespmem:s4+$0x6340] =	vst v4;
	v4 =	vld [tilespmem:s4+$0x3B80]  }
0x16c: {  	v2 =	vmax.f32 v2, $0.0e+00;
	v3 =	vadd.f32 v3, v6;
	v6 =	vld [tilespmem:s4+$0x1390]  }
0x16d: {  	[tilespmem:s4+$0x6350] =	vst v2;
	v2 =	vld [tilespmem:s4+$0x3B90]  }
0x16e: {  	v3 =	vmax.f32 v3, $0.0e+00;
	v1 =	vadd.f32 v1, v7;
	v7 =	vld [tilespmem:s4+$0x13A0]  }
0x16f: {  	[tilespmem:s4+$0x6360] =	vst v3;
	v3 =	vld [tilespmem:s4+$0x3BA0]  }
0x170: {  	v1 =	vmax.f32 v1, $0.0e+00;
	v4 =	vadd.f32 v4, v5;
	v5 =	vld [tilespmem:s4+$0x13B0]  }
0x171: {  	[tilespmem:s4+$0x6370] =	vst v1;
	v1 =	vld [tilespmem:s4+$0x3BB0]  }
0x172: {  	v4 =	vmax.f32 v4, $0.0e+00;
	v2 =	vadd.f32 v2, v6;
	v6 =	vld [tilespmem:s4+$0x13C0]  }
0x173: {  	[tilespmem:s4+$0x6380] =	vst v4;
	v8 =	vld [tilespmem:s4+$0x3BC0]  }
0x174: {  	v2 =	vmax.f32 v2, $0.0e+00;
	v3 =	vadd.f32 v3, v7;
	v9 =	vld [tilespmem:s4+$0x13D0]  }
0x175: {  	[tilespmem:s4+$0x6390] =	vst v2;
	v10 =	vld [tilespmem:s4+$0x3BD0]  }
.Ltmp4:
0x176: {  	v2 =	vmax.f32 v3, $0.0e+00;
	v3 =	vadd.f32 v1, v5;
	v1 =	vld [tilespmem:s4+$0x13E0];
	(pc) =	sbr.rel @p0 .LBB2_6-.Ltmp4, $4  }
0x177: {  	[tilespmem:s4+$0x63A0] =	vst v2;
	v4 =	vld [tilespmem:s4+$0x3BE0]  }
0x178: {  	v3 =	vmax.f32 v3, $0.0e+00;
	v6 =	vadd.f32 v8, v6;
	v2 =	vld [tilespmem:s4+$0x13F0]  }
0x179: {  	s9 =	sshra.s32 s12, $0x2;
	[tilespmem:s4+$0x63B0] =	vst v3;
	v5 =	vld [tilespmem:s4+$0x3BF0]  }
0x17a: {  	s12 =	sadd.s32 $0x400, s12;
	v3 =	vld [tilespmem:s9+$0x1400];
	v7 =	vmax.f32 v6, $0.0e+00;
	v6 =	vadd.f32 v10, v9  }
0x17b: {  	v8 =	vld [tilespmem:s9+$0x3C00];
	[tilespmem:s4+$0x63C0] =	vst v7  }
0x17c: {  	v7 =	vld [tilespmem:s9+$0x1310];
	v6 =	vmax.f32 v6, $0.0e+00;
	v1 =	vadd.f32 v4, v1  }
0x17d: {  	v9 =	vld [tilespmem:s9+$0x3B10];
	[tilespmem:s4+$0x63D0] =	vst v6  }
0x17e: {  	v47 =	vld [tilespmem:s9+$0x1320];
	v1 =	vmax.f32 v1, $0.0e+00;
	v2 =	vadd.f32 v5, v2  }
0x17f: {  	v6 =	vld [tilespmem:s9+$0x3B20];
	[tilespmem:s4+$0x63E0] =	vst v1  }
0x180: {  	v1 =	vld [tilespmem:s9+$0x1330];
	v2 =	vmax.f32 v2, $0.0e+00  }
0x181: {  	v48 =	vld [tilespmem:s9+$0x3B30];
	[tilespmem:s4+$0x63F0] =	vst v2  }
0x182: {  	v2 =	vld [tilespmem:s9+$0x1340]  }
0x183: {  	v3 =	vadd.f32 v8, v3;
	v49 =	vld [tilespmem:s9+$0x3B40]  }
0x184: {  	v7 =	vadd.f32 v9, v7;
	v50 =	vld [tilespmem:s9+$0x1350]  }
0x185: {  	v3 =	vmax.f32 v3, $0.0e+00;
	v51 =	vld [tilespmem:s9+$0x1360]  }
0x186: {  	v52 =	vld [tilespmem:s9+$0x3B60];
	[tilespmem:s9+$0x6400] =	vst v3;
	v3 =	vmax.f32 v7, $0.0e+00;
	v1 =	vadd.f32 v48, v1  }
0x187: {  	[tilespmem:s9+$0x6310] =	vst v3;
	v3 =	vld [tilespmem:s9+$0x3B50]  }
0x188: {  	v53 =	vld [tilespmem:s9+$0x1370];
	v1 =	vmax.f32 v1, $0.0e+00  }
0x189: {  	[tilespmem:s9+$0x6330] =	vst v1;
	v1 =	vld [tilespmem:s9+$0x3B70]  }
0x18a: {  	v54 =	vld [tilespmem:s9+$0x1380]  }
0x18b: {  	v55 =	vld [tilespmem:s9+$0x1390];
	v2 =	vadd.f32 v49, v2  }
0x18c: {  	v56 =	vld [tilespmem:s9+$0x13A0];
	v3 =	vadd.f32 v3, v50  }
0x18d: {  	v57 =	vld [tilespmem:s9+$0x3BA0];
	v2 =	vmax.f32 v2, $0.0e+00  }
0x18e: {  	[tilespmem:s9+$0x6340] =	vst v2;
	v2 =	vld [tilespmem:s9+$0x3B80];
	v3 =	vmax.f32 v3, $0.0e+00;
	v1 =	vadd.f32 v1, v53  }
0x18f: {  	[tilespmem:s9+$0x6350] =	vst v3;
	v3 =	vld [tilespmem:s9+$0x3B90]  }
0x190: {  	v58 =	vld [tilespmem:s9+$0x13B0];
	v1 =	vmax.f32 v1, $0.0e+00  }
0x191: {  	[tilespmem:s9+$0x6370] =	vst v1;
	v1 =	vld [tilespmem:s9+$0x3BB0]  }
0x192: {  	v59 =	vld [tilespmem:s9+$0x13C0];
	v4 =	vadd.f32 v6, v47  }
0x193: {  	v60 =	vld [tilespmem:s9+$0x13D0];
	v2 =	vadd.f32 v2, v54  }
0x194: {  	v61 =	vld [tilespmem:s9+$0x13E0];
	v4 =	vmax.f32 v4, $0.0e+00;
	v3 =	vadd.f32 v3, v55  }
0x195: {  	v62 =	vld [tilespmem:s9+$0x3BE0];
	[tilespmem:s9+$0x6320] =	vst v4;
	v2 =	vmax.f32 v2, $0.0e+00  }
0x196: {  	[tilespmem:s9+$0x6380] =	vst v2;
	v2 =	vld [tilespmem:s9+$0x3BC0];
	v3 =	vmax.f32 v3, $0.0e+00;
	v1 =	vadd.f32 v1, v58  }
0x197: {  	v4 =	vadd.f32 v52, v51;
	[tilespmem:s9+$0x6390] =	vst v3;
	v3 =	vld [tilespmem:s9+$0x3BD0]  }
0x198: {  	v63 =	vld [tilespmem:s9+$0x13F0];
	v1 =	vmax.f32 v1, $0.0e+00  }
0x199: {  	v4 =	vmax.f32 v4, $0.0e+00;
	[tilespmem:s9+$0x63B0] =	vst v1;
	v1 =	vld [tilespmem:s9+$0x3BF0]  }
0x19a: {  	[tilespmem:s9+$0x6360] =	vst v4;
	v4 =	vadd.f32 v57, v56  }
0x19b: {  	v2 =	vadd.f32 v2, v59  }
0x19c: {  	v4 =	vmax.f32 v4, $0.0e+00;
	v3 =	vadd.f32 v3, v60  }
0x19d: {  	[tilespmem:s9+$0x63A0] =	vst v4;
	v4 =	vadd.f32 v62, v61;
	v2 =	vmax.f32 v2, $0.0e+00  }
0x19e: {  	[tilespmem:s9+$0x63C0] =	vst v2;
	v2 =	vmax.f32 v3, $0.0e+00;
	v1 =	vadd.f32 v1, v63  }
0x19f: {  	[tilespmem:s9+$0x63D0] =	vst v2;
	v2 =	vmax.f32 v4, $0.0e+00  }
0x1a0: {  	[tilespmem:s9+$0x63E0] =	vst v2;
	v1 =	vmax.f32 v1, $0.0e+00  }
0x1a1: {  	[tilespmem:s9+$0x63F0] =	vst v1  }
0x1a2: {  	_ =	swait.ge [sflag:s28], $0x28  }
0x1a3: {  	[sflag:s28] =	ssyncset.done $0x0  }
0x1a4: {  	s25 =	simm.s32 $0x7A80;
	[sflag:s28] =	ssyncadd.s32 $0xFFFFFFD8  }
0x1a5: {  	[spmem:s3] =	stream.indirect.scatter.add.f32 [tilespmem:s29], [sflag:$0x6], $0x80, s25, s14, $0xb8;
	[tilespmem:$0x1BE00] =	vst v63  }
0x1a6: {  	_ =	swait.ge [sflag:s22], $0x28  }
0x1a7: {  	[sflag:s22] =	ssyncset.done $0x0  }
0x1a8: {  	s9 =	simm.s32 $0x7980;
	[sflag:s22] =	ssyncadd.s32 $0xFFFFFFD8  }
0x1a9: {  	[tilespmem:s17], [sflag:$0x2] =	stream.indirect.gather [hbm4b:s1+s14], $0x80, s9, s14, $0xb8;
	[tilespmem:$0x1BE00] =	vst v63  }
0x1aa: {  	s23 =	simm.s32 $0x0;
	s10 =	rddreg [dreg:$0x11]  }
0x1ab: {  	[tilespmem:s18], [sflag:$0x4] =	stream.linear.gather [hbm4b:s10+s23], $0x1400, $0x38;
	[tilespmem:$0x1BE00] =	vst v63  }
0x1ac: {  	s12 =	rddreg [dreg:$0x12]  }
0x1ad: {  	[tilespmem:s26], [sflag:$0x7] =	stream.linear.gather [hbm4b:s12+s23], $0x28, $0x38;
	[tilespmem:$0x1BE00] =	vst v63  }
0x1ae: {  	s25 =	simm.s32 $0x7C00;
	s15 =	rddreg [dreg:$0x13]  }
0x1af: {  	[tilespmem:s25], [sflag:$0xF] =	stream.linear.gather [hbm4b:s15+s23], $0x28, $0x38;
	[tilespmem:$0x1BE00] =	vst v63  }
.LBB2_8:
0x1b0: {  	_ =	swait.ge [sflag:s20], $0x1400  }
0x1b1: {  	[sflag:s20] =	ssyncset.done $0x0  }
0x1b2: {  	[sflag:s20] =	ssyncadd.s32 $0xFFFFEC00  }
0x1b3: {  	_ =	swait.ge [sflag:s21], $0x1400  }
0x1b4: {  	[sflag:s21] =	ssyncset.done $0x0  }
0x1b5: {  	[sflag:s21] =	ssyncadd.s32 $0xFFFFEC00  }
0x1b6: {  	_ =	swait.ge [sflag:s24], $0x1400  }
0x1b7: {  	[sflag:s24] =	ssyncset.done $0x0  }
0x1b8: {  	s4 =	simm.s32 $0xF0;
	[sflag:s24] =	ssyncadd.s32 $0xFFFFEC00  }
0x1b9: {  	v1 =	vld [tilespmem:s4+$0x0]  }
0x1ba: {  	v2 =	vld [tilespmem:s4+$0x2800]  }
0x1bb: {  	v3 =	vld [tilespmem:s4+$0xFFFFFF10]  }
0x1bc: {  	v4 =	vld [tilespmem:s4+$0x2710]  }
0x1bd: {  	v5 =	vld [tilespmem:s4+$0xFFFFFF20]  }
0x1be: {  	v6 =	vld [tilespmem:s4+$0x2720]  }
0x1bf: {  	v7 =	vld [tilespmem:s4+$0xFFFFFF30]  }
0x1c0: {  	v1 =	vadd.f32 v2, v1;
	v2 =	vld [tilespmem:s4+$0x2730]  }
0x1c1: {  	v8 =	vld [tilespmem:s4+$0xFFFFFF40]  }
0x1c2: {  	v3 =	vadd.f32 v4, v3;
	v4 =	vld [tilespmem:s4+$0x2740]  }
0x1c3: {  	v5 =	vadd.f32 v6, v5;
	v6 =	vld [tilespmem:s4+$0xFFFFFF60];
	v1 =	vmax.f32 v1, $0.0e+00  }
0x1c4: {  	[tilespmem:s4+$0x5000] =	vst v1;
	v1 =	vmax.f32 v3, $0.0e+00;
	v3 =	vld [tilespmem:s4+$0xFFFFFF50]  }
0x1c5: {  	v5 =	vmax.f32 v5, $0.0e+00;
	[tilespmem:s4+$0x4F10] =	vst v1;
	v1 =	vld [tilespmem:s4+$0x2750];
	v2 =	vadd.f32 v2, v7  }
0x1c6: {  	[tilespmem:s4+$0x4F20] =	vst v5;
	v5 =	vld [tilespmem:s4+$0x2760]  }
0x1c7: {  	v7 =	vld [tilespmem:s4+$0xFFFFFF70];
	v2 =	vmax.f32 v2, $0.0e+00  }
0x1c8: {  	v4 =	vadd.f32 v4, v8;
	[tilespmem:s4+$0x4F30] =	vst v2;
	v2 =	vld [tilespmem:s4+$0x2770]  }
0x1c9: {  	v8 =	vld [tilespmem:s4+$0xFFFFFF80]  }
0x1ca: {  	v4 =	vmax.f32 v4, $0.0e+00;
	v1 =	vadd.f32 v1, v3;
	v3 =	vld [tilespmem:s4+$0x2780]  }
0x1cb: {  	[tilespmem:s4+$0x4F40] =	vst v4;
	v4 =	vld [tilespmem:s4+$0xFFFFFF90];
	v5 =	vadd.f32 v5, v6  }
0x1cc: {  	v6 =	vld [tilespmem:s4+$0xFFFFFFA0];
	v1 =	vmax.f32 v1, $0.0e+00  }
0x1cd: {  	v5 =	vmax.f32 v5, $0.0e+00;
	[tilespmem:s4+$0x4F50] =	vst v1;
	v1 =	vld [tilespmem:s4+$0x2790];
	v2 =	vadd.f32 v2, v7  }
0x1ce: {  	[tilespmem:s4+$0x4F60] =	vst v5;
	v5 =	vld [tilespmem:s4+$0x27A0]  }
0x1cf: {  	v7 =	vld [tilespmem:s4+$0xFFFFFFB0];
	v3 =	vadd.f32 v3, v8;
	v2 =	vmax.f32 v2, $0.0e+00  }
0x1d0: {  	[tilespmem:s4+$0x4F70] =	vst v2;
	v2 =	vld [tilespmem:s4+$0x27B0]  }
0x1d1: {  	v8 =	vld [tilespmem:s4+$0xFFFFFFC0];
	v3 =	vmax.f32 v3, $0.0e+00  }
0x1d2: {  	v1 =	vadd.f32 v1, v4;
	[tilespmem:s4+$0x4F80] =	vst v3;
	v3 =	vld [tilespmem:s4+$0x27C0]  }
0x1d3: {  	v9 =	vld [tilespmem:s4+$0xFFFFFFD0];
	v4 =	vadd.f32 v5, v6  }
0x1d4: {  	v6 =	vld [tilespmem:s4+$0x27D0];
	v1 =	vmax.f32 v1, $0.0e+00  }
0x1d5: {  	v4 =	vmax.f32 v4, $0.0e+00;
	[tilespmem:s4+$0x4F90] =	vst v1;
	v1 =	vld [tilespmem:s4+$0xFFFFFFE0];
	v2 =	vadd.f32 v2, v7  }
0x1d6: {  	[tilespmem:s4+$0x4FA0] =	vst v4;
	v4 =	vld [tilespmem:s4+$0x27E0]  }
0x1d7: {  	v7 =	vadd.f32 v3, v8;
	v5 =	vmax.f32 v2, $0.0e+00;
	v2 =	vld [tilespmem:s4+$0xFFFFFFF0]  }
0x1d8: {  	s9 =	simm.s32 $0x1F0;
	[tilespmem:s4+$0x4FB0] =	vst v5;
	v5 =	vld [tilespmem:s4+$0x27F0]  }
0x1d9: {  	s12 =	simm.s32 $0xBC0;
	v6 =	vadd.f32 v6, v9;
	v7 =	vmax.f32 v7, $0.0e+00;
	v3 =	vld [tilespmem:s9+$0x0]  }
.LBB2_9:
0x1da: {  	p0 =	sne.s32 s12, $0x4FC0;
	v8 =	vld [tilespmem:s9+$0x2800];
	[tilespmem:s4+$0x4FC0] =	vst v7  }
0x1db: {  	v7 =	vld [tilespmem:s9+$0xFFFFFF10];
	v6 =	vmax.f32 v6, $0.0e+00;
	v1 =	vadd.f32 v4, v1  }
0x1dc: {  	v4 =	vld [tilespmem:s9+$0x2710];
	[tilespmem:s4+$0x4FD0] =	vst v6  }
0x1dd: {  	v6 =	vld [tilespmem:s9+$0xFFFFFF20];
	v1 =	vmax.f32 v1, $0.0e+00;
	v2 =	vadd.f32 v5, v2  }
0x1de: {  	v5 =	vld [tilespmem:s9+$0x2720];
	[tilespmem:s4+$0x4FE0] =	vst v1  }
0x1df: {  	v1 =	vld [tilespmem:s9+$0xFFFFFF30];
	v3 =	vadd.f32 v8, v3;
	v2 =	vmax.f32 v2, $0.0e+00  }
0x1e0: {  	v8 =	vld [tilespmem:s9+$0x2730];
	[tilespmem:s4+$0x4FF0] =	vst v2;
	s4 =	smov.u32 s9  }
0x1e1: {  	v2 =	vadd.f32 v4, v7;
	v4 =	vld [tilespmem:s4+$0xFFFFFF40];
	v3 =	vmax.f32 v3, $0.0e+00  }
0x1e2: {  	v7 =	vld [tilespmem:s4+$0x2740];
	[tilespmem:s4+$0x5000] =	vst v3  }
0x1e3: {  	v2 =	vmax.f32 v2, $0.0e+00;
	v3 =	vadd.f32 v5, v6;
	v5 =	vld [tilespmem:s4+$0xFFFFFF50]  }
0x1e4: {  	[tilespmem:s4+$0x4F10] =	vst v2;
	v2 =	vld [tilespmem:s4+$0x2750]  }
0x1e5: {  	v3 =	vmax.f32 v3, $0.0e+00;
	v1 =	vadd.f32 v8, v1;
	v6 =	vld [tilespmem:s4+$0xFFFFFF60]  }
0x1e6: {  	[tilespmem:s4+$0x4F20] =	vst v3;
	v3 =	vld [tilespmem:s4+$0x2760]  }
0x1e7: {  	v1 =	vmax.f32 v1, $0.0e+00;
	v4 =	vadd.f32 v7, v4;
	v7 =	vld [tilespmem:s4+$0xFFFFFF70]  }
0x1e8: {  	[tilespmem:s4+$0x4F30] =	vst v1;
	v1 =	vld [tilespmem:s4+$0x2770]  }
0x1e9: {  	v4 =	vmax.f32 v4, $0.0e+00;
	v2 =	vadd.f32 v2, v5;
	v5 =	vld [tilespmem:s4+$0xFFFFFF80]  }
0x1ea: {  	[tilespmem:s4+$0x4F40] =	vst v4;
	v4 =	vld [tilespmem:s4+$0x2780]  }
0x1eb: {  	v2 =	vmax.f32 v2, $0.0e+00;
	v3 =	vadd.f32 v3, v6;
	v6 =	vld [tilespmem:s4+$0xFFFFFF90]  }
0x1ec: {  	[tilespmem:s4+$0x4F50] =	vst v2;
	v2 =	vld [tilespmem:s4+$0x2790]  }
0x1ed: {  	v3 =	vmax.f32 v3, $0.0e+00;
	v1 =	vadd.f32 v1, v7;
	v7 =	vld [tilespmem:s4+$0xFFFFFFA0]  }
0x1ee: {  	[tilespmem:s4+$0x4F60] =	vst v3;
	v3 =	vld [tilespmem:s4+$0x27A0]  }
0x1ef: {  	v1 =	vmax.f32 v1, $0.0e+00;
	v4 =	vadd.f32 v4, v5;
	v5 =	vld [tilespmem:s4+$0xFFFFFFB0]  }
0x1f0: {  	[tilespmem:s4+$0x4F70] =	vst v1;
	v1 =	vld [tilespmem:s4+$0x27B0]  }
0x1f1: {  	v4 =	vmax.f32 v4, $0.0e+00;
	v2 =	vadd.f32 v2, v6;
	v6 =	vld [tilespmem:s4+$0xFFFFFFC0]  }
0x1f2: {  	[tilespmem:s4+$0x4F80] =	vst v4;
	v8 =	vld [tilespmem:s4+$0x27C0]  }
0x1f3: {  	v2 =	vmax.f32 v2, $0.0e+00;
	v3 =	vadd.f32 v3, v7;
	v9 =	vld [tilespmem:s4+$0xFFFFFFD0]  }
0x1f4: {  	[tilespmem:s4+$0x4F90] =	vst v2;
	v10 =	vld [tilespmem:s4+$0x27D0]  }
.Ltmp5:
0x1f5: {  	v2 =	vmax.f32 v3, $0.0e+00;
	v3 =	vadd.f32 v1, v5;
	v1 =	vld [tilespmem:s4+$0xFFFFFFE0];
	(pc) =	sbr.rel @p0 .LBB2_9-.Ltmp5, $4  }
0x1f6: {  	[tilespmem:s4+$0x4FA0] =	vst v2;
	v4 =	vld [tilespmem:s4+$0x27E0]  }
0x1f7: {  	v3 =	vmax.f32 v3, $0.0e+00;
	v6 =	vadd.f32 v8, v6;
	v2 =	vld [tilespmem:s4+$0xFFFFFFF0]  }
0x1f8: {  	s9 =	sshra.s32 s12, $0x2;
	[tilespmem:s4+$0x4FB0] =	vst v3;
	v5 =	vld [tilespmem:s4+$0x27F0]  }
0x1f9: {  	s12 =	sadd.s32 $0x400, s12;
	v3 =	vld [tilespmem:s9+$0x0];
	v7 =	vmax.f32 v6, $0.0e+00;
	v6 =	vadd.f32 v10, v9  }
0x1fa: {  	v8 =	vld [tilespmem:s9+$0x2800];
	[tilespmem:s4+$0x4FC0] =	vst v7  }
0x1fb: {  	v7 =	vld [tilespmem:s9+$0xFFFFFF10];
	v6 =	vmax.f32 v6, $0.0e+00;
	v1 =	vadd.f32 v4, v1  }
0x1fc: {  	v9 =	vld [tilespmem:s9+$0x2710];
	[tilespmem:s4+$0x4FD0] =	vst v6  }
0x1fd: {  	v4 =	vld [tilespmem:s9+$0xFFFFFF20];
	v1 =	vmax.f32 v1, $0.0e+00;
	v2 =	vadd.f32 v5, v2  }
0x1fe: {  	v6 =	vld [tilespmem:s9+$0x2720];
	[tilespmem:s4+$0x4FE0] =	vst v1  }
0x1ff: {  	v1 =	vld [tilespmem:s9+$0xFFFFFF30];
	v2 =	vmax.f32 v2, $0.0e+00  }
0x200: {  	v5 =	vld [tilespmem:s9+$0x2730];
	v3 =	vadd.f32 v8, v3;
	[tilespmem:s4+$0x4FF0] =	vst v2  }
0x201: {  	v7 =	vadd.f32 v9, v7;
	v2 =	vld [tilespmem:s9+$0xFFFFFF40]  }
0x202: {  	v3 =	vmax.f32 v3, $0.0e+00;
	v8 =	vld [tilespmem:s9+$0x2740]  }
0x203: {  	[tilespmem:s9+$0x5000] =	vst v3;
	v3 =	vmax.f32 v7, $0.0e+00;
	v7 =	vld [tilespmem:s9+$0xFFFFFF50]  }
0x204: {  	v4 =	vadd.f32 v6, v4;
	v6 =	vld [tilespmem:s9+$0xFFFFFF60]  }
0x205: {  	[tilespmem:s9+$0x4F10] =	vst v3;
	v3 =	vld [tilespmem:s9+$0x2750];
	v1 =	vadd.f32 v5, v1  }
0x206: {  	v4 =	vmax.f32 v4, $0.0e+00;
	v5 =	vld [tilespmem:s9+$0xFFFFFF70]  }
0x207: {  	[tilespmem:s9+$0x4F20] =	vst v4;
	v4 =	vld [tilespmem:s9+$0x2760];
	v1 =	vmax.f32 v1, $0.0e+00  }
0x208: {  	v2 =	vadd.f32 v8, v2;
	[tilespmem:s9+$0x4F30] =	vst v1;
	v1 =	vld [tilespmem:s9+$0x2770]  }
0x209: {  	v8 =	vld [tilespmem:s9+$0xFFFFFF80]  }
0x20a: {  	v2 =	vmax.f32 v2, $0.0e+00;
	v3 =	vadd.f32 v3, v7;
	v7 =	vld [tilespmem:s9+$0xFFFFFF90]  }
0x20b: {  	[tilespmem:s9+$0x4F40] =	vst v2;
	v2 =	vld [tilespmem:s9+$0x2780]  }
0x20c: {  	v3 =	vmax.f32 v3, $0.0e+00;
	v4 =	vadd.f32 v4, v6;
	v6 =	vld [tilespmem:s9+$0xFFFFFFA0]  }
0x20d: {  	[tilespmem:s9+$0x4F50] =	vst v3;
	v3 =	vld [tilespmem:s9+$0x2790];
	v1 =	vadd.f32 v1, v5  }
0x20e: {  	v4 =	vmax.f32 v4, $0.0e+00;
	v5 =	vld [tilespmem:s9+$0xFFFFFFB0]  }
0x20f: {  	[tilespmem:s9+$0x4F60] =	vst v4;
	v4 =	vld [tilespmem:s9+$0x27A0];
	v1 =	vmax.f32 v1, $0.0e+00  }
0x210: {  	v2 =	vadd.f32 v2, v8;
	[tilespmem:s9+$0x4F70] =	vst v1;
	v1 =	vld [tilespmem:s9+$0x27B0]  }
0x211: {  	v8 =	vld [tilespmem:s9+$0xFFFFFFC0]  }
0x212: {  	v2 =	vmax.f32 v2, $0.0e+00;
	v3 =	vadd.f32 v3, v7;
	v7 =	vld [tilespmem:s9+$0xFFFFFFD0]  }
0x213: {  	[tilespmem:s9+$0x4F80] =	vst v2;
	v2 =	vld [tilespmem:s9+$0x27C0]  }
0x214: {  	v3 =	vmax.f32 v3, $0.0e+00;
	v4 =	vadd.f32 v4, v6;
	v6 =	vld [tilespmem:s9+$0xFFFFFFE0]  }
0x215: {  	[tilespmem:s9+$0x4F90] =	vst v3;
	v3 =	vld [tilespmem:s9+$0x27D0];
	v1 =	vadd.f32 v1, v5  }
0x216: {  	v4 =	vmax.f32 v4, $0.0e+00;
	v5 =	vld [tilespmem:s9+$0xFFFFFFF0]  }
0x217: {  	[tilespmem:s9+$0x4FA0] =	vst v4;
	v4 =	vld [tilespmem:s9+$0x27E0];
	v1 =	vmax.f32 v1, $0.0e+00  }
0x218: {  	[tilespmem:s9+$0x4FB0] =	vst v1;
	v1 =	vld [tilespmem:s9+$0x27F0];
	_ =	sdelay $0x1  }
0x219: {  	v2 =	vadd.f32 v2, v8  }
0x21a: {  	v3 =	vadd.f32 v3, v7  }
0x21b: {  	v2 =	vmax.f32 v2, $0.0e+00;
	v4 =	vadd.f32 v4, v6  }
0x21c: {  	[tilespmem:s9+$0x4FC0] =	vst v2;
	v2 =	vmax.f32 v3, $0.0e+00;
	v1 =	vadd.f32 v1, v5  }
0x21d: {  	[tilespmem:s9+$0x4FD0] =	vst v2;
	v2 =	vmax.f32 v4, $0.0e+00  }
0x21e: {  	[tilespmem:s9+$0x4FE0] =	vst v2;
	v1 =	vmax.f32 v1, $0.0e+00  }
0x21f: {  	s25 =	simm.s32 $0xD;
	[tilespmem:s9+$0x4FF0] =	vst v1  }
0x220: {  	_ =	swait.ge [sflag:s25], $0x28  }
0x221: {  	[sflag:s25] =	ssyncset.done $0x0  }
0x222: {  	s9 =	simm.s32 $0x7B00;
	[sflag:s25] =	ssyncadd.s32 $0xFFFFFFD8  }
0x223: {  	[spmem:s3] =	stream.indirect.scatter.add.f32 [tilespmem:s11], [sflag:$0x5], $0x80, s9, s14, $0xb8;
	[tilespmem:$0x1BE00] =	vst v63  }
0x224: {  	s4 =	smul.u32 $0x140, s23;
	_ =	swait.ge [sflag:s13], $0x28  }
0x225: {  	[sflag:s13] =	ssyncset.done $0x0;
	s10 =	rddreg [dreg:$0xf]  }
0x226: {  	s12 =	sld [smem:$0x7FB];
	[sflag:s13] =	ssyncadd.s32 $0xFFFFFFD8;
	s9 =	sadd.s32 s10, s4  }
0x227: {  	[tilespmem:s5], [sflag:$0x1] =	stream.indirect.gather [hbm4b:s1+s14], $0x80, s26, s14, $0xb8;
	[tilespmem:$0x1BE00] =	vst v63  }
0x228: {  	s9 =	sshll.u32 s9, $0x4  }
0x229: {  	s10 =	simm.s32 $0x2800;
	s9 =	sadd.s32 s6, s9;
	s12 =	sadd.s32 s12, s4  }
0x22a: {  	[tilespmem:s10], [sflag:$0x3] =	stream.linear.gather [hbm4b:s9+s5], $0x1400, $0x38;
	[tilespmem:$0x1BE00] =	vst v63  }
0x22b: {  	s9 =	sshrl.u32 s12, $0x3  }
0x22c: {  	s15 =	sadd.s32 s8, s9  }
0x22d: {  	[tilespmem:s0], [sflag:$0x8] =	stream.linear.gather [hbm4b:s15+s5], $0x28, $0x38;
	[tilespmem:$0x1BE00] =	vst v63  }
0x22e: {  	s25 =	simm.s32 $0x7C80;
	s9 =	sadd.s32 s2, s9  }
0x22f: {  	[tilespmem:s25], [sflag:$0x10] =	stream.linear.gather [hbm4b:s9+s5], $0x28, $0x38;
	[tilespmem:$0x1BE00] =	vst v63  }
0x230: {  	_ =	swait.ge [sflag:s30], $0x1400  }
0x231: {  	[sflag:s30] =	ssyncset.done $0x0  }
0x232: {  	[sflag:s30] =	ssyncadd.s32 $0xFFFFEC00  }
0x233: {  	_ =	swait.ge [sflag:s19], $0x1400  }
0x234: {  	[sflag:s19] =	ssyncset.done $0x0  }
0x235: {  	[sflag:s19] =	ssyncadd.s32 $0xFFFFEC00  }
0x236: {  	_ =	swait.ge [sflag:s31], $0x1400  }
0x237: {  	[sflag:s31] =	ssyncset.done $0x0  }
0x238: {  	s15 =	simm.s32 $0xF0;
	[sflag:s31] =	ssyncadd.s32 $0xFFFFEC00  }
0x239: {  	v1 =	vld [tilespmem:s15+$0x1400]  }
0x23a: {  	v2 =	vld [tilespmem:s15+$0x3C00]  }
0x23b: {  	v3 =	vld [tilespmem:s15+$0x1310]  }
0x23c: {  	v4 =	vld [tilespmem:s15+$0x3B10]  }
0x23d: {  	v5 =	vld [tilespmem:s15+$0x1320]  }
0x23e: {  	v6 =	vld [tilespmem:s15+$0x3B20]  }
0x23f: {  	v7 =	vld [tilespmem:s15+$0x1330]  }
0x240: {  	v1 =	vadd.f32 v2, v1;
	v2 =	vld [tilespmem:s15+$0x3B30]  }
0x241: {  	v8 =	vld [tilespmem:s15+$0x1340]  }
0x242: {  	v3 =	vadd.f32 v4, v3;
	v4 =	vld [tilespmem:s15+$0x3B40]  }
0x243: {  	v5 =	vadd.f32 v6, v5;
	v6 =	vld [tilespmem:s15+$0x1360];
	v1 =	vmax.f32 v1, $0.0e+00  }
0x244: {  	[tilespmem:s15+$0x6400] =	vst v1;
	v1 =	vmax.f32 v3, $0.0e+00;
	v3 =	vld [tilespmem:s15+$0x1350]  }
0x245: {  	v5 =	vmax.f32 v5, $0.0e+00;
	[tilespmem:s15+$0x6310] =	vst v1;
	v1 =	vld [tilespmem:s15+$0x3B50];
	v2 =	vadd.f32 v2, v7  }
0x246: {  	[tilespmem:s15+$0x6320] =	vst v5;
	v5 =	vld [tilespmem:s15+$0x3B60]  }
0x247: {  	v7 =	vld [tilespmem:s15+$0x1370];
	v2 =	vmax.f32 v2, $0.0e+00  }
0x248: {  	v4 =	vadd.f32 v4, v8;
	[tilespmem:s15+$0x6330] =	vst v2;
	v2 =	vld [tilespmem:s15+$0x3B70]  }
0x249: {  	v8 =	vld [tilespmem:s15+$0x1380]  }
0x24a: {  	v4 =	vmax.f32 v4, $0.0e+00;
	v1 =	vadd.f32 v1, v3;
	v3 =	vld [tilespmem:s15+$0x3B80]  }
0x24b: {  	[tilespmem:s15+$0x6340] =	vst v4;
	v4 =	vld [tilespmem:s15+$0x1390];
	v5 =	vadd.f32 v5, v6  }
0x24c: {  	v6 =	vld [tilespmem:s15+$0x13A0];
	v1 =	vmax.f32 v1, $0.0e+00  }
0x24d: {  	v5 =	vmax.f32 v5, $0.0e+00;
	[tilespmem:s15+$0x6350] =	vst v1;
	v1 =	vld [tilespmem:s15+$0x3B90];
	v2 =	vadd.f32 v2, v7  }
0x24e: {  	[tilespmem:s15+$0x6360] =	vst v5;
	v5 =	vld [tilespmem:s15+$0x3BA0]  }
0x24f: {  	v7 =	vld [tilespmem:s15+$0x13B0];
	v3 =	vadd.f32 v3, v8;
	v2 =	vmax.f32 v2, $0.0e+00  }
0x250: {  	[tilespmem:s15+$0x6370] =	vst v2;
	v2 =	vld [tilespmem:s15+$0x3BB0]  }
0x251: {  	v8 =	vld [tilespmem:s15+$0x13C0];
	v3 =	vmax.f32 v3, $0.0e+00  }
0x252: {  	v1 =	vadd.f32 v1, v4;
	[tilespmem:s15+$0x6380] =	vst v3;
	v3 =	vld [tilespmem:s15+$0x3BC0]  }
0x253: {  	v63 =	vld [tilespmem:s15+$0x13D0];
	v4 =	vadd.f32 v5, v6  }
0x254: {  	v6 =	vld [tilespmem:s15+$0x3BD0];
	v1 =	vmax.f32 v1, $0.0e+00  }
0x255: {  	v4 =	vmax.f32 v4, $0.0e+00;
	[tilespmem:s15+$0x6390] =	vst v1;
	v1 =	vld [tilespmem:s15+$0x13E0];
	v2 =	vadd.f32 v2, v7  }
0x256: {  	[tilespmem:s15+$0x63A0] =	vst v4;
	v4 =	vld [tilespmem:s15+$0x3BE0]  }
0x257: {  	v7 =	vadd.f32 v3, v8;
	v5 =	vmax.f32 v2, $0.0e+00;
	v2 =	vld [tilespmem:s15+$0x13F0]  }
0x258: {  	s25 =	simm.s32 $0x1F0;
	[tilespmem:s15+$0x63B0] =	vst v5;
	v5 =	vld [tilespmem:s15+$0x3BF0]  }
0x259: {  	s10 =	simm.s32 $0xBC0;
	s9 =	sshll.u32 s23, $0x3;
	v6 =	vadd.f32 v6, v63;
	v7 =	vmax.f32 v7, $0.0e+00;
	v3 =	vld [tilespmem:s25+$0x1400]  }
.LBB2_11:
0x25a: {  	p0 =	sne.s32 s10, $0x4FC0;
	v8 =	vld [tilespmem:s25+$0x3C00];
	[tilespmem:s15+$0x63C0] =	vst v7  }
0x25b: {  	v7 =	vld [tilespmem:s25+$0x1310];
	v6 =	vmax.f32 v6, $0.0e+00;
	v1 =	vadd.f32 v4, v1  }
0x25c: {  	v4 =	vld [tilespmem:s25+$0x3B10];
	[tilespmem:s15+$0x63D0] =	vst v6  }
0x25d: {  	v6 =	vld [tilespmem:s25+$0x1320];
	v1 =	vmax.f32 v1, $0.0e+00;
	v2 =	vadd.f32 v5, v2  }
0x25e: {  	v5 =	vld [tilespmem:s25+$0x3B20];
	[tilespmem:s15+$0x63E0] =	vst v1  }
0x25f: {  	v1 =	vld [tilespmem:s25+$0x1330];
	v3 =	vadd.f32 v8, v3;
	v2 =	vmax.f32 v2, $0.0e+00  }
0x260: {  	v8 =	vld [tilespmem:s25+$0x3B30];
	[tilespmem:s15+$0x63F0] =	vst v2;
	s15 =	smov.u32 s25  }
0x261: {  	v2 =	vadd.f32 v4, v7;
	v4 =	vld [tilespmem:s15+$0x1340];
	v3 =	vmax.f32 v3, $0.0e+00  }
0x262: {  	v7 =	vld [tilespmem:s15+$0x3B40];
	[tilespmem:s15+$0x6400] =	vst v3  }
0x263: {  	v2 =	vmax.f32 v2, $0.0e+00;
	v3 =	vadd.f32 v5, v6;
	v5 =	vld [tilespmem:s15+$0x1350]  }
0x264: {  	[tilespmem:s15+$0x6310] =	vst v2;
	v2 =	vld [tilespmem:s15+$0x3B50]  }
0x265: {  	v3 =	vmax.f32 v3, $0.0e+00;
	v1 =	vadd.f32 v8, v1;
	v6 =	vld [tilespmem:s15+$0x1360]  }
0x266: {  	[tilespmem:s15+$0x6320] =	vst v3;
	v3 =	vld [tilespmem:s15+$0x3B60]  }
0x267: {  	v1 =	vmax.f32 v1, $0.0e+00;
	v4 =	vadd.f32 v7, v4;
	v7 =	vld [tilespmem:s15+$0x1370]  }
0x268: {  	[tilespmem:s15+$0x6330] =	vst v1;
	v1 =	vld [tilespmem:s15+$0x3B70]  }
0x269: {  	v4 =	vmax.f32 v4, $0.0e+00;
	v2 =	vadd.f32 v2, v5;
	v5 =	vld [tilespmem:s15+$0x1380]  }
0x26a: {  	[tilespmem:s15+$0x6340] =	vst v4;
	v4 =	vld [tilespmem:s15+$0x3B80]  }
0x26b: {  	v2 =	vmax.f32 v2, $0.0e+00;
	v3 =	vadd.f32 v3, v6;
	v6 =	vld [tilespmem:s15+$0x1390]  }
0x26c: {  	[tilespmem:s15+$0x6350] =	vst v2;
	v2 =	vld [tilespmem:s15+$0x3B90]  }
0x26d: {  	v3 =	vmax.f32 v3, $0.0e+00;
	v1 =	vadd.f32 v1, v7;
	v7 =	vld [tilespmem:s15+$0x13A0]  }
0x26e: {  	[tilespmem:s15+$0x6360] =	vst v3;
	v3 =	vld [tilespmem:s15+$0x3BA0]  }
0x26f: {  	v1 =	vmax.f32 v1, $0.0e+00;
	v4 =	vadd.f32 v4, v5;
	v5 =	vld [tilespmem:s15+$0x13B0]  }
0x270: {  	[tilespmem:s15+$0x6370] =	vst v1;
	v1 =	vld [tilespmem:s15+$0x3BB0]  }
0x271: {  	v4 =	vmax.f32 v4, $0.0e+00;
	v2 =	vadd.f32 v2, v6;
	v6 =	vld [tilespmem:s15+$0x13C0]  }
0x272: {  	[tilespmem:s15+$0x6380] =	vst v4;
	v8 =	vld [tilespmem:s15+$0x3BC0]  }
0x273: {  	v2 =	vmax.f32 v2, $0.0e+00;
	v3 =	vadd.f32 v3, v7;
	v9 =	vld [tilespmem:s15+$0x13D0]  }
0x274: {  	[tilespmem:s15+$0x6390] =	vst v2;
	v10 =	vld [tilespmem:s15+$0x3BD0]  }
.Ltmp6:
0x275: {  	v2 =	vmax.f32 v3, $0.0e+00;
	v3 =	vadd.f32 v1, v5;
	v1 =	vld [tilespmem:s15+$0x13E0];
	(pc) =	sbr.rel @p0 .LBB2_11-.Ltmp6, $4  }
0x276: {  	[tilespmem:s15+$0x63A0] =	vst v2;
	v4 =	vld [tilespmem:s15+$0x3BE0]  }
0x277: {  	v3 =	vmax.f32 v3, $0.0e+00;
	v6 =	vadd.f32 v8, v6;
	v2 =	vld [tilespmem:s15+$0x13F0]  }
0x278: {  	s25 =	sshra.s32 s10, $0x2;
	[tilespmem:s15+$0x63B0] =	vst v3;
	v5 =	vld [tilespmem:s15+$0x3BF0]  }
0x279: {  	s10 =	sadd.s32 $0x400, s10;
	v3 =	vld [tilespmem:s25+$0x1400];
	v7 =	vmax.f32 v6, $0.0e+00;
	v6 =	vadd.f32 v10, v9  }
0x27a: {  	v8 =	vld [tilespmem:s25+$0x3C00];
	[tilespmem:s15+$0x63C0] =	vst v7  }
0x27b: {  	v7 =	vld [tilespmem:s25+$0x1310];
	v6 =	vmax.f32 v6, $0.0e+00;
	v1 =	vadd.f32 v4, v1  }
0x27c: {  	v9 =	vld [tilespmem:s25+$0x3B10];
	[tilespmem:s15+$0x63D0] =	vst v6  }
0x27d: {  	v4 =	vld [tilespmem:s25+$0x1320];
	v1 =	vmax.f32 v1, $0.0e+00;
	v2 =	vadd.f32 v5, v2  }
0x27e: {  	v6 =	vld [tilespmem:s25+$0x3B20];
	[tilespmem:s15+$0x63E0] =	vst v1  }
0x27f: {  	v1 =	vld [tilespmem:s25+$0x1330];
	v2 =	vmax.f32 v2, $0.0e+00  }
0x280: {  	v5 =	vld [tilespmem:s25+$0x3B30];
	v3 =	vadd.f32 v8, v3;
	[tilespmem:s15+$0x63F0] =	vst v2  }
0x281: {  	v7 =	vadd.f32 v9, v7;
	v2 =	vld [tilespmem:s25+$0x1340]  }
0x282: {  	v3 =	vmax.f32 v3, $0.0e+00;
	v8 =	vld [tilespmem:s25+$0x3B40]  }
0x283: {  	[tilespmem:s25+$0x6400] =	vst v3;
	v3 =	vmax.f32 v7, $0.0e+00;
	v7 =	vld [tilespmem:s25+$0x1350]  }
0x284: {  	v4 =	vadd.f32 v6, v4;
	v6 =	vld [tilespmem:s25+$0x1360]  }
0x285: {  	[tilespmem:s25+$0x6310] =	vst v3;
	v3 =	vld [tilespmem:s25+$0x3B50];
	v1 =	vadd.f32 v5, v1  }
0x286: {  	v4 =	vmax.f32 v4, $0.0e+00;
	v5 =	vld [tilespmem:s25+$0x1370]  }
0x287: {  	[tilespmem:s25+$0x6320] =	vst v4;
	v4 =	vld [tilespmem:s25+$0x3B60];
	v1 =	vmax.f32 v1, $0.0e+00  }
0x288: {  	v2 =	vadd.f32 v8, v2;
	[tilespmem:s25+$0x6330] =	vst v1;
	v1 =	vld [tilespmem:s25+$0x3B70]  }
0x289: {  	v8 =	vld [tilespmem:s25+$0x1380]  }
0x28a: {  	v2 =	vmax.f32 v2, $0.0e+00;
	v3 =	vadd.f32 v3, v7;
	v7 =	vld [tilespmem:s25+$0x1390]  }
0x28b: {  	[tilespmem:s25+$0x6340] =	vst v2;
	v2 =	vld [tilespmem:s25+$0x3B80]  }
0x28c: {  	v3 =	vmax.f32 v3, $0.0e+00;
	v4 =	vadd.f32 v4, v6;
	v6 =	vld [tilespmem:s25+$0x13A0]  }
0x28d: {  	[tilespmem:s25+$0x6350] =	vst v3;
	v3 =	vld [tilespmem:s25+$0x3B90];
	v1 =	vadd.f32 v1, v5  }
0x28e: {  	v4 =	vmax.f32 v4, $0.0e+00;
	v5 =	vld [tilespmem:s25+$0x13B0]  }
0x28f: {  	[tilespmem:s25+$0x6360] =	vst v4;
	v4 =	vld [tilespmem:s25+$0x3BA0];
	v1 =	vmax.f32 v1, $0.0e+00  }
0x290: {  	v2 =	vadd.f32 v2, v8;
	[tilespmem:s25+$0x6370] =	vst v1;
	v1 =	vld [tilespmem:s25+$0x3BB0]  }
0x291: {  	v8 =	vld [tilespmem:s25+$0x13C0]  }
0x292: {  	v2 =	vmax.f32 v2, $0.0e+00;
	v3 =	vadd.f32 v3, v7;
	v7 =	vld [tilespmem:s25+$0x13D0]  }
0x293: {  	[tilespmem:s25+$0x6380] =	vst v2;
	v2 =	vld [tilespmem:s25+$0x3BC0]  }
0x294: {  	v3 =	vmax.f32 v3, $0.0e+00;
	v4 =	vadd.f32 v4, v6;
	v6 =	vld [tilespmem:s25+$0x13E0]  }
0x295: {  	[tilespmem:s25+$0x6390] =	vst v3;
	v3 =	vld [tilespmem:s25+$0x3BD0];
	v1 =	vadd.f32 v1, v5  }
0x296: {  	v4 =	vmax.f32 v4, $0.0e+00;
	v5 =	vld [tilespmem:s25+$0x13F0]  }
0x297: {  	[tilespmem:s25+$0x63A0] =	vst v4;
	v4 =	vld [tilespmem:s25+$0x3BE0];
	v1 =	vmax.f32 v1, $0.0e+00  }
0x298: {  	[tilespmem:s25+$0x63B0] =	vst v1;
	v1 =	vld [tilespmem:s25+$0x3BF0];
	_ =	sdelay $0x1  }
0x299: {  	v2 =	vadd.f32 v2, v8  }
0x29a: {  	v3 =	vadd.f32 v3, v7  }
0x29b: {  	v2 =	vmax.f32 v2, $0.0e+00;
	v4 =	vadd.f32 v4, v6  }
0x29c: {  	[tilespmem:s25+$0x63C0] =	vst v2;
	v2 =	vmax.f32 v3, $0.0e+00;
	v1 =	vadd.f32 v1, v5  }
0x29d: {  	[tilespmem:s25+$0x63D0] =	vst v2;
	v2 =	vmax.f32 v4, $0.0e+00  }
0x29e: {  	[tilespmem:s25+$0x63E0] =	vst v2;
	v1 =	vmax.f32 v1, $0.0e+00  }
0x29f: {  	s10 =	simm.s32 $0xE;
	[tilespmem:s25+$0x63F0] =	vst v1  }
0x2a0: {  	_ =	swait.ge [sflag:s10], $0x28  }
0x2a1: {  	[sflag:s10] =	ssyncset.done $0x0  }
0x2a2: {  	s25 =	simm.s32 $0x7B80;
	[sflag:s10] =	ssyncadd.s32 $0xFFFFFFD8  }
0x2a3: {  	[spmem:s3] =	stream.indirect.scatter.add.f32 [tilespmem:s29], [sflag:$0x6], $0x80, s25, s14, $0xb8;
	[tilespmem:$0x1BE00] =	vst v63  }
0x2a4: {  	_ =	swait.ge [sflag:s16], $0x28  }
0x2a5: {  	[sflag:s16] =	ssyncset.done $0x0;
	s15 =	sld [smem:$0x7FC]  }
0x2a6: {  	s12 =	sshll.u32 s12, $0x4;
	[sflag:s16] =	ssyncadd.s32 $0xFFFFFFD8  }
0x2a7: {  	[tilespmem:s17], [sflag:$0x2] =	stream.indirect.gather [hbm4b:s1+s14], $0x80, s0, s14, $0xb8;
	[tilespmem:$0x1BE00] =	vst v63  }
0x2a8: {  	s10 =	sadd.s32 s6, s12;
	s12 =	sadd.s32 s15, s4  }
0x2a9: {  	[tilespmem:s18], [sflag:$0x4] =	stream.linear.gather [hbm4b:s10+s5], $0x1400, $0x38;
	[tilespmem:$0x1BE00] =	vst v63  }
0x2aa: {  	s10 =	sshrl.u32 s12, $0x3  }
0x2ab: {  	s25 =	simm.s32 $0x7900;
	s15 =	sadd.s32 s8, s10  }
0x2ac: {  	[tilespmem:s25], [sflag:$0x9] =	stream.linear.gather [hbm4b:s15+s5], $0x28, $0x38;
	[tilespmem:$0x1BE00] =	vst v63  }
0x2ad: {  	s10 =	sadd.s32 s2, s10;
	s25 =	simm.s32 $0x7D00  }
0x2ae: {  	[tilespmem:s25], [sflag:$0x11] =	stream.linear.gather [hbm4b:s10+s5], $0x28, $0x38;
	[tilespmem:$0x1BE00] =	vst v63  }
0x2af: {  	_ =	swait.ge [sflag:s20], $0x1400  }
0x2b0: {  	[sflag:s20] =	ssyncset.done $0x0  }
0x2b1: {  	[sflag:s20] =	ssyncadd.s32 $0xFFFFEC00  }
0x2b2: {  	_ =	swait.ge [sflag:s21], $0x1400  }
0x2b3: {  	[sflag:s21] =	ssyncset.done $0x0  }
0x2b4: {  	[sflag:s21] =	ssyncadd.s32 $0xFFFFEC00  }
0x2b5: {  	_ =	swait.ge [sflag:s24], $0x1400  }
0x2b6: {  	[sflag:s24] =	ssyncset.done $0x0  }
0x2b7: {  	s15 =	simm.s32 $0xF0;
	[sflag:s24] =	ssyncadd.s32 $0xFFFFEC00  }
0x2b8: {  	v1 =	vld [tilespmem:s15+$0x0]  }
0x2b9: {  	v2 =	vld [tilespmem:s15+$0x2800]  }
0x2ba: {  	v3 =	vld [tilespmem:s15+$0xFFFFFF10]  }
0x2bb: {  	v4 =	vld [tilespmem:s15+$0x2710]  }
0x2bc: {  	v5 =	vld [tilespmem:s15+$0xFFFFFF20]  }
0x2bd: {  	v6 =	vld [tilespmem:s15+$0x2720]  }
0x2be: {  	v7 =	vld [tilespmem:s15+$0xFFFFFF30]  }
0x2bf: {  	v1 =	vadd.f32 v2, v1;
	v2 =	vld [tilespmem:s15+$0x2730]  }
0x2c0: {  	v8 =	vld [tilespmem:s15+$0xFFFFFF40]  }
0x2c1: {  	v3 =	vadd.f32 v4, v3;
	v4 =	vld [tilespmem:s15+$0x2740]  }
0x2c2: {  	v5 =	vadd.f32 v6, v5;
	v6 =	vld [tilespmem:s15+$0xFFFFFF60];
	v1 =	vmax.f32 v1, $0.0e+00  }
0x2c3: {  	[tilespmem:s15+$0x5000] =	vst v1;
	v1 =	vmax.f32 v3, $0.0e+00;
	v3 =	vld [tilespmem:s15+$0xFFFFFF50]  }
0x2c4: {  	v5 =	vmax.f32 v5, $0.0e+00;
	[tilespmem:s15+$0x4F10] =	vst v1;
	v1 =	vld [tilespmem:s15+$0x2750];
	v2 =	vadd.f32 v2, v7  }
0x2c5: {  	[tilespmem:s15+$0x4F20] =	vst v5;
	v5 =	vld [tilespmem:s15+$0x2760]  }
0x2c6: {  	v7 =	vld [tilespmem:s15+$0xFFFFFF70];
	v2 =	vmax.f32 v2, $0.0e+00  }
0x2c7: {  	v4 =	vadd.f32 v4, v8;
	[tilespmem:s15+$0x4F30] =	vst v2;
	v2 =	vld [tilespmem:s15+$0x2770]  }
0x2c8: {  	v8 =	vld [tilespmem:s15+$0xFFFFFF80]  }
0x2c9: {  	v4 =	vmax.f32 v4, $0.0e+00;
	v1 =	vadd.f32 v1, v3;
	v3 =	vld [tilespmem:s15+$0x2780]  }
0x2ca: {  	[tilespmem:s15+$0x4F40] =	vst v4;
	v4 =	vld [tilespmem:s15+$0xFFFFFF90];
	v5 =	vadd.f32 v5, v6  }
0x2cb: {  	v6 =	vld [tilespmem:s15+$0xFFFFFFA0];
	v1 =	vmax.f32 v1, $0.0e+00  }
0x2cc: {  	v5 =	vmax.f32 v5, $0.0e+00;
	[tilespmem:s15+$0x4F50] =	vst v1;
	v1 =	vld [tilespmem:s15+$0x2790];
	v2 =	vadd.f32 v2, v7  }
0x2cd: {  	[tilespmem:s15+$0x4F60] =	vst v5;
	v5 =	vld [tilespmem:s15+$0x27A0]  }
0x2ce: {  	v7 =	vld [tilespmem:s15+$0xFFFFFFB0];
	v3 =	vadd.f32 v3, v8;
	v2 =	vmax.f32 v2, $0.0e+00  }
0x2cf: {  	[tilespmem:s15+$0x4F70] =	vst v2;
	v2 =	vld [tilespmem:s15+$0x27B0]  }
0x2d0: {  	v8 =	vld [tilespmem:s15+$0xFFFFFFC0];
	v3 =	vmax.f32 v3, $0.0e+00  }
0x2d1: {  	v1 =	vadd.f32 v1, v4;
	[tilespmem:s15+$0x4F80] =	vst v3;
	v3 =	vld [tilespmem:s15+$0x27C0]  }
0x2d2: {  	v63 =	vld [tilespmem:s15+$0xFFFFFFD0];
	v4 =	vadd.f32 v5, v6  }
0x2d3: {  	v6 =	vld [tilespmem:s15+$0x27D0];
	v1 =	vmax.f32 v1, $0.0e+00  }
0x2d4: {  	v4 =	vmax.f32 v4, $0.0e+00;
	[tilespmem:s15+$0x4F90] =	vst v1;
	v1 =	vld [tilespmem:s15+$0xFFFFFFE0];
	v2 =	vadd.f32 v2, v7  }
0x2d5: {  	[tilespmem:s15+$0x4FA0] =	vst v4;
	v4 =	vld [tilespmem:s15+$0x27E0]  }
0x2d6: {  	v7 =	vadd.f32 v3, v8;
	v5 =	vmax.f32 v2, $0.0e+00;
	v2 =	vld [tilespmem:s15+$0xFFFFFFF0]  }
0x2d7: {  	s25 =	simm.s32 $0x1F0;
	[tilespmem:s15+$0x4FB0] =	vst v5;
	v5 =	vld [tilespmem:s15+$0x27F0]  }
0x2d8: {  	s10 =	simm.s32 $0xBC0;
	v6 =	vadd.f32 v6, v63;
	v7 =	vmax.f32 v7, $0.0e+00;
	v3 =	vld [tilespmem:s25+$0x0]  }
.LBB2_13:
0x2d9: {  	p0 =	sne.s32 s10, $0x4FC0;
	v8 =	vld [tilespmem:s25+$0x2800];
	[tilespmem:s15+$0x4FC0] =	vst v7  }
0x2da: {  	v7 =	vld [tilespmem:s25+$0xFFFFFF10];
	v6 =	vmax.f32 v6, $0.0e+00;
	v1 =	vadd.f32 v4, v1  }
0x2db: {  	v4 =	vld [tilespmem:s25+$0x2710];
	[tilespmem:s15+$0x4FD0] =	vst v6  }
0x2dc: {  	v6 =	vld [tilespmem:s25+$0xFFFFFF20];
	v1 =	vmax.f32 v1, $0.0e+00;
	v2 =	vadd.f32 v5, v2  }
0x2dd: {  	v5 =	vld [tilespmem:s25+$0x2720];
	[tilespmem:s15+$0x4FE0] =	vst v1  }
0x2de: {  	v1 =	vld [tilespmem:s25+$0xFFFFFF30];
	v3 =	vadd.f32 v8, v3;
	v2 =	vmax.f32 v2, $0.0e+00  }
0x2df: {  	v8 =	vld [tilespmem:s25+$0x2730];
	[tilespmem:s15+$0x4FF0] =	vst v2;
	s15 =	smov.u32 s25  }
0x2e0: {  	v2 =	vadd.f32 v4, v7;
	v4 =	vld [tilespmem:s15+$0xFFFFFF40];
	v3 =	vmax.f32 v3, $0.0e+00  }
0x2e1: {  	v7 =	vld [tilespmem:s15+$0x2740];
	[tilespmem:s15+$0x5000] =	vst v3  }
0x2e2: {  	v2 =	vmax.f32 v2, $0.0e+00;
	v3 =	vadd.f32 v5, v6;
	v5 =	vld [tilespmem:s15+$0xFFFFFF50]  }
0x2e3: {  	[tilespmem:s15+$0x4F10] =	vst v2;
	v2 =	vld [tilespmem:s15+$0x2750]  }
0x2e4: {  	v3 =	vmax.f32 v3, $0.0e+00;
	v1 =	vadd.f32 v8, v1;
	v6 =	vld [tilespmem:s15+$0xFFFFFF60]  }
0x2e5: {  	[tilespmem:s15+$0x4F20] =	vst v3;
	v3 =	vld [tilespmem:s15+$0x2760]  }
0x2e6: {  	v1 =	vmax.f32 v1, $0.0e+00;
	v4 =	vadd.f32 v7, v4;
	v7 =	vld [tilespmem:s15+$0xFFFFFF70]  }
0x2e7: {  	[tilespmem:s15+$0x4F30] =	vst v1;
	v1 =	vld [tilespmem:s15+$0x2770]  }
0x2e8: {  	v4 =	vmax.f32 v4, $0.0e+00;
	v2 =	vadd.f32 v2, v5;
	v5 =	vld [tilespmem:s15+$0xFFFFFF80]  }
0x2e9: {  	[tilespmem:s15+$0x4F40] =	vst v4;
	v4 =	vld [tilespmem:s15+$0x2780]  }
0x2ea: {  	v2 =	vmax.f32 v2, $0.0e+00;
	v3 =	vadd.f32 v3, v6;
	v6 =	vld [tilespmem:s15+$0xFFFFFF90]  }
0x2eb: {  	[tilespmem:s15+$0x4F50] =	vst v2;
	v2 =	vld [tilespmem:s15+$0x2790]  }
0x2ec: {  	v3 =	vmax.f32 v3, $0.0e+00;
	v1 =	vadd.f32 v1, v7;
	v7 =	vld [tilespmem:s15+$0xFFFFFFA0]  }
0x2ed: {  	[tilespmem:s15+$0x4F60] =	vst v3;
	v3 =	vld [tilespmem:s15+$0x27A0]  }
0x2ee: {  	v1 =	vmax.f32 v1, $0.0e+00;
	v4 =	vadd.f32 v4, v5;
	v5 =	vld [tilespmem:s15+$0xFFFFFFB0]  }
0x2ef: {  	[tilespmem:s15+$0x4F70] =	vst v1;
	v1 =	vld [tilespmem:s15+$0x27B0]  }
0x2f0: {  	v4 =	vmax.f32 v4, $0.0e+00;
	v2 =	vadd.f32 v2, v6;
	v6 =	vld [tilespmem:s15+$0xFFFFFFC0]  }
0x2f1: {  	[tilespmem:s15+$0x4F80] =	vst v4;
	v8 =	vld [tilespmem:s15+$0x27C0]  }
0x2f2: {  	v2 =	vmax.f32 v2, $0.0e+00;
	v3 =	vadd.f32 v3, v7;
	v9 =	vld [tilespmem:s15+$0xFFFFFFD0]  }
0x2f3: {  	[tilespmem:s15+$0x4F90] =	vst v2;
	v10 =	vld [tilespmem:s15+$0x27D0]  }
.Ltmp7:
0x2f4: {  	v2 =	vmax.f32 v3, $0.0e+00;
	v3 =	vadd.f32 v1, v5;
	v1 =	vld [tilespmem:s15+$0xFFFFFFE0];
	(pc) =	sbr.rel @p0 .LBB2_13-.Ltmp7, $4  }
0x2f5: {  	[tilespmem:s15+$0x4FA0] =	vst v2;
	v4 =	vld [tilespmem:s15+$0x27E0]  }
0x2f6: {  	v3 =	vmax.f32 v3, $0.0e+00;
	v6 =	vadd.f32 v8, v6;
	v2 =	vld [tilespmem:s15+$0xFFFFFFF0]  }
0x2f7: {  	s25 =	sshra.s32 s10, $0x2;
	[tilespmem:s15+$0x4FB0] =	vst v3;
	v5 =	vld [tilespmem:s15+$0x27F0]  }
0x2f8: {  	s10 =	sadd.s32 $0x400, s10;
	v3 =	vld [tilespmem:s25+$0x0];
	v7 =	vmax.f32 v6, $0.0e+00;
	v6 =	vadd.f32 v10, v9  }
0x2f9: {  	v8 =	vld [tilespmem:s25+$0x2800];
	[tilespmem:s15+$0x4FC0] =	vst v7  }
0x2fa: {  	v7 =	vld [tilespmem:s25+$0xFFFFFF10];
	v6 =	vmax.f32 v6, $0.0e+00;
	v1 =	vadd.f32 v4, v1  }
0x2fb: {  	v9 =	vld [tilespmem:s25+$0x2710];
	[tilespmem:s15+$0x4FD0] =	vst v6  }
0x2fc: {  	v4 =	vld [tilespmem:s25+$0xFFFFFF20];
	v1 =	vmax.f32 v1, $0.0e+00;
	v2 =	vadd.f32 v5, v2  }
0x2fd: {  	v6 =	vld [tilespmem:s25+$0x2720];
	[tilespmem:s15+$0x4FE0] =	vst v1  }
0x2fe: {  	v1 =	vld [tilespmem:s25+$0xFFFFFF30];
	v2 =	vmax.f32 v2, $0.0e+00  }
0x2ff: {  	v5 =	vld [tilespmem:s25+$0x2730];
	v3 =	vadd.f32 v8, v3;
	[tilespmem:s15+$0x4FF0] =	vst v2  }
0x300: {  	v7 =	vadd.f32 v9, v7;
	v2 =	vld [tilespmem:s25+$0xFFFFFF40]  }
0x301: {  	v3 =	vmax.f32 v3, $0.0e+00;
	v8 =	vld [tilespmem:s25+$0x2740]  }
0x302: {  	[tilespmem:s25+$0x5000] =	vst v3;
	v3 =	vmax.f32 v7, $0.0e+00;
	v7 =	vld [tilespmem:s25+$0xFFFFFF50]  }
0x303: {  	v4 =	vadd.f32 v6, v4;
	v6 =	vld [tilespmem:s25+$0xFFFFFF60]  }
0x304: {  	[tilespmem:s25+$0x4F10] =	vst v3;
	v3 =	vld [tilespmem:s25+$0x2750];
	v1 =	vadd.f32 v5, v1  }
0x305: {  	v4 =	vmax.f32 v4, $0.0e+00;
	v5 =	vld [tilespmem:s25+$0xFFFFFF70]  }
0x306: {  	[tilespmem:s25+$0x4F20] =	vst v4;
	v4 =	vld [tilespmem:s25+$0x2760];
	v1 =	vmax.f32 v1, $0.0e+00  }
0x307: {  	v2 =	vadd.f32 v8, v2;
	[tilespmem:s25+$0x4F30] =	vst v1;
	v1 =	vld [tilespmem:s25+$0x2770]  }
0x308: {  	v8 =	vld [tilespmem:s25+$0xFFFFFF80]  }
0x309: {  	v2 =	vmax.f32 v2, $0.0e+00;
	v3 =	vadd.f32 v3, v7;
	v7 =	vld [tilespmem:s25+$0xFFFFFF90]  }
0x30a: {  	[tilespmem:s25+$0x4F40] =	vst v2;
	v2 =	vld [tilespmem:s25+$0x2780]  }
0x30b: {  	v3 =	vmax.f32 v3, $0.0e+00;
	v4 =	vadd.f32 v4, v6;
	v6 =	vld [tilespmem:s25+$0xFFFFFFA0]  }
0x30c: {  	[tilespmem:s25+$0x4F50] =	vst v3;
	v3 =	vld [tilespmem:s25+$0x2790];
	v1 =	vadd.f32 v1, v5  }
0x30d: {  	v4 =	vmax.f32 v4, $0.0e+00;
	v5 =	vld [tilespmem:s25+$0xFFFFFFB0]  }
0x30e: {  	[tilespmem:s25+$0x4F60] =	vst v4;
	v4 =	vld [tilespmem:s25+$0x27A0];
	v1 =	vmax.f32 v1, $0.0e+00  }
0x30f: {  	v2 =	vadd.f32 v2, v8;
	[tilespmem:s25+$0x4F70] =	vst v1;
	v1 =	vld [tilespmem:s25+$0x27B0]  }
0x310: {  	v8 =	vld [tilespmem:s25+$0xFFFFFFC0]  }
0x311: {  	v2 =	vmax.f32 v2, $0.0e+00;
	v3 =	vadd.f32 v3, v7;
	v7 =	vld [tilespmem:s25+$0xFFFFFFD0]  }
0x312: {  	[tilespmem:s25+$0x4F80] =	vst v2;
	v2 =	vld [tilespmem:s25+$0x27C0]  }
0x313: {  	v3 =	vmax.f32 v3, $0.0e+00;
	v4 =	vadd.f32 v4, v6;
	v6 =	vld [tilespmem:s25+$0xFFFFFFE0]  }
0x314: {  	[tilespmem:s25+$0x4F90] =	vst v3;
	v3 =	vld [tilespmem:s25+$0x27D0];
	v1 =	vadd.f32 v1, v5  }
0x315: {  	v4 =	vmax.f32 v4, $0.0e+00;
	v5 =	vld [tilespmem:s25+$0xFFFFFFF0]  }
0x316: {  	[tilespmem:s25+$0x4FA0] =	vst v4;
	v4 =	vld [tilespmem:s25+$0x27E0];
	v1 =	vmax.f32 v1, $0.0e+00  }
0x317: {  	[tilespmem:s25+$0x4FB0] =	vst v1;
	v1 =	vld [tilespmem:s25+$0x27F0];
	_ =	sdelay $0x1  }
0x318: {  	v2 =	vadd.f32 v2, v8  }
0x319: {  	v3 =	vadd.f32 v3, v7  }
0x31a: {  	v2 =	vmax.f32 v2, $0.0e+00;
	v4 =	vadd.f32 v4, v6  }
0x31b: {  	[tilespmem:s25+$0x4FC0] =	vst v2;
	v2 =	vmax.f32 v3, $0.0e+00;
	v1 =	vadd.f32 v1, v5  }
0x31c: {  	[tilespmem:s25+$0x4FD0] =	vst v2;
	v2 =	vmax.f32 v4, $0.0e+00  }
0x31d: {  	[tilespmem:s25+$0x4FE0] =	vst v2;
	v1 =	vmax.f32 v1, $0.0e+00  }
0x31e: {  	s10 =	simm.s32 $0xF;
	[tilespmem:s25+$0x4FF0] =	vst v1  }
0x31f: {  	_ =	swait.ge [sflag:s10], $0x28  }
0x320: {  	[sflag:s10] =	ssyncset.done $0x0  }
0x321: {  	s15 =	simm.s32 $0x9;
	s25 =	simm.s32 $0x7C00;
	[sflag:s10] =	ssyncadd.s32 $0xFFFFFFD8  }
0x322: {  	[spmem:s3] =	stream.indirect.scatter.add.f32 [tilespmem:s11], [sflag:$0x5], $0x80, s25, s14, $0xb8;
	[tilespmem:$0x1BE00] =	vst v63  }
0x323: {  	_ =	swait.ge [sflag:s15], $0x28  }
0x324: {  	[sflag:s15] =	ssyncset.done $0x0  }
0x325: {  	s25 =	simm.s32 $0x7900;
	[sflag:s15] =	ssyncadd.s32 $0xFFFFFFD8;
	s15 =	sshll.u32 s12, $0x4  }
0x326: {  	[tilespmem:s5], [sflag:$0x1] =	stream.indirect.gather [hbm4b:s1+s14], $0x80, s25, s14, $0xb8;
	[tilespmem:$0x1BE00] =	vst v63  }
0x327: {  	s10 =	sadd.s32 s6, s15;
	s15 =	sld [smem:$0x7FD]  }
0x328: {  	s25 =	simm.s32 $0x2800  }
0x329: {  	[tilespmem:s25], [sflag:$0x3] =	stream.linear.gather [hbm4b:s10+s5], $0x1400, $0x38;
	[tilespmem:$0x1BE00] =	vst v63  }
0x32a: {  	s12 =	sadd.s32 s15, s4  }
0x32b: {  	s10 =	sshrl.u32 s12, $0x3  }
0x32c: {  	s25 =	simm.s32 $0x7980;
	s15 =	sadd.s32 s8, s10  }
0x32d: {  	[tilespmem:s25], [sflag:$0xA] =	stream.linear.gather [hbm4b:s15+s5], $0x28, $0x38;
	[tilespmem:$0x1BE00] =	vst v63  }
0x32e: {  	s10 =	sadd.s32 s2, s10;
	s25 =	simm.s32 $0x7D80  }
0x32f: {  	[tilespmem:s25], [sflag:$0x12] =	stream.linear.gather [hbm4b:s10+s5], $0x28, $0x38;
	[tilespmem:$0x1BE00] =	vst v63  }
0x330: {  	_ =	swait.ge [sflag:s30], $0x1400  }
0x331: {  	[sflag:s30] =	ssyncset.done $0x0  }
0x332: {  	[sflag:s30] =	ssyncadd.s32 $0xFFFFEC00  }
0x333: {  	_ =	swait.ge [sflag:s19], $0x1400  }
0x334: {  	[sflag:s19] =	ssyncset.done $0x0  }
0x335: {  	[sflag:s19] =	ssyncadd.s32 $0xFFFFEC00  }
0x336: {  	_ =	swait.ge [sflag:s31], $0x1400  }
0x337: {  	[sflag:s31] =	ssyncset.done $0x0  }
0x338: {  	s15 =	simm.s32 $0xF0;
	[sflag:s31] =	ssyncadd.s32 $0xFFFFEC00  }
0x339: {  	v1 =	vld [tilespmem:s15+$0x1400]  }
0x33a: {  	v2 =	vld [tilespmem:s15+$0x3C00]  }
0x33b: {  	v3 =	vld [tilespmem:s15+$0x1310]  }
0x33c: {  	v4 =	vld [tilespmem:s15+$0x3B10]  }
0x33d: {  	v5 =	vld [tilespmem:s15+$0x1320]  }
0x33e: {  	v6 =	vld [tilespmem:s15+$0x3B20]  }
0x33f: {  	v7 =	vld [tilespmem:s15+$0x1330]  }
0x340: {  	v1 =	vadd.f32 v2, v1;
	v2 =	vld [tilespmem:s15+$0x3B30]  }
0x341: {  	v8 =	vld [tilespmem:s15+$0x1340]  }
0x342: {  	v3 =	vadd.f32 v4, v3;
	v4 =	vld [tilespmem:s15+$0x3B40]  }
0x343: {  	v5 =	vadd.f32 v6, v5;
	v6 =	vld [tilespmem:s15+$0x1360];
	v1 =	vmax.f32 v1, $0.0e+00  }
0x344: {  	[tilespmem:s15+$0x6400] =	vst v1;
	v1 =	vmax.f32 v3, $0.0e+00;
	v3 =	vld [tilespmem:s15+$0x1350]  }
0x345: {  	v5 =	vmax.f32 v5, $0.0e+00;
	[tilespmem:s15+$0x6310] =	vst v1;
	v1 =	vld [tilespmem:s15+$0x3B50];
	v2 =	vadd.f32 v2, v7  }
0x346: {  	[tilespmem:s15+$0x6320] =	vst v5;
	v5 =	vld [tilespmem:s15+$0x3B60]  }
0x347: {  	v7 =	vld [tilespmem:s15+$0x1370];
	v2 =	vmax.f32 v2, $0.0e+00  }
0x348: {  	v4 =	vadd.f32 v4, v8;
	[tilespmem:s15+$0x6330] =	vst v2;
	v2 =	vld [tilespmem:s15+$0x3B70]  }
0x349: {  	v8 =	vld [tilespmem:s15+$0x1380]  }
0x34a: {  	v4 =	vmax.f32 v4, $0.0e+00;
	v1 =	vadd.f32 v1, v3;
	v3 =	vld [tilespmem:s15+$0x3B80]  }
0x34b: {  	[tilespmem:s15+$0x6340] =	vst v4;
	v4 =	vld [tilespmem:s15+$0x1390];
	v5 =	vadd.f32 v5, v6  }
0x34c: {  	v6 =	vld [tilespmem:s15+$0x13A0];
	v1 =	vmax.f32 v1, $0.0e+00  }
0x34d: {  	v5 =	vmax.f32 v5, $0.0e+00;
	[tilespmem:s15+$0x6350] =	vst v1;
	v1 =	vld [tilespmem:s15+$0x3B90];
	v2 =	vadd.f32 v2, v7  }
0x34e: {  	[tilespmem:s15+$0x6360] =	vst v5;
	v5 =	vld [tilespmem:s15+$0x3BA0]  }
0x34f: {  	v7 =	vld [tilespmem:s15+$0x13B0];
	v3 =	vadd.f32 v3, v8;
	v2 =	vmax.f32 v2, $0.0e+00  }
0x350: {  	[tilespmem:s15+$0x6370] =	vst v2;
	v2 =	vld [tilespmem:s15+$0x3BB0]  }
0x351: {  	v8 =	vld [tilespmem:s15+$0x13C0];
	v3 =	vmax.f32 v3, $0.0e+00  }
0x352: {  	v1 =	vadd.f32 v1, v4;
	[tilespmem:s15+$0x6380] =	vst v3;
	v3 =	vld [tilespmem:s15+$0x3BC0]  }
0x353: {  	v63 =	vld [tilespmem:s15+$0x13D0];
	v4 =	vadd.f32 v5, v6  }
0x354: {  	v6 =	vld [tilespmem:s15+$0x3BD0];
	v1 =	vmax.f32 v1, $0.0e+00  }
0x355: {  	v4 =	vmax.f32 v4, $0.0e+00;
	[tilespmem:s15+$0x6390] =	vst v1;
	v1 =	vld [tilespmem:s15+$0x13E0];
	v2 =	vadd.f32 v2, v7  }
0x356: {  	[tilespmem:s15+$0x63A0] =	vst v4;
	v4 =	vld [tilespmem:s15+$0x3BE0]  }
0x357: {  	v7 =	vadd.f32 v3, v8;
	v5 =	vmax.f32 v2, $0.0e+00;
	v2 =	vld [tilespmem:s15+$0x13F0]  }
0x358: {  	s25 =	simm.s32 $0x1F0;
	[tilespmem:s15+$0x63B0] =	vst v5;
	v5 =	vld [tilespmem:s15+$0x3BF0]  }
0x359: {  	s10 =	simm.s32 $0xBC0;
	v6 =	vadd.f32 v6, v63;
	v7 =	vmax.f32 v7, $0.0e+00;
	v3 =	vld [tilespmem:s25+$0x1400]  }
.LBB2_15:
0x35a: {  	p0 =	sne.s32 s10, $0x4FC0;
	v8 =	vld [tilespmem:s25+$0x3C00];
	[tilespmem:s15+$0x63C0] =	vst v7  }
0x35b: {  	v7 =	vld [tilespmem:s25+$0x1310];
	v6 =	vmax.f32 v6, $0.0e+00;
	v1 =	vadd.f32 v4, v1  }
0x35c: {  	v4 =	vld [tilespmem:s25+$0x3B10];
	[tilespmem:s15+$0x63D0] =	vst v6  }
0x35d: {  	v6 =	vld [tilespmem:s25+$0x1320];
	v1 =	vmax.f32 v1, $0.0e+00;
	v2 =	vadd.f32 v5, v2  }
0x35e: {  	v5 =	vld [tilespmem:s25+$0x3B20];
	[tilespmem:s15+$0x63E0] =	vst v1  }
0x35f: {  	v1 =	vld [tilespmem:s25+$0x1330];
	v3 =	vadd.f32 v8, v3;
	v2 =	vmax.f32 v2, $0.0e+00  }
0x360: {  	v8 =	vld [tilespmem:s25+$0x3B30];
	[tilespmem:s15+$0x63F0] =	vst v2;
	s15 =	smov.u32 s25  }
0x361: {  	v2 =	vadd.f32 v4, v7;
	v4 =	vld [tilespmem:s15+$0x1340];
	v3 =	vmax.f32 v3, $0.0e+00  }
0x362: {  	v7 =	vld [tilespmem:s15+$0x3B40];
	[tilespmem:s15+$0x6400] =	vst v3  }
0x363: {  	v2 =	vmax.f32 v2, $0.0e+00;
	v3 =	vadd.f32 v5, v6;
	v5 =	vld [tilespmem:s15+$0x1350]  }
0x364: {  	[tilespmem:s15+$0x6310] =	vst v2;
	v2 =	vld [tilespmem:s15+$0x3B50]  }
0x365: {  	v3 =	vmax.f32 v3, $0.0e+00;
	v1 =	vadd.f32 v8, v1;
	v6 =	vld [tilespmem:s15+$0x1360]  }
0x366: {  	[tilespmem:s15+$0x6320] =	vst v3;
	v3 =	vld [tilespmem:s15+$0x3B60]  }
0x367: {  	v1 =	vmax.f32 v1, $0.0e+00;
	v4 =	vadd.f32 v7, v4;
	v7 =	vld [tilespmem:s15+$0x1370]  }
0x368: {  	[tilespmem:s15+$0x6330] =	vst v1;
	v1 =	vld [tilespmem:s15+$0x3B70]  }
0x369: {  	v4 =	vmax.f32 v4, $0.0e+00;
	v2 =	vadd.f32 v2, v5;
	v5 =	vld [tilespmem:s15+$0x1380]  }
0x36a: {  	[tilespmem:s15+$0x6340] =	vst v4;
	v4 =	vld [tilespmem:s15+$0x3B80]  }
0x36b: {  	v2 =	vmax.f32 v2, $0.0e+00;
	v3 =	vadd.f32 v3, v6;
	v6 =	vld [tilespmem:s15+$0x1390]  }
0x36c: {  	[tilespmem:s15+$0x6350] =	vst v2;
	v2 =	vld [tilespmem:s15+$0x3B90]  }
0x36d: {  	v3 =	vmax.f32 v3, $0.0e+00;
	v1 =	vadd.f32 v1, v7;
	v7 =	vld [tilespmem:s15+$0x13A0]  }
0x36e: {  	[tilespmem:s15+$0x6360] =	vst v3;
	v3 =	vld [tilespmem:s15+$0x3BA0]  }
0x36f: {  	v1 =	vmax.f32 v1, $0.0e+00;
	v4 =	vadd.f32 v4, v5;
	v5 =	vld [tilespmem:s15+$0x13B0]  }
0x370: {  	[tilespmem:s15+$0x6370] =	vst v1;
	v1 =	vld [tilespmem:s15+$0x3BB0]  }
0x371: {  	v4 =	vmax.f32 v4, $0.0e+00;
	v2 =	vadd.f32 v2, v6;
	v6 =	vld [tilespmem:s15+$0x13C0]  }
0x372: {  	[tilespmem:s15+$0x6380] =	vst v4;
	v8 =	vld [tilespmem:s15+$0x3BC0]  }
0x373: {  	v2 =	vmax.f32 v2, $0.0e+00;
	v3 =	vadd.f32 v3, v7;
	v9 =	vld [tilespmem:s15+$0x13D0]  }
0x374: {  	[tilespmem:s15+$0x6390] =	vst v2;
	v10 =	vld [tilespmem:s15+$0x3BD0]  }
.Ltmp8:
0x375: {  	v2 =	vmax.f32 v3, $0.0e+00;
	v3 =	vadd.f32 v1, v5;
	v1 =	vld [tilespmem:s15+$0x13E0];
	(pc) =	sbr.rel @p0 .LBB2_15-.Ltmp8, $4  }
0x376: {  	[tilespmem:s15+$0x63A0] =	vst v2;
	v4 =	vld [tilespmem:s15+$0x3BE0]  }
0x377: {  	v3 =	vmax.f32 v3, $0.0e+00;
	v6 =	vadd.f32 v8, v6;
	v2 =	vld [tilespmem:s15+$0x13F0]  }
0x378: {  	s25 =	sshra.s32 s10, $0x2;
	[tilespmem:s15+$0x63B0] =	vst v3;
	v5 =	vld [tilespmem:s15+$0x3BF0]  }
0x379: {  	s10 =	sadd.s32 $0x400, s10;
	v3 =	vld [tilespmem:s25+$0x1400];
	v7 =	vmax.f32 v6, $0.0e+00;
	v6 =	vadd.f32 v10, v9  }
0x37a: {  	v8 =	vld [tilespmem:s25+$0x3C00];
	[tilespmem:s15+$0x63C0] =	vst v7  }
0x37b: {  	v7 =	vld [tilespmem:s25+$0x1310];
	v6 =	vmax.f32 v6, $0.0e+00;
	v1 =	vadd.f32 v4, v1  }
0x37c: {  	v9 =	vld [tilespmem:s25+$0x3B10];
	[tilespmem:s15+$0x63D0] =	vst v6  }
0x37d: {  	v4 =	vld [tilespmem:s25+$0x1320];
	v1 =	vmax.f32 v1, $0.0e+00;
	v2 =	vadd.f32 v5, v2  }
0x37e: {  	v6 =	vld [tilespmem:s25+$0x3B20];
	[tilespmem:s15+$0x63E0] =	vst v1  }
0x37f: {  	v1 =	vld [tilespmem:s25+$0x1330];
	v2 =	vmax.f32 v2, $0.0e+00  }
0x380: {  	v5 =	vld [tilespmem:s25+$0x3B30];
	v3 =	vadd.f32 v8, v3;
	[tilespmem:s15+$0x63F0] =	vst v2  }
0x381: {  	v7 =	vadd.f32 v9, v7;
	v2 =	vld [tilespmem:s25+$0x1340]  }
0x382: {  	v3 =	vmax.f32 v3, $0.0e+00;
	v8 =	vld [tilespmem:s25+$0x3B40]  }
0x383: {  	[tilespmem:s25+$0x6400] =	vst v3;
	v3 =	vmax.f32 v7, $0.0e+00;
	v7 =	vld [tilespmem:s25+$0x1350]  }
0x384: {  	v4 =	vadd.f32 v6, v4;
	v6 =	vld [tilespmem:s25+$0x1360]  }
0x385: {  	[tilespmem:s25+$0x6310] =	vst v3;
	v3 =	vld [tilespmem:s25+$0x3B50];
	v1 =	vadd.f32 v5, v1  }
0x386: {  	v4 =	vmax.f32 v4, $0.0e+00;
	v5 =	vld [tilespmem:s25+$0x1370]  }
0x387: {  	[tilespmem:s25+$0x6320] =	vst v4;
	v4 =	vld [tilespmem:s25+$0x3B60];
	v1 =	vmax.f32 v1, $0.0e+00  }
0x388: {  	v2 =	vadd.f32 v8, v2;
	[tilespmem:s25+$0x6330] =	vst v1;
	v1 =	vld [tilespmem:s25+$0x3B70]  }
0x389: {  	v8 =	vld [tilespmem:s25+$0x1380]  }
0x38a: {  	v2 =	vmax.f32 v2, $0.0e+00;
	v3 =	vadd.f32 v3, v7;
	v7 =	vld [tilespmem:s25+$0x1390]  }
0x38b: {  	[tilespmem:s25+$0x6340] =	vst v2;
	v2 =	vld [tilespmem:s25+$0x3B80]  }
0x38c: {  	v3 =	vmax.f32 v3, $0.0e+00;
	v4 =	vadd.f32 v4, v6;
	v6 =	vld [tilespmem:s25+$0x13A0]  }
0x38d: {  	[tilespmem:s25+$0x6350] =	vst v3;
	v3 =	vld [tilespmem:s25+$0x3B90];
	v1 =	vadd.f32 v1, v5  }
0x38e: {  	v4 =	vmax.f32 v4, $0.0e+00;
	v5 =	vld [tilespmem:s25+$0x13B0]  }
0x38f: {  	[tilespmem:s25+$0x6360] =	vst v4;
	v4 =	vld [tilespmem:s25+$0x3BA0];
	v1 =	vmax.f32 v1, $0.0e+00  }
0x390: {  	v2 =	vadd.f32 v2, v8;
	[tilespmem:s25+$0x6370] =	vst v1;
	v1 =	vld [tilespmem:s25+$0x3BB0]  }
0x391: {  	v8 =	vld [tilespmem:s25+$0x13C0]  }
0x392: {  	v2 =	vmax.f32 v2, $0.0e+00;
	v3 =	vadd.f32 v3, v7;
	v7 =	vld [tilespmem:s25+$0x13D0]  }
0x393: {  	[tilespmem:s25+$0x6380] =	vst v2;
	v2 =	vld [tilespmem:s25+$0x3BC0]  }
0x394: {  	v3 =	vmax.f32 v3, $0.0e+00;
	v4 =	vadd.f32 v4, v6;
	v6 =	vld [tilespmem:s25+$0x13E0]  }
0x395: {  	[tilespmem:s25+$0x6390] =	vst v3;
	v3 =	vld [tilespmem:s25+$0x3BD0];
	v1 =	vadd.f32 v1, v5  }
0x396: {  	v4 =	vmax.f32 v4, $0.0e+00;
	v5 =	vld [tilespmem:s25+$0x13F0]  }
0x397: {  	[tilespmem:s25+$0x63A0] =	vst v4;
	v4 =	vld [tilespmem:s25+$0x3BE0];
	v1 =	vmax.f32 v1, $0.0e+00  }
0x398: {  	[tilespmem:s25+$0x63B0] =	vst v1;
	v1 =	vld [tilespmem:s25+$0x3BF0];
	_ =	sdelay $0x1  }
0x399: {  	v2 =	vadd.f32 v2, v8  }
0x39a: {  	v3 =	vadd.f32 v3, v7  }
0x39b: {  	v2 =	vmax.f32 v2, $0.0e+00;
	v4 =	vadd.f32 v4, v6  }
0x39c: {  	[tilespmem:s25+$0x63C0] =	vst v2;
	v2 =	vmax.f32 v3, $0.0e+00;
	v1 =	vadd.f32 v1, v5  }
0x39d: {  	[tilespmem:s25+$0x63D0] =	vst v2;
	v2 =	vmax.f32 v4, $0.0e+00  }
0x39e: {  	[tilespmem:s25+$0x63E0] =	vst v2;
	v1 =	vmax.f32 v1, $0.0e+00  }
0x39f: {  	s10 =	simm.s32 $0x10;
	[tilespmem:s25+$0x63F0] =	vst v1  }
0x3a0: {  	_ =	swait.ge [sflag:s10], $0x28  }
0x3a1: {  	[sflag:s10] =	ssyncset.done $0x0  }
0x3a2: {  	s15 =	simm.s32 $0x7C80;
	[sflag:s10] =	ssyncadd.s32 $0xFFFFFFD8  }
0x3a3: {  	[spmem:s3] =	stream.indirect.scatter.add.f32 [tilespmem:s29], [sflag:$0x6], $0x80, s15, s14, $0xb8;
	[tilespmem:$0x1BE00] =	vst v63  }
0x3a4: {  	_ =	swait.ge [sflag:s22], $0x28  }
0x3a5: {  	s12 =	sshll.u32 s12, $0x4;
	[sflag:s22] =	ssyncset.done $0x0  }
0x3a6: {  	s25 =	simm.s32 $0x7980;
	s15 =	rddreg [dreg:$0x17];
	[sflag:s22] =	ssyncadd.s32 $0xFFFFFFD8  }
0x3a7: {  	[tilespmem:s17], [sflag:$0x2] =	stream.indirect.gather [hbm4b:s1+s14], $0x80, s25, s14, $0xb8;
	[tilespmem:$0x1BE00] =	vst v63  }
0x3a8: {  	s10 =	sadd.s32 s6, s12;
	s12 =	sadd.s32 s4, s15  }
0x3a9: {  	[tilespmem:s18], [sflag:$0x4] =	stream.linear.gather [hbm4b:s10+s5], $0x1400, $0x38;
	[tilespmem:$0x1BE00] =	vst v63  }
0x3aa: {  	s10 =	sshrl.u32 s12, $0x3  }
0x3ab: {  	s25 =	sadd.s32 s8, s10  }
0x3ac: {  	[tilespmem:s26], [sflag:$0x7] =	stream.linear.gather [hbm4b:s25+s5], $0x28, $0x38;
	[tilespmem:$0x1BE00] =	vst v63  }
0x3ad: {  	s10 =	sadd.s32 s2, s10;
	s25 =	simm.s32 $0x7A00  }
0x3ae: {  	[tilespmem:s25], [sflag:$0xB] =	stream.linear.gather [hbm4b:s10+s5], $0x28, $0x38;
	[tilespmem:$0x1BE00] =	vst v63  }
0x3af: {  	_ =	swait.ge [sflag:s20], $0x1400  }
0x3b0: {  	[sflag:s20] =	ssyncset.done $0x0  }
0x3b1: {  	[sflag:s20] =	ssyncadd.s32 $0xFFFFEC00  }
0x3b2: {  	_ =	swait.ge [sflag:s21], $0x1400  }
0x3b3: {  	[sflag:s21] =	ssyncset.done $0x0  }
0x3b4: {  	[sflag:s21] =	ssyncadd.s32 $0xFFFFEC00  }
0x3b5: {  	_ =	swait.ge [sflag:s24], $0x1400  }
0x3b6: {  	[sflag:s24] =	ssyncset.done $0x0  }
0x3b7: {  	s15 =	simm.s32 $0xF0;
	[sflag:s24] =	ssyncadd.s32 $0xFFFFEC00  }
0x3b8: {  	v1 =	vld [tilespmem:s15+$0x0]  }
0x3b9: {  	v2 =	vld [tilespmem:s15+$0x2800]  }
0x3ba: {  	v3 =	vld [tilespmem:s15+$0xFFFFFF10]  }
0x3bb: {  	v4 =	vld [tilespmem:s15+$0x2710]  }
0x3bc: {  	v5 =	vld [tilespmem:s15+$0xFFFFFF20]  }
0x3bd: {  	v6 =	vld [tilespmem:s15+$0x2720]  }
0x3be: {  	v7 =	vld [tilespmem:s15+$0xFFFFFF30]  }
0x3bf: {  	v1 =	vadd.f32 v2, v1;
	v2 =	vld [tilespmem:s15+$0x2730]  }
0x3c0: {  	v8 =	vld [tilespmem:s15+$0xFFFFFF40]  }
0x3c1: {  	v3 =	vadd.f32 v4, v3;
	v4 =	vld [tilespmem:s15+$0x2740]  }
0x3c2: {  	v5 =	vadd.f32 v6, v5;
	v6 =	vld [tilespmem:s15+$0xFFFFFF60];
	v1 =	vmax.f32 v1, $0.0e+00  }
0x3c3: {  	[tilespmem:s15+$0x5000] =	vst v1;
	v1 =	vmax.f32 v3, $0.0e+00;
	v3 =	vld [tilespmem:s15+$0xFFFFFF50]  }
0x3c4: {  	v5 =	vmax.f32 v5, $0.0e+00;
	[tilespmem:s15+$0x4F10] =	vst v1;
	v1 =	vld [tilespmem:s15+$0x2750];
	v2 =	vadd.f32 v2, v7  }
0x3c5: {  	[tilespmem:s15+$0x4F20] =	vst v5;
	v5 =	vld [tilespmem:s15+$0x2760]  }
0x3c6: {  	v7 =	vld [tilespmem:s15+$0xFFFFFF70];
	v2 =	vmax.f32 v2, $0.0e+00  }
0x3c7: {  	v4 =	vadd.f32 v4, v8;
	[tilespmem:s15+$0x4F30] =	vst v2;
	v2 =	vld [tilespmem:s15+$0x2770]  }
0x3c8: {  	v8 =	vld [tilespmem:s15+$0xFFFFFF80]  }
0x3c9: {  	v4 =	vmax.f32 v4, $0.0e+00;
	v1 =	vadd.f32 v1, v3;
	v3 =	vld [tilespmem:s15+$0x2780]  }
0x3ca: {  	[tilespmem:s15+$0x4F40] =	vst v4;
	v4 =	vld [tilespmem:s15+$0xFFFFFF90];
	v5 =	vadd.f32 v5, v6  }
0x3cb: {  	v6 =	vld [tilespmem:s15+$0xFFFFFFA0];
	v1 =	vmax.f32 v1, $0.0e+00  }
0x3cc: {  	v5 =	vmax.f32 v5, $0.0e+00;
	[tilespmem:s15+$0x4F50] =	vst v1;
	v1 =	vld [tilespmem:s15+$0x2790];
	v2 =	vadd.f32 v2, v7  }
0x3cd: {  	[tilespmem:s15+$0x4F60] =	vst v5;
	v5 =	vld [tilespmem:s15+$0x27A0]  }
0x3ce: {  	v7 =	vld [tilespmem:s15+$0xFFFFFFB0];
	v3 =	vadd.f32 v3, v8;
	v2 =	vmax.f32 v2, $0.0e+00  }
0x3cf: {  	[tilespmem:s15+$0x4F70] =	vst v2;
	v2 =	vld [tilespmem:s15+$0x27B0]  }
0x3d0: {  	v8 =	vld [tilespmem:s15+$0xFFFFFFC0];
	v3 =	vmax.f32 v3, $0.0e+00  }
0x3d1: {  	v1 =	vadd.f32 v1, v4;
	[tilespmem:s15+$0x4F80] =	vst v3;
	v3 =	vld [tilespmem:s15+$0x27C0]  }
0x3d2: {  	v63 =	vld [tilespmem:s15+$0xFFFFFFD0];
	v4 =	vadd.f32 v5, v6  }
0x3d3: {  	v6 =	vld [tilespmem:s15+$0x27D0];
	v1 =	vmax.f32 v1, $0.0e+00  }
0x3d4: {  	v4 =	vmax.f32 v4, $0.0e+00;
	[tilespmem:s15+$0x4F90] =	vst v1;
	v1 =	vld [tilespmem:s15+$0xFFFFFFE0];
	v2 =	vadd.f32 v2, v7  }
0x3d5: {  	[tilespmem:s15+$0x4FA0] =	vst v4;
	v4 =	vld [tilespmem:s15+$0x27E0]  }
0x3d6: {  	v7 =	vadd.f32 v3, v8;
	v5 =	vmax.f32 v2, $0.0e+00;
	v2 =	vld [tilespmem:s15+$0xFFFFFFF0]  }
0x3d7: {  	s25 =	simm.s32 $0x1F0;
	[tilespmem:s15+$0x4FB0] =	vst v5;
	v5 =	vld [tilespmem:s15+$0x27F0]  }
0x3d8: {  	s10 =	simm.s32 $0xBC0;
	v6 =	vadd.f32 v6, v63;
	v7 =	vmax.f32 v7, $0.0e+00;
	v3 =	vld [tilespmem:s25+$0x0]  }
.LBB2_17:
0x3d9: {  	p0 =	sne.s32 s10, $0x4FC0;
	v8 =	vld [tilespmem:s25+$0x2800];
	[tilespmem:s15+$0x4FC0] =	vst v7  }
0x3da: {  	v7 =	vld [tilespmem:s25+$0xFFFFFF10];
	v6 =	vmax.f32 v6, $0.0e+00;
	v1 =	vadd.f32 v4, v1  }
0x3db: {  	v4 =	vld [tilespmem:s25+$0x2710];
	[tilespmem:s15+$0x4FD0] =	vst v6  }
0x3dc: {  	v6 =	vld [tilespmem:s25+$0xFFFFFF20];
	v1 =	vmax.f32 v1, $0.0e+00;
	v2 =	vadd.f32 v5, v2  }
0x3dd: {  	v5 =	vld [tilespmem:s25+$0x2720];
	[tilespmem:s15+$0x4FE0] =	vst v1  }
0x3de: {  	v1 =	vld [tilespmem:s25+$0xFFFFFF30];
	v3 =	vadd.f32 v8, v3;
	v2 =	vmax.f32 v2, $0.0e+00  }
0x3df: {  	v8 =	vld [tilespmem:s25+$0x2730];
	[tilespmem:s15+$0x4FF0] =	vst v2;
	s15 =	smov.u32 s25  }
0x3e0: {  	v2 =	vadd.f32 v4, v7;
	v4 =	vld [tilespmem:s15+$0xFFFFFF40];
	v3 =	vmax.f32 v3, $0.0e+00  }
0x3e1: {  	v7 =	vld [tilespmem:s15+$0x2740];
	[tilespmem:s15+$0x5000] =	vst v3  }
0x3e2: {  	v2 =	vmax.f32 v2, $0.0e+00;
	v3 =	vadd.f32 v5, v6;
	v5 =	vld [tilespmem:s15+$0xFFFFFF50]  }
0x3e3: {  	[tilespmem:s15+$0x4F10] =	vst v2;
	v2 =	vld [tilespmem:s15+$0x2750]  }
0x3e4: {  	v3 =	vmax.f32 v3, $0.0e+00;
	v1 =	vadd.f32 v8, v1;
	v6 =	vld [tilespmem:s15+$0xFFFFFF60]  }
0x3e5: {  	[tilespmem:s15+$0x4F20] =	vst v3;
	v3 =	vld [tilespmem:s15+$0x2760]  }
0x3e6: {  	v1 =	vmax.f32 v1, $0.0e+00;
	v4 =	vadd.f32 v7, v4;
	v7 =	vld [tilespmem:s15+$0xFFFFFF70]  }
0x3e7: {  	[tilespmem:s15+$0x4F30] =	vst v1;
	v1 =	vld [tilespmem:s15+$0x2770]  }
0x3e8: {  	v4 =	vmax.f32 v4, $0.0e+00;
	v2 =	vadd.f32 v2, v5;
	v5 =	vld [tilespmem:s15+$0xFFFFFF80]  }
0x3e9: {  	[tilespmem:s15+$0x4F40] =	vst v4;
	v4 =	vld [tilespmem:s15+$0x2780]  }
0x3ea: {  	v2 =	vmax.f32 v2, $0.0e+00;
	v3 =	vadd.f32 v3, v6;
	v6 =	vld [tilespmem:s15+$0xFFFFFF90]  }
0x3eb: {  	[tilespmem:s15+$0x4F50] =	vst v2;
	v2 =	vld [tilespmem:s15+$0x2790]  }
0x3ec: {  	v3 =	vmax.f32 v3, $0.0e+00;
	v1 =	vadd.f32 v1, v7;
	v7 =	vld [tilespmem:s15+$0xFFFFFFA0]  }
0x3ed: {  	[tilespmem:s15+$0x4F60] =	vst v3;
	v3 =	vld [tilespmem:s15+$0x27A0]  }
0x3ee: {  	v1 =	vmax.f32 v1, $0.0e+00;
	v4 =	vadd.f32 v4, v5;
	v5 =	vld [tilespmem:s15+$0xFFFFFFB0]  }
0x3ef: {  	[tilespmem:s15+$0x4F70] =	vst v1;
	v1 =	vld [tilespmem:s15+$0x27B0]  }
0x3f0: {  	v4 =	vmax.f32 v4, $0.0e+00;
	v2 =	vadd.f32 v2, v6;
	v6 =	vld [tilespmem:s15+$0xFFFFFFC0]  }
0x3f1: {  	[tilespmem:s15+$0x4F80] =	vst v4;
	v8 =	vld [tilespmem:s15+$0x27C0]  }
0x3f2: {  	v2 =	vmax.f32 v2, $0.0e+00;
	v3 =	vadd.f32 v3, v7;
	v9 =	vld [tilespmem:s15+$0xFFFFFFD0]  }
0x3f3: {  	[tilespmem:s15+$0x4F90] =	vst v2;
	v10 =	vld [tilespmem:s15+$0x27D0]  }
.Ltmp9:
0x3f4: {  	v2 =	vmax.f32 v3, $0.0e+00;
	v3 =	vadd.f32 v1, v5;
	v1 =	vld [tilespmem:s15+$0xFFFFFFE0];
	(pc) =	sbr.rel @p0 .LBB2_17-.Ltmp9, $4  }
0x3f5: {  	[tilespmem:s15+$0x4FA0] =	vst v2;
	v4 =	vld [tilespmem:s15+$0x27E0]  }
0x3f6: {  	v3 =	vmax.f32 v3, $0.0e+00;
	v6 =	vadd.f32 v8, v6;
	v2 =	vld [tilespmem:s15+$0xFFFFFFF0]  }
0x3f7: {  	s25 =	sshra.s32 s10, $0x2;
	[tilespmem:s15+$0x4FB0] =	vst v3;
	v5 =	vld [tilespmem:s15+$0x27F0]  }
0x3f8: {  	s10 =	sadd.s32 $0x400, s10;
	v3 =	vld [tilespmem:s25+$0x0];
	v7 =	vmax.f32 v6, $0.0e+00;
	v6 =	vadd.f32 v10, v9  }
0x3f9: {  	v8 =	vld [tilespmem:s25+$0x2800];
	[tilespmem:s15+$0x4FC0] =	vst v7  }
0x3fa: {  	v7 =	vld [tilespmem:s25+$0xFFFFFF10];
	v6 =	vmax.f32 v6, $0.0e+00;
	v1 =	vadd.f32 v4, v1  }
0x3fb: {  	v9 =	vld [tilespmem:s25+$0x2710];
	[tilespmem:s15+$0x4FD0] =	vst v6  }
0x3fc: {  	v4 =	vld [tilespmem:s25+$0xFFFFFF20];
	v1 =	vmax.f32 v1, $0.0e+00;
	v2 =	vadd.f32 v5, v2  }
0x3fd: {  	v6 =	vld [tilespmem:s25+$0x2720];
	[tilespmem:s15+$0x4FE0] =	vst v1  }
0x3fe: {  	v1 =	vld [tilespmem:s25+$0xFFFFFF30];
	v2 =	vmax.f32 v2, $0.0e+00  }
0x3ff: {  	v5 =	vld [tilespmem:s25+$0x2730];
	v3 =	vadd.f32 v8, v3;
	[tilespmem:s15+$0x4FF0] =	vst v2  }
0x400: {  	v7 =	vadd.f32 v9, v7;
	v2 =	vld [tilespmem:s25+$0xFFFFFF40]  }
0x401: {  	v3 =	vmax.f32 v3, $0.0e+00;
	v8 =	vld [tilespmem:s25+$0x2740]  }
0x402: {  	[tilespmem:s25+$0x5000] =	vst v3;
	v3 =	vmax.f32 v7, $0.0e+00;
	v7 =	vld [tilespmem:s25+$0xFFFFFF50]  }
0x403: {  	v4 =	vadd.f32 v6, v4;
	v6 =	vld [tilespmem:s25+$0xFFFFFF60]  }
0x404: {  	[tilespmem:s25+$0x4F10] =	vst v3;
	v3 =	vld [tilespmem:s25+$0x2750];
	v1 =	vadd.f32 v5, v1  }
0x405: {  	v4 =	vmax.f32 v4, $0.0e+00;
	v5 =	vld [tilespmem:s25+$0xFFFFFF70]  }
0x406: {  	[tilespmem:s25+$0x4F20] =	vst v4;
	v4 =	vld [tilespmem:s25+$0x2760];
	v1 =	vmax.f32 v1, $0.0e+00  }
0x407: {  	v2 =	vadd.f32 v8, v2;
	[tilespmem:s25+$0x4F30] =	vst v1;
	v1 =	vld [tilespmem:s25+$0x2770]  }
0x408: {  	v8 =	vld [tilespmem:s25+$0xFFFFFF80]  }
0x409: {  	v2 =	vmax.f32 v2, $0.0e+00;
	v3 =	vadd.f32 v3, v7;
	v7 =	vld [tilespmem:s25+$0xFFFFFF90]  }
0x40a: {  	[tilespmem:s25+$0x4F40] =	vst v2;
	v2 =	vld [tilespmem:s25+$0x2780]  }
0x40b: {  	v3 =	vmax.f32 v3, $0.0e+00;
	v4 =	vadd.f32 v4, v6;
	v6 =	vld [tilespmem:s25+$0xFFFFFFA0]  }
0x40c: {  	[tilespmem:s25+$0x4F50] =	vst v3;
	v3 =	vld [tilespmem:s25+$0x2790];
	v1 =	vadd.f32 v1, v5  }
0x40d: {  	v4 =	vmax.f32 v4, $0.0e+00;
	v5 =	vld [tilespmem:s25+$0xFFFFFFB0]  }
0x40e: {  	[tilespmem:s25+$0x4F60] =	vst v4;
	v4 =	vld [tilespmem:s25+$0x27A0];
	v1 =	vmax.f32 v1, $0.0e+00  }
0x40f: {  	v2 =	vadd.f32 v2, v8;
	[tilespmem:s25+$0x4F70] =	vst v1;
	v1 =	vld [tilespmem:s25+$0x27B0]  }
0x410: {  	v8 =	vld [tilespmem:s25+$0xFFFFFFC0]  }
0x411: {  	v2 =	vmax.f32 v2, $0.0e+00;
	v3 =	vadd.f32 v3, v7;
	v7 =	vld [tilespmem:s25+$0xFFFFFFD0]  }
0x412: {  	[tilespmem:s25+$0x4F80] =	vst v2;
	v2 =	vld [tilespmem:s25+$0x27C0]  }
0x413: {  	v3 =	vmax.f32 v3, $0.0e+00;
	v4 =	vadd.f32 v4, v6;
	v6 =	vld [tilespmem:s25+$0xFFFFFFE0]  }
0x414: {  	[tilespmem:s25+$0x4F90] =	vst v3;
	v3 =	vld [tilespmem:s25+$0x27D0];
	v1 =	vadd.f32 v1, v5  }
0x415: {  	v4 =	vmax.f32 v4, $0.0e+00;
	v5 =	vld [tilespmem:s25+$0xFFFFFFF0]  }
0x416: {  	[tilespmem:s25+$0x4FA0] =	vst v4;
	v4 =	vld [tilespmem:s25+$0x27E0];
	v1 =	vmax.f32 v1, $0.0e+00  }
0x417: {  	[tilespmem:s25+$0x4FB0] =	vst v1;
	v1 =	vld [tilespmem:s25+$0x27F0];
	_ =	sdelay $0x1  }
0x418: {  	v2 =	vadd.f32 v2, v8  }
0x419: {  	v3 =	vadd.f32 v3, v7  }
0x41a: {  	v2 =	vmax.f32 v2, $0.0e+00;
	v4 =	vadd.f32 v4, v6  }
0x41b: {  	[tilespmem:s25+$0x4FC0] =	vst v2;
	v2 =	vmax.f32 v3, $0.0e+00;
	v1 =	vadd.f32 v1, v5  }
0x41c: {  	[tilespmem:s25+$0x4FD0] =	vst v2;
	v2 =	vmax.f32 v4, $0.0e+00  }
0x41d: {  	[tilespmem:s25+$0x4FE0] =	vst v2;
	v1 =	vmax.f32 v1, $0.0e+00  }
0x41e: {  	s10 =	simm.s32 $0x11;
	[tilespmem:s25+$0x4FF0] =	vst v1  }
0x41f: {  	_ =	swait.ge [sflag:s10], $0x28  }
0x420: {  	[sflag:s10] =	ssyncset.done $0x0  }
0x421: {  	s25 =	simm.s32 $0x7D00;
	[sflag:s10] =	ssyncadd.s32 $0xFFFFFFD8  }
0x422: {  	[spmem:s3] =	stream.indirect.scatter.add.f32 [tilespmem:s11], [sflag:$0x5], $0x80, s25, s14, $0xb8;
	[tilespmem:$0x1BE00] =	vst v63  }
0x423: {  	_ =	swait.ge [sflag:s13], $0x28  }
0x424: {  	s15 =	sshll.u32 s12, $0x4;
	[sflag:s13] =	ssyncset.done $0x0  }
0x425: {  	s10 =	sadd.s32 s6, s15;
	s15 =	rddreg [dreg:$0x18];
	[sflag:s13] =	ssyncadd.s32 $0xFFFFFFD8  }
0x426: {  	[tilespmem:s5], [sflag:$0x1] =	stream.indirect.gather [hbm4b:s1+s14], $0x80, s26, s14, $0xb8;
	[tilespmem:$0x1BE00] =	vst v63  }
0x427: {  	s25 =	simm.s32 $0x2800;
	s12 =	sadd.s32 s4, s15  }
0x428: {  	[tilespmem:s25], [sflag:$0x3] =	stream.linear.gather [hbm4b:s10+s5], $0x1400, $0x38;
	[tilespmem:$0x1BE00] =	vst v63  }
0x429: {  	s10 =	sshrl.u32 s12, $0x3  }
0x42a: {  	s25 =	sadd.s32 s8, s10  }
0x42b: {  	[tilespmem:s0], [sflag:$0x8] =	stream.linear.gather [hbm4b:s25+s5], $0x28, $0x38;
	[tilespmem:$0x1BE00] =	vst v63  }
0x42c: {  	s10 =	sadd.s32 s2, s10;
	s25 =	simm.s32 $0x7A80  }
0x42d: {  	[tilespmem:s25], [sflag:$0xC] =	stream.linear.gather [hbm4b:s10+s5], $0x28, $0x38;
	[tilespmem:$0x1BE00] =	vst v63  }
0x42e: {  	_ =	swait.ge [sflag:s30], $0x1400  }
0x42f: {  	[sflag:s30] =	ssyncset.done $0x0  }
0x430: {  	[sflag:s30] =	ssyncadd.s32 $0xFFFFEC00  }
0x431: {  	_ =	swait.ge [sflag:s19], $0x1400  }
0x432: {  	[sflag:s19] =	ssyncset.done $0x0  }
0x433: {  	[sflag:s19] =	ssyncadd.s32 $0xFFFFEC00  }
0x434: {  	_ =	swait.ge [sflag:s31], $0x1400  }
0x435: {  	[sflag:s31] =	ssyncset.done $0x0  }
0x436: {  	s15 =	simm.s32 $0xF0;
	[sflag:s31] =	ssyncadd.s32 $0xFFFFEC00  }
0x437: {  	v1 =	vld [tilespmem:s15+$0x1400]  }
0x438: {  	v2 =	vld [tilespmem:s15+$0x3C00]  }
0x439: {  	v3 =	vld [tilespmem:s15+$0x1310]  }
0x43a: {  	v4 =	vld [tilespmem:s15+$0x3B10]  }
0x43b: {  	v5 =	vld [tilespmem:s15+$0x1320]  }
0x43c: {  	v6 =	vld [tilespmem:s15+$0x3B20]  }
0x43d: {  	v7 =	vld [tilespmem:s15+$0x1330]  }
0x43e: {  	v1 =	vadd.f32 v2, v1;
	v2 =	vld [tilespmem:s15+$0x3B30]  }
0x43f: {  	v8 =	vld [tilespmem:s15+$0x1340]  }
0x440: {  	v3 =	vadd.f32 v4, v3;
	v4 =	vld [tilespmem:s15+$0x3B40]  }
0x441: {  	v5 =	vadd.f32 v6, v5;
	v6 =	vld [tilespmem:s15+$0x1360];
	v1 =	vmax.f32 v1, $0.0e+00  }
0x442: {  	[tilespmem:s15+$0x6400] =	vst v1;
	v1 =	vmax.f32 v3, $0.0e+00;
	v3 =	vld [tilespmem:s15+$0x1350]  }
0x443: {  	v5 =	vmax.f32 v5, $0.0e+00;
	[tilespmem:s15+$0x6310] =	vst v1;
	v1 =	vld [tilespmem:s15+$0x3B50];
	v2 =	vadd.f32 v2, v7  }
0x444: {  	[tilespmem:s15+$0x6320] =	vst v5;
	v5 =	vld [tilespmem:s15+$0x3B60]  }
0x445: {  	v7 =	vld [tilespmem:s15+$0x1370];
	v2 =	vmax.f32 v2, $0.0e+00  }
0x446: {  	v4 =	vadd.f32 v4, v8;
	[tilespmem:s15+$0x6330] =	vst v2;
	v2 =	vld [tilespmem:s15+$0x3B70]  }
0x447: {  	v8 =	vld [tilespmem:s15+$0x1380]  }
0x448: {  	v4 =	vmax.f32 v4, $0.0e+00;
	v1 =	vadd.f32 v1, v3;
	v3 =	vld [tilespmem:s15+$0x3B80]  }
0x449: {  	[tilespmem:s15+$0x6340] =	vst v4;
	v4 =	vld [tilespmem:s15+$0x1390];
	v5 =	vadd.f32 v5, v6  }
0x44a: {  	v6 =	vld [tilespmem:s15+$0x13A0];
	v1 =	vmax.f32 v1, $0.0e+00  }
0x44b: {  	v5 =	vmax.f32 v5, $0.0e+00;
	[tilespmem:s15+$0x6350] =	vst v1;
	v1 =	vld [tilespmem:s15+$0x3B90];
	v2 =	vadd.f32 v2, v7  }
0x44c: {  	[tilespmem:s15+$0x6360] =	vst v5;
	v5 =	vld [tilespmem:s15+$0x3BA0]  }
0x44d: {  	v7 =	vld [tilespmem:s15+$0x13B0];
	v3 =	vadd.f32 v3, v8;
	v2 =	vmax.f32 v2, $0.0e+00  }
0x44e: {  	[tilespmem:s15+$0x6370] =	vst v2;
	v2 =	vld [tilespmem:s15+$0x3BB0]  }
0x44f: {  	v8 =	vld [tilespmem:s15+$0x13C0];
	v3 =	vmax.f32 v3, $0.0e+00  }
0x450: {  	v1 =	vadd.f32 v1, v4;
	[tilespmem:s15+$0x6380] =	vst v3;
	v3 =	vld [tilespmem:s15+$0x3BC0]  }
0x451: {  	v63 =	vld [tilespmem:s15+$0x13D0];
	v4 =	vadd.f32 v5, v6  }
0x452: {  	v6 =	vld [tilespmem:s15+$0x3BD0];
	v1 =	vmax.f32 v1, $0.0e+00  }
0x453: {  	v4 =	vmax.f32 v4, $0.0e+00;
	[tilespmem:s15+$0x6390] =	vst v1;
	v1 =	vld [tilespmem:s15+$0x13E0];
	v2 =	vadd.f32 v2, v7  }
0x454: {  	[tilespmem:s15+$0x63A0] =	vst v4;
	v4 =	vld [tilespmem:s15+$0x3BE0]  }
0x455: {  	v7 =	vadd.f32 v3, v8;
	v5 =	vmax.f32 v2, $0.0e+00;
	v2 =	vld [tilespmem:s15+$0x13F0]  }
0x456: {  	s25 =	simm.s32 $0x1F0;
	[tilespmem:s15+$0x63B0] =	vst v5;
	v5 =	vld [tilespmem:s15+$0x3BF0]  }
0x457: {  	s10 =	simm.s32 $0xBC0;
	v6 =	vadd.f32 v6, v63;
	v7 =	vmax.f32 v7, $0.0e+00;
	v3 =	vld [tilespmem:s25+$0x1400]  }
.LBB2_19:
0x458: {  	p0 =	sne.s32 s10, $0x4FC0;
	v8 =	vld [tilespmem:s25+$0x3C00];
	[tilespmem:s15+$0x63C0] =	vst v7  }
0x459: {  	v7 =	vld [tilespmem:s25+$0x1310];
	v6 =	vmax.f32 v6, $0.0e+00;
	v1 =	vadd.f32 v4, v1  }
0x45a: {  	v4 =	vld [tilespmem:s25+$0x3B10];
	[tilespmem:s15+$0x63D0] =	vst v6  }
0x45b: {  	v6 =	vld [tilespmem:s25+$0x1320];
	v1 =	vmax.f32 v1, $0.0e+00;
	v2 =	vadd.f32 v5, v2  }
0x45c: {  	v5 =	vld [tilespmem:s25+$0x3B20];
	[tilespmem:s15+$0x63E0] =	vst v1  }
0x45d: {  	v1 =	vld [tilespmem:s25+$0x1330];
	v3 =	vadd.f32 v8, v3;
	v2 =	vmax.f32 v2, $0.0e+00  }
0x45e: {  	v8 =	vld [tilespmem:s25+$0x3B30];
	[tilespmem:s15+$0x63F0] =	vst v2;
	s15 =	smov.u32 s25  }
0x45f: {  	v2 =	vadd.f32 v4, v7;
	v4 =	vld [tilespmem:s15+$0x1340];
	v3 =	vmax.f32 v3, $0.0e+00  }
0x460: {  	v7 =	vld [tilespmem:s15+$0x3B40];
	[tilespmem:s15+$0x6400] =	vst v3  }
0x461: {  	v2 =	vmax.f32 v2, $0.0e+00;
	v3 =	vadd.f32 v5, v6;
	v5 =	vld [tilespmem:s15+$0x1350]  }
0x462: {  	[tilespmem:s15+$0x6310] =	vst v2;
	v2 =	vld [tilespmem:s15+$0x3B50]  }
0x463: {  	v3 =	vmax.f32 v3, $0.0e+00;
	v1 =	vadd.f32 v8, v1;
	v6 =	vld [tilespmem:s15+$0x1360]  }
0x464: {  	[tilespmem:s15+$0x6320] =	vst v3;
	v3 =	vld [tilespmem:s15+$0x3B60]  }
0x465: {  	v1 =	vmax.f32 v1, $0.0e+00;
	v4 =	vadd.f32 v7, v4;
	v7 =	vld [tilespmem:s15+$0x1370]  }
0x466: {  	[tilespmem:s15+$0x6330] =	vst v1;
	v1 =	vld [tilespmem:s15+$0x3B70]  }
0x467: {  	v4 =	vmax.f32 v4, $0.0e+00;
	v2 =	vadd.f32 v2, v5;
	v5 =	vld [tilespmem:s15+$0x1380]  }
0x468: {  	[tilespmem:s15+$0x6340] =	vst v4;
	v4 =	vld [tilespmem:s15+$0x3B80]  }
0x469: {  	v2 =	vmax.f32 v2, $0.0e+00;
	v3 =	vadd.f32 v3, v6;
	v6 =	vld [tilespmem:s15+$0x1390]  }
0x46a: {  	[tilespmem:s15+$0x6350] =	vst v2;
	v2 =	vld [tilespmem:s15+$0x3B90]  }
0x46b: {  	v3 =	vmax.f32 v3, $0.0e+00;
	v1 =	vadd.f32 v1, v7;
	v7 =	vld [tilespmem:s15+$0x13A0]  }
0x46c: {  	[tilespmem:s15+$0x6360] =	vst v3;
	v3 =	vld [tilespmem:s15+$0x3BA0]  }
0x46d: {  	v1 =	vmax.f32 v1, $0.0e+00;
	v4 =	vadd.f32 v4, v5;
	v5 =	vld [tilespmem:s15+$0x13B0]  }
0x46e: {  	[tilespmem:s15+$0x6370] =	vst v1;
	v1 =	vld [tilespmem:s15+$0x3BB0]  }
0x46f: {  	v4 =	vmax.f32 v4, $0.0e+00;
	v2 =	vadd.f32 v2, v6;
	v6 =	vld [tilespmem:s15+$0x13C0]  }
0x470: {  	[tilespmem:s15+$0x6380] =	vst v4;
	v8 =	vld [tilespmem:s15+$0x3BC0]  }
0x471: {  	v2 =	vmax.f32 v2, $0.0e+00;
	v3 =	vadd.f32 v3, v7;
	v9 =	vld [tilespmem:s15+$0x13D0]  }
0x472: {  	[tilespmem:s15+$0x6390] =	vst v2;
	v10 =	vld [tilespmem:s15+$0x3BD0]  }
.Ltmp10:
0x473: {  	v2 =	vmax.f32 v3, $0.0e+00;
	v3 =	vadd.f32 v1, v5;
	v1 =	vld [tilespmem:s15+$0x13E0];
	(pc) =	sbr.rel @p0 .LBB2_19-.Ltmp10, $4  }
0x474: {  	[tilespmem:s15+$0x63A0] =	vst v2;
	v4 =	vld [tilespmem:s15+$0x3BE0]  }
0x475: {  	v3 =	vmax.f32 v3, $0.0e+00;
	v6 =	vadd.f32 v8, v6;
	v2 =	vld [tilespmem:s15+$0x13F0]  }
0x476: {  	s25 =	sshra.s32 s10, $0x2;
	[tilespmem:s15+$0x63B0] =	vst v3;
	v5 =	vld [tilespmem:s15+$0x3BF0]  }
0x477: {  	s10 =	sadd.s32 $0x400, s10;
	v3 =	vld [tilespmem:s25+$0x1400];
	v7 =	vmax.f32 v6, $0.0e+00;
	v6 =	vadd.f32 v10, v9  }
0x478: {  	v8 =	vld [tilespmem:s25+$0x3C00];
	[tilespmem:s15+$0x63C0] =	vst v7  }
0x479: {  	v7 =	vld [tilespmem:s25+$0x1310];
	v6 =	vmax.f32 v6, $0.0e+00;
	v1 =	vadd.f32 v4, v1  }
0x47a: {  	v9 =	vld [tilespmem:s25+$0x3B10];
	[tilespmem:s15+$0x63D0] =	vst v6  }
0x47b: {  	v4 =	vld [tilespmem:s25+$0x1320];
	v1 =	vmax.f32 v1, $0.0e+00;
	v2 =	vadd.f32 v5, v2  }
0x47c: {  	v6 =	vld [tilespmem:s25+$0x3B20];
	[tilespmem:s15+$0x63E0] =	vst v1  }
0x47d: {  	v1 =	vld [tilespmem:s25+$0x1330];
	v2 =	vmax.f32 v2, $0.0e+00  }
0x47e: {  	v5 =	vld [tilespmem:s25+$0x3B30];
	v3 =	vadd.f32 v8, v3;
	[tilespmem:s15+$0x63F0] =	vst v2  }
0x47f: {  	v7 =	vadd.f32 v9, v7;
	v2 =	vld [tilespmem:s25+$0x1340]  }
0x480: {  	v3 =	vmax.f32 v3, $0.0e+00;
	v8 =	vld [tilespmem:s25+$0x3B40]  }
0x481: {  	[tilespmem:s25+$0x6400] =	vst v3;
	v3 =	vmax.f32 v7, $0.0e+00;
	v7 =	vld [tilespmem:s25+$0x1350]  }
0x482: {  	v4 =	vadd.f32 v6, v4;
	v6 =	vld [tilespmem:s25+$0x1360]  }
0x483: {  	[tilespmem:s25+$0x6310] =	vst v3;
	v3 =	vld [tilespmem:s25+$0x3B50];
	v1 =	vadd.f32 v5, v1  }
0x484: {  	v4 =	vmax.f32 v4, $0.0e+00;
	v5 =	vld [tilespmem:s25+$0x1370]  }
0x485: {  	[tilespmem:s25+$0x6320] =	vst v4;
	v4 =	vld [tilespmem:s25+$0x3B60];
	v1 =	vmax.f32 v1, $0.0e+00  }
0x486: {  	v2 =	vadd.f32 v8, v2;
	[tilespmem:s25+$0x6330] =	vst v1;
	v1 =	vld [tilespmem:s25+$0x3B70]  }
0x487: {  	v8 =	vld [tilespmem:s25+$0x1380]  }
0x488: {  	v2 =	vmax.f32 v2, $0.0e+00;
	v3 =	vadd.f32 v3, v7;
	v7 =	vld [tilespmem:s25+$0x1390]  }
0x489: {  	[tilespmem:s25+$0x6340] =	vst v2;
	v2 =	vld [tilespmem:s25+$0x3B80]  }
0x48a: {  	v3 =	vmax.f32 v3, $0.0e+00;
	v4 =	vadd.f32 v4, v6;
	v6 =	vld [tilespmem:s25+$0x13A0]  }
0x48b: {  	[tilespmem:s25+$0x6350] =	vst v3;
	v3 =	vld [tilespmem:s25+$0x3B90];
	v1 =	vadd.f32 v1, v5  }
0x48c: {  	v4 =	vmax.f32 v4, $0.0e+00;
	v5 =	vld [tilespmem:s25+$0x13B0]  }
0x48d: {  	[tilespmem:s25+$0x6360] =	vst v4;
	v4 =	vld [tilespmem:s25+$0x3BA0];
	v1 =	vmax.f32 v1, $0.0e+00  }
0x48e: {  	v2 =	vadd.f32 v2, v8;
	[tilespmem:s25+$0x6370] =	vst v1;
	v1 =	vld [tilespmem:s25+$0x3BB0]  }
0x48f: {  	v8 =	vld [tilespmem:s25+$0x13C0]  }
0x490: {  	v2 =	vmax.f32 v2, $0.0e+00;
	v3 =	vadd.f32 v3, v7;
	v7 =	vld [tilespmem:s25+$0x13D0]  }
0x491: {  	[tilespmem:s25+$0x6380] =	vst v2;
	v2 =	vld [tilespmem:s25+$0x3BC0]  }
0x492: {  	v3 =	vmax.f32 v3, $0.0e+00;
	v4 =	vadd.f32 v4, v6;
	v6 =	vld [tilespmem:s25+$0x13E0]  }
0x493: {  	[tilespmem:s25+$0x6390] =	vst v3;
	v3 =	vld [tilespmem:s25+$0x3BD0];
	v1 =	vadd.f32 v1, v5  }
0x494: {  	v4 =	vmax.f32 v4, $0.0e+00;
	v5 =	vld [tilespmem:s25+$0x13F0]  }
0x495: {  	[tilespmem:s25+$0x63A0] =	vst v4;
	v4 =	vld [tilespmem:s25+$0x3BE0];
	v1 =	vmax.f32 v1, $0.0e+00  }
0x496: {  	[tilespmem:s25+$0x63B0] =	vst v1;
	v1 =	vld [tilespmem:s25+$0x3BF0];
	_ =	sdelay $0x1  }
0x497: {  	v2 =	vadd.f32 v2, v8  }
0x498: {  	v3 =	vadd.f32 v3, v7  }
0x499: {  	v2 =	vmax.f32 v2, $0.0e+00;
	v4 =	vadd.f32 v4, v6  }
0x49a: {  	[tilespmem:s25+$0x63C0] =	vst v2;
	v2 =	vmax.f32 v3, $0.0e+00;
	v1 =	vadd.f32 v1, v5  }
0x49b: {  	[tilespmem:s25+$0x63D0] =	vst v2;
	v2 =	vmax.f32 v4, $0.0e+00  }
0x49c: {  	[tilespmem:s25+$0x63E0] =	vst v2;
	v1 =	vmax.f32 v1, $0.0e+00  }
0x49d: {  	s10 =	simm.s32 $0x12;
	[tilespmem:s25+$0x63F0] =	vst v1  }
0x49e: {  	_ =	swait.ge [sflag:s10], $0x28  }
0x49f: {  	[sflag:s10] =	ssyncset.done $0x0  }
0x4a0: {  	s15 =	simm.s32 $0x7D80;
	[sflag:s10] =	ssyncadd.s32 $0xFFFFFFD8  }
0x4a1: {  	[spmem:s3] =	stream.indirect.scatter.add.f32 [tilespmem:s29], [sflag:$0x6], $0x80, s15, s14, $0xb8;
	[tilespmem:$0x1BE00] =	vst v63  }
0x4a2: {  	_ =	swait.ge [sflag:s16], $0x28  }
0x4a3: {  	s9 =	sadd.s32 $0xA, s9;
	p0 =	seq.s32 s23, $0x1E;
	[sflag:s16] =	ssyncset.done $0x0  }
0x4a4: {  	s9 =	smul.u32 @!p0 $0x28, s9;
	s25 =	sshll.u32 s12, $0x4;
	[sflag:s16] =	ssyncadd.s32 $0xFFFFFFD8  }
0x4a5: {  	[tilespmem:s17], [sflag:$0x2] =	stream.indirect.gather [hbm4b:s1+s14], $0x80, s0, s14, $0xb8;
	[tilespmem:$0x1BE00] =	vst v63  }
0x4a6: {  	s9 =	sadd.s32 @!p0 s7, s9;
	s10 =	sadd.s32 s6, s25  }
0x4a7: {  	[tilespmem:s18], [sflag:$0x4] =	stream.linear.gather [hbm4b:s10+s5], $0x1400, $0x38;
	[tilespmem:$0x1BE00] =	vst v63  }
0x4a8: {  	s10 =	sshrl.u32 @!p0 s9, $0x3  }
0x4a9: {  	s25 =	simm.s32 @!p0 $0x7900;
	s15 =	simm.s32 @!p0 $0x0;
	s12 =	sadd.s32 @!p0 s8, s10  }
0x4aa: {  	[tilespmem:s25], [sflag:$0x9] =	stream.linear.gather @!p0 [hbm4b:s12+s15], $0x28, $0x38;
	[tilespmem:$0x1BE00] =	vst v63  }
0x4ab: {  	s10 =	sadd.s32 @!p0 s2, s10;
	s12 =	simm.s32 @!p0 $0x7B00  }
0x4ac: {  	[tilespmem:s12], [sflag:$0xD] =	stream.linear.gather @!p0 [hbm4b:s10+s15], $0x28, $0x38;
	[tilespmem:$0x1BE00] =	vst v63  }
0x4ad: {  	_ =	swait.ge [sflag:s20], $0x1400  }
0x4ae: {  	[sflag:s20] =	ssyncset.done $0x0  }
0x4af: {  	[sflag:s20] =	ssyncadd.s32 $0xFFFFEC00  }
0x4b0: {  	_ =	swait.ge [sflag:s21], $0x1400  }
0x4b1: {  	[sflag:s21] =	ssyncset.done $0x0  }
0x4b2: {  	[sflag:s21] =	ssyncadd.s32 $0xFFFFEC00  }
0x4b3: {  	_ =	swait.ge [sflag:s24], $0x1400  }
0x4b4: {  	[sflag:s24] =	ssyncset.done $0x0  }
0x4b5: {  	s12 =	simm.s32 $0xF0;
	[sflag:s24] =	ssyncadd.s32 $0xFFFFEC00  }
0x4b6: {  	v1 =	vld [tilespmem:s12+$0x0]  }
0x4b7: {  	v2 =	vld [tilespmem:s12+$0x2800]  }
0x4b8: {  	v3 =	vld [tilespmem:s12+$0xFFFFFF10]  }
0x4b9: {  	v4 =	vld [tilespmem:s12+$0x2710]  }
0x4ba: {  	v5 =	vld [tilespmem:s12+$0xFFFFFF20]  }
0x4bb: {  	v6 =	vld [tilespmem:s12+$0x2720]  }
0x4bc: {  	v7 =	vld [tilespmem:s12+$0xFFFFFF30]  }
0x4bd: {  	v1 =	vadd.f32 v2, v1;
	v2 =	vld [tilespmem:s12+$0x2730]  }
0x4be: {  	v8 =	vld [tilespmem:s12+$0xFFFFFF40]  }
0x4bf: {  	v3 =	vadd.f32 v4, v3;
	v4 =	vld [tilespmem:s12+$0x2740]  }
0x4c0: {  	v5 =	vadd.f32 v6, v5;
	v6 =	vld [tilespmem:s12+$0xFFFFFF60];
	v1 =	vmax.f32 v1, $0.0e+00  }
0x4c1: {  	[tilespmem:s12+$0x5000] =	vst v1;
	v1 =	vmax.f32 v3, $0.0e+00;
	v3 =	vld [tilespmem:s12+$0xFFFFFF50]  }
0x4c2: {  	v5 =	vmax.f32 v5, $0.0e+00;
	[tilespmem:s12+$0x4F10] =	vst v1;
	v1 =	vld [tilespmem:s12+$0x2750];
	v2 =	vadd.f32 v2, v7  }
0x4c3: {  	[tilespmem:s12+$0x4F20] =	vst v5;
	v5 =	vld [tilespmem:s12+$0x2760]  }
0x4c4: {  	v7 =	vld [tilespmem:s12+$0xFFFFFF70];
	v2 =	vmax.f32 v2, $0.0e+00  }
0x4c5: {  	v4 =	vadd.f32 v4, v8;
	[tilespmem:s12+$0x4F30] =	vst v2;
	v2 =	vld [tilespmem:s12+$0x2770]  }
0x4c6: {  	v8 =	vld [tilespmem:s12+$0xFFFFFF80]  }
0x4c7: {  	v4 =	vmax.f32 v4, $0.0e+00;
	v1 =	vadd.f32 v1, v3;
	v3 =	vld [tilespmem:s12+$0x2780]  }
0x4c8: {  	[tilespmem:s12+$0x4F40] =	vst v4;
	v4 =	vld [tilespmem:s12+$0xFFFFFF90];
	v5 =	vadd.f32 v5, v6  }
0x4c9: {  	v6 =	vld [tilespmem:s12+$0xFFFFFFA0];
	v1 =	vmax.f32 v1, $0.0e+00  }
0x4ca: {  	v5 =	vmax.f32 v5, $0.0e+00;
	[tilespmem:s12+$0x4F50] =	vst v1;
	v1 =	vld [tilespmem:s12+$0x2790];
	v2 =	vadd.f32 v2, v7  }
0x4cb: {  	[tilespmem:s12+$0x4F60] =	vst v5;
	v5 =	vld [tilespmem:s12+$0x27A0]  }
0x4cc: {  	v7 =	vld [tilespmem:s12+$0xFFFFFFB0];
	v3 =	vadd.f32 v3, v8;
	v2 =	vmax.f32 v2, $0.0e+00  }
0x4cd: {  	[tilespmem:s12+$0x4F70] =	vst v2;
	v2 =	vld [tilespmem:s12+$0x27B0]  }
0x4ce: {  	v8 =	vld [tilespmem:s12+$0xFFFFFFC0];
	v3 =	vmax.f32 v3, $0.0e+00  }
0x4cf: {  	v1 =	vadd.f32 v1, v4;
	[tilespmem:s12+$0x4F80] =	vst v3;
	v3 =	vld [tilespmem:s12+$0x27C0]  }
0x4d0: {  	v63 =	vld [tilespmem:s12+$0xFFFFFFD0];
	v4 =	vadd.f32 v5, v6  }
0x4d1: {  	v6 =	vld [tilespmem:s12+$0x27D0];
	v1 =	vmax.f32 v1, $0.0e+00  }
0x4d2: {  	v4 =	vmax.f32 v4, $0.0e+00;
	[tilespmem:s12+$0x4F90] =	vst v1;
	v1 =	vld [tilespmem:s12+$0xFFFFFFE0];
	v2 =	vadd.f32 v2, v7  }
0x4d3: {  	[tilespmem:s12+$0x4FA0] =	vst v4;
	v4 =	vld [tilespmem:s12+$0x27E0]  }
0x4d4: {  	v7 =	vadd.f32 v3, v8;
	v5 =	vmax.f32 v2, $0.0e+00;
	v2 =	vld [tilespmem:s12+$0xFFFFFFF0]  }
0x4d5: {  	s15 =	simm.s32 $0x1F0;
	[tilespmem:s12+$0x4FB0] =	vst v5;
	v5 =	vld [tilespmem:s12+$0x27F0]  }
0x4d6: {  	s10 =	simm.s32 $0xBC0;
	v6 =	vadd.f32 v6, v63;
	v7 =	vmax.f32 v7, $0.0e+00;
	v3 =	vld [tilespmem:s15+$0x0]  }
.LBB2_21:
0x4d7: {  	p1 =	sne.s32 s10, $0x4FC0;
	v8 =	vld [tilespmem:s15+$0x2800];
	[tilespmem:s12+$0x4FC0] =	vst v7  }
0x4d8: {  	v7 =	vld [tilespmem:s15+$0xFFFFFF10];
	v6 =	vmax.f32 v6, $0.0e+00;
	v1 =	vadd.f32 v4, v1  }
0x4d9: {  	v4 =	vld [tilespmem:s15+$0x2710];
	[tilespmem:s12+$0x4FD0] =	vst v6  }
0x4da: {  	v6 =	vld [tilespmem:s15+$0xFFFFFF20];
	v1 =	vmax.f32 v1, $0.0e+00;
	v2 =	vadd.f32 v5, v2  }
0x4db: {  	v5 =	vld [tilespmem:s15+$0x2720];
	[tilespmem:s12+$0x4FE0] =	vst v1  }
0x4dc: {  	v1 =	vld [tilespmem:s15+$0xFFFFFF30];
	v3 =	vadd.f32 v8, v3;
	v2 =	vmax.f32 v2, $0.0e+00  }
0x4dd: {  	v8 =	vld [tilespmem:s15+$0x2730];
	[tilespmem:s12+$0x4FF0] =	vst v2;
	s12 =	smov.u32 s15  }
0x4de: {  	v2 =	vadd.f32 v4, v7;
	v4 =	vld [tilespmem:s12+$0xFFFFFF40];
	v3 =	vmax.f32 v3, $0.0e+00  }
0x4df: {  	v7 =	vld [tilespmem:s12+$0x2740];
	[tilespmem:s12+$0x5000] =	vst v3  }
0x4e0: {  	v2 =	vmax.f32 v2, $0.0e+00;
	v3 =	vadd.f32 v5, v6;
	v5 =	vld [tilespmem:s12+$0xFFFFFF50]  }
0x4e1: {  	[tilespmem:s12+$0x4F10] =	vst v2;
	v2 =	vld [tilespmem:s12+$0x2750]  }
0x4e2: {  	v3 =	vmax.f32 v3, $0.0e+00;
	v1 =	vadd.f32 v8, v1;
	v6 =	vld [tilespmem:s12+$0xFFFFFF60]  }
0x4e3: {  	[tilespmem:s12+$0x4F20] =	vst v3;
	v3 =	vld [tilespmem:s12+$0x2760]  }
0x4e4: {  	v1 =	vmax.f32 v1, $0.0e+00;
	v4 =	vadd.f32 v7, v4;
	v7 =	vld [tilespmem:s12+$0xFFFFFF70]  }
0x4e5: {  	[tilespmem:s12+$0x4F30] =	vst v1;
	v1 =	vld [tilespmem:s12+$0x2770]  }
0x4e6: {  	v4 =	vmax.f32 v4, $0.0e+00;
	v2 =	vadd.f32 v2, v5;
	v5 =	vld [tilespmem:s12+$0xFFFFFF80]  }
0x4e7: {  	[tilespmem:s12+$0x4F40] =	vst v4;
	v4 =	vld [tilespmem:s12+$0x2780]  }
0x4e8: {  	v2 =	vmax.f32 v2, $0.0e+00;
	v3 =	vadd.f32 v3, v6;
	v6 =	vld [tilespmem:s12+$0xFFFFFF90]  }
0x4e9: {  	[tilespmem:s12+$0x4F50] =	vst v2;
	v2 =	vld [tilespmem:s12+$0x2790]  }
0x4ea: {  	v3 =	vmax.f32 v3, $0.0e+00;
	v1 =	vadd.f32 v1, v7;
	v7 =	vld [tilespmem:s12+$0xFFFFFFA0]  }
0x4eb: {  	[tilespmem:s12+$0x4F60] =	vst v3;
	v3 =	vld [tilespmem:s12+$0x27A0]  }
0x4ec: {  	v1 =	vmax.f32 v1, $0.0e+00;
	v4 =	vadd.f32 v4, v5;
	v5 =	vld [tilespmem:s12+$0xFFFFFFB0]  }
0x4ed: {  	[tilespmem:s12+$0x4F70] =	vst v1;
	v1 =	vld [tilespmem:s12+$0x27B0]  }
0x4ee: {  	v4 =	vmax.f32 v4, $0.0e+00;
	v2 =	vadd.f32 v2, v6;
	v6 =	vld [tilespmem:s12+$0xFFFFFFC0]  }
0x4ef: {  	[tilespmem:s12+$0x4F80] =	vst v4;
	v8 =	vld [tilespmem:s12+$0x27C0]  }
0x4f0: {  	v2 =	vmax.f32 v2, $0.0e+00;
	v3 =	vadd.f32 v3, v7;
	v9 =	vld [tilespmem:s12+$0xFFFFFFD0]  }
0x4f1: {  	[tilespmem:s12+$0x4F90] =	vst v2;
	v10 =	vld [tilespmem:s12+$0x27D0]  }
.Ltmp11:
0x4f2: {  	v2 =	vmax.f32 v3, $0.0e+00;
	v3 =	vadd.f32 v1, v5;
	v1 =	vld [tilespmem:s12+$0xFFFFFFE0];
	(pc) =	sbr.rel @p1 .LBB2_21-.Ltmp11, $4  }
0x4f3: {  	[tilespmem:s12+$0x4FA0] =	vst v2;
	v4 =	vld [tilespmem:s12+$0x27E0]  }
0x4f4: {  	v3 =	vmax.f32 v3, $0.0e+00;
	v6 =	vadd.f32 v8, v6;
	v2 =	vld [tilespmem:s12+$0xFFFFFFF0]  }
0x4f5: {  	s15 =	sshra.s32 s10, $0x2;
	[tilespmem:s12+$0x4FB0] =	vst v3;
	v5 =	vld [tilespmem:s12+$0x27F0]  }
0x4f6: {  	s10 =	sadd.s32 $0x400, s10;
	v3 =	vld [tilespmem:s15+$0x0];
	v7 =	vmax.f32 v6, $0.0e+00;
	v6 =	vadd.f32 v10, v9  }
0x4f7: {  	v8 =	vld [tilespmem:s15+$0x2800];
	[tilespmem:s12+$0x4FC0] =	vst v7  }
0x4f8: {  	v7 =	vld [tilespmem:s15+$0xFFFFFF10];
	v6 =	vmax.f32 v6, $0.0e+00;
	v1 =	vadd.f32 v4, v1  }
0x4f9: {  	v9 =	vld [tilespmem:s15+$0x2710];
	[tilespmem:s12+$0x4FD0] =	vst v6  }
0x4fa: {  	v4 =	vld [tilespmem:s15+$0xFFFFFF20];
	v1 =	vmax.f32 v1, $0.0e+00;
	v2 =	vadd.f32 v5, v2  }
0x4fb: {  	v6 =	vld [tilespmem:s15+$0x2720];
	[tilespmem:s12+$0x4FE0] =	vst v1  }
0x4fc: {  	v1 =	vld [tilespmem:s15+$0xFFFFFF30];
	v2 =	vmax.f32 v2, $0.0e+00  }
0x4fd: {  	v5 =	vld [tilespmem:s15+$0x2730];
	v3 =	vadd.f32 v8, v3;
	[tilespmem:s12+$0x4FF0] =	vst v2  }
0x4fe: {  	v7 =	vadd.f32 v9, v7;
	v2 =	vld [tilespmem:s15+$0xFFFFFF40]  }
0x4ff: {  	v3 =	vmax.f32 v3, $0.0e+00;
	v8 =	vld [tilespmem:s15+$0x2740]  }
0x500: {  	[tilespmem:s15+$0x5000] =	vst v3;
	v3 =	vmax.f32 v7, $0.0e+00;
	v7 =	vld [tilespmem:s15+$0xFFFFFF50]  }
0x501: {  	v4 =	vadd.f32 v6, v4;
	v6 =	vld [tilespmem:s15+$0xFFFFFF60]  }
0x502: {  	[tilespmem:s15+$0x4F10] =	vst v3;
	v3 =	vld [tilespmem:s15+$0x2750];
	v1 =	vadd.f32 v5, v1  }
0x503: {  	v4 =	vmax.f32 v4, $0.0e+00;
	v5 =	vld [tilespmem:s15+$0xFFFFFF70]  }
0x504: {  	[tilespmem:s15+$0x4F20] =	vst v4;
	v4 =	vld [tilespmem:s15+$0x2760];
	v1 =	vmax.f32 v1, $0.0e+00  }
0x505: {  	v2 =	vadd.f32 v8, v2;
	[tilespmem:s15+$0x4F30] =	vst v1;
	v1 =	vld [tilespmem:s15+$0x2770]  }
0x506: {  	v8 =	vld [tilespmem:s15+$0xFFFFFF80]  }
0x507: {  	v2 =	vmax.f32 v2, $0.0e+00;
	v3 =	vadd.f32 v3, v7;
	v7 =	vld [tilespmem:s15+$0xFFFFFF90]  }
0x508: {  	[tilespmem:s15+$0x4F40] =	vst v2;
	v2 =	vld [tilespmem:s15+$0x2780]  }
0x509: {  	v3 =	vmax.f32 v3, $0.0e+00;
	v4 =	vadd.f32 v4, v6;
	v6 =	vld [tilespmem:s15+$0xFFFFFFA0]  }
0x50a: {  	[tilespmem:s15+$0x4F50] =	vst v3;
	v3 =	vld [tilespmem:s15+$0x2790];
	v1 =	vadd.f32 v1, v5  }
0x50b: {  	v4 =	vmax.f32 v4, $0.0e+00;
	v5 =	vld [tilespmem:s15+$0xFFFFFFB0]  }
0x50c: {  	[tilespmem:s15+$0x4F60] =	vst v4;
	v4 =	vld [tilespmem:s15+$0x27A0];
	v1 =	vmax.f32 v1, $0.0e+00  }
0x50d: {  	v2 =	vadd.f32 v2, v8;
	[tilespmem:s15+$0x4F70] =	vst v1;
	v1 =	vld [tilespmem:s15+$0x27B0]  }
0x50e: {  	v8 =	vld [tilespmem:s15+$0xFFFFFFC0]  }
0x50f: {  	v2 =	vmax.f32 v2, $0.0e+00;
	v3 =	vadd.f32 v3, v7;
	v7 =	vld [tilespmem:s15+$0xFFFFFFD0]  }
0x510: {  	[tilespmem:s15+$0x4F80] =	vst v2;
	v2 =	vld [tilespmem:s15+$0x27C0]  }
0x511: {  	v3 =	vmax.f32 v3, $0.0e+00;
	v4 =	vadd.f32 v4, v6;
	v6 =	vld [tilespmem:s15+$0xFFFFFFE0]  }
0x512: {  	[tilespmem:s15+$0x4F90] =	vst v3;
	v3 =	vld [tilespmem:s15+$0x27D0];
	v1 =	vadd.f32 v1, v5  }
0x513: {  	v4 =	vmax.f32 v4, $0.0e+00;
	v5 =	vld [tilespmem:s15+$0xFFFFFFF0]  }
0x514: {  	[tilespmem:s15+$0x4FA0] =	vst v4;
	v4 =	vld [tilespmem:s15+$0x27E0];
	v1 =	vmax.f32 v1, $0.0e+00  }
0x515: {  	[tilespmem:s15+$0x4FB0] =	vst v1;
	v1 =	vld [tilespmem:s15+$0x27F0];
	_ =	sdelay $0x1  }
0x516: {  	v2 =	vadd.f32 v2, v8  }
0x517: {  	v3 =	vadd.f32 v3, v7  }
0x518: {  	v2 =	vmax.f32 v2, $0.0e+00;
	v4 =	vadd.f32 v4, v6  }
0x519: {  	[tilespmem:s15+$0x4FC0] =	vst v2;
	v2 =	vmax.f32 v3, $0.0e+00;
	v1 =	vadd.f32 v1, v5  }
0x51a: {  	[tilespmem:s15+$0x4FD0] =	vst v2;
	v2 =	vmax.f32 v4, $0.0e+00  }
0x51b: {  	[tilespmem:s15+$0x4FE0] =	vst v2;
	v1 =	vmax.f32 v1, $0.0e+00  }
0x51c: {  	s10 =	simm.s32 $0xB;
	[tilespmem:s15+$0x4FF0] =	vst v1  }
0x51d: {  	_ =	swait.ge [sflag:s10], $0x28  }
0x51e: {  	[sflag:s10] =	ssyncset.done $0x0  }
0x51f: {  	s25 =	simm.s32 $0x7A00;
	[sflag:s10] =	ssyncadd.s32 $0xFFFFFFD8;
	s10 =	simm.s32 @!p0 $0x9  }
0x520: {  	[spmem:s3] =	stream.indirect.scatter.add.f32 [tilespmem:s11], [sflag:$0x5], $0x80, s25, s14, $0xb8;
	[tilespmem:$0x1BE00] =	vst v63  }
0x521: {  	_ =	swait.ge @!p0 [sflag:s10], $0x28  }
0x522: {  	s9 =	sshll.u32 @!p0 s9, $0x4;
	s12 =	simm.s32 @!p0 $0x7900;
	[sflag:s10] =	ssyncset.done @!p0 $0x0  }
0x523: {  	s15 =	simm.s32 @!p0 $0x0;
	[sflag:s10] =	ssyncadd.s32 @!p0 $0xFFFFFFD8;
	s10 =	simm.s32 @!p0 $0x28  }
0x524: {  	[tilespmem:s15], [sflag:$0x1] =	stream.indirect.gather @!p0 [hbm4b:s1+s10], $0x80, s12, s10, $0xb8;
	[tilespmem:$0x1BE00] =	vst v63  }
0x525: {  	s9 =	sadd.s32 @!p0 s6, s9;
	s10 =	simm.s32 @!p0 $0x2800  }
0x526: {  	[tilespmem:s10], [sflag:$0x3] =	stream.linear.gather @!p0 [hbm4b:s9+s15], $0x1400, $0x38;
	[tilespmem:$0x1BE00] =	vst v63  }
0x527: {  	s9 =	sadd.s32 @!p0 $0x1B8, s4  }
0x528: {  	s10 =	sadd.s32 @!p0 s7, s9  }
0x529: {  	s10 =	sshrl.u32 @!p0 s10, $0x3  }
0x52a: {  	s25 =	simm.s32 @!p0 $0x7980;
	s12 =	sadd.s32 @!p0 s8, s10  }
0x52b: {  	[tilespmem:s25], [sflag:$0xA] =	stream.linear.gather @!p0 [hbm4b:s12+s15], $0x28, $0x38;
	[tilespmem:$0x1BE00] =	vst v63  }
0x52c: {  	s10 =	sadd.s32 @!p0 s2, s10;
	s12 =	simm.s32 @!p0 $0x7B80  }
0x52d: {  	[tilespmem:s12], [sflag:$0xE] =	stream.linear.gather @!p0 [hbm4b:s10+s15], $0x28, $0x38;
	[tilespmem:$0x1BE00] =	vst v63  }
0x52e: {  	_ =	swait.ge [sflag:s30], $0x1400  }
0x52f: {  	[sflag:s30] =	ssyncset.done $0x0  }
0x530: {  	[sflag:s30] =	ssyncadd.s32 $0xFFFFEC00  }
0x531: {  	_ =	swait.ge [sflag:s19], $0x1400  }
0x532: {  	[sflag:s19] =	ssyncset.done $0x0  }
0x533: {  	[sflag:s19] =	ssyncadd.s32 $0xFFFFEC00  }
0x534: {  	_ =	swait.ge [sflag:s31], $0x1400  }
0x535: {  	[sflag:s31] =	ssyncset.done $0x0  }
0x536: {  	s12 =	simm.s32 $0xF0;
	[sflag:s31] =	ssyncadd.s32 $0xFFFFEC00  }
0x537: {  	v1 =	vld [tilespmem:s12+$0x1400]  }
0x538: {  	v2 =	vld [tilespmem:s12+$0x3C00]  }
0x539: {  	v3 =	vld [tilespmem:s12+$0x1310]  }
0x53a: {  	v4 =	vld [tilespmem:s12+$0x3B10]  }
0x53b: {  	v5 =	vld [tilespmem:s12+$0x1320]  }
0x53c: {  	v6 =	vld [tilespmem:s12+$0x3B20]  }
0x53d: {  	v7 =	vld [tilespmem:s12+$0x1330]  }
0x53e: {  	v1 =	vadd.f32 v2, v1;
	v2 =	vld [tilespmem:s12+$0x3B30]  }
0x53f: {  	v8 =	vld [tilespmem:s12+$0x1340]  }
0x540: {  	v3 =	vadd.f32 v4, v3;
	v4 =	vld [tilespmem:s12+$0x3B40]  }
0x541: {  	v5 =	vadd.f32 v6, v5;
	v6 =	vld [tilespmem:s12+$0x1360];
	v1 =	vmax.f32 v1, $0.0e+00  }
0x542: {  	[tilespmem:s12+$0x6400] =	vst v1;
	v1 =	vmax.f32 v3, $0.0e+00;
	v3 =	vld [tilespmem:s12+$0x1350]  }
0x543: {  	v5 =	vmax.f32 v5, $0.0e+00;
	[tilespmem:s12+$0x6310] =	vst v1;
	v1 =	vld [tilespmem:s12+$0x3B50];
	v2 =	vadd.f32 v2, v7  }
0x544: {  	[tilespmem:s12+$0x6320] =	vst v5;
	v5 =	vld [tilespmem:s12+$0x3B60]  }
0x545: {  	v7 =	vld [tilespmem:s12+$0x1370];
	v2 =	vmax.f32 v2, $0.0e+00  }
0x546: {  	v4 =	vadd.f32 v4, v8;
	[tilespmem:s12+$0x6330] =	vst v2;
	v2 =	vld [tilespmem:s12+$0x3B70]  }
0x547: {  	v8 =	vld [tilespmem:s12+$0x1380]  }
0x548: {  	v4 =	vmax.f32 v4, $0.0e+00;
	v1 =	vadd.f32 v1, v3;
	v3 =	vld [tilespmem:s12+$0x3B80]  }
0x549: {  	[tilespmem:s12+$0x6340] =	vst v4;
	v4 =	vld [tilespmem:s12+$0x1390];
	v5 =	vadd.f32 v5, v6  }
0x54a: {  	v6 =	vld [tilespmem:s12+$0x13A0];
	v1 =	vmax.f32 v1, $0.0e+00  }
0x54b: {  	v5 =	vmax.f32 v5, $0.0e+00;
	[tilespmem:s12+$0x6350] =	vst v1;
	v1 =	vld [tilespmem:s12+$0x3B90];
	v2 =	vadd.f32 v2, v7  }
0x54c: {  	[tilespmem:s12+$0x6360] =	vst v5;
	v5 =	vld [tilespmem:s12+$0x3BA0]  }
0x54d: {  	v7 =	vld [tilespmem:s12+$0x13B0];
	v3 =	vadd.f32 v3, v8;
	v2 =	vmax.f32 v2, $0.0e+00  }
0x54e: {  	[tilespmem:s12+$0x6370] =	vst v2;
	v2 =	vld [tilespmem:s12+$0x3BB0]  }
0x54f: {  	v8 =	vld [tilespmem:s12+$0x13C0];
	v3 =	vmax.f32 v3, $0.0e+00  }
0x550: {  	v1 =	vadd.f32 v1, v4;
	[tilespmem:s12+$0x6380] =	vst v3;
	v3 =	vld [tilespmem:s12+$0x3BC0]  }
0x551: {  	v63 =	vld [tilespmem:s12+$0x13D0];
	v4 =	vadd.f32 v5, v6  }
0x552: {  	v6 =	vld [tilespmem:s12+$0x3BD0];
	v1 =	vmax.f32 v1, $0.0e+00  }
0x553: {  	v4 =	vmax.f32 v4, $0.0e+00;
	[tilespmem:s12+$0x6390] =	vst v1;
	v1 =	vld [tilespmem:s12+$0x13E0];
	v2 =	vadd.f32 v2, v7  }
0x554: {  	[tilespmem:s12+$0x63A0] =	vst v4;
	v4 =	vld [tilespmem:s12+$0x3BE0]  }
0x555: {  	v7 =	vadd.f32 v3, v8;
	v5 =	vmax.f32 v2, $0.0e+00;
	v2 =	vld [tilespmem:s12+$0x13F0]  }
0x556: {  	s15 =	simm.s32 $0x1F0;
	[tilespmem:s12+$0x63B0] =	vst v5;
	v5 =	vld [tilespmem:s12+$0x3BF0]  }
0x557: {  	s9 =	simm.s32 @p0 $0x2738;
	s10 =	simm.s32 $0xBC0;
	v6 =	vadd.f32 v6, v63;
	v7 =	vmax.f32 v7, $0.0e+00;
	v3 =	vld [tilespmem:s15+$0x1400]  }
.LBB2_23:
0x558: {  	p1 =	sne.s32 s10, $0x4FC0;
	v8 =	vld [tilespmem:s15+$0x3C00];
	[tilespmem:s12+$0x63C0] =	vst v7  }
0x559: {  	v7 =	vld [tilespmem:s15+$0x1310];
	v6 =	vmax.f32 v6, $0.0e+00;
	v1 =	vadd.f32 v4, v1  }
0x55a: {  	v4 =	vld [tilespmem:s15+$0x3B10];
	[tilespmem:s12+$0x63D0] =	vst v6  }
0x55b: {  	v6 =	vld [tilespmem:s15+$0x1320];
	v1 =	vmax.f32 v1, $0.0e+00;
	v2 =	vadd.f32 v5, v2  }
0x55c: {  	v5 =	vld [tilespmem:s15+$0x3B20];
	[tilespmem:s12+$0x63E0] =	vst v1  }
0x55d: {  	v1 =	vld [tilespmem:s15+$0x1330];
	v3 =	vadd.f32 v8, v3;
	v2 =	vmax.f32 v2, $0.0e+00  }
0x55e: {  	v8 =	vld [tilespmem:s15+$0x3B30];
	[tilespmem:s12+$0x63F0] =	vst v2;
	s12 =	smov.u32 s15  }
0x55f: {  	v2 =	vadd.f32 v4, v7;
	v4 =	vld [tilespmem:s12+$0x1340];
	v3 =	vmax.f32 v3, $0.0e+00  }
0x560: {  	v7 =	vld [tilespmem:s12+$0x3B40];
	[tilespmem:s12+$0x6400] =	vst v3  }
0x561: {  	v2 =	vmax.f32 v2, $0.0e+00;
	v3 =	vadd.f32 v5, v6;
	v5 =	vld [tilespmem:s12+$0x1350]  }
0x562: {  	[tilespmem:s12+$0x6310] =	vst v2;
	v2 =	vld [tilespmem:s12+$0x3B50]  }
0x563: {  	v3 =	vmax.f32 v3, $0.0e+00;
	v1 =	vadd.f32 v8, v1;
	v6 =	vld [tilespmem:s12+$0x1360]  }
0x564: {  	[tilespmem:s12+$0x6320] =	vst v3;
	v3 =	vld [tilespmem:s12+$0x3B60]  }
0x565: {  	v1 =	vmax.f32 v1, $0.0e+00;
	v4 =	vadd.f32 v7, v4;
	v7 =	vld [tilespmem:s12+$0x1370]  }
0x566: {  	[tilespmem:s12+$0x6330] =	vst v1;
	v1 =	vld [tilespmem:s12+$0x3B70]  }
0x567: {  	v4 =	vmax.f32 v4, $0.0e+00;
	v2 =	vadd.f32 v2, v5;
	v5 =	vld [tilespmem:s12+$0x1380]  }
0x568: {  	[tilespmem:s12+$0x6340] =	vst v4;
	v4 =	vld [tilespmem:s12+$0x3B80]  }
0x569: {  	v2 =	vmax.f32 v2, $0.0e+00;
	v3 =	vadd.f32 v3, v6;
	v6 =	vld [tilespmem:s12+$0x1390]  }
0x56a: {  	[tilespmem:s12+$0x6350] =	vst v2;
	v2 =	vld [tilespmem:s12+$0x3B90]  }
0x56b: {  	v3 =	vmax.f32 v3, $0.0e+00;
	v1 =	vadd.f32 v1, v7;
	v7 =	vld [tilespmem:s12+$0x13A0]  }
0x56c: {  	[tilespmem:s12+$0x6360] =	vst v3;
	v3 =	vld [tilespmem:s12+$0x3BA0]  }
0x56d: {  	v1 =	vmax.f32 v1, $0.0e+00;
	v4 =	vadd.f32 v4, v5;
	v5 =	vld [tilespmem:s12+$0x13B0]  }
0x56e: {  	[tilespmem:s12+$0x6370] =	vst v1;
	v1 =	vld [tilespmem:s12+$0x3BB0]  }
0x56f: {  	v4 =	vmax.f32 v4, $0.0e+00;
	v2 =	vadd.f32 v2, v6;
	v6 =	vld [tilespmem:s12+$0x13C0]  }
0x570: {  	[tilespmem:s12+$0x6380] =	vst v4;
	v8 =	vld [tilespmem:s12+$0x3BC0]  }
0x571: {  	v2 =	vmax.f32 v2, $0.0e+00;
	v3 =	vadd.f32 v3, v7;
	v9 =	vld [tilespmem:s12+$0x13D0]  }
0x572: {  	[tilespmem:s12+$0x6390] =	vst v2;
	v10 =	vld [tilespmem:s12+$0x3BD0]  }
.Ltmp12:
0x573: {  	v2 =	vmax.f32 v3, $0.0e+00;
	v3 =	vadd.f32 v1, v5;
	v1 =	vld [tilespmem:s12+$0x13E0];
	(pc) =	sbr.rel @p1 .LBB2_23-.Ltmp12, $4  }
0x574: {  	[tilespmem:s12+$0x63A0] =	vst v2;
	v4 =	vld [tilespmem:s12+$0x3BE0]  }
0x575: {  	v3 =	vmax.f32 v3, $0.0e+00;
	v6 =	vadd.f32 v8, v6;
	v2 =	vld [tilespmem:s12+$0x13F0]  }
0x576: {  	s15 =	sshra.s32 s10, $0x2;
	[tilespmem:s12+$0x63B0] =	vst v3;
	v5 =	vld [tilespmem:s12+$0x3BF0]  }
0x577: {  	s10 =	sadd.s32 $0x400, s10;
	v3 =	vld [tilespmem:s15+$0x1400];
	v7 =	vmax.f32 v6, $0.0e+00;
	v6 =	vadd.f32 v10, v9  }
0x578: {  	v8 =	vld [tilespmem:s15+$0x3C00];
	[tilespmem:s12+$0x63C0] =	vst v7  }
0x579: {  	v7 =	vld [tilespmem:s15+$0x1310];
	v6 =	vmax.f32 v6, $0.0e+00;
	v1 =	vadd.f32 v4, v1  }
0x57a: {  	v9 =	vld [tilespmem:s15+$0x3B10];
	[tilespmem:s12+$0x63D0] =	vst v6  }
0x57b: {  	v47 =	vld [tilespmem:s15+$0x1320];
	v1 =	vmax.f32 v1, $0.0e+00;
	v2 =	vadd.f32 v5, v2  }
0x57c: {  	v6 =	vld [tilespmem:s15+$0x3B20];
	[tilespmem:s12+$0x63E0] =	vst v1  }
0x57d: {  	v1 =	vld [tilespmem:s15+$0x1330];
	v2 =	vmax.f32 v2, $0.0e+00  }
0x57e: {  	v48 =	vld [tilespmem:s15+$0x3B30];
	[tilespmem:s12+$0x63F0] =	vst v2  }
0x57f: {  	v2 =	vld [tilespmem:s15+$0x1340]  }
0x580: {  	v3 =	vadd.f32 v8, v3;
	v49 =	vld [tilespmem:s15+$0x3B40]  }
0x581: {  	v7 =	vadd.f32 v9, v7;
	v50 =	vld [tilespmem:s15+$0x1350]  }
0x582: {  	v3 =	vmax.f32 v3, $0.0e+00;
	v51 =	vld [tilespmem:s15+$0x1360]  }
0x583: {  	v52 =	vld [tilespmem:s15+$0x3B60];
	[tilespmem:s15+$0x6400] =	vst v3;
	v3 =	vmax.f32 v7, $0.0e+00;
	v1 =	vadd.f32 v48, v1  }
0x584: {  	[tilespmem:s15+$0x6310] =	vst v3;
	v3 =	vld [tilespmem:s15+$0x3B50]  }
0x585: {  	v53 =	vld [tilespmem:s15+$0x1370];
	v1 =	vmax.f32 v1, $0.0e+00  }
0x586: {  	[tilespmem:s15+$0x6330] =	vst v1;
	v1 =	vld [tilespmem:s15+$0x3B70]  }
0x587: {  	v54 =	vld [tilespmem:s15+$0x1380]  }
0x588: {  	v55 =	vld [tilespmem:s15+$0x1390];
	v2 =	vadd.f32 v49, v2  }
0x589: {  	v56 =	vld [tilespmem:s15+$0x13A0];
	v3 =	vadd.f32 v3, v50  }
0x58a: {  	v57 =	vld [tilespmem:s15+$0x3BA0];
	v2 =	vmax.f32 v2, $0.0e+00  }
0x58b: {  	[tilespmem:s15+$0x6340] =	vst v2;
	v2 =	vld [tilespmem:s15+$0x3B80];
	v3 =	vmax.f32 v3, $0.0e+00;
	v1 =	vadd.f32 v1, v53  }
0x58c: {  	[tilespmem:s15+$0x6350] =	vst v3;
	v3 =	vld [tilespmem:s15+$0x3B90]  }
0x58d: {  	v58 =	vld [tilespmem:s15+$0x13B0];
	v1 =	vmax.f32 v1, $0.0e+00  }
0x58e: {  	[tilespmem:s15+$0x6370] =	vst v1;
	v1 =	vld [tilespmem:s15+$0x3BB0]  }
0x58f: {  	v59 =	vld [tilespmem:s15+$0x13C0];
	v4 =	vadd.f32 v6, v47  }
0x590: {  	v60 =	vld [tilespmem:s15+$0x13D0];
	v2 =	vadd.f32 v2, v54  }
0x591: {  	v61 =	vld [tilespmem:s15+$0x13E0];
	v4 =	vmax.f32 v4, $0.0e+00;
	v3 =	vadd.f32 v3, v55  }
0x592: {  	v62 =	vld [tilespmem:s15+$0x3BE0];
	[tilespmem:s15+$0x6320] =	vst v4;
	v2 =	vmax.f32 v2, $0.0e+00  }
0x593: {  	[tilespmem:s15+$0x6380] =	vst v2;
	v2 =	vld [tilespmem:s15+$0x3BC0];
	v3 =	vmax.f32 v3, $0.0e+00;
	v1 =	vadd.f32 v1, v58  }
0x594: {  	v4 =	vadd.f32 v52, v51;
	[tilespmem:s15+$0x6390] =	vst v3;
	v3 =	vld [tilespmem:s15+$0x3BD0]  }
0x595: {  	v63 =	vld [tilespmem:s15+$0x13F0];
	v1 =	vmax.f32 v1, $0.0e+00  }
0x596: {  	v4 =	vmax.f32 v4, $0.0e+00;
	[tilespmem:s15+$0x63B0] =	vst v1;
	v1 =	vld [tilespmem:s15+$0x3BF0]  }
0x597: {  	[tilespmem:s15+$0x6360] =	vst v4;
	v4 =	vadd.f32 v57, v56  }
0x598: {  	v2 =	vadd.f32 v2, v59  }
0x599: {  	v4 =	vmax.f32 v4, $0.0e+00;
	v3 =	vadd.f32 v3, v60  }
0x59a: {  	[tilespmem:s15+$0x63A0] =	vst v4;
	v4 =	vadd.f32 v62, v61;
	v2 =	vmax.f32 v2, $0.0e+00  }
0x59b: {  	[tilespmem:s15+$0x63C0] =	vst v2;
	v2 =	vmax.f32 v3, $0.0e+00;
	v1 =	vadd.f32 v1, v63  }
0x59c: {  	[tilespmem:s15+$0x63D0] =	vst v2;
	v2 =	vmax.f32 v4, $0.0e+00  }
0x59d: {  	[tilespmem:s15+$0x63E0] =	vst v2;
	v1 =	vmax.f32 v1, $0.0e+00  }
.Ltmp13:
0x59e: {  	[tilespmem:s15+$0x63F0] =	vst v1;
	(pc) =	sbr.rel @p0 .LBB2_26-.Ltmp13, $4  }
0x59f: {  	_ =	swait.ge [sflag:s28], $0x28  }
0x5a0: {  	[sflag:s28] =	ssyncset.done $0x0  }
0x5a1: {  	s10 =	simm.s32 $0x7A80;
	[sflag:s28] =	ssyncadd.s32 $0xFFFFFFD8  }
0x5a2: {  	[spmem:s3] =	stream.indirect.scatter.add.f32 [tilespmem:s29], [sflag:$0x6], $0x80, s10, s14, $0xb8;
	[tilespmem:$0x1BE00] =	vst v63  }
0x5a3: {  	_ =	swait.ge [sflag:s22], $0x28  }
0x5a4: {  	s10 =	simm.s32 $0x7980;
	s9 =	sadd.s32 s7, s9;
	[sflag:s22] =	ssyncset.done $0x0  }
0x5a5: {  	s9 =	sshll.u32 s9, $0x4;
	s12 =	rddreg [dreg:$0x19];
	[sflag:s22] =	ssyncadd.s32 $0xFFFFFFD8  }
0x5a6: {  	[tilespmem:s17], [sflag:$0x2] =	stream.indirect.gather [hbm4b:s1+s14], $0x80, s10, s14, $0xb8;
	[tilespmem:$0x1BE00] =	vst v63  }
0x5a7: {  	s9 =	sadd.s32 s6, s9;
	s4 =	sadd.s32 s4, s12  }
0x5a8: {  	[tilespmem:s18], [sflag:$0x4] =	stream.linear.gather [hbm4b:s9+s5], $0x1400, $0x38;
	[tilespmem:$0x1BE00] =	vst v63  }
.Ltmp14:
0x5a9: {  	s4 =	sshrl.u32 s4, $0x3;
	(pc) =	sbr.rel .LBB2_8-.Ltmp14, $4  }
0x5aa: {  	s15 =	sadd.s32 s8, s4  }
0x5ab: {  	[tilespmem:s26], [sflag:$0x7] =	stream.linear.gather [hbm4b:s15+s5], $0x28, $0x38;
	[tilespmem:$0x1BE00] =	vst v63  }
0x5ac: {  	s25 =	simm.s32 $0x7C00;
	s23 =	sadd.s32 $0x1, s23;
	s4 =	sadd.s32 s2, s4  }
0x5ad: {  	[tilespmem:s25], [sflag:$0xF] =	stream.linear.gather [hbm4b:s4+s5], $0x28, $0x38;
	[tilespmem:$0x1BE00] =	vst v63  }
.LBB2_27:
0x5ae: {  	_ =	sfence.sel $0x180000  }
0x5af: {  	[bflag:$0x0] =	sbarrier.arrive $0xFFFF  }
0x5b0: {  	_ =	strace $0x90000047  }
0x5b1: {  	s0 =	stileid.u32;
	[bflag:$0x2] =	sbarrier.arrive $0xFFFF  }
0x5b2: {  	p0 =	sne.s32 s0, $0x0;
	s0 =	rddreg [dreg:$0x4]  }
0x5b3: {  	s0 =	sadd.s32 @!p0 $0x100000, s0  }
0x5b4: {  	[sflag:s0] =	ssyncadd.tile.s32 @!p0 $0x1;
	_ =	shalt  }
.Lfunc_end2:
_tile_overlayer_lowered:
.L_overlay_start_2:
0x5b5: {  	(tag) =	ssettag $0x2  }
0x5b6: {  	s0 =	rddreg [dreg:$0x0];
	s2 =	stileid.u32  }
0x5b7: {  	s1 =	rddreg [dreg:$0x1];
	p0 =	sne.s32 s2, $0x0  }
0x5b8: {  	s3 =	rddreg [dreg:$0x2];
	[bflag:$0x3] =	sbarrier.arrive $0xFFFF;
	s2 =	simm.s32 @!p0 $0x1C13  }
0x5b9: {  	[timem:s3], [sflag:s2] =	dma.local @!p0 [hbm:s0], s1  }
0x5ba: {  	s0 =	simm.s32 @!p0 $0x13  }
0x5bb: {  	_ =	swait.ge @!p0 [sflag:s0], s1  }
0x5bc: {  	s1 =	ssub.s32 @!p0 $0x0, s1;
	[sflag:s0] =	ssyncset.done @!p0 $0x0  }
0x5bd: {  	[sflag:s0] =	ssyncadd.s32 @!p0 s1  }
0x5be: {  	[bflag:$0x3] =	sbarrier.arrive $0xFFFF  }
0x5bf: {  	_ =	shalt  }

</sc_bundles>
